<compile_context>
chip_gen: v7x
topology: tpu7x:2x2x1
jax: 0.10.2.dev20260603
libtpu: 0.0.44.dev20260713+nightly
codegen_flags: <defaults>
</compile_context>

<pallas_src>
import functools

import jax
import jax.numpy as jnp
from jax import lax
from jax.experimental import pallas as pl
from jax.experimental.pallas import tpu as pltpu
from jax.experimental.pallas import tpu_sc as plsc

N_NODES = 10000
D = 128
N_EDGES = 320000

NC = 2
NS = 16
NW = NC * NS
EPW = N_EDGES // NW
K = 80
CH = -(-EPW // K)
EPW_PAD = CH * K
N_ACC = 10240
PAD_DST = N_ACC - 1
NZT = 10
NROW_T = N_NODES // NZT
N_PAD = 10240
CPT = N_PAD // NS


def _sc_agg_body(with_cnt, *refs):
    if with_cnt:
        (h_hbm, pckf, outp, outc,
         acc_sh, cnt_sh, src_a, dst_a, src_b, dst_b, src_c, dst_c,
         pck_a, pck_b, pck_c, rows_a, rows_b, rows_c, ones_v, cbuf,
         sem_a, sem_b, sem_c, sem_ia, sem_ib, sem_ic) = refs
    else:
        (h_hbm, pckf, outp,
         acc_sh, src_a, dst_a, src_b, dst_b, src_c, dst_c,
         pck_a, pck_b, pck_c, rows_a, rows_b, rows_c,
         sem_a, sem_b, sem_c, sem_ia, sem_ib, sem_ic) = refs
    c = lax.axis_index("c")
    s = lax.axis_index("s")
    w = c * NS + s
    e0 = w * EPW_PAD

    def i_start(kk, slot, sem):
        pltpu.async_copy(pckf.at[pl.ds(e0 + kk * K, K)], slot, sem)

    def i_wait(slot, sem):
        pltpu.make_async_copy(pckf.at[pl.ds(0, K)], slot, sem).wait()

    z16 = jnp.zeros((16,), jnp.float32)
    m16 = jnp.full((16,), 0xFFFF, jnp.int32)
    s16 = jnp.full((16,), 16, jnp.int32)

    def unpack(slot, src_v, dst_v):
        for j in range(K // 16):
            v = slot[pl.ds(j * 16, 16)]
            src_v[pl.ds(j * 16, 16)] = v & m16
            dst_v[pl.ds(j * 16, 16)] = lax.shift_right_logical(v, s16)

    def _zrow(i, _):
        for j in range(8):
            rows_a[i, pl.ds(j * 16, 16)] = z16
        return 0
    lax.fori_loop(0, K, _zrow, 0)
    r0 = s * NROW_T

    @pl.when(s < NZT)
    def _zero_acc():
        for t in range(NROW_T // K):
            pltpu.sync_copy(rows_a, acc_sh.at[pl.ds(r0 + t * K, K)])
        pltpu.sync_copy(rows_a, acc_sh.at[pl.ds(r0 + NROW_T - K, K)])

    @pl.when(s == NZT)
    def _zero_garbage():
        for t in range((N_ACC - N_NODES) // K):
            pltpu.sync_copy(
                rows_a, acc_sh.at[pl.ds(N_NODES + t * K, K)])
        pltpu.sync_copy(rows_a, acc_sh.at[pl.ds(N_ACC - K, K)])

    if with_cnt:
        o16 = jnp.ones((16,), jnp.float32)
        for i in range(K // 16):
            ones_v[pl.ds(i * 16, 16)] = o16

        def _zc(i, _):
            cbuf[pl.ds(i * 16, 16)] = z16
            return 0
        lax.fori_loop(0, CPT // 16, _zc, 0)
        pltpu.sync_copy(cbuf, cnt_sh.at[pl.ds(s * CPT, CPT)])

    plsc.subcore_barrier()

    def g_start(src_v, buf, sem):
        pltpu.async_copy(h_hbm.at[src_v], buf, sem)

    def g_wait(src_v, buf, sem):
        pltpu.make_async_copy(h_hbm.at[src_v], buf, sem).wait()

    def s_add(dst_v, buf):
        pltpu.sync_copy(buf, acc_sh.at[dst_v], add=True)
        if with_cnt:
            pltpu.sync_copy(ones_v, cnt_sh.at[dst_v], add=True)

    B = ((src_a, dst_a, pck_a, rows_a, sem_a, sem_ia),
         (src_b, dst_b, pck_b, rows_b, sem_b, sem_ib),
         (src_c, dst_c, pck_c, rows_c, sem_c, sem_ic))

    def step(m, kind, bidx=None):
        sv, dv, pv, buf, sg, si = B[bidx if bidx is not None else m % 3]
        g_wait(sv, buf, sg)
        s_add(dv, buf)
        if kind < 2:
            i_wait(pv, si)
            unpack(pv, sv, dv)
            g_start(sv, buf, sg)
            if kind == 0:
                i_start(m + 6, pv, si)

    for j in range(3):
        sv, dv, pv, buf, sg, si = B[j]
        i_start(j, pv, si)
    for j in range(3):
        sv, dv, pv, buf, sg, si = B[j]
        i_wait(pv, si)
        unpack(pv, sv, dv)
        g_start(sv, buf, sg)
        i_start(j + 3, pv, si)

    step(0, 0)
    step(1, 0)

    def _body(t, _):
        m0 = 2 + 3 * t
        for j in range(3):
            step(m0 + j, 0, bidx=(2 + j) % 3)
        return 0
    lax.fori_loop(0, (CH - 8) // 3, _body, 0)

    step(CH - 6, 1)
    step(CH - 5, 1)
    step(CH - 4, 1)
    step(CH - 3, 2)
    step(CH - 2, 2)
    step(CH - 1, 2)

    plsc.subcore_barrier()

    @pl.when(s < NZT)
    def _pub_acc():
        pltpu.sync_copy(acc_sh.at[pl.ds(r0, NROW_T)],
                        outp.at[pl.ds(c * N_NODES + r0, NROW_T)])
    if with_cnt:
        pltpu.sync_copy(cnt_sh.at[pl.ds(s * CPT, CPT)],
                        outc.at[pl.ds(c * N_PAD + s * CPT, CPT)])


def _make_sc_agg(with_cnt):
    out_type = [jax.ShapeDtypeStruct((NC * N_NODES, D), jnp.float32)]
    scratch = [
        pltpu.VMEM_SHARED((N_ACC, D), jnp.float32),
    ]
    if with_cnt:
        out_type.append(jax.ShapeDtypeStruct((NC * N_PAD,), jnp.float32))
        scratch.append(pltpu.VMEM_SHARED((N_PAD,), jnp.float32))
    scratch += [
        pltpu.VMEM((K,), jnp.int32),
        pltpu.VMEM((K,), jnp.int32),
        pltpu.VMEM((K,), jnp.int32),
        pltpu.VMEM((K,), jnp.int32),
        pltpu.VMEM((K,), jnp.int32),
        pltpu.VMEM((K,), jnp.int32),
        pltpu.VMEM((K,), jnp.int32),
        pltpu.VMEM((K,), jnp.int32),
        pltpu.VMEM((K,), jnp.int32),
        pltpu.VMEM((K, D), jnp.float32),
        pltpu.VMEM((K, D), jnp.float32),
        pltpu.VMEM((K, D), jnp.float32),
    ]
    if with_cnt:
        scratch.append(pltpu.VMEM((K,), jnp.float32))
        scratch.append(pltpu.VMEM((CPT,), jnp.float32))
    scratch += [pltpu.SemaphoreType.DMA] * 6
    mesh = plsc.VectorSubcoreMesh(core_axis_name="c", subcore_axis_name="s")
    return pl.kernel(
        functools.partial(_sc_agg_body, with_cnt),
        out_type=out_type if with_cnt else out_type[0],
        mesh=mesh,
        scratch_types=scratch,
        name="sage_sc_agg_cnt" if with_cnt else "sage_sc_agg",
    )


_sc_agg_with_cnt = _make_sc_agg(True)
_sc_agg_no_cnt = _make_sc_agg(False)

ROWS_B = 5000


def _tc_dense_body(h_ref, aggp_ref, cntp_ref, wl_ref, bl_ref, wr_ref,
                   g_ref, be_ref, out_ref):
    agg = aggp_ref[0] + aggp_ref[1]
    cnt = cntp_ref[0] + cntp_ref[1]
    mean = agg / jnp.maximum(cnt, 1.0)
    dn = (((1,), (1,)), ((), ()))
    z = lax.dot_general(mean, wl_ref[...], dn,
                        preferred_element_type=jnp.float32)
    z = z + lax.dot_general(h_ref[...], wr_ref[...], dn,
                            preferred_element_type=jnp.float32)
    z = z + bl_ref[...]
    z = jnp.maximum(z, 0.0)
    mu = jnp.mean(z, axis=1, keepdims=True)
    d = z - mu
    var = jnp.mean(d * d, axis=1, keepdims=True)
    out_ref[...] = d * lax.rsqrt(var + 1e-5) * g_ref[...] + be_ref[...]


def _tc_dense(h, aggp, cntp, Wl, bl, Wr, g, be):
    grid = (N_NODES // ROWS_B,)
    return pl.pallas_call(
        _tc_dense_body,
        grid=grid,
        in_specs=[
            pl.BlockSpec((ROWS_B, D), lambda i: (i, 0)),
            pl.BlockSpec((NC, ROWS_B, D), lambda i: (0, i, 0)),
            pl.BlockSpec((NC, ROWS_B, 1), lambda i: (0, i, 0)),
            pl.BlockSpec((D, D), lambda i: (0, 0)),
            pl.BlockSpec((1, D), lambda i: (0, 0)),
            pl.BlockSpec((D, D), lambda i: (0, 0)),
            pl.BlockSpec((1, D), lambda i: (0, 0)),
            pl.BlockSpec((1, D), lambda i: (0, 0)),
        ],
        out_specs=pl.BlockSpec((ROWS_B, D), lambda i: (i, 0)),
        out_shape=jax.ShapeDtypeStruct((N_NODES, D), jnp.float32),
        name="sage_tc_dense",
    )(h, aggp, cntp, Wl, bl, Wr, g, be)


def kernel(x, edge_index, Wl0, bl0, Wr0, g0, be0, Wl1, bl1, Wr1, g1, be1):
    src = edge_index[0].astype(jnp.int32)
    dst = edge_index[1].astype(jnp.int32)
    packed = (src | (dst << 16)).reshape(NW, EPW)
    if EPW_PAD > EPW:
        pad_dst = (N_NODES + jnp.arange(EPW_PAD - EPW) % (N_ACC - N_NODES))
        pad_blk = jnp.broadcast_to(pad_dst << 16, (NW, EPW_PAD - EPW))
        packed = jnp.concatenate([packed, pad_blk], axis=1)
    packed = packed.reshape(NW * CH * K)

    aggp0, cntp = _sc_agg_with_cnt(x, packed)
    cnt3 = cntp.reshape(NC, N_PAD)[:, :N_NODES, None]
    agg3 = aggp0.reshape(NC, N_NODES, D)

    bl0r, g0r, be0r = bl0.reshape(1, D), g0.reshape(1, D), be0.reshape(1, D)
    bl1r, g1r, be1r = bl1.reshape(1, D), g1.reshape(1, D), be1.reshape(1, D)

    h1 = _tc_dense(x, agg3, cnt3, Wl0, bl0r, Wr0, g0r, be0r)
    aggp1 = _sc_agg_no_cnt(h1, packed)
    out = _tc_dense(h1, aggp1.reshape(NC, N_NODES, D), cnt3,
                    Wl1, bl1r, Wr1, g1r, be1r)
    return out

# --- scband reference (transcript-rebuilt; emitter-appended) ---
"""Pipeline reference for scband-graph-sageencoder-1142461300900 (READ-ONLY COPY).

The authoritative reference and input builder live on the scoring server;
editing this copy changes nothing except your own understanding.
"""

import jax, jax.numpy as jnp
import numpy as np

N_NODES = 10000
D = 128
N_EDGES = 320000


def setup_inputs(seed: int = 0) -> dict:
    key = jax.random.key(seed)
    ks = jax.random.split(key, 12)
    x = jax.random.normal(ks[0], (N_NODES, D), dtype=jnp.float32)
    edge_index = jax.random.randint(ks[1], (2, N_EDGES), 0, N_NODES, dtype=jnp.int64)
    s = 1.0 / np.sqrt(D)
    # layer 0 params (SAGEConv: lin_l applied to aggregated neighbors w/ bias, lin_r to root, no bias)
    Wl0 = jax.random.uniform(ks[2], (D, D), dtype=jnp.float32, minval=-s, maxval=s)
    bl0 = jax.random.uniform(ks[3], (D,), dtype=jnp.float32, minval=-s, maxval=s)
    Wr0 = jax.random.uniform(ks[4], (D, D), dtype=jnp.float32, minval=-s, maxval=s)
    g0 = jnp.ones((D,), dtype=jnp.float32)
    be0 = jnp.zeros((D,), dtype=jnp.float32)
    # layer 1 params
    Wl1 = jax.random.uniform(ks[5], (D, D), dtype=jnp.float32, minval=-s, maxval=s)
    bl1 = jax.random.uniform(ks[6], (D,), dtype=jnp.float32, minval=-s, maxval=s)
    Wr1 = jax.random.uniform(ks[7], (D, D), dtype=jnp.float32, minval=-s, maxval=s)
    g1 = jnp.ones((D,), dtype=jnp.float32)
    be1 = jnp.zeros((D,), dtype=jnp.float32)
    return {"x": x, "edge_index": edge_index, "Wl0": Wl0, "bl0": bl0, "Wr0": Wr0, "g0": g0, "be0": be0, "Wl1": Wl1, "bl1": bl1, "Wr1": Wr1, "g1": g1, "be1": be1}


def _sage_layer(h, src, dst, Wl, bl, Wr, gamma, beta):
    n = h.shape[0]
    msgs = jnp.take(h, src, axis=0)                       # gather source features [E, D]
    agg = jax.ops.segment_sum(msgs, dst, num_segments=n)  # scatter-add to dst [N, D]
    cnt = jax.ops.segment_sum(jnp.ones((src.shape[0],), dtype=h.dtype), dst, num_segments=n)
    mean = agg / jnp.clip(cnt, 1.0, None)[:, None]        # mean aggregation
    out = mean @ Wl.T + bl + h @ Wr.T                     # SAGEConv: lin_l(aggr) + lin_r(root)
    out = jax.nn.relu(out)
    # dropout is identity in eval mode
    mu = jnp.mean(out, axis=-1, keepdims=True)
    var = jnp.var(out, axis=-1, keepdims=True)
    out = (out - mu) / jnp.sqrt(var + 1e-5) * gamma + beta
    return out


def reference(x, edge_index, Wl0, bl0, Wr0, g0, be0, Wl1, bl1, Wr1, g1, be1):
    src = edge_index[0]
    dst = edge_index[1]
    h = _sage_layer(x, src, dst, Wl0, bl0, Wr0, g0, be0)
    h = _sage_layer(h, src, dst, Wl1, bl1, Wr1, g1, be1)
    return h

if __name__ == "__main__":
    import jax
    _d = setup_inputs()
    print(jax.jit(kernel)(*tuple(_d.values())))

</pallas_src>

<mosaic_0001>
#map = affine_map<(d0, d1) -> (0, 0)>
#map1 = affine_map<(d0, d1) -> (0)>
module attributes {stable_mosaic.version = 14 : i64} {
  func.func @sage_sc_agg_cnt(%arg0: i32, %arg1: i32, %arg2: memref<10000x128xf32, #tpu.memory_space<hbm>>, %arg3: memref<320000xi32, #tpu.memory_space<hbm>>, %arg4: memref<20000x128xf32, #tpu.memory_space<hbm>>, %arg5: memref<20480xf32, #tpu.memory_space<hbm>>, %arg6: memref<10240x128xf32, #tpu.memory_space<vmem_shared>>, %arg7: memref<10240xf32, #tpu.memory_space<vmem_shared>>, %arg8: memref<80xi32, #tpu.memory_space<vmem>>, %arg9: memref<80xi32, #tpu.memory_space<vmem>>, %arg10: memref<80xi32, #tpu.memory_space<vmem>>, %arg11: memref<80xi32, #tpu.memory_space<vmem>>, %arg12: memref<80xi32, #tpu.memory_space<vmem>>, %arg13: memref<80xi32, #tpu.memory_space<vmem>>, %arg14: memref<80xi32, #tpu.memory_space<vmem>>, %arg15: memref<80xi32, #tpu.memory_space<vmem>>, %arg16: memref<80xi32, #tpu.memory_space<vmem>>, %arg17: memref<80x128xf32, #tpu.memory_space<vmem>>, %arg18: memref<80x128xf32, #tpu.memory_space<vmem>>, %arg19: memref<80x128xf32, #tpu.memory_space<vmem>>, %arg20: memref<80xf32, #tpu.memory_space<vmem>>, %arg21: memref<640xf32, #tpu.memory_space<vmem>>, %arg22: memref<!tpu.dma_semaphore, #tpu.memory_space<semaphore_mem>>, %arg23: memref<!tpu.dma_semaphore, #tpu.memory_space<semaphore_mem>>, %arg24: memref<!tpu.dma_semaphore, #tpu.memory_space<semaphore_mem>>, %arg25: memref<!tpu.dma_semaphore, #tpu.memory_space<semaphore_mem>>, %arg26: memref<!tpu.dma_semaphore, #tpu.memory_space<semaphore_mem>>, %arg27: memref<!tpu.dma_semaphore, #tpu.memory_space<semaphore_mem>>) attributes {dimension_semantics = [#tpu.dimension_semantics<core_parallel>, #tpu.dimension_semantics<subcore_parallel>], iteration_bounds = array<i64: 2, 16>, scalar_prefetch = 0 : i64, scratch_operands = 22 : i64, tpu.core_type = #tpu.core_type<sc_vector_subcore>, window_params = [{transform_indices = #map}, {transform_indices = #map1}, {transform_indices = #map}, {transform_indices = #map1}]} {
    %mul3A = arith.constant 16 : i32
    %mul3A_0 = arith.muli %arg0, %mul3A : i32
    %add3A = arith.addi %mul3A_0, %arg1 : i32
    %mul3A_1 = arith.constant 10000 : i32
    %mul3A_2 = arith.muli %add3A, %mul3A_1 : i32
    %broadcast_in_dim3A = arith.constant 0.000000e+00 : f32
    %broadcast_in_dim3A_3 = vector.broadcast %broadcast_in_dim3A : f32 to vector<16xf32>
    %broadcast_in_dim3A_4 = arith.constant 65535 : i32
    %broadcast_in_dim3A_5 = vector.broadcast %broadcast_in_dim3A_4 : i32 to vector<16xi32>
    %broadcast_in_dim3A_6 = arith.constant 16 : i32
    %broadcast_in_dim3A_7 = vector.broadcast %broadcast_in_dim3A_6 : i32 to vector<16xi32>
    %scan3A = arith.constant 0 : i32
    %scan3A_8 = arith.constant 0 : i32
    %scan3A_9 = arith.constant 80 : i32
    %scan3A_10 = arith.addi %scan3A_8, %scan3A_9 : i32
    %scan3A_11 = arith.constant 1 : i32
    %scan3A_12 = scf.for %scan3A_699 = %scan3A_8 to %scan3A_10 step %scan3A_11 iter_args(%scan3A_700 = %scan3A) -> (i32)  : i32 {
      %swap3A_701 = arith.index_cast %scan3A_699 : i32 to index
      %swap3A_702 = arith.constant 0 : index
      %swap3A_703 = tpu.vector_load %arg17[%swap3A_701, %swap3A_702] {strides = array<i32>} : memref<80x128xf32, #tpu.memory_space<vmem>>, vector<1x16xf32>,
      %swap3A_704 = vector.shape_cast %swap3A_703 : vector<1x16xf32> to vector<16xf32>
      %swap3A_705 = vector.shape_cast %broadcast_in_dim3A_3 : vector<16xf32> to vector<1x16xf32>
      tpu.vector_store %arg17[%swap3A_701, %swap3A_702], %swap3A_705 {strides = array<i32>} : memref<80x128xf32, #tpu.memory_space<vmem>>, vector<1x16xf32>,
      %swap3A_706 = arith.index_cast %scan3A_699 : i32 to index
      %swap3A_707 = arith.constant 16 : index
      %swap3A_708 = tpu.vector_load %arg17[%swap3A_706, %swap3A_707] {strides = array<i32>} : memref<80x128xf32, #tpu.memory_space<vmem>>, vector<1x16xf32>,
      %swap3A_709 = vector.shape_cast %swap3A_708 : vector<1x16xf32> to vector<16xf32>
      %swap3A_710 = vector.shape_cast %broadcast_in_dim3A_3 : vector<16xf32> to vector<1x16xf32>
      tpu.vector_store %arg17[%swap3A_706, %swap3A_707], %swap3A_710 {strides = array<i32>} : memref<80x128xf32, #tpu.memory_space<vmem>>, vector<1x16xf32>,
      %swap3A_711 = arith.index_cast %scan3A_699 : i32 to index
      %swap3A_712 = arith.constant 32 : index
      %swap3A_713 = tpu.vector_load %arg17[%swap3A_711, %swap3A_712] {strides = array<i32>} : memref<80x128xf32, #tpu.memory_space<vmem>>, vector<1x16xf32>,
      %swap3A_714 = vector.shape_cast %swap3A_713 : vector<1x16xf32> to vector<16xf32>
      %swap3A_715 = vector.shape_cast %broadcast_in_dim3A_3 : vector<16xf32> to vector<1x16xf32>
      tpu.vector_store %arg17[%swap3A_711, %swap3A_712], %swap3A_715 {strides = array<i32>} : memref<80x128xf32, #tpu.memory_space<vmem>>, vector<1x16xf32>,
      %swap3A_716 = arith.index_cast %scan3A_699 : i32 to index
      %swap3A_717 = arith.constant 48 : index
      %swap3A_718 = tpu.vector_load %arg17[%swap3A_716, %swap3A_717] {strides = array<i32>} : memref<80x128xf32, #tpu.memory_space<vmem>>, vector<1x16xf32>,
      %swap3A_719 = vector.shape_cast %swap3A_718 : vector<1x16xf32> to vector<16xf32>
      %swap3A_720 = vector.shape_cast %broadcast_in_dim3A_3 : vector<16xf32> to vector<1x16xf32>
      tpu.vector_store %arg17[%swap3A_716, %swap3A_717], %swap3A_720 {strides = array<i32>} : memref<80x128xf32, #tpu.memory_space<vmem>>, vector<1x16xf32>,
      %swap3A_721 = arith.index_cast %scan3A_699 : i32 to index
      %swap3A_722 = arith.constant 64 : index
      %swap3A_723 = tpu.vector_load %arg17[%swap3A_721, %swap3A_722] {strides = array<i32>} : memref<80x128xf32, #tpu.memory_space<vmem>>, vector<1x16xf32>,
      %swap3A_724 = vector.shape_cast %swap3A_723 : vector<1x16xf32> to vector<16xf32>
      %swap3A_725 = vector.shape_cast %broadcast_in_dim3A_3 : vector<16xf32> to vector<1x16xf32>
      tpu.vector_store %arg17[%swap3A_721, %swap3A_722], %swap3A_725 {strides = array<i32>} : memref<80x128xf32, #tpu.memory_space<vmem>>, vector<1x16xf32>,
      %swap3A_726 = arith.index_cast %scan3A_699 : i32 to index
      %swap3A_727 = arith.constant 80 : index
      %swap3A_728 = tpu.vector_load %arg17[%swap3A_726, %swap3A_727] {strides = array<i32>} : memref<80x128xf32, #tpu.memory_space<vmem>>, vector<1x16xf32>,
      %swap3A_729 = vector.shape_cast %swap3A_728 : vector<1x16xf32> to vector<16xf32>
      %swap3A_730 = vector.shape_cast %broadcast_in_dim3A_3 : vector<16xf32> to vector<1x16xf32>
      tpu.vector_store %arg17[%swap3A_726, %swap3A_727], %swap3A_730 {strides = array<i32>} : memref<80x128xf32, #tpu.memory_space<vmem>>, vector<1x16xf32>,
      %swap3A_731 = arith.index_cast %scan3A_699 : i32 to index
      %swap3A_732 = arith.constant 96 : index
      %swap3A_733 = tpu.vector_load %arg17[%swap3A_731, %swap3A_732] {strides = array<i32>} : memref<80x128xf32, #tpu.memory_space<vmem>>, vector<1x16xf32>,
      %swap3A_734 = vector.shape_cast %swap3A_733 : vector<1x16xf32> to vector<16xf32>
      %swap3A_735 = vector.shape_cast %broadcast_in_dim3A_3 : vector<16xf32> to vector<1x16xf32>
      tpu.vector_store %arg17[%swap3A_731, %swap3A_732], %swap3A_735 {strides = array<i32>} : memref<80x128xf32, #tpu.memory_space<vmem>>, vector<1x16xf32>,
      %swap3A_736 = arith.index_cast %scan3A_699 : i32 to index
      %swap3A_737 = arith.constant 112 : index
      %swap3A_738 = tpu.vector_load %arg17[%swap3A_736, %swap3A_737] {strides = array<i32>} : memref<80x128xf32, #tpu.memory_space<vmem>>, vector<1x16xf32>,
      %swap3A_739 = vector.shape_cast %swap3A_738 : vector<1x16xf32> to vector<16xf32>
      %swap3A_740 = vector.shape_cast %broadcast_in_dim3A_3 : vector<16xf32> to vector<1x16xf32>
      tpu.vector_store %arg17[%swap3A_736, %swap3A_737], %swap3A_740 {strides = array<i32>} : memref<80x128xf32, #tpu.memory_space<vmem>>, vector<1x16xf32>,
      %scan3A_741 = arith.constant 0 : i32
      scf.yield %scan3A_741 : i32
    }
    %scan3A_13 = arith.constant 80 : i32
    %mul3A_14 = arith.constant 1000 : i32
    %mul3A_15 = arith.muli %arg1, %mul3A_14 : i32
    %lt3A = arith.constant 10 : i32
    %lt3A_16 = arith.cmpi slt, %arg1, %lt3A : i32
    %convert_element_type3A = arith.extui %lt3A_16 : i1 to i32
    %cond3A = arith.constant 0 : i32
    %cond3A_17 = arith.cmpi ne, %convert_element_type3A, %cond3A : i32
    scf.if %cond3A_17 {
      %add3A_699 = arith.constant 0 : i32
      %add3A_700 = arith.addi %mul3A_15, %add3A_699 : i32
      "tpu.region"() ({
        %run_scoped3A = tpu.sem_alloc : memref<!tpu.dma_semaphore, #tpu.memory_space<semaphore_mem>>
        %dma_start3A_726 = arith.constant 0 : i32
        %dma_start3A_727 = tpu.memref_slice %arg6[%add3A_700, %dma_start3A_726] : memref<10240x128xf32, #tpu.memory_space<vmem_shared>> -> memref<80x128xf32, #tpu.memory_space<vmem_shared>>
        %dma_start3A_728 = arith.constant 0 : i32
        %dma_start3A_729 = tpu.memref_slice %arg6[%add3A_700, %dma_start3A_728] : memref<10240x128xf32, #tpu.memory_space<vmem_shared>> -> memref<80x128xf32, #tpu.memory_space<vmem_shared>>
        tpu.enqueue_dma source(%arg17 : memref<80x128xf32, #tpu.memory_space<vmem>>) target(%dma_start3A_729 : memref<80x128xf32, #tpu.memory_space<vmem_shared>>) target_semaphore(%run_scoped3A : memref<!tpu.dma_semaphore, #tpu.memory_space<semaphore_mem>>)
        %dma_wait3A_730 = arith.constant 0 : i32
        %dma_wait3A_731 = tpu.memref_slice %arg6[%add3A_700, %dma_wait3A_730] : memref<10240x128xf32, #tpu.memory_space<vmem_shared>> -> memref<80x128xf32, #tpu.memory_space<vmem_shared>>
        %dma_wait3A_732 = arith.constant 0 : i32
        %dma_wait3A_733 = tpu.memref_slice %arg6[%add3A_700, %dma_wait3A_732] : memref<10240x128xf32, #tpu.memory_space<vmem_shared>> -> memref<80x128xf32, #tpu.memory_space<vmem_shared>>
        tpu.wait_dma2 semaphore(%run_scoped3A : memref<!tpu.dma_semaphore, #tpu.memory_space<semaphore_mem>>) src(%arg17 : memref<80x128xf32, #tpu.memory_space<vmem>>) dst(%dma_wait3A_733 : memref<80x128xf32, #tpu.memory_space<vmem_shared>>)
        tpu.yield
      }) : () -> ()
      %add3A_701 = arith.constant 80 : i32
      %add3A_702 = arith.addi %mul3A_15, %add3A_701 : i32
      "tpu.region"() ({
        %run_scoped3A = tpu.sem_alloc : memref<!tpu.dma_semaphore, #tpu.memory_space<semaphore_mem>>
        %dma_start3A_726 = arith.constant 0 : i32
        %dma_start3A_727 = tpu.memref_slice %arg6[%add3A_702, %dma_start3A_726] : memref<10240x128xf32, #tpu.memory_space<vmem_shared>> -> memref<80x128xf32, #tpu.memory_space<vmem_shared>>
        %dma_start3A_728 = arith.constant 0 : i32
        %dma_start3A_729 = tpu.memref_slice %arg6[%add3A_702, %dma_start3A_728] : memref<10240x128xf32, #tpu.memory_space<vmem_shared>> -> memref<80x128xf32, #tpu.memory_space<vmem_shared>>
        tpu.enqueue_dma source(%arg17 : memref<80x128xf32, #tpu.memory_space<vmem>>) target(%dma_start3A_729 : memref<80x128xf32, #tpu.memory_space<vmem_shared>>) target_semaphore(%run_scoped3A : memref<!tpu.dma_semaphore, #tpu.memory_space<semaphore_mem>>)
        %dma_wait3A_730 = arith.constant 0 : i32
        %dma_wait3A_731 = tpu.memref_slice %arg6[%add3A_702, %dma_wait3A_730] : memref<10240x128xf32, #tpu.memory_space<vmem_shared>> -> memref<80x128xf32, #tpu.memory_space<vmem_shared>>
        %dma_wait3A_732 = arith.constant 0 : i32
        %dma_wait3A_733 = tpu.memref_slice %arg6[%add3A_702, %dma_wait3A_732] : memref<10240x128xf32, #tpu.memory_space<vmem_shared>> -> memref<80x128xf32, #tpu.memory_space<vmem_shared>>
        tpu.wait_dma2 semaphore(%run_scoped3A : memref<!tpu.dma_semaphore, #tpu.memory_space<semaphore_mem>>) src(%arg17 : memref<80x128xf32, #tpu.memory_space<vmem>>) dst(%dma_wait3A_733 : memref<80x128xf32, #tpu.memory_space<vmem_shared>>)
        tpu.yield
      }) : () -> ()
      %add3A_703 = arith.constant 160 : i32
      %add3A_704 = arith.addi %mul3A_15, %add3A_703 : i32
      "tpu.region"() ({
        %run_scoped3A = tpu.sem_alloc : memref<!tpu.dma_semaphore, #tpu.memory_space<semaphore_mem>>
        %dma_start3A_726 = arith.constant 0 : i32
        %dma_start3A_727 = tpu.memref_slice %arg6[%add3A_704, %dma_start3A_726] : memref<10240x128xf32, #tpu.memory_space<vmem_shared>> -> memref<80x128xf32, #tpu.memory_space<vmem_shared>>
        %dma_start3A_728 = arith.constant 0 : i32
        %dma_start3A_729 = tpu.memref_slice %arg6[%add3A_704, %dma_start3A_728] : memref<10240x128xf32, #tpu.memory_space<vmem_shared>> -> memref<80x128xf32, #tpu.memory_space<vmem_shared>>
        tpu.enqueue_dma source(%arg17 : memref<80x128xf32, #tpu.memory_space<vmem>>) target(%dma_start3A_729 : memref<80x128xf32, #tpu.memory_space<vmem_shared>>) target_semaphore(%run_scoped3A : memref<!tpu.dma_semaphore, #tpu.memory_space<semaphore_mem>>)
        %dma_wait3A_730 = arith.constant 0 : i32
        %dma_wait3A_731 = tpu.memref_slice %arg6[%add3A_704, %dma_wait3A_730] : memref<10240x128xf32, #tpu.memory_space<vmem_shared>> -> memref<80x128xf32, #tpu.memory_space<vmem_shared>>
        %dma_wait3A_732 = arith.constant 0 : i32
        %dma_wait3A_733 = tpu.memref_slice %arg6[%add3A_704, %dma_wait3A_732] : memref<10240x128xf32, #tpu.memory_space<vmem_shared>> -> memref<80x128xf32, #tpu.memory_space<vmem_shared>>
        tpu.wait_dma2 semaphore(%run_scoped3A : memref<!tpu.dma_semaphore, #tpu.memory_space<semaphore_mem>>) src(%arg17 : memref<80x128xf32, #tpu.memory_space<vmem>>) dst(%dma_wait3A_733 : memref<80x128xf32, #tpu.memory_space<vmem_shared>>)
        tpu.yield
      }) : () -> ()
      %add3A_705 = arith.constant 240 : i32
      %add3A_706 = arith.addi %mul3A_15, %add3A_705 : i32
      "tpu.region"() ({
        %run_scoped3A = tpu.sem_alloc : memref<!tpu.dma_semaphore, #tpu.memory_space<semaphore_mem>>
        %dma_start3A_726 = arith.constant 0 : i32
        %dma_start3A_727 = tpu.memref_slice %arg6[%add3A_706, %dma_start3A_726] : memref<10240x128xf32, #tpu.memory_space<vmem_shared>> -> memref<80x128xf32, #tpu.memory_space<vmem_shared>>
        %dma_start3A_728 = arith.constant 0 : i32
        %dma_start3A_729 = tpu.memref_slice %arg6[%add3A_706, %dma_start3A_728] : memref<10240x128xf32, #tpu.memory_space<vmem_shared>> -> memref<80x128xf32, #tpu.memory_space<vmem_shared>>
        tpu.enqueue_dma source(%arg17 : memref<80x128xf32, #tpu.memory_space<vmem>>) target(%dma_start3A_729 : memref<80x128xf32, #tpu.memory_space<vmem_shared>>) target_semaphore(%run_scoped3A : memref<!tpu.dma_semaphore, #tpu.memory_space<semaphore_mem>>)
        %dma_wait3A_730 = arith.constant 0 : i32
        %dma_wait3A_731 = tpu.memref_slice %arg6[%add3A_706, %dma_wait3A_730] : memref<10240x128xf32, #tpu.memory_space<vmem_shared>> -> memref<80x128xf32, #tpu.memory_space<vmem_shared>>
        %dma_wait3A_732 = arith.constant 0 : i32
        %dma_wait3A_733 = tpu.memref_slice %arg6[%add3A_706, %dma_wait3A_732] : memref<10240x128xf32, #tpu.memory_space<vmem_shared>> -> memref<80x128xf32, #tpu.memory_space<vmem_shared>>
        tpu.wait_dma2 semaphore(%run_scoped3A : memref<!tpu.dma_semaphore, #tpu.memory_space<semaphore_mem>>) src(%arg17 : memref<80x128xf32, #tpu.memory_space<vmem>>) dst(%dma_wait3A_733 : memref<80x128xf32, #tpu.memory_space<vmem_shared>>)
        tpu.yield
      }) : () -> ()
      %add3A_707 = arith.constant 320 : i32
      %add3A_708 = arith.addi %mul3A_15, %add3A_707 : i32
      "tpu.region"() ({
        %run_scoped3A = tpu.sem_alloc : memref<!tpu.dma_semaphore, #tpu.memory_space<semaphore_mem>>
        %dma_start3A_726 = arith.constant 0 : i32
        %dma_start3A_727 = tpu.memref_slice %arg6[%add3A_708, %dma_start3A_726] : memref<10240x128xf32, #tpu.memory_space<vmem_shared>> -> memref<80x128xf32, #tpu.memory_space<vmem_shared>>
        %dma_start3A_728 = arith.constant 0 : i32
        %dma_start3A_729 = tpu.memref_slice %arg6[%add3A_708, %dma_start3A_728] : memref<10240x128xf32, #tpu.memory_space<vmem_shared>> -> memref<80x128xf32, #tpu.memory_space<vmem_shared>>
        tpu.enqueue_dma source(%arg17 : memref<80x128xf32, #tpu.memory_space<vmem>>) target(%dma_start3A_729 : memref<80x128xf32, #tpu.memory_space<vmem_shared>>) target_semaphore(%run_scoped3A : memref<!tpu.dma_semaphore, #tpu.memory_space<semaphore_mem>>)
        %dma_wait3A_730 = arith.constant 0 : i32
        %dma_wait3A_731 = tpu.memref_slice %arg6[%add3A_708, %dma_wait3A_730] : memref<10240x128xf32, #tpu.memory_space<vmem_shared>> -> memref<80x128xf32, #tpu.memory_space<vmem_shared>>
        %dma_wait3A_732 = arith.constant 0 : i32
        %dma_wait3A_733 = tpu.memref_slice %arg6[%add3A_708, %dma_wait3A_732] : memref<10240x128xf32, #tpu.memory_space<vmem_shared>> -> memref<80x128xf32, #tpu.memory_space<vmem_shared>>
        tpu.wait_dma2 semaphore(%run_scoped3A : memref<!tpu.dma_semaphore, #tpu.memory_space<semaphore_mem>>) src(%arg17 : memref<80x128xf32, #tpu.memory_space<vmem>>) dst(%dma_wait3A_733 : memref<80x128xf32, #tpu.memory_space<vmem_shared>>)
        tpu.yield
      }) : () -> ()
      %add3A_709 = arith.constant 400 : i32
      %add3A_710 = arith.addi %mul3A_15, %add3A_709 : i32
      "tpu.region"() ({
        %run_scoped3A = tpu.sem_alloc : memref<!tpu.dma_semaphore, #tpu.memory_space<semaphore_mem>>
        %dma_start3A_726 = arith.constant 0 : i32
        %dma_start3A_727 = tpu.memref_slice %arg6[%add3A_710, %dma_start3A_726] : memref<10240x128xf32, #tpu.memory_space<vmem_shared>> -> memref<80x128xf32, #tpu.memory_space<vmem_shared>>
        %dma_start3A_728 = arith.constant 0 : i32
        %dma_start3A_729 = tpu.memref_slice %arg6[%add3A_710, %dma_start3A_728] : memref<10240x128xf32, #tpu.memory_space<vmem_shared>> -> memref<80x128xf32, #tpu.memory_space<vmem_shared>>
        tpu.enqueue_dma source(%arg17 : memref<80x128xf32, #tpu.memory_space<vmem>>) target(%dma_start3A_729 : memref<80x128xf32, #tpu.memory_space<vmem_shared>>) target_semaphore(%run_scoped3A : memref<!tpu.dma_semaphore, #tpu.memory_space<semaphore_mem>>)
        %dma_wait3A_730 = arith.constant 0 : i32
        %dma_wait3A_731 = tpu.memref_slice %arg6[%add3A_710, %dma_wait3A_730] : memref<10240x128xf32, #tpu.memory_space<vmem_shared>> -> memref<80x128xf32, #tpu.memory_space<vmem_shared>>
        %dma_wait3A_732 = arith.constant 0 : i32
        %dma_wait3A_733 = tpu.memref_slice %arg6[%add3A_710, %dma_wait3A_732] : memref<10240x128xf32, #tpu.memory_space<vmem_shared>> -> memref<80x128xf32, #tpu.memory_space<vmem_shared>>
        tpu.wait_dma2 semaphore(%run_scoped3A : memref<!tpu.dma_semaphore, #tpu.memory_space<semaphore_mem>>) src(%arg17 : memref<80x128xf32, #tpu.memory_space<vmem>>) dst(%dma_wait3A_733 : memref<80x128xf32, #tpu.memory_space<vmem_shared>>)
        tpu.yield
      }) : () -> ()
      %add3A_711 = arith.constant 480 : i32
      %add3A_712 = arith.addi %mul3A_15, %add3A_711 : i32
      "tpu.region"() ({
        %run_scoped3A = tpu.sem_alloc : memref<!tpu.dma_semaphore, #tpu.memory_space<semaphore_mem>>
        %dma_start3A_726 = arith.constant 0 : i32
        %dma_start3A_727 = tpu.memref_slice %arg6[%add3A_712, %dma_start3A_726] : memref<10240x128xf32, #tpu.memory_space<vmem_shared>> -> memref<80x128xf32, #tpu.memory_space<vmem_shared>>
        %dma_start3A_728 = arith.constant 0 : i32
        %dma_start3A_729 = tpu.memref_slice %arg6[%add3A_712, %dma_start3A_728] : memref<10240x128xf32, #tpu.memory_space<vmem_shared>> -> memref<80x128xf32, #tpu.memory_space<vmem_shared>>
        tpu.enqueue_dma source(%arg17 : memref<80x128xf32, #tpu.memory_space<vmem>>) target(%dma_start3A_729 : memref<80x128xf32, #tpu.memory_space<vmem_shared>>) target_semaphore(%run_scoped3A : memref<!tpu.dma_semaphore, #tpu.memory_space<semaphore_mem>>)
        %dma_wait3A_730 = arith.constant 0 : i32
        %dma_wait3A_731 = tpu.memref_slice %arg6[%add3A_712, %dma_wait3A_730] : memref<10240x128xf32, #tpu.memory_space<vmem_shared>> -> memref<80x128xf32, #tpu.memory_space<vmem_shared>>
        %dma_wait3A_732 = arith.constant 0 : i32
        %dma_wait3A_733 = tpu.memref_slice %arg6[%add3A_712, %dma_wait3A_732] : memref<10240x128xf32, #tpu.memory_space<vmem_shared>> -> memref<80x128xf32, #tpu.memory_space<vmem_shared>>
        tpu.wait_dma2 semaphore(%run_scoped3A : memref<!tpu.dma_semaphore, #tpu.memory_space<semaphore_mem>>) src(%arg17 : memref<80x128xf32, #tpu.memory_space<vmem>>) dst(%dma_wait3A_733 : memref<80x128xf32, #tpu.memory_space<vmem_shared>>)
        tpu.yield
      }) : () -> ()
      %add3A_713 = arith.constant 560 : i32
      %add3A_714 = arith.addi %mul3A_15, %add3A_713 : i32
      "tpu.region"() ({
        %run_scoped3A = tpu.sem_alloc : memref<!tpu.dma_semaphore, #tpu.memory_space<semaphore_mem>>
        %dma_start3A_726 = arith.constant 0 : i32
        %dma_start3A_727 = tpu.memref_slice %arg6[%add3A_714, %dma_start3A_726] : memref<10240x128xf32, #tpu.memory_space<vmem_shared>> -> memref<80x128xf32, #tpu.memory_space<vmem_shared>>
        %dma_start3A_728 = arith.constant 0 : i32
        %dma_start3A_729 = tpu.memref_slice %arg6[%add3A_714, %dma_start3A_728] : memref<10240x128xf32, #tpu.memory_space<vmem_shared>> -> memref<80x128xf32, #tpu.memory_space<vmem_shared>>
        tpu.enqueue_dma source(%arg17 : memref<80x128xf32, #tpu.memory_space<vmem>>) target(%dma_start3A_729 : memref<80x128xf32, #tpu.memory_space<vmem_shared>>) target_semaphore(%run_scoped3A : memref<!tpu.dma_semaphore, #tpu.memory_space<semaphore_mem>>)
        %dma_wait3A_730 = arith.constant 0 : i32
        %dma_wait3A_731 = tpu.memref_slice %arg6[%add3A_714, %dma_wait3A_730] : memref<10240x128xf32, #tpu.memory_space<vmem_shared>> -> memref<80x128xf32, #tpu.memory_space<vmem_shared>>
        %dma_wait3A_732 = arith.constant 0 : i32
        %dma_wait3A_733 = tpu.memref_slice %arg6[%add3A_714, %dma_wait3A_732] : memref<10240x128xf32, #tpu.memory_space<vmem_shared>> -> memref<80x128xf32, #tpu.memory_space<vmem_shared>>
        tpu.wait_dma2 semaphore(%run_scoped3A : memref<!tpu.dma_semaphore, #tpu.memory_space<semaphore_mem>>) src(%arg17 : memref<80x128xf32, #tpu.memory_space<vmem>>) dst(%dma_wait3A_733 : memref<80x128xf32, #tpu.memory_space<vmem_shared>>)
        tpu.yield
      }) : () -> ()
      %add3A_715 = arith.constant 640 : i32
      %add3A_716 = arith.addi %mul3A_15, %add3A_715 : i32
      "tpu.region"() ({
        %run_scoped3A = tpu.sem_alloc : memref<!tpu.dma_semaphore, #tpu.memory_space<semaphore_mem>>
        %dma_start3A_726 = arith.constant 0 : i32
        %dma_start3A_727 = tpu.memref_slice %arg6[%add3A_716, %dma_start3A_726] : memref<10240x128xf32, #tpu.memory_space<vmem_shared>> -> memref<80x128xf32, #tpu.memory_space<vmem_shared>>
        %dma_start3A_728 = arith.constant 0 : i32
        %dma_start3A_729 = tpu.memref_slice %arg6[%add3A_716, %dma_start3A_728] : memref<10240x128xf32, #tpu.memory_space<vmem_shared>> -> memref<80x128xf32, #tpu.memory_space<vmem_shared>>
        tpu.enqueue_dma source(%arg17 : memref<80x128xf32, #tpu.memory_space<vmem>>) target(%dma_start3A_729 : memref<80x128xf32, #tpu.memory_space<vmem_shared>>) target_semaphore(%run_scoped3A : memref<!tpu.dma_semaphore, #tpu.memory_space<semaphore_mem>>)
        %dma_wait3A_730 = arith.constant 0 : i32
        %dma_wait3A_731 = tpu.memref_slice %arg6[%add3A_716, %dma_wait3A_730] : memref<10240x128xf32, #tpu.memory_space<vmem_shared>> -> memref<80x128xf32, #tpu.memory_space<vmem_shared>>
        %dma_wait3A_732 = arith.constant 0 : i32
        %dma_wait3A_733 = tpu.memref_slice %arg6[%add3A_716, %dma_wait3A_732] : memref<10240x128xf32, #tpu.memory_space<vmem_shared>> -> memref<80x128xf32, #tpu.memory_space<vmem_shared>>
        tpu.wait_dma2 semaphore(%run_scoped3A : memref<!tpu.dma_semaphore, #tpu.memory_space<semaphore_mem>>) src(%arg17 : memref<80x128xf32, #tpu.memory_space<vmem>>) dst(%dma_wait3A_733 : memref<80x128xf32, #tpu.memory_space<vmem_shared>>)
        tpu.yield
      }) : () -> ()
      %add3A_717 = arith.constant 720 : i32
      %add3A_718 = arith.addi %mul3A_15, %add3A_717 : i32
      "tpu.region"() ({
        %run_scoped3A = tpu.sem_alloc : memref<!tpu.dma_semaphore, #tpu.memory_space<semaphore_mem>>
        %dma_start3A_726 = arith.constant 0 : i32
        %dma_start3A_727 = tpu.memref_slice %arg6[%add3A_718, %dma_start3A_726] : memref<10240x128xf32, #tpu.memory_space<vmem_shared>> -> memref<80x128xf32, #tpu.memory_space<vmem_shared>>
        %dma_start3A_728 = arith.constant 0 : i32
        %dma_start3A_729 = tpu.memref_slice %arg6[%add3A_718, %dma_start3A_728] : memref<10240x128xf32, #tpu.memory_space<vmem_shared>> -> memref<80x128xf32, #tpu.memory_space<vmem_shared>>
        tpu.enqueue_dma source(%arg17 : memref<80x128xf32, #tpu.memory_space<vmem>>) target(%dma_start3A_729 : memref<80x128xf32, #tpu.memory_space<vmem_shared>>) target_semaphore(%run_scoped3A : memref<!tpu.dma_semaphore, #tpu.memory_space<semaphore_mem>>)
        %dma_wait3A_730 = arith.constant 0 : i32
        %dma_wait3A_731 = tpu.memref_slice %arg6[%add3A_718, %dma_wait3A_730] : memref<10240x128xf32, #tpu.memory_space<vmem_shared>> -> memref<80x128xf32, #tpu.memory_space<vmem_shared>>
        %dma_wait3A_732 = arith.constant 0 : i32
        %dma_wait3A_733 = tpu.memref_slice %arg6[%add3A_718, %dma_wait3A_732] : memref<10240x128xf32, #tpu.memory_space<vmem_shared>> -> memref<80x128xf32, #tpu.memory_space<vmem_shared>>
        tpu.wait_dma2 semaphore(%run_scoped3A : memref<!tpu.dma_semaphore, #tpu.memory_space<semaphore_mem>>) src(%arg17 : memref<80x128xf32, #tpu.memory_space<vmem>>) dst(%dma_wait3A_733 : memref<80x128xf32, #tpu.memory_space<vmem_shared>>)
        tpu.yield
      }) : () -> ()
      %add3A_719 = arith.constant 800 : i32
      %add3A_720 = arith.addi %mul3A_15, %add3A_719 : i32
      "tpu.region"() ({
        %run_scoped3A = tpu.sem_alloc : memref<!tpu.dma_semaphore, #tpu.memory_space<semaphore_mem>>
        %dma_start3A_726 = arith.constant 0 : i32
        %dma_start3A_727 = tpu.memref_slice %arg6[%add3A_720, %dma_start3A_726] : memref<10240x128xf32, #tpu.memory_space<vmem_shared>> -> memref<80x128xf32, #tpu.memory_space<vmem_shared>>
        %dma_start3A_728 = arith.constant 0 : i32
        %dma_start3A_729 = tpu.memref_slice %arg6[%add3A_720, %dma_start3A_728] : memref<10240x128xf32, #tpu.memory_space<vmem_shared>> -> memref<80x128xf32, #tpu.memory_space<vmem_shared>>
        tpu.enqueue_dma source(%arg17 : memref<80x128xf32, #tpu.memory_space<vmem>>) target(%dma_start3A_729 : memref<80x128xf32, #tpu.memory_space<vmem_shared>>) target_semaphore(%run_scoped3A : memref<!tpu.dma_semaphore, #tpu.memory_space<semaphore_mem>>)
        %dma_wait3A_730 = arith.constant 0 : i32
        %dma_wait3A_731 = tpu.memref_slice %arg6[%add3A_720, %dma_wait3A_730] : memref<10240x128xf32, #tpu.memory_space<vmem_shared>> -> memref<80x128xf32, #tpu.memory_space<vmem_shared>>
        %dma_wait3A_732 = arith.constant 0 : i32
        %dma_wait3A_733 = tpu.memref_slice %arg6[%add3A_720, %dma_wait3A_732] : memref<10240x128xf32, #tpu.memory_space<vmem_shared>> -> memref<80x128xf32, #tpu.memory_space<vmem_shared>>
        tpu.wait_dma2 semaphore(%run_scoped3A : memref<!tpu.dma_semaphore, #tpu.memory_space<semaphore_mem>>) src(%arg17 : memref<80x128xf32, #tpu.memory_space<vmem>>) dst(%dma_wait3A_733 : memref<80x128xf32, #tpu.memory_space<vmem_shared>>)
        tpu.yield
      }) : () -> ()
      %add3A_721 = arith.constant 880 : i32
      %add3A_722 = arith.addi %mul3A_15, %add3A_721 : i32
      "tpu.region"() ({
        %run_scoped3A = tpu.sem_alloc : memref<!tpu.dma_semaphore, #tpu.memory_space<semaphore_mem>>
        %dma_start3A_726 = arith.constant 0 : i32
        %dma_start3A_727 = tpu.memref_slice %arg6[%add3A_722, %dma_start3A_726] : memref<10240x128xf32, #tpu.memory_space<vmem_shared>> -> memref<80x128xf32, #tpu.memory_space<vmem_shared>>
        %dma_start3A_728 = arith.constant 0 : i32
        %dma_start3A_729 = tpu.memref_slice %arg6[%add3A_722, %dma_start3A_728] : memref<10240x128xf32, #tpu.memory_space<vmem_shared>> -> memref<80x128xf32, #tpu.memory_space<vmem_shared>>
        tpu.enqueue_dma source(%arg17 : memref<80x128xf32, #tpu.memory_space<vmem>>) target(%dma_start3A_729 : memref<80x128xf32, #tpu.memory_space<vmem_shared>>) target_semaphore(%run_scoped3A : memref<!tpu.dma_semaphore, #tpu.memory_space<semaphore_mem>>)
        %dma_wait3A_730 = arith.constant 0 : i32
        %dma_wait3A_731 = tpu.memref_slice %arg6[%add3A_722, %dma_wait3A_730] : memref<10240x128xf32, #tpu.memory_space<vmem_shared>> -> memref<80x128xf32, #tpu.memory_space<vmem_shared>>
        %dma_wait3A_732 = arith.constant 0 : i32
        %dma_wait3A_733 = tpu.memref_slice %arg6[%add3A_722, %dma_wait3A_732] : memref<10240x128xf32, #tpu.memory_space<vmem_shared>> -> memref<80x128xf32, #tpu.memory_space<vmem_shared>>
        tpu.wait_dma2 semaphore(%run_scoped3A : memref<!tpu.dma_semaphore, #tpu.memory_space<semaphore_mem>>) src(%arg17 : memref<80x128xf32, #tpu.memory_space<vmem>>) dst(%dma_wait3A_733 : memref<80x128xf32, #tpu.memory_space<vmem_shared>>)
        tpu.yield
      }) : () -> ()
      %add3A_723 = arith.constant 1000 : i32
      %add3A_724 = arith.addi %mul3A_15, %add3A_723 : i32
      %sub3A = arith.constant 80 : i32
      %sub3A_725 = arith.subi %add3A_724, %sub3A : i32
      "tpu.region"() ({
        %run_scoped3A = tpu.sem_alloc : memref<!tpu.dma_semaphore, #tpu.memory_space<semaphore_mem>>
        %dma_start3A_726 = arith.constant 0 : i32
        %dma_start3A_727 = tpu.memref_slice %arg6[%sub3A_725, %dma_start3A_726] : memref<10240x128xf32, #tpu.memory_space<vmem_shared>> -> memref<80x128xf32, #tpu.memory_space<vmem_shared>>
        %dma_start3A_728 = arith.constant 0 : i32
        %dma_start3A_729 = tpu.memref_slice %arg6[%sub3A_725, %dma_start3A_728] : memref<10240x128xf32, #tpu.memory_space<vmem_shared>> -> memref<80x128xf32, #tpu.memory_space<vmem_shared>>
        tpu.enqueue_dma source(%arg17 : memref<80x128xf32, #tpu.memory_space<vmem>>) target(%dma_start3A_729 : memref<80x128xf32, #tpu.memory_space<vmem_shared>>) target_semaphore(%run_scoped3A : memref<!tpu.dma_semaphore, #tpu.memory_space<semaphore_mem>>)
        %dma_wait3A_730 = arith.constant 0 : i32
        %dma_wait3A_731 = tpu.memref_slice %arg6[%sub3A_725, %dma_wait3A_730] : memref<10240x128xf32, #tpu.memory_space<vmem_shared>> -> memref<80x128xf32, #tpu.memory_space<vmem_shared>>
        %dma_wait3A_732 = arith.constant 0 : i32
        %dma_wait3A_733 = tpu.memref_slice %arg6[%sub3A_725, %dma_wait3A_732] : memref<10240x128xf32, #tpu.memory_space<vmem_shared>> -> memref<80x128xf32, #tpu.memory_space<vmem_shared>>
        tpu.wait_dma2 semaphore(%run_scoped3A : memref<!tpu.dma_semaphore, #tpu.memory_space<semaphore_mem>>) src(%arg17 : memref<80x128xf32, #tpu.memory_space<vmem>>) dst(%dma_wait3A_733 : memref<80x128xf32, #tpu.memory_space<vmem_shared>>)
        tpu.yield
      }) : () -> ()
    } else {
    }
    %eq3A = arith.constant 10 : i32
    %eq3A_18 = arith.cmpi eq, %arg1, %eq3A : i32
    %convert_element_type3A_19 = arith.extui %eq3A_18 : i1 to i32
    %cond3A_20 = arith.constant 0 : i32
    %cond3A_21 = arith.cmpi ne, %convert_element_type3A_19, %cond3A_20 : i32
    scf.if %cond3A_21 {
      "tpu.region"() ({
        %run_scoped3A = tpu.sem_alloc : memref<!tpu.dma_semaphore, #tpu.memory_space<semaphore_mem>>
        %dma_start3A_699 = arith.constant 10000 : i32
        %dma_start3A_700 = arith.constant 0 : i32
        %dma_start3A_701 = tpu.memref_slice %arg6[%dma_start3A_699, %dma_start3A_700] : memref<10240x128xf32, #tpu.memory_space<vmem_shared>> -> memref<80x128xf32, #tpu.memory_space<vmem_shared>>
        %dma_start3A_702 = arith.constant 10000 : i32
        %dma_start3A_703 = arith.constant 0 : i32
        %dma_start3A_704 = tpu.memref_slice %arg6[%dma_start3A_702, %dma_start3A_703] : memref<10240x128xf32, #tpu.memory_space<vmem_shared>> -> memref<80x128xf32, #tpu.memory_space<vmem_shared>>
        tpu.enqueue_dma source(%arg17 : memref<80x128xf32, #tpu.memory_space<vmem>>) target(%dma_start3A_704 : memref<80x128xf32, #tpu.memory_space<vmem_shared>>) target_semaphore(%run_scoped3A : memref<!tpu.dma_semaphore, #tpu.memory_space<semaphore_mem>>)
        %dma_wait3A_705 = arith.constant 10000 : i32
        %dma_wait3A_706 = arith.constant 0 : i32
        %dma_wait3A_707 = tpu.memref_slice %arg6[%dma_wait3A_705, %dma_wait3A_706] : memref<10240x128xf32, #tpu.memory_space<vmem_shared>> -> memref<80x128xf32, #tpu.memory_space<vmem_shared>>
        %dma_wait3A_708 = arith.constant 10000 : i32
        %dma_wait3A_709 = arith.constant 0 : i32
        %dma_wait3A_710 = tpu.memref_slice %arg6[%dma_wait3A_708, %dma_wait3A_709] : memref<10240x128xf32, #tpu.memory_space<vmem_shared>> -> memref<80x128xf32, #tpu.memory_space<vmem_shared>>
        tpu.wait_dma2 semaphore(%run_scoped3A : memref<!tpu.dma_semaphore, #tpu.memory_space<semaphore_mem>>) src(%arg17 : memref<80x128xf32, #tpu.memory_space<vmem>>) dst(%dma_wait3A_710 : memref<80x128xf32, #tpu.memory_space<vmem_shared>>)
        tpu.yield
      }) : () -> ()
      "tpu.region"() ({
        %run_scoped3A = tpu.sem_alloc : memref<!tpu.dma_semaphore, #tpu.memory_space<semaphore_mem>>
        %dma_start3A_699 = arith.constant 10080 : i32
        %dma_start3A_700 = arith.constant 0 : i32
        %dma_start3A_701 = tpu.memref_slice %arg6[%dma_start3A_699, %dma_start3A_700] : memref<10240x128xf32, #tpu.memory_space<vmem_shared>> -> memref<80x128xf32, #tpu.memory_space<vmem_shared>>
        %dma_start3A_702 = arith.constant 10080 : i32
        %dma_start3A_703 = arith.constant 0 : i32
        %dma_start3A_704 = tpu.memref_slice %arg6[%dma_start3A_702, %dma_start3A_703] : memref<10240x128xf32, #tpu.memory_space<vmem_shared>> -> memref<80x128xf32, #tpu.memory_space<vmem_shared>>
        tpu.enqueue_dma source(%arg17 : memref<80x128xf32, #tpu.memory_space<vmem>>) target(%dma_start3A_704 : memref<80x128xf32, #tpu.memory_space<vmem_shared>>) target_semaphore(%run_scoped3A : memref<!tpu.dma_semaphore, #tpu.memory_space<semaphore_mem>>)
        %dma_wait3A_705 = arith.constant 10080 : i32
        %dma_wait3A_706 = arith.constant 0 : i32
        %dma_wait3A_707 = tpu.memref_slice %arg6[%dma_wait3A_705, %dma_wait3A_706] : memref<10240x128xf32, #tpu.memory_space<vmem_shared>> -> memref<80x128xf32, #tpu.memory_space<vmem_shared>>
        %dma_wait3A_708 = arith.constant 10080 : i32
        %dma_wait3A_709 = arith.constant 0 : i32
        %dma_wait3A_710 = tpu.memref_slice %arg6[%dma_wait3A_708, %dma_wait3A_709] : memref<10240x128xf32, #tpu.memory_space<vmem_shared>> -> memref<80x128xf32, #tpu.memory_space<vmem_shared>>
        tpu.wait_dma2 semaphore(%run_scoped3A : memref<!tpu.dma_semaphore, #tpu.memory_space<semaphore_mem>>) src(%arg17 : memref<80x128xf32, #tpu.memory_space<vmem>>) dst(%dma_wait3A_710 : memref<80x128xf32, #tpu.memory_space<vmem_shared>>)
        tpu.yield
      }) : () -> ()
      "tpu.region"() ({
        %run_scoped3A = tpu.sem_alloc : memref<!tpu.dma_semaphore, #tpu.memory_space<semaphore_mem>>
        %dma_start3A_699 = arith.constant 10160 : i32
        %dma_start3A_700 = arith.constant 0 : i32
        %dma_start3A_701 = tpu.memref_slice %arg6[%dma_start3A_699, %dma_start3A_700] : memref<10240x128xf32, #tpu.memory_space<vmem_shared>> -> memref<80x128xf32, #tpu.memory_space<vmem_shared>>
        %dma_start3A_702 = arith.constant 10160 : i32
        %dma_start3A_703 = arith.constant 0 : i32
        %dma_start3A_704 = tpu.memref_slice %arg6[%dma_start3A_702, %dma_start3A_703] : memref<10240x128xf32, #tpu.memory_space<vmem_shared>> -> memref<80x128xf32, #tpu.memory_space<vmem_shared>>
        tpu.enqueue_dma source(%arg17 : memref<80x128xf32, #tpu.memory_space<vmem>>) target(%dma_start3A_704 : memref<80x128xf32, #tpu.memory_space<vmem_shared>>) target_semaphore(%run_scoped3A : memref<!tpu.dma_semaphore, #tpu.memory_space<semaphore_mem>>)
        %dma_wait3A_705 = arith.constant 10160 : i32
        %dma_wait3A_706 = arith.constant 0 : i32
        %dma_wait3A_707 = tpu.memref_slice %arg6[%dma_wait3A_705, %dma_wait3A_706] : memref<10240x128xf32, #tpu.memory_space<vmem_shared>> -> memref<80x128xf32, #tpu.memory_space<vmem_shared>>
        %dma_wait3A_708 = arith.constant 10160 : i32
        %dma_wait3A_709 = arith.constant 0 : i32
        %dma_wait3A_710 = tpu.memref_slice %arg6[%dma_wait3A_708, %dma_wait3A_709] : memref<10240x128xf32, #tpu.memory_space<vmem_shared>> -> memref<80x128xf32, #tpu.memory_space<vmem_shared>>
        tpu.wait_dma2 semaphore(%run_scoped3A : memref<!tpu.dma_semaphore, #tpu.memory_space<semaphore_mem>>) src(%arg17 : memref<80x128xf32, #tpu.memory_space<vmem>>) dst(%dma_wait3A_710 : memref<80x128xf32, #tpu.memory_space<vmem_shared>>)
        tpu.yield
      }) : () -> ()
      "tpu.region"() ({
        %run_scoped3A = tpu.sem_alloc : memref<!tpu.dma_semaphore, #tpu.memory_space<semaphore_mem>>
        %dma_start3A_699 = arith.constant 10160 : i32
        %dma_start3A_700 = arith.constant 0 : i32
        %dma_start3A_701 = tpu.memref_slice %arg6[%dma_start3A_699, %dma_start3A_700] : memref<10240x128xf32, #tpu.memory_space<vmem_shared>> -> memref<80x128xf32, #tpu.memory_space<vmem_shared>>
        %dma_start3A_702 = arith.constant 10160 : i32
        %dma_start3A_703 = arith.constant 0 : i32
        %dma_start3A_704 = tpu.memref_slice %arg6[%dma_start3A_702, %dma_start3A_703] : memref<10240x128xf32, #tpu.memory_space<vmem_shared>> -> memref<80x128xf32, #tpu.memory_space<vmem_shared>>
        tpu.enqueue_dma source(%arg17 : memref<80x128xf32, #tpu.memory_space<vmem>>) target(%dma_start3A_704 : memref<80x128xf32, #tpu.memory_space<vmem_shared>>) target_semaphore(%run_scoped3A : memref<!tpu.dma_semaphore, #tpu.memory_space<semaphore_mem>>)
        %dma_wait3A_705 = arith.constant 10160 : i32
        %dma_wait3A_706 = arith.constant 0 : i32
        %dma_wait3A_707 = tpu.memref_slice %arg6[%dma_wait3A_705, %dma_wait3A_706] : memref<10240x128xf32, #tpu.memory_space<vmem_shared>> -> memref<80x128xf32, #tpu.memory_space<vmem_shared>>
        %dma_wait3A_708 = arith.constant 10160 : i32
        %dma_wait3A_709 = arith.constant 0 : i32
        %dma_wait3A_710 = tpu.memref_slice %arg6[%dma_wait3A_708, %dma_wait3A_709] : memref<10240x128xf32, #tpu.memory_space<vmem_shared>> -> memref<80x128xf32, #tpu.memory_space<vmem_shared>>
        tpu.wait_dma2 semaphore(%run_scoped3A : memref<!tpu.dma_semaphore, #tpu.memory_space<semaphore_mem>>) src(%arg17 : memref<80x128xf32, #tpu.memory_space<vmem>>) dst(%dma_wait3A_710 : memref<80x128xf32, #tpu.memory_space<vmem_shared>>)
        tpu.yield
      }) : () -> ()
    } else {
    }
    %broadcast_in_dim3A_22 = arith.constant 1.000000e+00 : f32
    %broadcast_in_dim3A_23 = vector.broadcast %broadcast_in_dim3A_22 : f32 to vector<16xf32>
    %swap3A = arith.constant 0 : index
    %swap3A_24 = tpu.vector_load %arg20[%swap3A] {strides = array<i32>} : memref<80xf32, #tpu.memory_space<vmem>>, vector<16xf32>,
    %swap3A_25 = vector.shape_cast %swap3A_24 : vector<16xf32> to vector<16xf32>
    %swap3A_26 = vector.shape_cast %broadcast_in_dim3A_23 : vector<16xf32> to vector<16xf32>
    tpu.vector_store %arg20[%swap3A], %swap3A_26 {strides = array<i32>} : memref<80xf32, #tpu.memory_space<vmem>>, vector<16xf32>,
    %swap3A_27 = arith.constant 16 : index
    %swap3A_28 = tpu.vector_load %arg20[%swap3A_27] {strides = array<i32>} : memref<80xf32, #tpu.memory_space<vmem>>, vector<16xf32>,
    %swap3A_29 = vector.shape_cast %swap3A_28 : vector<16xf32> to vector<16xf32>
    %swap3A_30 = vector.shape_cast %broadcast_in_dim3A_23 : vector<16xf32> to vector<16xf32>
    tpu.vector_store %arg20[%swap3A_27], %swap3A_30 {strides = array<i32>} : memref<80xf32, #tpu.memory_space<vmem>>, vector<16xf32>,
    %swap3A_31 = arith.constant 32 : index
    %swap3A_32 = tpu.vector_load %arg20[%swap3A_31] {strides = array<i32>} : memref<80xf32, #tpu.memory_space<vmem>>, vector<16xf32>,
    %swap3A_33 = vector.shape_cast %swap3A_32 : vector<16xf32> to vector<16xf32>
    %swap3A_34 = vector.shape_cast %broadcast_in_dim3A_23 : vector<16xf32> to vector<16xf32>
    tpu.vector_store %arg20[%swap3A_31], %swap3A_34 {strides = array<i32>} : memref<80xf32, #tpu.memory_space<vmem>>, vector<16xf32>,
    %swap3A_35 = arith.constant 48 : index
    %swap3A_36 = tpu.vector_load %arg20[%swap3A_35] {strides = array<i32>} : memref<80xf32, #tpu.memory_space<vmem>>, vector<16xf32>,
    %swap3A_37 = vector.shape_cast %swap3A_36 : vector<16xf32> to vector<16xf32>
    %swap3A_38 = vector.shape_cast %broadcast_in_dim3A_23 : vector<16xf32> to vector<16xf32>
    tpu.vector_store %arg20[%swap3A_35], %swap3A_38 {strides = array<i32>} : memref<80xf32, #tpu.memory_space<vmem>>, vector<16xf32>,
    %swap3A_39 = arith.constant 64 : index
    %swap3A_40 = tpu.vector_load %arg20[%swap3A_39] {strides = array<i32>} : memref<80xf32, #tpu.memory_space<vmem>>, vector<16xf32>,
    %swap3A_41 = vector.shape_cast %swap3A_40 : vector<16xf32> to vector<16xf32>
    %swap3A_42 = vector.shape_cast %broadcast_in_dim3A_23 : vector<16xf32> to vector<16xf32>
    tpu.vector_store %arg20[%swap3A_39], %swap3A_42 {strides = array<i32>} : memref<80xf32, #tpu.memory_space<vmem>>, vector<16xf32>,
    %scan3A_43 = arith.constant 0 : i32
    %scan3A_44 = arith.constant 0 : i32
    %scan3A_45 = arith.constant 40 : i32
    %scan3A_46 = arith.addi %scan3A_44, %scan3A_45 : i32
    %scan3A_47 = arith.constant 1 : i32
    %scan3A_48 = scf.for %scan3A_699 = %scan3A_44 to %scan3A_46 step %scan3A_47 iter_args(%scan3A_700 = %scan3A_43) -> (i32)  : i32 {
      %mul3A_701 = arith.constant 16 : i32
      %mul3A_702 = arith.muli %scan3A_699, %mul3A_701 : i32
      %swap3A_703 = arith.index_cast %mul3A_702 : i32 to index
      %swap3A_704 = tpu.vector_load %arg21[%swap3A_703] {strides = array<i32>} : memref<640xf32, #tpu.memory_space<vmem>>, vector<16xf32>,
      %swap3A_705 = vector.shape_cast %swap3A_704 : vector<16xf32> to vector<16xf32>
      %swap3A_706 = vector.shape_cast %broadcast_in_dim3A_3 : vector<16xf32> to vector<16xf32>
      tpu.vector_store %arg21[%swap3A_703], %swap3A_706 {strides = array<i32>} : memref<640xf32, #tpu.memory_space<vmem>>, vector<16xf32>,
      %scan3A_707 = arith.constant 0 : i32
      scf.yield %scan3A_707 : i32
    }
    %scan3A_49 = arith.constant 40 : i32
    %mul3A_50 = arith.constant 640 : i32
    %mul3A_51 = arith.muli %arg1, %mul3A_50 : i32
    "tpu.region"() ({
      %run_scoped3A = tpu.sem_alloc : memref<!tpu.dma_semaphore, #tpu.memory_space<semaphore_mem>>
      %dma_start3A_699 = tpu.memref_slice %arg7[%mul3A_51] : memref<10240xf32, #tpu.memory_space<vmem_shared>> -> memref<640xf32, #tpu.memory_space<vmem_shared>>
      %dma_start3A_700 = tpu.memref_slice %arg7[%mul3A_51] : memref<10240xf32, #tpu.memory_space<vmem_shared>> -> memref<640xf32, #tpu.memory_space<vmem_shared>>
      tpu.enqueue_dma source(%arg21 : memref<640xf32, #tpu.memory_space<vmem>>) target(%dma_start3A_700 : memref<640xf32, #tpu.memory_space<vmem_shared>>) target_semaphore(%run_scoped3A : memref<!tpu.dma_semaphore, #tpu.memory_space<semaphore_mem>>)
      %dma_wait3A_701 = tpu.memref_slice %arg7[%mul3A_51] : memref<10240xf32, #tpu.memory_space<vmem_shared>> -> memref<640xf32, #tpu.memory_space<vmem_shared>>
      %dma_wait3A_702 = tpu.memref_slice %arg7[%mul3A_51] : memref<10240xf32, #tpu.memory_space<vmem_shared>> -> memref<640xf32, #tpu.memory_space<vmem_shared>>
      tpu.wait_dma2 semaphore(%run_scoped3A : memref<!tpu.dma_semaphore, #tpu.memory_space<semaphore_mem>>) src(%arg21 : memref<640xf32, #tpu.memory_space<vmem>>) dst(%dma_wait3A_702 : memref<640xf32, #tpu.memory_space<vmem_shared>>)
      tpu.yield
    }) : () -> ()
    %barrier3A = arith.constant 0 : index
    tpu.barrier barrier_id(%barrier3A)
    %add3A_52 = arith.constant 0 : i32
    %add3A_53 = arith.addi %mul3A_2, %add3A_52 : i32
    %dma_start3A = tpu.memref_slice %arg3[%add3A_53] : memref<320000xi32, #tpu.memory_space<hbm>> -> memref<80xi32, #tpu.memory_space<hbm>>
    %dma_start3A_54 = tpu.memref_slice %arg3[%add3A_53] : memref<320000xi32, #tpu.memory_space<hbm>> -> memref<80xi32, #tpu.memory_space<hbm>>
    tpu.enqueue_dma source(%dma_start3A_54 : memref<80xi32, #tpu.memory_space<hbm>>) target(%arg14 : memref<80xi32, #tpu.memory_space<vmem>>) target_semaphore(%arg25 : memref<!tpu.dma_semaphore, #tpu.memory_space<semaphore_mem>>)
    %add3A_55 = arith.constant 80 : i32
    %add3A_56 = arith.addi %mul3A_2, %add3A_55 : i32
    %dma_start3A_57 = tpu.memref_slice %arg3[%add3A_56] : memref<320000xi32, #tpu.memory_space<hbm>> -> memref<80xi32, #tpu.memory_space<hbm>>
    %dma_start3A_58 = tpu.memref_slice %arg3[%add3A_56] : memref<320000xi32, #tpu.memory_space<hbm>> -> memref<80xi32, #tpu.memory_space<hbm>>
    tpu.enqueue_dma source(%dma_start3A_58 : memref<80xi32, #tpu.memory_space<hbm>>) target(%arg15 : memref<80xi32, #tpu.memory_space<vmem>>) target_semaphore(%arg26 : memref<!tpu.dma_semaphore, #tpu.memory_space<semaphore_mem>>)
    %add3A_59 = arith.constant 160 : i32
    %add3A_60 = arith.addi %mul3A_2, %add3A_59 : i32
    %dma_start3A_61 = tpu.memref_slice %arg3[%add3A_60] : memref<320000xi32, #tpu.memory_space<hbm>> -> memref<80xi32, #tpu.memory_space<hbm>>
    %dma_start3A_62 = tpu.memref_slice %arg3[%add3A_60] : memref<320000xi32, #tpu.memory_space<hbm>> -> memref<80xi32, #tpu.memory_space<hbm>>
    tpu.enqueue_dma source(%dma_start3A_62 : memref<80xi32, #tpu.memory_space<hbm>>) target(%arg16 : memref<80xi32, #tpu.memory_space<vmem>>) target_semaphore(%arg27 : memref<!tpu.dma_semaphore, #tpu.memory_space<semaphore_mem>>)
    %dma_wait3A = arith.constant 0 : i32
    %dma_wait3A_63 = tpu.memref_slice %arg3[%dma_wait3A] : memref<320000xi32, #tpu.memory_space<hbm>> -> memref<80xi32, #tpu.memory_space<hbm>>
    %dma_wait3A_64 = arith.constant 0 : i32
    %dma_wait3A_65 = tpu.memref_slice %arg3[%dma_wait3A_64] : memref<320000xi32, #tpu.memory_space<hbm>> -> memref<80xi32, #tpu.memory_space<hbm>>
    tpu.wait_dma2 semaphore(%arg25 : memref<!tpu.dma_semaphore, #tpu.memory_space<semaphore_mem>>) src(%dma_wait3A_65 : memref<80xi32, #tpu.memory_space<hbm>>) dst(%arg14 : memref<80xi32, #tpu.memory_space<vmem>>)
    %get3A = arith.constant 0 : index
    %get3A_66 = tpu.vector_load %arg14[%get3A] {strides = array<i32>} : memref<80xi32, #tpu.memory_space<vmem>>, vector<16xi32>,
    %get3A_67 = vector.shape_cast %get3A_66 : vector<16xi32> to vector<16xi32>
    %and3A = arith.andi %get3A_67, %broadcast_in_dim3A_5 : vector<16xi32>
    %swap3A_68 = arith.constant 0 : index
    %swap3A_69 = tpu.vector_load %arg8[%swap3A_68] {strides = array<i32>} : memref<80xi32, #tpu.memory_space<vmem>>, vector<16xi32>,
    %swap3A_70 = vector.shape_cast %swap3A_69 : vector<16xi32> to vector<16xi32>
    %swap3A_71 = vector.shape_cast %and3A : vector<16xi32> to vector<16xi32>
    tpu.vector_store %arg8[%swap3A_68], %swap3A_71 {strides = array<i32>} : memref<80xi32, #tpu.memory_space<vmem>>, vector<16xi32>,
    %shift_right_logical3A = arith.shrui %get3A_67, %broadcast_in_dim3A_7 : vector<16xi32>
    %swap3A_72 = arith.constant 0 : index
    %swap3A_73 = tpu.vector_load %arg9[%swap3A_72] {strides = array<i32>} : memref<80xi32, #tpu.memory_space<vmem>>, vector<16xi32>,
    %swap3A_74 = vector.shape_cast %swap3A_73 : vector<16xi32> to vector<16xi32>
    %swap3A_75 = vector.shape_cast %shift_right_logical3A : vector<16xi32> to vector<16xi32>
    tpu.vector_store %arg9[%swap3A_72], %swap3A_75 {strides = array<i32>} : memref<80xi32, #tpu.memory_space<vmem>>, vector<16xi32>,
    %get3A_76 = arith.constant 16 : index
    %get3A_77 = tpu.vector_load %arg14[%get3A_76] {strides = array<i32>} : memref<80xi32, #tpu.memory_space<vmem>>, vector<16xi32>,
    %get3A_78 = vector.shape_cast %get3A_77 : vector<16xi32> to vector<16xi32>
    %and3A_79 = arith.andi %get3A_78, %broadcast_in_dim3A_5 : vector<16xi32>
    %swap3A_80 = arith.constant 16 : index
    %swap3A_81 = tpu.vector_load %arg8[%swap3A_80] {strides = array<i32>} : memref<80xi32, #tpu.memory_space<vmem>>, vector<16xi32>,
    %swap3A_82 = vector.shape_cast %swap3A_81 : vector<16xi32> to vector<16xi32>
    %swap3A_83 = vector.shape_cast %and3A_79 : vector<16xi32> to vector<16xi32>
    tpu.vector_store %arg8[%swap3A_80], %swap3A_83 {strides = array<i32>} : memref<80xi32, #tpu.memory_space<vmem>>, vector<16xi32>,
    %shift_right_logical3A_84 = arith.shrui %get3A_78, %broadcast_in_dim3A_7 : vector<16xi32>
    %swap3A_85 = arith.constant 16 : index
    %swap3A_86 = tpu.vector_load %arg9[%swap3A_85] {strides = array<i32>} : memref<80xi32, #tpu.memory_space<vmem>>, vector<16xi32>,
    %swap3A_87 = vector.shape_cast %swap3A_86 : vector<16xi32> to vector<16xi32>
    %swap3A_88 = vector.shape_cast %shift_right_logical3A_84 : vector<16xi32> to vector<16xi32>
    tpu.vector_store %arg9[%swap3A_85], %swap3A_88 {strides = array<i32>} : memref<80xi32, #tpu.memory_space<vmem>>, vector<16xi32>,
    %get3A_89 = arith.constant 32 : index
    %get3A_90 = tpu.vector_load %arg14[%get3A_89] {strides = array<i32>} : memref<80xi32, #tpu.memory_space<vmem>>, vector<16xi32>,
    %get3A_91 = vector.shape_cast %get3A_90 : vector<16xi32> to vector<16xi32>
    %and3A_92 = arith.andi %get3A_91, %broadcast_in_dim3A_5 : vector<16xi32>
    %swap3A_93 = arith.constant 32 : index
    %swap3A_94 = tpu.vector_load %arg8[%swap3A_93] {strides = array<i32>} : memref<80xi32, #tpu.memory_space<vmem>>, vector<16xi32>,
    %swap3A_95 = vector.shape_cast %swap3A_94 : vector<16xi32> to vector<16xi32>
    %swap3A_96 = vector.shape_cast %and3A_92 : vector<16xi32> to vector<16xi32>
    tpu.vector_store %arg8[%swap3A_93], %swap3A_96 {strides = array<i32>} : memref<80xi32, #tpu.memory_space<vmem>>, vector<16xi32>,
    %shift_right_logical3A_97 = arith.shrui %get3A_91, %broadcast_in_dim3A_7 : vector<16xi32>
    %swap3A_98 = arith.constant 32 : index
    %swap3A_99 = tpu.vector_load %arg9[%swap3A_98] {strides = array<i32>} : memref<80xi32, #tpu.memory_space<vmem>>, vector<16xi32>,
    %swap3A_100 = vector.shape_cast %swap3A_99 : vector<16xi32> to vector<16xi32>
    %swap3A_101 = vector.shape_cast %shift_right_logical3A_97 : vector<16xi32> to vector<16xi32>
    tpu.vector_store %arg9[%swap3A_98], %swap3A_101 {strides = array<i32>} : memref<80xi32, #tpu.memory_space<vmem>>, vector<16xi32>,
    %get3A_102 = arith.constant 48 : index
    %get3A_103 = tpu.vector_load %arg14[%get3A_102] {strides = array<i32>} : memref<80xi32, #tpu.memory_space<vmem>>, vector<16xi32>,
    %get3A_104 = vector.shape_cast %get3A_103 : vector<16xi32> to vector<16xi32>
    %and3A_105 = arith.andi %get3A_104, %broadcast_in_dim3A_5 : vector<16xi32>
    %swap3A_106 = arith.constant 48 : index
    %swap3A_107 = tpu.vector_load %arg8[%swap3A_106] {strides = array<i32>} : memref<80xi32, #tpu.memory_space<vmem>>, vector<16xi32>,
    %swap3A_108 = vector.shape_cast %swap3A_107 : vector<16xi32> to vector<16xi32>
    %swap3A_109 = vector.shape_cast %and3A_105 : vector<16xi32> to vector<16xi32>
    tpu.vector_store %arg8[%swap3A_106], %swap3A_109 {strides = array<i32>} : memref<80xi32, #tpu.memory_space<vmem>>, vector<16xi32>,
    %shift_right_logical3A_110 = arith.shrui %get3A_104, %broadcast_in_dim3A_7 : vector<16xi32>
    %swap3A_111 = arith.constant 48 : index
    %swap3A_112 = tpu.vector_load %arg9[%swap3A_111] {strides = array<i32>} : memref<80xi32, #tpu.memory_space<vmem>>, vector<16xi32>,
    %swap3A_113 = vector.shape_cast %swap3A_112 : vector<16xi32> to vector<16xi32>
    %swap3A_114 = vector.shape_cast %shift_right_logical3A_110 : vector<16xi32> to vector<16xi32>
    tpu.vector_store %arg9[%swap3A_111], %swap3A_114 {strides = array<i32>} : memref<80xi32, #tpu.memory_space<vmem>>, vector<16xi32>,
    %get3A_115 = arith.constant 64 : index
    %get3A_116 = tpu.vector_load %arg14[%get3A_115] {strides = array<i32>} : memref<80xi32, #tpu.memory_space<vmem>>, vector<16xi32>,
    %get3A_117 = vector.shape_cast %get3A_116 : vector<16xi32> to vector<16xi32>
    %and3A_118 = arith.andi %get3A_117, %broadcast_in_dim3A_5 : vector<16xi32>
    %swap3A_119 = arith.constant 64 : index
    %swap3A_120 = tpu.vector_load %arg8[%swap3A_119] {strides = array<i32>} : memref<80xi32, #tpu.memory_space<vmem>>, vector<16xi32>,
    %swap3A_121 = vector.shape_cast %swap3A_120 : vector<16xi32> to vector<16xi32>
    %swap3A_122 = vector.shape_cast %and3A_118 : vector<16xi32> to vector<16xi32>
    tpu.vector_store %arg8[%swap3A_119], %swap3A_122 {strides = array<i32>} : memref<80xi32, #tpu.memory_space<vmem>>, vector<16xi32>,
    %shift_right_logical3A_123 = arith.shrui %get3A_117, %broadcast_in_dim3A_7 : vector<16xi32>
    %swap3A_124 = arith.constant 64 : index
    %swap3A_125 = tpu.vector_load %arg9[%swap3A_124] {strides = array<i32>} : memref<80xi32, #tpu.memory_space<vmem>>, vector<16xi32>,
    %swap3A_126 = vector.shape_cast %swap3A_125 : vector<16xi32> to vector<16xi32>
    %swap3A_127 = vector.shape_cast %shift_right_logical3A_123 : vector<16xi32> to vector<16xi32>
    tpu.vector_store %arg9[%swap3A_124], %swap3A_127 {strides = array<i32>} : memref<80xi32, #tpu.memory_space<vmem>>, vector<16xi32>,
    %dma_start3A_128 = arith.constant 0 : i32
    %dma_start3A_129 = arith.constant 0 : i32
    %dma_start3A_130 = tpu.memref_slice %arg2[%dma_start3A_128, %dma_start3A_129] : memref<10000x128xf32, #tpu.memory_space<hbm>> -> memref<10000x128xf32, #tpu.memory_space<hbm>>
    tpu.enqueue_indirect_dma source(%dma_start3A_130 : memref<10000x128xf32, #tpu.memory_space<hbm>>) target(%arg17 : memref<80x128xf32, #tpu.memory_space<vmem>>) offsets(%arg8 : memref<80xi32, #tpu.memory_space<vmem>>) semaphore(%arg22 : memref<!tpu.dma_semaphore, #tpu.memory_space<semaphore_mem>>)
    %add3A_131 = arith.constant 240 : i32
    %add3A_132 = arith.addi %mul3A_2, %add3A_131 : i32
    %dma_start3A_133 = tpu.memref_slice %arg3[%add3A_132] : memref<320000xi32, #tpu.memory_space<hbm>> -> memref<80xi32, #tpu.memory_space<hbm>>
    %dma_start3A_134 = tpu.memref_slice %arg3[%add3A_132] : memref<320000xi32, #tpu.memory_space<hbm>> -> memref<80xi32, #tpu.memory_space<hbm>>
    tpu.enqueue_dma source(%dma_start3A_134 : memref<80xi32, #tpu.memory_space<hbm>>) target(%arg14 : memref<80xi32, #tpu.memory_space<vmem>>) target_semaphore(%arg25 : memref<!tpu.dma_semaphore, #tpu.memory_space<semaphore_mem>>)
    %dma_wait3A_135 = arith.constant 0 : i32
    %dma_wait3A_136 = tpu.memref_slice %arg3[%dma_wait3A_135] : memref<320000xi32, #tpu.memory_space<hbm>> -> memref<80xi32, #tpu.memory_space<hbm>>
    %dma_wait3A_137 = arith.constant 0 : i32
    %dma_wait3A_138 = tpu.memref_slice %arg3[%dma_wait3A_137] : memref<320000xi32, #tpu.memory_space<hbm>> -> memref<80xi32, #tpu.memory_space<hbm>>
    tpu.wait_dma2 semaphore(%arg26 : memref<!tpu.dma_semaphore, #tpu.memory_space<semaphore_mem>>) src(%dma_wait3A_138 : memref<80xi32, #tpu.memory_space<hbm>>) dst(%arg15 : memref<80xi32, #tpu.memory_space<vmem>>)
    %get3A_139 = arith.constant 0 : index
    %get3A_140 = tpu.vector_load %arg15[%get3A_139] {strides = array<i32>} : memref<80xi32, #tpu.memory_space<vmem>>, vector<16xi32>,
    %get3A_141 = vector.shape_cast %get3A_140 : vector<16xi32> to vector<16xi32>
    %and3A_142 = arith.andi %get3A_141, %broadcast_in_dim3A_5 : vector<16xi32>
    %swap3A_143 = arith.constant 0 : index
    %swap3A_144 = tpu.vector_load %arg10[%swap3A_143] {strides = array<i32>} : memref<80xi32, #tpu.memory_space<vmem>>, vector<16xi32>,
    %swap3A_145 = vector.shape_cast %swap3A_144 : vector<16xi32> to vector<16xi32>
    %swap3A_146 = vector.shape_cast %and3A_142 : vector<16xi32> to vector<16xi32>
    tpu.vector_store %arg10[%swap3A_143], %swap3A_146 {strides = array<i32>} : memref<80xi32, #tpu.memory_space<vmem>>, vector<16xi32>,
    %shift_right_logical3A_147 = arith.shrui %get3A_141, %broadcast_in_dim3A_7 : vector<16xi32>
    %swap3A_148 = arith.constant 0 : index
    %swap3A_149 = tpu.vector_load %arg11[%swap3A_148] {strides = array<i32>} : memref<80xi32, #tpu.memory_space<vmem>>, vector<16xi32>,
    %swap3A_150 = vector.shape_cast %swap3A_149 : vector<16xi32> to vector<16xi32>
    %swap3A_151 = vector.shape_cast %shift_right_logical3A_147 : vector<16xi32> to vector<16xi32>
    tpu.vector_store %arg11[%swap3A_148], %swap3A_151 {strides = array<i32>} : memref<80xi32, #tpu.memory_space<vmem>>, vector<16xi32>,
    %get3A_152 = arith.constant 16 : index
    %get3A_153 = tpu.vector_load %arg15[%get3A_152] {strides = array<i32>} : memref<80xi32, #tpu.memory_space<vmem>>, vector<16xi32>,
    %get3A_154 = vector.shape_cast %get3A_153 : vector<16xi32> to vector<16xi32>
    %and3A_155 = arith.andi %get3A_154, %broadcast_in_dim3A_5 : vector<16xi32>
    %swap3A_156 = arith.constant 16 : index
    %swap3A_157 = tpu.vector_load %arg10[%swap3A_156] {strides = array<i32>} : memref<80xi32, #tpu.memory_space<vmem>>, vector<16xi32>,
    %swap3A_158 = vector.shape_cast %swap3A_157 : vector<16xi32> to vector<16xi32>
    %swap3A_159 = vector.shape_cast %and3A_155 : vector<16xi32> to vector<16xi32>
    tpu.vector_store %arg10[%swap3A_156], %swap3A_159 {strides = array<i32>} : memref<80xi32, #tpu.memory_space<vmem>>, vector<16xi32>,
    %shift_right_logical3A_160 = arith.shrui %get3A_154, %broadcast_in_dim3A_7 : vector<16xi32>
    %swap3A_161 = arith.constant 16 : index
    %swap3A_162 = tpu.vector_load %arg11[%swap3A_161] {strides = array<i32>} : memref<80xi32, #tpu.memory_space<vmem>>, vector<16xi32>,
    %swap3A_163 = vector.shape_cast %swap3A_162 : vector<16xi32> to vector<16xi32>
    %swap3A_164 = vector.shape_cast %shift_right_logical3A_160 : vector<16xi32> to vector<16xi32>
    tpu.vector_store %arg11[%swap3A_161], %swap3A_164 {strides = array<i32>} : memref<80xi32, #tpu.memory_space<vmem>>, vector<16xi32>,
    %get3A_165 = arith.constant 32 : index
    %get3A_166 = tpu.vector_load %arg15[%get3A_165] {strides = array<i32>} : memref<80xi32, #tpu.memory_space<vmem>>, vector<16xi32>,
    %get3A_167 = vector.shape_cast %get3A_166 : vector<16xi32> to vector<16xi32>
    %and3A_168 = arith.andi %get3A_167, %broadcast_in_dim3A_5 : vector<16xi32>
    %swap3A_169 = arith.constant 32 : index
    %swap3A_170 = tpu.vector_load %arg10[%swap3A_169] {strides = array<i32>} : memref<80xi32, #tpu.memory_space<vmem>>, vector<16xi32>,
    %swap3A_171 = vector.shape_cast %swap3A_170 : vector<16xi32> to vector<16xi32>
    %swap3A_172 = vector.shape_cast %and3A_168 : vector<16xi32> to vector<16xi32>
    tpu.vector_store %arg10[%swap3A_169], %swap3A_172 {strides = array<i32>} : memref<80xi32, #tpu.memory_space<vmem>>, vector<16xi32>,
    %shift_right_logical3A_173 = arith.shrui %get3A_167, %broadcast_in_dim3A_7 : vector<16xi32>
    %swap3A_174 = arith.constant 32 : index
    %swap3A_175 = tpu.vector_load %arg11[%swap3A_174] {strides = array<i32>} : memref<80xi32, #tpu.memory_space<vmem>>, vector<16xi32>,
    %swap3A_176 = vector.shape_cast %swap3A_175 : vector<16xi32> to vector<16xi32>
    %swap3A_177 = vector.shape_cast %shift_right_logical3A_173 : vector<16xi32> to vector<16xi32>
    tpu.vector_store %arg11[%swap3A_174], %swap3A_177 {strides = array<i32>} : memref<80xi32, #tpu.memory_space<vmem>>, vector<16xi32>,
    %get3A_178 = arith.constant 48 : index
    %get3A_179 = tpu.vector_load %arg15[%get3A_178] {strides = array<i32>} : memref<80xi32, #tpu.memory_space<vmem>>, vector<16xi32>,
    %get3A_180 = vector.shape_cast %get3A_179 : vector<16xi32> to vector<16xi32>
    %and3A_181 = arith.andi %get3A_180, %broadcast_in_dim3A_5 : vector<16xi32>
    %swap3A_182 = arith.constant 48 : index
    %swap3A_183 = tpu.vector_load %arg10[%swap3A_182] {strides = array<i32>} : memref<80xi32, #tpu.memory_space<vmem>>, vector<16xi32>,
    %swap3A_184 = vector.shape_cast %swap3A_183 : vector<16xi32> to vector<16xi32>
    %swap3A_185 = vector.shape_cast %and3A_181 : vector<16xi32> to vector<16xi32>
    tpu.vector_store %arg10[%swap3A_182], %swap3A_185 {strides = array<i32>} : memref<80xi32, #tpu.memory_space<vmem>>, vector<16xi32>,
    %shift_right_logical3A_186 = arith.shrui %get3A_180, %broadcast_in_dim3A_7 : vector<16xi32>
    %swap3A_187 = arith.constant 48 : index
    %swap3A_188 = tpu.vector_load %arg11[%swap3A_187] {strides = array<i32>} : memref<80xi32, #tpu.memory_space<vmem>>, vector<16xi32>,
    %swap3A_189 = vector.shape_cast %swap3A_188 : vector<16xi32> to vector<16xi32>
    %swap3A_190 = vector.shape_cast %shift_right_logical3A_186 : vector<16xi32> to vector<16xi32>
    tpu.vector_store %arg11[%swap3A_187], %swap3A_190 {strides = array<i32>} : memref<80xi32, #tpu.memory_space<vmem>>, vector<16xi32>,
    %get3A_191 = arith.constant 64 : index
    %get3A_192 = tpu.vector_load %arg15[%get3A_191] {strides = array<i32>} : memref<80xi32, #tpu.memory_space<vmem>>, vector<16xi32>,
    %get3A_193 = vector.shape_cast %get3A_192 : vector<16xi32> to vector<16xi32>
    %and3A_194 = arith.andi %get3A_193, %broadcast_in_dim3A_5 : vector<16xi32>
    %swap3A_195 = arith.constant 64 : index
    %swap3A_196 = tpu.vector_load %arg10[%swap3A_195] {strides = array<i32>} : memref<80xi32, #tpu.memory_space<vmem>>, vector<16xi32>,
    %swap3A_197 = vector.shape_cast %swap3A_196 : vector<16xi32> to vector<16xi32>
    %swap3A_198 = vector.shape_cast %and3A_194 : vector<16xi32> to vector<16xi32>
    tpu.vector_store %arg10[%swap3A_195], %swap3A_198 {strides = array<i32>} : memref<80xi32, #tpu.memory_space<vmem>>, vector<16xi32>,
    %shift_right_logical3A_199 = arith.shrui %get3A_193, %broadcast_in_dim3A_7 : vector<16xi32>
    %swap3A_200 = arith.constant 64 : index
    %swap3A_201 = tpu.vector_load %arg11[%swap3A_200] {strides = array<i32>} : memref<80xi32, #tpu.memory_space<vmem>>, vector<16xi32>,
    %swap3A_202 = vector.shape_cast %swap3A_201 : vector<16xi32> to vector<16xi32>
    %swap3A_203 = vector.shape_cast %shift_right_logical3A_199 : vector<16xi32> to vector<16xi32>
    tpu.vector_store %arg11[%swap3A_200], %swap3A_203 {strides = array<i32>} : memref<80xi32, #tpu.memory_space<vmem>>, vector<16xi32>,
    %dma_start3A_204 = arith.constant 0 : i32
    %dma_start3A_205 = arith.constant 0 : i32
    %dma_start3A_206 = tpu.memref_slice %arg2[%dma_start3A_204, %dma_start3A_205] : memref<10000x128xf32, #tpu.memory_space<hbm>> -> memref<10000x128xf32, #tpu.memory_space<hbm>>
    tpu.enqueue_indirect_dma source(%dma_start3A_206 : memref<10000x128xf32, #tpu.memory_space<hbm>>) target(%arg18 : memref<80x128xf32, #tpu.memory_space<vmem>>) offsets(%arg10 : memref<80xi32, #tpu.memory_space<vmem>>) semaphore(%arg23 : memref<!tpu.dma_semaphore, #tpu.memory_space<semaphore_mem>>)
    %add3A_207 = arith.constant 320 : i32
    %add3A_208 = arith.addi %mul3A_2, %add3A_207 : i32
    %dma_start3A_209 = tpu.memref_slice %arg3[%add3A_208] : memref<320000xi32, #tpu.memory_space<hbm>> -> memref<80xi32, #tpu.memory_space<hbm>>
    %dma_start3A_210 = tpu.memref_slice %arg3[%add3A_208] : memref<320000xi32, #tpu.memory_space<hbm>> -> memref<80xi32, #tpu.memory_space<hbm>>
    tpu.enqueue_dma source(%dma_start3A_210 : memref<80xi32, #tpu.memory_space<hbm>>) target(%arg15 : memref<80xi32, #tpu.memory_space<vmem>>) target_semaphore(%arg26 : memref<!tpu.dma_semaphore, #tpu.memory_space<semaphore_mem>>)
    %dma_wait3A_211 = arith.constant 0 : i32
    %dma_wait3A_212 = tpu.memref_slice %arg3[%dma_wait3A_211] : memref<320000xi32, #tpu.memory_space<hbm>> -> memref<80xi32, #tpu.memory_space<hbm>>
    %dma_wait3A_213 = arith.constant 0 : i32
    %dma_wait3A_214 = tpu.memref_slice %arg3[%dma_wait3A_213] : memref<320000xi32, #tpu.memory_space<hbm>> -> memref<80xi32, #tpu.memory_space<hbm>>
    tpu.wait_dma2 semaphore(%arg27 : memref<!tpu.dma_semaphore, #tpu.memory_space<semaphore_mem>>) src(%dma_wait3A_214 : memref<80xi32, #tpu.memory_space<hbm>>) dst(%arg16 : memref<80xi32, #tpu.memory_space<vmem>>)
    %get3A_215 = arith.constant 0 : index
    %get3A_216 = tpu.vector_load %arg16[%get3A_215] {strides = array<i32>} : memref<80xi32, #tpu.memory_space<vmem>>, vector<16xi32>,
    %get3A_217 = vector.shape_cast %get3A_216 : vector<16xi32> to vector<16xi32>
    %and3A_218 = arith.andi %get3A_217, %broadcast_in_dim3A_5 : vector<16xi32>
    %swap3A_219 = arith.constant 0 : index
    %swap3A_220 = tpu.vector_load %arg12[%swap3A_219] {strides = array<i32>} : memref<80xi32, #tpu.memory_space<vmem>>, vector<16xi32>,
    %swap3A_221 = vector.shape_cast %swap3A_220 : vector<16xi32> to vector<16xi32>
    %swap3A_222 = vector.shape_cast %and3A_218 : vector<16xi32> to vector<16xi32>
    tpu.vector_store %arg12[%swap3A_219], %swap3A_222 {strides = array<i32>} : memref<80xi32, #tpu.memory_space<vmem>>, vector<16xi32>,
    %shift_right_logical3A_223 = arith.shrui %get3A_217, %broadcast_in_dim3A_7 : vector<16xi32>
    %swap3A_224 = arith.constant 0 : index
    %swap3A_225 = tpu.vector_load %arg13[%swap3A_224] {strides = array<i32>} : memref<80xi32, #tpu.memory_space<vmem>>, vector<16xi32>,
    %swap3A_226 = vector.shape_cast %swap3A_225 : vector<16xi32> to vector<16xi32>
    %swap3A_227 = vector.shape_cast %shift_right_logical3A_223 : vector<16xi32> to vector<16xi32>
    tpu.vector_store %arg13[%swap3A_224], %swap3A_227 {strides = array<i32>} : memref<80xi32, #tpu.memory_space<vmem>>, vector<16xi32>,
    %get3A_228 = arith.constant 16 : index
    %get3A_229 = tpu.vector_load %arg16[%get3A_228] {strides = array<i32>} : memref<80xi32, #tpu.memory_space<vmem>>, vector<16xi32>,
    %get3A_230 = vector.shape_cast %get3A_229 : vector<16xi32> to vector<16xi32>
    %and3A_231 = arith.andi %get3A_230, %broadcast_in_dim3A_5 : vector<16xi32>
    %swap3A_232 = arith.constant 16 : index
    %swap3A_233 = tpu.vector_load %arg12[%swap3A_232] {strides = array<i32>} : memref<80xi32, #tpu.memory_space<vmem>>, vector<16xi32>,
    %swap3A_234 = vector.shape_cast %swap3A_233 : vector<16xi32> to vector<16xi32>
    %swap3A_235 = vector.shape_cast %and3A_231 : vector<16xi32> to vector<16xi32>
    tpu.vector_store %arg12[%swap3A_232], %swap3A_235 {strides = array<i32>} : memref<80xi32, #tpu.memory_space<vmem>>, vector<16xi32>,
    %shift_right_logical3A_236 = arith.shrui %get3A_230, %broadcast_in_dim3A_7 : vector<16xi32>
    %swap3A_237 = arith.constant 16 : index
    %swap3A_238 = tpu.vector_load %arg13[%swap3A_237] {strides = array<i32>} : memref<80xi32, #tpu.memory_space<vmem>>, vector<16xi32>,
    %swap3A_239 = vector.shape_cast %swap3A_238 : vector<16xi32> to vector<16xi32>
    %swap3A_240 = vector.shape_cast %shift_right_logical3A_236 : vector<16xi32> to vector<16xi32>
    tpu.vector_store %arg13[%swap3A_237], %swap3A_240 {strides = array<i32>} : memref<80xi32, #tpu.memory_space<vmem>>, vector<16xi32>,
    %get3A_241 = arith.constant 32 : index
    %get3A_242 = tpu.vector_load %arg16[%get3A_241] {strides = array<i32>} : memref<80xi32, #tpu.memory_space<vmem>>, vector<16xi32>,
    %get3A_243 = vector.shape_cast %get3A_242 : vector<16xi32> to vector<16xi32>
    %and3A_244 = arith.andi %get3A_243, %broadcast_in_dim3A_5 : vector<16xi32>
    %swap3A_245 = arith.constant 32 : index
    %swap3A_246 = tpu.vector_load %arg12[%swap3A_245] {strides = array<i32>} : memref<80xi32, #tpu.memory_space<vmem>>, vector<16xi32>,
    %swap3A_247 = vector.shape_cast %swap3A_246 : vector<16xi32> to vector<16xi32>
    %swap3A_248 = vector.shape_cast %and3A_244 : vector<16xi32> to vector<16xi32>
    tpu.vector_store %arg12[%swap3A_245], %swap3A_248 {strides = array<i32>} : memref<80xi32, #tpu.memory_space<vmem>>, vector<16xi32>,
    %shift_right_logical3A_249 = arith.shrui %get3A_243, %broadcast_in_dim3A_7 : vector<16xi32>
    %swap3A_250 = arith.constant 32 : index
    %swap3A_251 = tpu.vector_load %arg13[%swap3A_250] {strides = array<i32>} : memref<80xi32, #tpu.memory_space<vmem>>, vector<16xi32>,
    %swap3A_252 = vector.shape_cast %swap3A_251 : vector<16xi32> to vector<16xi32>
    %swap3A_253 = vector.shape_cast %shift_right_logical3A_249 : vector<16xi32> to vector<16xi32>
    tpu.vector_store %arg13[%swap3A_250], %swap3A_253 {strides = array<i32>} : memref<80xi32, #tpu.memory_space<vmem>>, vector<16xi32>,
    %get3A_254 = arith.constant 48 : index
    %get3A_255 = tpu.vector_load %arg16[%get3A_254] {strides = array<i32>} : memref<80xi32, #tpu.memory_space<vmem>>, vector<16xi32>,
    %get3A_256 = vector.shape_cast %get3A_255 : vector<16xi32> to vector<16xi32>
    %and3A_257 = arith.andi %get3A_256, %broadcast_in_dim3A_5 : vector<16xi32>
    %swap3A_258 = arith.constant 48 : index
    %swap3A_259 = tpu.vector_load %arg12[%swap3A_258] {strides = array<i32>} : memref<80xi32, #tpu.memory_space<vmem>>, vector<16xi32>,
    %swap3A_260 = vector.shape_cast %swap3A_259 : vector<16xi32> to vector<16xi32>
    %swap3A_261 = vector.shape_cast %and3A_257 : vector<16xi32> to vector<16xi32>
    tpu.vector_store %arg12[%swap3A_258], %swap3A_261 {strides = array<i32>} : memref<80xi32, #tpu.memory_space<vmem>>, vector<16xi32>,
    %shift_right_logical3A_262 = arith.shrui %get3A_256, %broadcast_in_dim3A_7 : vector<16xi32>
    %swap3A_263 = arith.constant 48 : index
    %swap3A_264 = tpu.vector_load %arg13[%swap3A_263] {strides = array<i32>} : memref<80xi32, #tpu.memory_space<vmem>>, vector<16xi32>,
    %swap3A_265 = vector.shape_cast %swap3A_264 : vector<16xi32> to vector<16xi32>
    %swap3A_266 = vector.shape_cast %shift_right_logical3A_262 : vector<16xi32> to vector<16xi32>
    tpu.vector_store %arg13[%swap3A_263], %swap3A_266 {strides = array<i32>} : memref<80xi32, #tpu.memory_space<vmem>>, vector<16xi32>,
    %get3A_267 = arith.constant 64 : index
    %get3A_268 = tpu.vector_load %arg16[%get3A_267] {strides = array<i32>} : memref<80xi32, #tpu.memory_space<vmem>>, vector<16xi32>,
    %get3A_269 = vector.shape_cast %get3A_268 : vector<16xi32> to vector<16xi32>
    %and3A_270 = arith.andi %get3A_269, %broadcast_in_dim3A_5 : vector<16xi32>
    %swap3A_271 = arith.constant 64 : index
    %swap3A_272 = tpu.vector_load %arg12[%swap3A_271] {strides = array<i32>} : memref<80xi32, #tpu.memory_space<vmem>>, vector<16xi32>,
    %swap3A_273 = vector.shape_cast %swap3A_272 : vector<16xi32> to vector<16xi32>
    %swap3A_274 = vector.shape_cast %and3A_270 : vector<16xi32> to vector<16xi32>
    tpu.vector_store %arg12[%swap3A_271], %swap3A_274 {strides = array<i32>} : memref<80xi32, #tpu.memory_space<vmem>>, vector<16xi32>,
    %shift_right_logical3A_275 = arith.shrui %get3A_269, %broadcast_in_dim3A_7 : vector<16xi32>
    %swap3A_276 = arith.constant 64 : index
    %swap3A_277 = tpu.vector_load %arg13[%swap3A_276] {strides = array<i32>} : memref<80xi32, #tpu.memory_space<vmem>>, vector<16xi32>,
    %swap3A_278 = vector.shape_cast %swap3A_277 : vector<16xi32> to vector<16xi32>
    %swap3A_279 = vector.shape_cast %shift_right_logical3A_275 : vector<16xi32> to vector<16xi32>
    tpu.vector_store %arg13[%swap3A_276], %swap3A_279 {strides = array<i32>} : memref<80xi32, #tpu.memory_space<vmem>>, vector<16xi32>,
    %dma_start3A_280 = arith.constant 0 : i32
    %dma_start3A_281 = arith.constant 0 : i32
    %dma_start3A_282 = tpu.memref_slice %arg2[%dma_start3A_280, %dma_start3A_281] : memref<10000x128xf32, #tpu.memory_space<hbm>> -> memref<10000x128xf32, #tpu.memory_space<hbm>>
    tpu.enqueue_indirect_dma source(%dma_start3A_282 : memref<10000x128xf32, #tpu.memory_space<hbm>>) target(%arg19 : memref<80x128xf32, #tpu.memory_space<vmem>>) offsets(%arg12 : memref<80xi32, #tpu.memory_space<vmem>>) semaphore(%arg24 : memref<!tpu.dma_semaphore, #tpu.memory_space<semaphore_mem>>)
    %add3A_283 = arith.constant 400 : i32
    %add3A_284 = arith.addi %mul3A_2, %add3A_283 : i32
    %dma_start3A_285 = tpu.memref_slice %arg3[%add3A_284] : memref<320000xi32, #tpu.memory_space<hbm>> -> memref<80xi32, #tpu.memory_space<hbm>>
    %dma_start3A_286 = tpu.memref_slice %arg3[%add3A_284] : memref<320000xi32, #tpu.memory_space<hbm>> -> memref<80xi32, #tpu.memory_space<hbm>>
    tpu.enqueue_dma source(%dma_start3A_286 : memref<80xi32, #tpu.memory_space<hbm>>) target(%arg16 : memref<80xi32, #tpu.memory_space<vmem>>) target_semaphore(%arg27 : memref<!tpu.dma_semaphore, #tpu.memory_space<semaphore_mem>>)
    %dma_wait3A_287 = arith.constant 0 : i32
    %dma_wait3A_288 = arith.constant 0 : i32
    %dma_wait3A_289 = tpu.memref_slice %arg2[%dma_wait3A_287, %dma_wait3A_288] : memref<10000x128xf32, #tpu.memory_space<hbm>> -> memref<10000x128xf32, #tpu.memory_space<hbm>>
    tpu.wait_indirect_dma semaphore(%arg22 : memref<!tpu.dma_semaphore, #tpu.memory_space<semaphore_mem>>) src(%dma_wait3A_289 : memref<10000x128xf32, #tpu.memory_space<hbm>>) dst(%arg17 : memref<80x128xf32, #tpu.memory_space<vmem>>)
    "tpu.region"() ({
      %run_scoped3A = tpu.sem_alloc : memref<!tpu.dma_semaphore, #tpu.memory_space<semaphore_mem>>
      %dma_start3A_699 = arith.constant 0 : i32
      %dma_start3A_700 = arith.constant 0 : i32
      %dma_start3A_701 = tpu.memref_slice %arg6[%dma_start3A_699, %dma_start3A_700] : memref<10240x128xf32, #tpu.memory_space<vmem_shared>> -> memref<10240x128xf32, #tpu.memory_space<vmem_shared>>
      tpu.enqueue_indirect_dma source(%arg17 : memref<80x128xf32, #tpu.memory_space<vmem>>) target(%dma_start3A_701 : memref<10240x128xf32, #tpu.memory_space<vmem_shared>>) offsets(%arg9 : memref<80xi32, #tpu.memory_space<vmem>>) semaphore(%run_scoped3A : memref<!tpu.dma_semaphore, #tpu.memory_space<semaphore_mem>>) {add = true}
      %dma_wait3A_702 = arith.constant 0 : i32
      %dma_wait3A_703 = arith.constant 0 : i32
      %dma_wait3A_704 = tpu.memref_slice %arg6[%dma_wait3A_702, %dma_wait3A_703] : memref<10240x128xf32, #tpu.memory_space<vmem_shared>> -> memref<10240x128xf32, #tpu.memory_space<vmem_shared>>
      tpu.wait_indirect_dma semaphore(%run_scoped3A : memref<!tpu.dma_semaphore, #tpu.memory_space<semaphore_mem>>) src(%arg17 : memref<80x128xf32, #tpu.memory_space<vmem>>) dst(%dma_wait3A_704 : memref<10240x128xf32, #tpu.memory_space<vmem_shared>>)
      tpu.yield
    }) : () -> ()
    "tpu.region"() ({
      %run_scoped3A = tpu.sem_alloc : memref<!tpu.dma_semaphore, #tpu.memory_space<semaphore_mem>>
      %dma_start3A_699 = arith.constant 0 : i32
      %dma_start3A_700 = tpu.memref_slice %arg7[%dma_start3A_699] : memref<10240xf32, #tpu.memory_space<vmem_shared>> -> memref<10240xf32, #tpu.memory_space<vmem_shared>>
      tpu.enqueue_indirect_dma source(%arg20 : memref<80xf32, #tpu.memory_space<vmem>>) target(%dma_start3A_700 : memref<10240xf32, #tpu.memory_space<vmem_shared>>) offsets(%arg9 : memref<80xi32, #tpu.memory_space<vmem>>) semaphore(%run_scoped3A : memref<!tpu.dma_semaphore, #tpu.memory_space<semaphore_mem>>) {add = true}
      %dma_wait3A_701 = arith.constant 0 : i32
      %dma_wait3A_702 = tpu.memref_slice %arg7[%dma_wait3A_701] : memref<10240xf32, #tpu.memory_space<vmem_shared>> -> memref<10240xf32, #tpu.memory_space<vmem_shared>>
      tpu.wait_indirect_dma semaphore(%run_scoped3A : memref<!tpu.dma_semaphore, #tpu.memory_space<semaphore_mem>>) src(%arg20 : memref<80xf32, #tpu.memory_space<vmem>>) dst(%dma_wait3A_702 : memref<10240xf32, #tpu.memory_space<vmem_shared>>)
      tpu.yield
    }) : () -> ()
    %dma_wait3A_290 = arith.constant 0 : i32
    %dma_wait3A_291 = tpu.memref_slice %arg3[%dma_wait3A_290] : memref<320000xi32, #tpu.memory_space<hbm>> -> memref<80xi32, #tpu.memory_space<hbm>>
    %dma_wait3A_292 = arith.constant 0 : i32
    %dma_wait3A_293 = tpu.memref_slice %arg3[%dma_wait3A_292] : memref<320000xi32, #tpu.memory_space<hbm>> -> memref<80xi32, #tpu.memory_space<hbm>>
    tpu.wait_dma2 semaphore(%arg25 : memref<!tpu.dma_semaphore, #tpu.memory_space<semaphore_mem>>) src(%dma_wait3A_293 : memref<80xi32, #tpu.memory_space<hbm>>) dst(%arg14 : memref<80xi32, #tpu.memory_space<vmem>>)
    %get3A_294 = arith.constant 0 : index
    %get3A_295 = tpu.vector_load %arg14[%get3A_294] {strides = array<i32>} : memref<80xi32, #tpu.memory_space<vmem>>, vector<16xi32>,
    %get3A_296 = vector.shape_cast %get3A_295 : vector<16xi32> to vector<16xi32>
    %and3A_297 = arith.andi %get3A_296, %broadcast_in_dim3A_5 : vector<16xi32>
    %swap3A_298 = arith.constant 0 : index
    %swap3A_299 = tpu.vector_load %arg8[%swap3A_298] {strides = array<i32>} : memref<80xi32, #tpu.memory_space<vmem>>, vector<16xi32>,
    %swap3A_300 = vector.shape_cast %swap3A_299 : vector<16xi32> to vector<16xi32>
    %swap3A_301 = vector.shape_cast %and3A_297 : vector<16xi32> to vector<16xi32>
    tpu.vector_store %arg8[%swap3A_298], %swap3A_301 {strides = array<i32>} : memref<80xi32, #tpu.memory_space<vmem>>, vector<16xi32>,
    %shift_right_logical3A_302 = arith.shrui %get3A_296, %broadcast_in_dim3A_7 : vector<16xi32>
    %swap3A_303 = arith.constant 0 : index
    %swap3A_304 = tpu.vector_load %arg9[%swap3A_303] {strides = array<i32>} : memref<80xi32, #tpu.memory_space<vmem>>, vector<16xi32>,
    %swap3A_305 = vector.shape_cast %swap3A_304 : vector<16xi32> to vector<16xi32>
    %swap3A_306 = vector.shape_cast %shift_right_logical3A_302 : vector<16xi32> to vector<16xi32>
    tpu.vector_store %arg9[%swap3A_303], %swap3A_306 {strides = array<i32>} : memref<80xi32, #tpu.memory_space<vmem>>, vector<16xi32>,
    %get3A_307 = arith.constant 16 : index
    %get3A_308 = tpu.vector_load %arg14[%get3A_307] {strides = array<i32>} : memref<80xi32, #tpu.memory_space<vmem>>, vector<16xi32>,
    %get3A_309 = vector.shape_cast %get3A_308 : vector<16xi32> to vector<16xi32>
    %and3A_310 = arith.andi %get3A_309, %broadcast_in_dim3A_5 : vector<16xi32>
    %swap3A_311 = arith.constant 16 : index
    %swap3A_312 = tpu.vector_load %arg8[%swap3A_311] {strides = array<i32>} : memref<80xi32, #tpu.memory_space<vmem>>, vector<16xi32>,
    %swap3A_313 = vector.shape_cast %swap3A_312 : vector<16xi32> to vector<16xi32>
    %swap3A_314 = vector.shape_cast %and3A_310 : vector<16xi32> to vector<16xi32>
    tpu.vector_store %arg8[%swap3A_311], %swap3A_314 {strides = array<i32>} : memref<80xi32, #tpu.memory_space<vmem>>, vector<16xi32>,
    %shift_right_logical3A_315 = arith.shrui %get3A_309, %broadcast_in_dim3A_7 : vector<16xi32>
    %swap3A_316 = arith.constant 16 : index
    %swap3A_317 = tpu.vector_load %arg9[%swap3A_316] {strides = array<i32>} : memref<80xi32, #tpu.memory_space<vmem>>, vector<16xi32>,
    %swap3A_318 = vector.shape_cast %swap3A_317 : vector<16xi32> to vector<16xi32>
    %swap3A_319 = vector.shape_cast %shift_right_logical3A_315 : vector<16xi32> to vector<16xi32>
    tpu.vector_store %arg9[%swap3A_316], %swap3A_319 {strides = array<i32>} : memref<80xi32, #tpu.memory_space<vmem>>, vector<16xi32>,
    %get3A_320 = arith.constant 32 : index
    %get3A_321 = tpu.vector_load %arg14[%get3A_320] {strides = array<i32>} : memref<80xi32, #tpu.memory_space<vmem>>, vector<16xi32>,
    %get3A_322 = vector.shape_cast %get3A_321 : vector<16xi32> to vector<16xi32>
    %and3A_323 = arith.andi %get3A_322, %broadcast_in_dim3A_5 : vector<16xi32>
    %swap3A_324 = arith.constant 32 : index
    %swap3A_325 = tpu.vector_load %arg8[%swap3A_324] {strides = array<i32>} : memref<80xi32, #tpu.memory_space<vmem>>, vector<16xi32>,
    %swap3A_326 = vector.shape_cast %swap3A_325 : vector<16xi32> to vector<16xi32>
    %swap3A_327 = vector.shape_cast %and3A_323 : vector<16xi32> to vector<16xi32>
    tpu.vector_store %arg8[%swap3A_324], %swap3A_327 {strides = array<i32>} : memref<80xi32, #tpu.memory_space<vmem>>, vector<16xi32>,
    %shift_right_logical3A_328 = arith.shrui %get3A_322, %broadcast_in_dim3A_7 : vector<16xi32>
    %swap3A_329 = arith.constant 32 : index
    %swap3A_330 = tpu.vector_load %arg9[%swap3A_329] {strides = array<i32>} : memref<80xi32, #tpu.memory_space<vmem>>, vector<16xi32>,
    %swap3A_331 = vector.shape_cast %swap3A_330 : vector<16xi32> to vector<16xi32>
    %swap3A_332 = vector.shape_cast %shift_right_logical3A_328 : vector<16xi32> to vector<16xi32>
    tpu.vector_store %arg9[%swap3A_329], %swap3A_332 {strides = array<i32>} : memref<80xi32, #tpu.memory_space<vmem>>, vector<16xi32>,
    %get3A_333 = arith.constant 48 : index
    %get3A_334 = tpu.vector_load %arg14[%get3A_333] {strides = array<i32>} : memref<80xi32, #tpu.memory_space<vmem>>, vector<16xi32>,
    %get3A_335 = vector.shape_cast %get3A_334 : vector<16xi32> to vector<16xi32>
    %and3A_336 = arith.andi %get3A_335, %broadcast_in_dim3A_5 : vector<16xi32>
    %swap3A_337 = arith.constant 48 : index
    %swap3A_338 = tpu.vector_load %arg8[%swap3A_337] {strides = array<i32>} : memref<80xi32, #tpu.memory_space<vmem>>, vector<16xi32>,
    %swap3A_339 = vector.shape_cast %swap3A_338 : vector<16xi32> to vector<16xi32>
    %swap3A_340 = vector.shape_cast %and3A_336 : vector<16xi32> to vector<16xi32>
    tpu.vector_store %arg8[%swap3A_337], %swap3A_340 {strides = array<i32>} : memref<80xi32, #tpu.memory_space<vmem>>, vector<16xi32>,
    %shift_right_logical3A_341 = arith.shrui %get3A_335, %broadcast_in_dim3A_7 : vector<16xi32>
    %swap3A_342 = arith.constant 48 : index
    %swap3A_343 = tpu.vector_load %arg9[%swap3A_342] {strides = array<i32>} : memref<80xi32, #tpu.memory_space<vmem>>, vector<16xi32>,
    %swap3A_344 = vector.shape_cast %swap3A_343 : vector<16xi32> to vector<16xi32>
    %swap3A_345 = vector.shape_cast %shift_right_logical3A_341 : vector<16xi32> to vector<16xi32>
    tpu.vector_store %arg9[%swap3A_342], %swap3A_345 {strides = array<i32>} : memref<80xi32, #tpu.memory_space<vmem>>, vector<16xi32>,
    %get3A_346 = arith.constant 64 : index
    %get3A_347 = tpu.vector_load %arg14[%get3A_346] {strides = array<i32>} : memref<80xi32, #tpu.memory_space<vmem>>, vector<16xi32>,
    %get3A_348 = vector.shape_cast %get3A_347 : vector<16xi32> to vector<16xi32>
    %and3A_349 = arith.andi %get3A_348, %broadcast_in_dim3A_5 : vector<16xi32>
    %swap3A_350 = arith.constant 64 : index
    %swap3A_351 = tpu.vector_load %arg8[%swap3A_350] {strides = array<i32>} : memref<80xi32, #tpu.memory_space<vmem>>, vector<16xi32>,
    %swap3A_352 = vector.shape_cast %swap3A_351 : vector<16xi32> to vector<16xi32>
    %swap3A_353 = vector.shape_cast %and3A_349 : vector<16xi32> to vector<16xi32>
    tpu.vector_store %arg8[%swap3A_350], %swap3A_353 {strides = array<i32>} : memref<80xi32, #tpu.memory_space<vmem>>, vector<16xi32>,
    %shift_right_logical3A_354 = arith.shrui %get3A_348, %broadcast_in_dim3A_7 : vector<16xi32>
    %swap3A_355 = arith.constant 64 : index
    %swap3A_356 = tpu.vector_load %arg9[%swap3A_355] {strides = array<i32>} : memref<80xi32, #tpu.memory_space<vmem>>, vector<16xi32>,
    %swap3A_357 = vector.shape_cast %swap3A_356 : vector<16xi32> to vector<16xi32>
    %swap3A_358 = vector.shape_cast %shift_right_logical3A_354 : vector<16xi32> to vector<16xi32>
    tpu.vector_store %arg9[%swap3A_355], %swap3A_358 {strides = array<i32>} : memref<80xi32, #tpu.memory_space<vmem>>, vector<16xi32>,
    %dma_start3A_359 = arith.constant 0 : i32
    %dma_start3A_360 = arith.constant 0 : i32
    %dma_start3A_361 = tpu.memref_slice %arg2[%dma_start3A_359, %dma_start3A_360] : memref<10000x128xf32, #tpu.memory_space<hbm>> -> memref<10000x128xf32, #tpu.memory_space<hbm>>
    tpu.enqueue_indirect_dma source(%dma_start3A_361 : memref<10000x128xf32, #tpu.memory_space<hbm>>) target(%arg17 : memref<80x128xf32, #tpu.memory_space<vmem>>) offsets(%arg8 : memref<80xi32, #tpu.memory_space<vmem>>) semaphore(%arg22 : memref<!tpu.dma_semaphore, #tpu.memory_space<semaphore_mem>>)
    %add3A_362 = arith.constant 480 : i32
    %add3A_363 = arith.addi %mul3A_2, %add3A_362 : i32
    %dma_start3A_364 = tpu.memref_slice %arg3[%add3A_363] : memref<320000xi32, #tpu.memory_space<hbm>> -> memref<80xi32, #tpu.memory_space<hbm>>
    %dma_start3A_365 = tpu.memref_slice %arg3[%add3A_363] : memref<320000xi32, #tpu.memory_space<hbm>> -> memref<80xi32, #tpu.memory_space<hbm>>
    tpu.enqueue_dma source(%dma_start3A_365 : memref<80xi32, #tpu.memory_space<hbm>>) target(%arg14 : memref<80xi32, #tpu.memory_space<vmem>>) target_semaphore(%arg25 : memref<!tpu.dma_semaphore, #tpu.memory_space<semaphore_mem>>)
    %dma_wait3A_366 = arith.constant 0 : i32
    %dma_wait3A_367 = arith.constant 0 : i32
    %dma_wait3A_368 = tpu.memref_slice %arg2[%dma_wait3A_366, %dma_wait3A_367] : memref<10000x128xf32, #tpu.memory_space<hbm>> -> memref<10000x128xf32, #tpu.memory_space<hbm>>
    tpu.wait_indirect_dma semaphore(%arg23 : memref<!tpu.dma_semaphore, #tpu.memory_space<semaphore_mem>>) src(%dma_wait3A_368 : memref<10000x128xf32, #tpu.memory_space<hbm>>) dst(%arg18 : memref<80x128xf32, #tpu.memory_space<vmem>>)
    "tpu.region"() ({
      %run_scoped3A = tpu.sem_alloc : memref<!tpu.dma_semaphore, #tpu.memory_space<semaphore_mem>>
      %dma_start3A_699 = arith.constant 0 : i32
      %dma_start3A_700 = arith.constant 0 : i32
      %dma_start3A_701 = tpu.memref_slice %arg6[%dma_start3A_699, %dma_start3A_700] : memref<10240x128xf32, #tpu.memory_space<vmem_shared>> -> memref<10240x128xf32, #tpu.memory_space<vmem_shared>>
      tpu.enqueue_indirect_dma source(%arg18 : memref<80x128xf32, #tpu.memory_space<vmem>>) target(%dma_start3A_701 : memref<10240x128xf32, #tpu.memory_space<vmem_shared>>) offsets(%arg11 : memref<80xi32, #tpu.memory_space<vmem>>) semaphore(%run_scoped3A : memref<!tpu.dma_semaphore, #tpu.memory_space<semaphore_mem>>) {add = true}
      %dma_wait3A_702 = arith.constant 0 : i32
      %dma_wait3A_703 = arith.constant 0 : i32
      %dma_wait3A_704 = tpu.memref_slice %arg6[%dma_wait3A_702, %dma_wait3A_703] : memref<10240x128xf32, #tpu.memory_space<vmem_shared>> -> memref<10240x128xf32, #tpu.memory_space<vmem_shared>>
      tpu.wait_indirect_dma semaphore(%run_scoped3A : memref<!tpu.dma_semaphore, #tpu.memory_space<semaphore_mem>>) src(%arg18 : memref<80x128xf32, #tpu.memory_space<vmem>>) dst(%dma_wait3A_704 : memref<10240x128xf32, #tpu.memory_space<vmem_shared>>)
      tpu.yield
    }) : () -> ()
    "tpu.region"() ({
      %run_scoped3A = tpu.sem_alloc : memref<!tpu.dma_semaphore, #tpu.memory_space<semaphore_mem>>
      %dma_start3A_699 = arith.constant 0 : i32
      %dma_start3A_700 = tpu.memref_slice %arg7[%dma_start3A_699] : memref<10240xf32, #tpu.memory_space<vmem_shared>> -> memref<10240xf32, #tpu.memory_space<vmem_shared>>
      tpu.enqueue_indirect_dma source(%arg20 : memref<80xf32, #tpu.memory_space<vmem>>) target(%dma_start3A_700 : memref<10240xf32, #tpu.memory_space<vmem_shared>>) offsets(%arg11 : memref<80xi32, #tpu.memory_space<vmem>>) semaphore(%run_scoped3A : memref<!tpu.dma_semaphore, #tpu.memory_space<semaphore_mem>>) {add = true}
      %dma_wait3A_701 = arith.constant 0 : i32
      %dma_wait3A_702 = tpu.memref_slice %arg7[%dma_wait3A_701] : memref<10240xf32, #tpu.memory_space<vmem_shared>> -> memref<10240xf32, #tpu.memory_space<vmem_shared>>
      tpu.wait_indirect_dma semaphore(%run_scoped3A : memref<!tpu.dma_semaphore, #tpu.memory_space<semaphore_mem>>) src(%arg20 : memref<80xf32, #tpu.memory_space<vmem>>) dst(%dma_wait3A_702 : memref<10240xf32, #tpu.memory_space<vmem_shared>>)
      tpu.yield
    }) : () -> ()
    %dma_wait3A_369 = arith.constant 0 : i32
    %dma_wait3A_370 = tpu.memref_slice %arg3[%dma_wait3A_369] : memref<320000xi32, #tpu.memory_space<hbm>> -> memref<80xi32, #tpu.memory_space<hbm>>
    %dma_wait3A_371 = arith.constant 0 : i32
    %dma_wait3A_372 = tpu.memref_slice %arg3[%dma_wait3A_371] : memref<320000xi32, #tpu.memory_space<hbm>> -> memref<80xi32, #tpu.memory_space<hbm>>
    tpu.wait_dma2 semaphore(%arg26 : memref<!tpu.dma_semaphore, #tpu.memory_space<semaphore_mem>>) src(%dma_wait3A_372 : memref<80xi32, #tpu.memory_space<hbm>>) dst(%arg15 : memref<80xi32, #tpu.memory_space<vmem>>)
    %get3A_373 = arith.constant 0 : index
    %get3A_374 = tpu.vector_load %arg15[%get3A_373] {strides = array<i32>} : memref<80xi32, #tpu.memory_space<vmem>>, vector<16xi32>,
    %get3A_375 = vector.shape_cast %get3A_374 : vector<16xi32> to vector<16xi32>
    %and3A_376 = arith.andi %get3A_375, %broadcast_in_dim3A_5 : vector<16xi32>
    %swap3A_377 = arith.constant 0 : index
    %swap3A_378 = tpu.vector_load %arg10[%swap3A_377] {strides = array<i32>} : memref<80xi32, #tpu.memory_space<vmem>>, vector<16xi32>,
    %swap3A_379 = vector.shape_cast %swap3A_378 : vector<16xi32> to vector<16xi32>
    %swap3A_380 = vector.shape_cast %and3A_376 : vector<16xi32> to vector<16xi32>
    tpu.vector_store %arg10[%swap3A_377], %swap3A_380 {strides = array<i32>} : memref<80xi32, #tpu.memory_space<vmem>>, vector<16xi32>,
    %shift_right_logical3A_381 = arith.shrui %get3A_375, %broadcast_in_dim3A_7 : vector<16xi32>
    %swap3A_382 = arith.constant 0 : index
    %swap3A_383 = tpu.vector_load %arg11[%swap3A_382] {strides = array<i32>} : memref<80xi32, #tpu.memory_space<vmem>>, vector<16xi32>,
    %swap3A_384 = vector.shape_cast %swap3A_383 : vector<16xi32> to vector<16xi32>
    %swap3A_385 = vector.shape_cast %shift_right_logical3A_381 : vector<16xi32> to vector<16xi32>
    tpu.vector_store %arg11[%swap3A_382], %swap3A_385 {strides = array<i32>} : memref<80xi32, #tpu.memory_space<vmem>>, vector<16xi32>,
    %get3A_386 = arith.constant 16 : index
    %get3A_387 = tpu.vector_load %arg15[%get3A_386] {strides = array<i32>} : memref<80xi32, #tpu.memory_space<vmem>>, vector<16xi32>,
    %get3A_388 = vector.shape_cast %get3A_387 : vector<16xi32> to vector<16xi32>
    %and3A_389 = arith.andi %get3A_388, %broadcast_in_dim3A_5 : vector<16xi32>
    %swap3A_390 = arith.constant 16 : index
    %swap3A_391 = tpu.vector_load %arg10[%swap3A_390] {strides = array<i32>} : memref<80xi32, #tpu.memory_space<vmem>>, vector<16xi32>,
    %swap3A_392 = vector.shape_cast %swap3A_391 : vector<16xi32> to vector<16xi32>
    %swap3A_393 = vector.shape_cast %and3A_389 : vector<16xi32> to vector<16xi32>
    tpu.vector_store %arg10[%swap3A_390], %swap3A_393 {strides = array<i32>} : memref<80xi32, #tpu.memory_space<vmem>>, vector<16xi32>,
    %shift_right_logical3A_394 = arith.shrui %get3A_388, %broadcast_in_dim3A_7 : vector<16xi32>
    %swap3A_395 = arith.constant 16 : index
    %swap3A_396 = tpu.vector_load %arg11[%swap3A_395] {strides = array<i32>} : memref<80xi32, #tpu.memory_space<vmem>>, vector<16xi32>,
    %swap3A_397 = vector.shape_cast %swap3A_396 : vector<16xi32> to vector<16xi32>
    %swap3A_398 = vector.shape_cast %shift_right_logical3A_394 : vector<16xi32> to vector<16xi32>
    tpu.vector_store %arg11[%swap3A_395], %swap3A_398 {strides = array<i32>} : memref<80xi32, #tpu.memory_space<vmem>>, vector<16xi32>,
    %get3A_399 = arith.constant 32 : index
    %get3A_400 = tpu.vector_load %arg15[%get3A_399] {strides = array<i32>} : memref<80xi32, #tpu.memory_space<vmem>>, vector<16xi32>,
    %get3A_401 = vector.shape_cast %get3A_400 : vector<16xi32> to vector<16xi32>
    %and3A_402 = arith.andi %get3A_401, %broadcast_in_dim3A_5 : vector<16xi32>
    %swap3A_403 = arith.constant 32 : index
    %swap3A_404 = tpu.vector_load %arg10[%swap3A_403] {strides = array<i32>} : memref<80xi32, #tpu.memory_space<vmem>>, vector<16xi32>,
    %swap3A_405 = vector.shape_cast %swap3A_404 : vector<16xi32> to vector<16xi32>
    %swap3A_406 = vector.shape_cast %and3A_402 : vector<16xi32> to vector<16xi32>
    tpu.vector_store %arg10[%swap3A_403], %swap3A_406 {strides = array<i32>} : memref<80xi32, #tpu.memory_space<vmem>>, vector<16xi32>,
    %shift_right_logical3A_407 = arith.shrui %get3A_401, %broadcast_in_dim3A_7 : vector<16xi32>
    %swap3A_408 = arith.constant 32 : index
    %swap3A_409 = tpu.vector_load %arg11[%swap3A_408] {strides = array<i32>} : memref<80xi32, #tpu.memory_space<vmem>>, vector<16xi32>,
    %swap3A_410 = vector.shape_cast %swap3A_409 : vector<16xi32> to vector<16xi32>
    %swap3A_411 = vector.shape_cast %shift_right_logical3A_407 : vector<16xi32> to vector<16xi32>
    tpu.vector_store %arg11[%swap3A_408], %swap3A_411 {strides = array<i32>} : memref<80xi32, #tpu.memory_space<vmem>>, vector<16xi32>,
    %get3A_412 = arith.constant 48 : index
    %get3A_413 = tpu.vector_load %arg15[%get3A_412] {strides = array<i32>} : memref<80xi32, #tpu.memory_space<vmem>>, vector<16xi32>,
    %get3A_414 = vector.shape_cast %get3A_413 : vector<16xi32> to vector<16xi32>
    %and3A_415 = arith.andi %get3A_414, %broadcast_in_dim3A_5 : vector<16xi32>
    %swap3A_416 = arith.constant 48 : index
    %swap3A_417 = tpu.vector_load %arg10[%swap3A_416] {strides = array<i32>} : memref<80xi32, #tpu.memory_space<vmem>>, vector<16xi32>,
    %swap3A_418 = vector.shape_cast %swap3A_417 : vector<16xi32> to vector<16xi32>
    %swap3A_419 = vector.shape_cast %and3A_415 : vector<16xi32> to vector<16xi32>
    tpu.vector_store %arg10[%swap3A_416], %swap3A_419 {strides = array<i32>} : memref<80xi32, #tpu.memory_space<vmem>>, vector<16xi32>,
    %shift_right_logical3A_420 = arith.shrui %get3A_414, %broadcast_in_dim3A_7 : vector<16xi32>
    %swap3A_421 = arith.constant 48 : index
    %swap3A_422 = tpu.vector_load %arg11[%swap3A_421] {strides = array<i32>} : memref<80xi32, #tpu.memory_space<vmem>>, vector<16xi32>,
    %swap3A_423 = vector.shape_cast %swap3A_422 : vector<16xi32> to vector<16xi32>
    %swap3A_424 = vector.shape_cast %shift_right_logical3A_420 : vector<16xi32> to vector<16xi32>
    tpu.vector_store %arg11[%swap3A_421], %swap3A_424 {strides = array<i32>} : memref<80xi32, #tpu.memory_space<vmem>>, vector<16xi32>,
    %get3A_425 = arith.constant 64 : index
    %get3A_426 = tpu.vector_load %arg15[%get3A_425] {strides = array<i32>} : memref<80xi32, #tpu.memory_space<vmem>>, vector<16xi32>,
    %get3A_427 = vector.shape_cast %get3A_426 : vector<16xi32> to vector<16xi32>
    %and3A_428 = arith.andi %get3A_427, %broadcast_in_dim3A_5 : vector<16xi32>
    %swap3A_429 = arith.constant 64 : index
    %swap3A_430 = tpu.vector_load %arg10[%swap3A_429] {strides = array<i32>} : memref<80xi32, #tpu.memory_space<vmem>>, vector<16xi32>,
    %swap3A_431 = vector.shape_cast %swap3A_430 : vector<16xi32> to vector<16xi32>
    %swap3A_432 = vector.shape_cast %and3A_428 : vector<16xi32> to vector<16xi32>
    tpu.vector_store %arg10[%swap3A_429], %swap3A_432 {strides = array<i32>} : memref<80xi32, #tpu.memory_space<vmem>>, vector<16xi32>,
    %shift_right_logical3A_433 = arith.shrui %get3A_427, %broadcast_in_dim3A_7 : vector<16xi32>
    %swap3A_434 = arith.constant 64 : index
    %swap3A_435 = tpu.vector_load %arg11[%swap3A_434] {strides = array<i32>} : memref<80xi32, #tpu.memory_space<vmem>>, vector<16xi32>,
    %swap3A_436 = vector.shape_cast %swap3A_435 : vector<16xi32> to vector<16xi32>
    %swap3A_437 = vector.shape_cast %shift_right_logical3A_433 : vector<16xi32> to vector<16xi32>
    tpu.vector_store %arg11[%swap3A_434], %swap3A_437 {strides = array<i32>} : memref<80xi32, #tpu.memory_space<vmem>>, vector<16xi32>,
    %dma_start3A_438 = arith.constant 0 : i32
    %dma_start3A_439 = arith.constant 0 : i32
    %dma_start3A_440 = tpu.memref_slice %arg2[%dma_start3A_438, %dma_start3A_439] : memref<10000x128xf32, #tpu.memory_space<hbm>> -> memref<10000x128xf32, #tpu.memory_space<hbm>>
    tpu.enqueue_indirect_dma source(%dma_start3A_440 : memref<10000x128xf32, #tpu.memory_space<hbm>>) target(%arg18 : memref<80x128xf32, #tpu.memory_space<vmem>>) offsets(%arg10 : memref<80xi32, #tpu.memory_space<vmem>>) semaphore(%arg23 : memref<!tpu.dma_semaphore, #tpu.memory_space<semaphore_mem>>)
    %add3A_441 = arith.constant 560 : i32
    %add3A_442 = arith.addi %mul3A_2, %add3A_441 : i32
    %dma_start3A_443 = tpu.memref_slice %arg3[%add3A_442] : memref<320000xi32, #tpu.memory_space<hbm>> -> memref<80xi32, #tpu.memory_space<hbm>>
    %dma_start3A_444 = tpu.memref_slice %arg3[%add3A_442] : memref<320000xi32, #tpu.memory_space<hbm>> -> memref<80xi32, #tpu.memory_space<hbm>>
    tpu.enqueue_dma source(%dma_start3A_444 : memref<80xi32, #tpu.memory_space<hbm>>) target(%arg15 : memref<80xi32, #tpu.memory_space<vmem>>) target_semaphore(%arg26 : memref<!tpu.dma_semaphore, #tpu.memory_space<semaphore_mem>>)
    %scan3A_445 = arith.constant 0 : i32
    %scan3A_446 = arith.constant 0 : i32
    %scan3A_447 = arith.constant 39 : i32
    %scan3A_448 = arith.addi %scan3A_446, %scan3A_447 : i32
    %scan3A_449 = arith.constant 1 : i32
    %scan3A_450 = scf.for %scan3A_699 = %scan3A_446 to %scan3A_448 step %scan3A_449 iter_args(%scan3A_700 = %scan3A_445) -> (i32)  : i32 {
      %mul3A_701 = arith.constant 3 : i32
      %mul3A_702 = arith.muli %mul3A_701, %scan3A_699 : i32
      %add3A_703 = arith.constant 2 : i32
      %add3A_704 = arith.addi %add3A_703, %mul3A_702 : i32
      %add3A_705 = arith.constant 0 : i32
      %add3A_706 = arith.addi %add3A_704, %add3A_705 : i32
      %dma_wait3A_707 = arith.constant 0 : i32
      %dma_wait3A_708 = arith.constant 0 : i32
      %dma_wait3A_709 = tpu.memref_slice %arg2[%dma_wait3A_707, %dma_wait3A_708] : memref<10000x128xf32, #tpu.memory_space<hbm>> -> memref<10000x128xf32, #tpu.memory_space<hbm>>
      tpu.wait_indirect_dma semaphore(%arg24 : memref<!tpu.dma_semaphore, #tpu.memory_space<semaphore_mem>>) src(%dma_wait3A_709 : memref<10000x128xf32, #tpu.memory_space<hbm>>) dst(%arg19 : memref<80x128xf32, #tpu.memory_space<vmem>>)
      "tpu.region"() ({
        %run_scoped3A = tpu.sem_alloc : memref<!tpu.dma_semaphore, #tpu.memory_space<semaphore_mem>>
        %dma_start3A_958 = arith.constant 0 : i32
        %dma_start3A_959 = arith.constant 0 : i32
        %dma_start3A_960 = tpu.memref_slice %arg6[%dma_start3A_958, %dma_start3A_959] : memref<10240x128xf32, #tpu.memory_space<vmem_shared>> -> memref<10240x128xf32, #tpu.memory_space<vmem_shared>>
        tpu.enqueue_indirect_dma source(%arg19 : memref<80x128xf32, #tpu.memory_space<vmem>>) target(%dma_start3A_960 : memref<10240x128xf32, #tpu.memory_space<vmem_shared>>) offsets(%arg13 : memref<80xi32, #tpu.memory_space<vmem>>) semaphore(%run_scoped3A : memref<!tpu.dma_semaphore, #tpu.memory_space<semaphore_mem>>) {add = true}
        %dma_wait3A_961 = arith.constant 0 : i32
        %dma_wait3A_962 = arith.constant 0 : i32
        %dma_wait3A_963 = tpu.memref_slice %arg6[%dma_wait3A_961, %dma_wait3A_962] : memref<10240x128xf32, #tpu.memory_space<vmem_shared>> -> memref<10240x128xf32, #tpu.memory_space<vmem_shared>>
        tpu.wait_indirect_dma semaphore(%run_scoped3A : memref<!tpu.dma_semaphore, #tpu.memory_space<semaphore_mem>>) src(%arg19 : memref<80x128xf32, #tpu.memory_space<vmem>>) dst(%dma_wait3A_963 : memref<10240x128xf32, #tpu.memory_space<vmem_shared>>)
        tpu.yield
      }) : () -> ()
      "tpu.region"() ({
        %run_scoped3A = tpu.sem_alloc : memref<!tpu.dma_semaphore, #tpu.memory_space<semaphore_mem>>
        %dma_start3A_958 = arith.constant 0 : i32
        %dma_start3A_959 = tpu.memref_slice %arg7[%dma_start3A_958] : memref<10240xf32, #tpu.memory_space<vmem_shared>> -> memref<10240xf32, #tpu.memory_space<vmem_shared>>
        tpu.enqueue_indirect_dma source(%arg20 : memref<80xf32, #tpu.memory_space<vmem>>) target(%dma_start3A_959 : memref<10240xf32, #tpu.memory_space<vmem_shared>>) offsets(%arg13 : memref<80xi32, #tpu.memory_space<vmem>>) semaphore(%run_scoped3A : memref<!tpu.dma_semaphore, #tpu.memory_space<semaphore_mem>>) {add = true}
        %dma_wait3A_960 = arith.constant 0 : i32
        %dma_wait3A_961 = tpu.memref_slice %arg7[%dma_wait3A_960] : memref<10240xf32, #tpu.memory_space<vmem_shared>> -> memref<10240xf32, #tpu.memory_space<vmem_shared>>
        tpu.wait_indirect_dma semaphore(%run_scoped3A : memref<!tpu.dma_semaphore, #tpu.memory_space<semaphore_mem>>) src(%arg20 : memref<80xf32, #tpu.memory_space<vmem>>) dst(%dma_wait3A_961 : memref<10240xf32, #tpu.memory_space<vmem_shared>>)
        tpu.yield
      }) : () -> ()
      %dma_wait3A_710 = arith.constant 0 : i32
      %dma_wait3A_711 = tpu.memref_slice %arg3[%dma_wait3A_710] : memref<320000xi32, #tpu.memory_space<hbm>> -> memref<80xi32, #tpu.memory_space<hbm>>
      %dma_wait3A_712 = arith.constant 0 : i32
      %dma_wait3A_713 = tpu.memref_slice %arg3[%dma_wait3A_712] : memref<320000xi32, #tpu.memory_space<hbm>> -> memref<80xi32, #tpu.memory_space<hbm>>
      tpu.wait_dma2 semaphore(%arg27 : memref<!tpu.dma_semaphore, #tpu.memory_space<semaphore_mem>>) src(%dma_wait3A_713 : memref<80xi32, #tpu.memory_space<hbm>>) dst(%arg16 : memref<80xi32, #tpu.memory_space<vmem>>)
      %get3A_714 = arith.constant 0 : index
      %get3A_715 = tpu.vector_load %arg16[%get3A_714] {strides = array<i32>} : memref<80xi32, #tpu.memory_space<vmem>>, vector<16xi32>,
      %get3A_716 = vector.shape_cast %get3A_715 : vector<16xi32> to vector<16xi32>
      %and3A_717 = arith.andi %get3A_716, %broadcast_in_dim3A_5 : vector<16xi32>
      %swap3A_718 = arith.constant 0 : index
      %swap3A_719 = tpu.vector_load %arg12[%swap3A_718] {strides = array<i32>} : memref<80xi32, #tpu.memory_space<vmem>>, vector<16xi32>,
      %swap3A_720 = vector.shape_cast %swap3A_719 : vector<16xi32> to vector<16xi32>
      %swap3A_721 = vector.shape_cast %and3A_717 : vector<16xi32> to vector<16xi32>
      tpu.vector_store %arg12[%swap3A_718], %swap3A_721 {strides = array<i32>} : memref<80xi32, #tpu.memory_space<vmem>>, vector<16xi32>,
      %shift_right_logical3A_722 = arith.shrui %get3A_716, %broadcast_in_dim3A_7 : vector<16xi32>
      %swap3A_723 = arith.constant 0 : index
      %swap3A_724 = tpu.vector_load %arg13[%swap3A_723] {strides = array<i32>} : memref<80xi32, #tpu.memory_space<vmem>>, vector<16xi32>,
      %swap3A_725 = vector.shape_cast %swap3A_724 : vector<16xi32> to vector<16xi32>
      %swap3A_726 = vector.shape_cast %shift_right_logical3A_722 : vector<16xi32> to vector<16xi32>
      tpu.vector_store %arg13[%swap3A_723], %swap3A_726 {strides = array<i32>} : memref<80xi32, #tpu.memory_space<vmem>>, vector<16xi32>,
      %get3A_727 = arith.constant 16 : index
      %get3A_728 = tpu.vector_load %arg16[%get3A_727] {strides = array<i32>} : memref<80xi32, #tpu.memory_space<vmem>>, vector<16xi32>,
      %get3A_729 = vector.shape_cast %get3A_728 : vector<16xi32> to vector<16xi32>
      %and3A_730 = arith.andi %get3A_729, %broadcast_in_dim3A_5 : vector<16xi32>
      %swap3A_731 = arith.constant 16 : index
      %swap3A_732 = tpu.vector_load %arg12[%swap3A_731] {strides = array<i32>} : memref<80xi32, #tpu.memory_space<vmem>>, vector<16xi32>,
      %swap3A_733 = vector.shape_cast %swap3A_732 : vector<16xi32> to vector<16xi32>
      %swap3A_734 = vector.shape_cast %and3A_730 : vector<16xi32> to vector<16xi32>
      tpu.vector_store %arg12[%swap3A_731], %swap3A_734 {strides = array<i32>} : memref<80xi32, #tpu.memory_space<vmem>>, vector<16xi32>,
      %shift_right_logical3A_735 = arith.shrui %get3A_729, %broadcast_in_dim3A_7 : vector<16xi32>
      %swap3A_736 = arith.constant 16 : index
      %swap3A_737 = tpu.vector_load %arg13[%swap3A_736] {strides = array<i32>} : memref<80xi32, #tpu.memory_space<vmem>>, vector<16xi32>,
      %swap3A_738 = vector.shape_cast %swap3A_737 : vector<16xi32> to vector<16xi32>
      %swap3A_739 = vector.shape_cast %shift_right_logical3A_735 : vector<16xi32> to vector<16xi32>
      tpu.vector_store %arg13[%swap3A_736], %swap3A_739 {strides = array<i32>} : memref<80xi32, #tpu.memory_space<vmem>>, vector<16xi32>,
      %get3A_740 = arith.constant 32 : index
      %get3A_741 = tpu.vector_load %arg16[%get3A_740] {strides = array<i32>} : memref<80xi32, #tpu.memory_space<vmem>>, vector<16xi32>,
      %get3A_742 = vector.shape_cast %get3A_741 : vector<16xi32> to vector<16xi32>
      %and3A_743 = arith.andi %get3A_742, %broadcast_in_dim3A_5 : vector<16xi32>
      %swap3A_744 = arith.constant 32 : index
      %swap3A_745 = tpu.vector_load %arg12[%swap3A_744] {strides = array<i32>} : memref<80xi32, #tpu.memory_space<vmem>>, vector<16xi32>,
      %swap3A_746 = vector.shape_cast %swap3A_745 : vector<16xi32> to vector<16xi32>
      %swap3A_747 = vector.shape_cast %and3A_743 : vector<16xi32> to vector<16xi32>
      tpu.vector_store %arg12[%swap3A_744], %swap3A_747 {strides = array<i32>} : memref<80xi32, #tpu.memory_space<vmem>>, vector<16xi32>,
      %shift_right_logical3A_748 = arith.shrui %get3A_742, %broadcast_in_dim3A_7 : vector<16xi32>
      %swap3A_749 = arith.constant 32 : index
      %swap3A_750 = tpu.vector_load %arg13[%swap3A_749] {strides = array<i32>} : memref<80xi32, #tpu.memory_space<vmem>>, vector<16xi32>,
      %swap3A_751 = vector.shape_cast %swap3A_750 : vector<16xi32> to vector<16xi32>
      %swap3A_752 = vector.shape_cast %shift_right_logical3A_748 : vector<16xi32> to vector<16xi32>
      tpu.vector_store %arg13[%swap3A_749], %swap3A_752 {strides = array<i32>} : memref<80xi32, #tpu.memory_space<vmem>>, vector<16xi32>,
      %get3A_753 = arith.constant 48 : index
      %get3A_754 = tpu.vector_load %arg16[%get3A_753] {strides = array<i32>} : memref<80xi32, #tpu.memory_space<vmem>>, vector<16xi32>,
      %get3A_755 = vector.shape_cast %get3A_754 : vector<16xi32> to vector<16xi32>
      %and3A_756 = arith.andi %get3A_755, %broadcast_in_dim3A_5 : vector<16xi32>
      %swap3A_757 = arith.constant 48 : index
      %swap3A_758 = tpu.vector_load %arg12[%swap3A_757] {strides = array<i32>} : memref<80xi32, #tpu.memory_space<vmem>>, vector<16xi32>,
      %swap3A_759 = vector.shape_cast %swap3A_758 : vector<16xi32> to vector<16xi32>
      %swap3A_760 = vector.shape_cast %and3A_756 : vector<16xi32> to vector<16xi32>
      tpu.vector_store %arg12[%swap3A_757], %swap3A_760 {strides = array<i32>} : memref<80xi32, #tpu.memory_space<vmem>>, vector<16xi32>,
      %shift_right_logical3A_761 = arith.shrui %get3A_755, %broadcast_in_dim3A_7 : vector<16xi32>
      %swap3A_762 = arith.constant 48 : index
      %swap3A_763 = tpu.vector_load %arg13[%swap3A_762] {strides = array<i32>} : memref<80xi32, #tpu.memory_space<vmem>>, vector<16xi32>,
      %swap3A_764 = vector.shape_cast %swap3A_763 : vector<16xi32> to vector<16xi32>
      %swap3A_765 = vector.shape_cast %shift_right_logical3A_761 : vector<16xi32> to vector<16xi32>
      tpu.vector_store %arg13[%swap3A_762], %swap3A_765 {strides = array<i32>} : memref<80xi32, #tpu.memory_space<vmem>>, vector<16xi32>,
      %get3A_766 = arith.constant 64 : index
      %get3A_767 = tpu.vector_load %arg16[%get3A_766] {strides = array<i32>} : memref<80xi32, #tpu.memory_space<vmem>>, vector<16xi32>,
      %get3A_768 = vector.shape_cast %get3A_767 : vector<16xi32> to vector<16xi32>
      %and3A_769 = arith.andi %get3A_768, %broadcast_in_dim3A_5 : vector<16xi32>
      %swap3A_770 = arith.constant 64 : index
      %swap3A_771 = tpu.vector_load %arg12[%swap3A_770] {strides = array<i32>} : memref<80xi32, #tpu.memory_space<vmem>>, vector<16xi32>,
      %swap3A_772 = vector.shape_cast %swap3A_771 : vector<16xi32> to vector<16xi32>
      %swap3A_773 = vector.shape_cast %and3A_769 : vector<16xi32> to vector<16xi32>
      tpu.vector_store %arg12[%swap3A_770], %swap3A_773 {strides = array<i32>} : memref<80xi32, #tpu.memory_space<vmem>>, vector<16xi32>,
      %shift_right_logical3A_774 = arith.shrui %get3A_768, %broadcast_in_dim3A_7 : vector<16xi32>
      %swap3A_775 = arith.constant 64 : index
      %swap3A_776 = tpu.vector_load %arg13[%swap3A_775] {strides = array<i32>} : memref<80xi32, #tpu.memory_space<vmem>>, vector<16xi32>,
      %swap3A_777 = vector.shape_cast %swap3A_776 : vector<16xi32> to vector<16xi32>
      %swap3A_778 = vector.shape_cast %shift_right_logical3A_774 : vector<16xi32> to vector<16xi32>
      tpu.vector_store %arg13[%swap3A_775], %swap3A_778 {strides = array<i32>} : memref<80xi32, #tpu.memory_space<vmem>>, vector<16xi32>,
      %dma_start3A_779 = arith.constant 0 : i32
      %dma_start3A_780 = arith.constant 0 : i32
      %dma_start3A_781 = tpu.memref_slice %arg2[%dma_start3A_779, %dma_start3A_780] : memref<10000x128xf32, #tpu.memory_space<hbm>> -> memref<10000x128xf32, #tpu.memory_space<hbm>>
      tpu.enqueue_indirect_dma source(%dma_start3A_781 : memref<10000x128xf32, #tpu.memory_space<hbm>>) target(%arg19 : memref<80x128xf32, #tpu.memory_space<vmem>>) offsets(%arg12 : memref<80xi32, #tpu.memory_space<vmem>>) semaphore(%arg24 : memref<!tpu.dma_semaphore, #tpu.memory_space<semaphore_mem>>)
      %add3A_782 = arith.constant 6 : i32
      %add3A_783 = arith.addi %add3A_706, %add3A_782 : i32
      %mul3A_784 = arith.constant 80 : i32
      %mul3A_785 = arith.muli %add3A_783, %mul3A_784 : i32
      %add3A_786 = arith.addi %mul3A_2, %mul3A_785 : i32
      %dma_start3A_787 = tpu.memref_slice %arg3[%add3A_786] : memref<320000xi32, #tpu.memory_space<hbm>> -> memref<80xi32, #tpu.memory_space<hbm>>
      %dma_start3A_788 = tpu.memref_slice %arg3[%add3A_786] : memref<320000xi32, #tpu.memory_space<hbm>> -> memref<80xi32, #tpu.memory_space<hbm>>
      tpu.enqueue_dma source(%dma_start3A_788 : memref<80xi32, #tpu.memory_space<hbm>>) target(%arg16 : memref<80xi32, #tpu.memory_space<vmem>>) target_semaphore(%arg27 : memref<!tpu.dma_semaphore, #tpu.memory_space<semaphore_mem>>)
      %add3A_789 = arith.constant 1 : i32
      %add3A_790 = arith.addi %add3A_704, %add3A_789 : i32
      %dma_wait3A_791 = arith.constant 0 : i32
      %dma_wait3A_792 = arith.constant 0 : i32
      %dma_wait3A_793 = tpu.memref_slice %arg2[%dma_wait3A_791, %dma_wait3A_792] : memref<10000x128xf32, #tpu.memory_space<hbm>> -> memref<10000x128xf32, #tpu.memory_space<hbm>>
      tpu.wait_indirect_dma semaphore(%arg22 : memref<!tpu.dma_semaphore, #tpu.memory_space<semaphore_mem>>) src(%dma_wait3A_793 : memref<10000x128xf32, #tpu.memory_space<hbm>>) dst(%arg17 : memref<80x128xf32, #tpu.memory_space<vmem>>)
      "tpu.region"() ({
        %run_scoped3A = tpu.sem_alloc : memref<!tpu.dma_semaphore, #tpu.memory_space<semaphore_mem>>
        %dma_start3A_958 = arith.constant 0 : i32
        %dma_start3A_959 = arith.constant 0 : i32
        %dma_start3A_960 = tpu.memref_slice %arg6[%dma_start3A_958, %dma_start3A_959] : memref<10240x128xf32, #tpu.memory_space<vmem_shared>> -> memref<10240x128xf32, #tpu.memory_space<vmem_shared>>
        tpu.enqueue_indirect_dma source(%arg17 : memref<80x128xf32, #tpu.memory_space<vmem>>) target(%dma_start3A_960 : memref<10240x128xf32, #tpu.memory_space<vmem_shared>>) offsets(%arg9 : memref<80xi32, #tpu.memory_space<vmem>>) semaphore(%run_scoped3A : memref<!tpu.dma_semaphore, #tpu.memory_space<semaphore_mem>>) {add = true}
        %dma_wait3A_961 = arith.constant 0 : i32
        %dma_wait3A_962 = arith.constant 0 : i32
        %dma_wait3A_963 = tpu.memref_slice %arg6[%dma_wait3A_961, %dma_wait3A_962] : memref<10240x128xf32, #tpu.memory_space<vmem_shared>> -> memref<10240x128xf32, #tpu.memory_space<vmem_shared>>
        tpu.wait_indirect_dma semaphore(%run_scoped3A : memref<!tpu.dma_semaphore, #tpu.memory_space<semaphore_mem>>) src(%arg17 : memref<80x128xf32, #tpu.memory_space<vmem>>) dst(%dma_wait3A_963 : memref<10240x128xf32, #tpu.memory_space<vmem_shared>>)
        tpu.yield
      }) : () -> ()
      "tpu.region"() ({
        %run_scoped3A = tpu.sem_alloc : memref<!tpu.dma_semaphore, #tpu.memory_space<semaphore_mem>>
        %dma_start3A_958 = arith.constant 0 : i32
        %dma_start3A_959 = tpu.memref_slice %arg7[%dma_start3A_958] : memref<10240xf32, #tpu.memory_space<vmem_shared>> -> memref<10240xf32, #tpu.memory_space<vmem_shared>>
        tpu.enqueue_indirect_dma source(%arg20 : memref<80xf32, #tpu.memory_space<vmem>>) target(%dma_start3A_959 : memref<10240xf32, #tpu.memory_space<vmem_shared>>) offsets(%arg9 : memref<80xi32, #tpu.memory_space<vmem>>) semaphore(%run_scoped3A : memref<!tpu.dma_semaphore, #tpu.memory_space<semaphore_mem>>) {add = true}
        %dma_wait3A_960 = arith.constant 0 : i32
        %dma_wait3A_961 = tpu.memref_slice %arg7[%dma_wait3A_960] : memref<10240xf32, #tpu.memory_space<vmem_shared>> -> memref<10240xf32, #tpu.memory_space<vmem_shared>>
        tpu.wait_indirect_dma semaphore(%run_scoped3A : memref<!tpu.dma_semaphore, #tpu.memory_space<semaphore_mem>>) src(%arg20 : memref<80xf32, #tpu.memory_space<vmem>>) dst(%dma_wait3A_961 : memref<10240xf32, #tpu.memory_space<vmem_shared>>)
        tpu.yield
      }) : () -> ()
      %dma_wait3A_794 = arith.constant 0 : i32
      %dma_wait3A_795 = tpu.memref_slice %arg3[%dma_wait3A_794] : memref<320000xi32, #tpu.memory_space<hbm>> -> memref<80xi32, #tpu.memory_space<hbm>>
      %dma_wait3A_796 = arith.constant 0 : i32
      %dma_wait3A_797 = tpu.memref_slice %arg3[%dma_wait3A_796] : memref<320000xi32, #tpu.memory_space<hbm>> -> memref<80xi32, #tpu.memory_space<hbm>>
      tpu.wait_dma2 semaphore(%arg25 : memref<!tpu.dma_semaphore, #tpu.memory_space<semaphore_mem>>) src(%dma_wait3A_797 : memref<80xi32, #tpu.memory_space<hbm>>) dst(%arg14 : memref<80xi32, #tpu.memory_space<vmem>>)
      %get3A_798 = arith.constant 0 : index
      %get3A_799 = tpu.vector_load %arg14[%get3A_798] {strides = array<i32>} : memref<80xi32, #tpu.memory_space<vmem>>, vector<16xi32>,
      %get3A_800 = vector.shape_cast %get3A_799 : vector<16xi32> to vector<16xi32>
      %and3A_801 = arith.andi %get3A_800, %broadcast_in_dim3A_5 : vector<16xi32>
      %swap3A_802 = arith.constant 0 : index
      %swap3A_803 = tpu.vector_load %arg8[%swap3A_802] {strides = array<i32>} : memref<80xi32, #tpu.memory_space<vmem>>, vector<16xi32>,
      %swap3A_804 = vector.shape_cast %swap3A_803 : vector<16xi32> to vector<16xi32>
      %swap3A_805 = vector.shape_cast %and3A_801 : vector<16xi32> to vector<16xi32>
      tpu.vector_store %arg8[%swap3A_802], %swap3A_805 {strides = array<i32>} : memref<80xi32, #tpu.memory_space<vmem>>, vector<16xi32>,
      %shift_right_logical3A_806 = arith.shrui %get3A_800, %broadcast_in_dim3A_7 : vector<16xi32>
      %swap3A_807 = arith.constant 0 : index
      %swap3A_808 = tpu.vector_load %arg9[%swap3A_807] {strides = array<i32>} : memref<80xi32, #tpu.memory_space<vmem>>, vector<16xi32>,
      %swap3A_809 = vector.shape_cast %swap3A_808 : vector<16xi32> to vector<16xi32>
      %swap3A_810 = vector.shape_cast %shift_right_logical3A_806 : vector<16xi32> to vector<16xi32>
      tpu.vector_store %arg9[%swap3A_807], %swap3A_810 {strides = array<i32>} : memref<80xi32, #tpu.memory_space<vmem>>, vector<16xi32>,
      %get3A_811 = arith.constant 16 : index
      %get3A_812 = tpu.vector_load %arg14[%get3A_811] {strides = array<i32>} : memref<80xi32, #tpu.memory_space<vmem>>, vector<16xi32>,
      %get3A_813 = vector.shape_cast %get3A_812 : vector<16xi32> to vector<16xi32>
      %and3A_814 = arith.andi %get3A_813, %broadcast_in_dim3A_5 : vector<16xi32>
      %swap3A_815 = arith.constant 16 : index
      %swap3A_816 = tpu.vector_load %arg8[%swap3A_815] {strides = array<i32>} : memref<80xi32, #tpu.memory_space<vmem>>, vector<16xi32>,
      %swap3A_817 = vector.shape_cast %swap3A_816 : vector<16xi32> to vector<16xi32>
      %swap3A_818 = vector.shape_cast %and3A_814 : vector<16xi32> to vector<16xi32>
      tpu.vector_store %arg8[%swap3A_815], %swap3A_818 {strides = array<i32>} : memref<80xi32, #tpu.memory_space<vmem>>, vector<16xi32>,
      %shift_right_logical3A_819 = arith.shrui %get3A_813, %broadcast_in_dim3A_7 : vector<16xi32>
      %swap3A_820 = arith.constant 16 : index
      %swap3A_821 = tpu.vector_load %arg9[%swap3A_820] {strides = array<i32>} : memref<80xi32, #tpu.memory_space<vmem>>, vector<16xi32>,
      %swap3A_822 = vector.shape_cast %swap3A_821 : vector<16xi32> to vector<16xi32>
      %swap3A_823 = vector.shape_cast %shift_right_logical3A_819 : vector<16xi32> to vector<16xi32>
      tpu.vector_store %arg9[%swap3A_820], %swap3A_823 {strides = array<i32>} : memref<80xi32, #tpu.memory_space<vmem>>, vector<16xi32>,
      %get3A_824 = arith.constant 32 : index
      %get3A_825 = tpu.vector_load %arg14[%get3A_824] {strides = array<i32>} : memref<80xi32, #tpu.memory_space<vmem>>, vector<16xi32>,
      %get3A_826 = vector.shape_cast %get3A_825 : vector<16xi32> to vector<16xi32>
      %and3A_827 = arith.andi %get3A_826, %broadcast_in_dim3A_5 : vector<16xi32>
      %swap3A_828 = arith.constant 32 : index
      %swap3A_829 = tpu.vector_load %arg8[%swap3A_828] {strides = array<i32>} : memref<80xi32, #tpu.memory_space<vmem>>, vector<16xi32>,
      %swap3A_830 = vector.shape_cast %swap3A_829 : vector<16xi32> to vector<16xi32>
      %swap3A_831 = vector.shape_cast %and3A_827 : vector<16xi32> to vector<16xi32>
      tpu.vector_store %arg8[%swap3A_828], %swap3A_831 {strides = array<i32>} : memref<80xi32, #tpu.memory_space<vmem>>, vector<16xi32>,
      %shift_right_logical3A_832 = arith.shrui %get3A_826, %broadcast_in_dim3A_7 : vector<16xi32>
      %swap3A_833 = arith.constant 32 : index
      %swap3A_834 = tpu.vector_load %arg9[%swap3A_833] {strides = array<i32>} : memref<80xi32, #tpu.memory_space<vmem>>, vector<16xi32>,
      %swap3A_835 = vector.shape_cast %swap3A_834 : vector<16xi32> to vector<16xi32>
      %swap3A_836 = vector.shape_cast %shift_right_logical3A_832 : vector<16xi32> to vector<16xi32>
      tpu.vector_store %arg9[%swap3A_833], %swap3A_836 {strides = array<i32>} : memref<80xi32, #tpu.memory_space<vmem>>, vector<16xi32>,
      %get3A_837 = arith.constant 48 : index
      %get3A_838 = tpu.vector_load %arg14[%get3A_837] {strides = array<i32>} : memref<80xi32, #tpu.memory_space<vmem>>, vector<16xi32>,
      %get3A_839 = vector.shape_cast %get3A_838 : vector<16xi32> to vector<16xi32>
      %and3A_840 = arith.andi %get3A_839, %broadcast_in_dim3A_5 : vector<16xi32>
      %swap3A_841 = arith.constant 48 : index
      %swap3A_842 = tpu.vector_load %arg8[%swap3A_841] {strides = array<i32>} : memref<80xi32, #tpu.memory_space<vmem>>, vector<16xi32>,
      %swap3A_843 = vector.shape_cast %swap3A_842 : vector<16xi32> to vector<16xi32>
      %swap3A_844 = vector.shape_cast %and3A_840 : vector<16xi32> to vector<16xi32>
      tpu.vector_store %arg8[%swap3A_841], %swap3A_844 {strides = array<i32>} : memref<80xi32, #tpu.memory_space<vmem>>, vector<16xi32>,
      %shift_right_logical3A_845 = arith.shrui %get3A_839, %broadcast_in_dim3A_7 : vector<16xi32>
      %swap3A_846 = arith.constant 48 : index
      %swap3A_847 = tpu.vector_load %arg9[%swap3A_846] {strides = array<i32>} : memref<80xi32, #tpu.memory_space<vmem>>, vector<16xi32>,
      %swap3A_848 = vector.shape_cast %swap3A_847 : vector<16xi32> to vector<16xi32>
      %swap3A_849 = vector.shape_cast %shift_right_logical3A_845 : vector<16xi32> to vector<16xi32>
      tpu.vector_store %arg9[%swap3A_846], %swap3A_849 {strides = array<i32>} : memref<80xi32, #tpu.memory_space<vmem>>, vector<16xi32>,
      %get3A_850 = arith.constant 64 : index
      %get3A_851 = tpu.vector_load %arg14[%get3A_850] {strides = array<i32>} : memref<80xi32, #tpu.memory_space<vmem>>, vector<16xi32>,
      %get3A_852 = vector.shape_cast %get3A_851 : vector<16xi32> to vector<16xi32>
      %and3A_853 = arith.andi %get3A_852, %broadcast_in_dim3A_5 : vector<16xi32>
      %swap3A_854 = arith.constant 64 : index
      %swap3A_855 = tpu.vector_load %arg8[%swap3A_854] {strides = array<i32>} : memref<80xi32, #tpu.memory_space<vmem>>, vector<16xi32>,
      %swap3A_856 = vector.shape_cast %swap3A_855 : vector<16xi32> to vector<16xi32>
      %swap3A_857 = vector.shape_cast %and3A_853 : vector<16xi32> to vector<16xi32>
      tpu.vector_store %arg8[%swap3A_854], %swap3A_857 {strides = array<i32>} : memref<80xi32, #tpu.memory_space<vmem>>, vector<16xi32>,
      %shift_right_logical3A_858 = arith.shrui %get3A_852, %broadcast_in_dim3A_7 : vector<16xi32>
      %swap3A_859 = arith.constant 64 : index
      %swap3A_860 = tpu.vector_load %arg9[%swap3A_859] {strides = array<i32>} : memref<80xi32, #tpu.memory_space<vmem>>, vector<16xi32>,
      %swap3A_861 = vector.shape_cast %swap3A_860 : vector<16xi32> to vector<16xi32>
      %swap3A_862 = vector.shape_cast %shift_right_logical3A_858 : vector<16xi32> to vector<16xi32>
      tpu.vector_store %arg9[%swap3A_859], %swap3A_862 {strides = array<i32>} : memref<80xi32, #tpu.memory_space<vmem>>, vector<16xi32>,
      %dma_start3A_863 = arith.constant 0 : i32
      %dma_start3A_864 = arith.constant 0 : i32
      %dma_start3A_865 = tpu.memref_slice %arg2[%dma_start3A_863, %dma_start3A_864] : memref<10000x128xf32, #tpu.memory_space<hbm>> -> memref<10000x128xf32, #tpu.memory_space<hbm>>
      tpu.enqueue_indirect_dma source(%dma_start3A_865 : memref<10000x128xf32, #tpu.memory_space<hbm>>) target(%arg17 : memref<80x128xf32, #tpu.memory_space<vmem>>) offsets(%arg8 : memref<80xi32, #tpu.memory_space<vmem>>) semaphore(%arg22 : memref<!tpu.dma_semaphore, #tpu.memory_space<semaphore_mem>>)
      %add3A_866 = arith.constant 6 : i32
      %add3A_867 = arith.addi %add3A_790, %add3A_866 : i32
      %mul3A_868 = arith.constant 80 : i32
      %mul3A_869 = arith.muli %add3A_867, %mul3A_868 : i32
      %add3A_870 = arith.addi %mul3A_2, %mul3A_869 : i32
      %dma_start3A_871 = tpu.memref_slice %arg3[%add3A_870] : memref<320000xi32, #tpu.memory_space<hbm>> -> memref<80xi32, #tpu.memory_space<hbm>>
      %dma_start3A_872 = tpu.memref_slice %arg3[%add3A_870] : memref<320000xi32, #tpu.memory_space<hbm>> -> memref<80xi32, #tpu.memory_space<hbm>>
      tpu.enqueue_dma source(%dma_start3A_872 : memref<80xi32, #tpu.memory_space<hbm>>) target(%arg14 : memref<80xi32, #tpu.memory_space<vmem>>) target_semaphore(%arg25 : memref<!tpu.dma_semaphore, #tpu.memory_space<semaphore_mem>>)
      %add3A_873 = arith.constant 2 : i32
      %add3A_874 = arith.addi %add3A_704, %add3A_873 : i32
      %dma_wait3A_875 = arith.constant 0 : i32
      %dma_wait3A_876 = arith.constant 0 : i32
      %dma_wait3A_877 = tpu.memref_slice %arg2[%dma_wait3A_875, %dma_wait3A_876] : memref<10000x128xf32, #tpu.memory_space<hbm>> -> memref<10000x128xf32, #tpu.memory_space<hbm>>
      tpu.wait_indirect_dma semaphore(%arg23 : memref<!tpu.dma_semaphore, #tpu.memory_space<semaphore_mem>>) src(%dma_wait3A_877 : memref<10000x128xf32, #tpu.memory_space<hbm>>) dst(%arg18 : memref<80x128xf32, #tpu.memory_space<vmem>>)
      "tpu.region"() ({
        %run_scoped3A = tpu.sem_alloc : memref<!tpu.dma_semaphore, #tpu.memory_space<semaphore_mem>>
        %dma_start3A_958 = arith.constant 0 : i32
        %dma_start3A_959 = arith.constant 0 : i32
        %dma_start3A_960 = tpu.memref_slice %arg6[%dma_start3A_958, %dma_start3A_959] : memref<10240x128xf32, #tpu.memory_space<vmem_shared>> -> memref<10240x128xf32, #tpu.memory_space<vmem_shared>>
        tpu.enqueue_indirect_dma source(%arg18 : memref<80x128xf32, #tpu.memory_space<vmem>>) target(%dma_start3A_960 : memref<10240x128xf32, #tpu.memory_space<vmem_shared>>) offsets(%arg11 : memref<80xi32, #tpu.memory_space<vmem>>) semaphore(%run_scoped3A : memref<!tpu.dma_semaphore, #tpu.memory_space<semaphore_mem>>) {add = true}
        %dma_wait3A_961 = arith.constant 0 : i32
        %dma_wait3A_962 = arith.constant 0 : i32
        %dma_wait3A_963 = tpu.memref_slice %arg6[%dma_wait3A_961, %dma_wait3A_962] : memref<10240x128xf32, #tpu.memory_space<vmem_shared>> -> memref<10240x128xf32, #tpu.memory_space<vmem_shared>>
        tpu.wait_indirect_dma semaphore(%run_scoped3A : memref<!tpu.dma_semaphore, #tpu.memory_space<semaphore_mem>>) src(%arg18 : memref<80x128xf32, #tpu.memory_space<vmem>>) dst(%dma_wait3A_963 : memref<10240x128xf32, #tpu.memory_space<vmem_shared>>)
        tpu.yield
      }) : () -> ()
      "tpu.region"() ({
        %run_scoped3A = tpu.sem_alloc : memref<!tpu.dma_semaphore, #tpu.memory_space<semaphore_mem>>
        %dma_start3A_958 = arith.constant 0 : i32
        %dma_start3A_959 = tpu.memref_slice %arg7[%dma_start3A_958] : memref<10240xf32, #tpu.memory_space<vmem_shared>> -> memref<10240xf32, #tpu.memory_space<vmem_shared>>
        tpu.enqueue_indirect_dma source(%arg20 : memref<80xf32, #tpu.memory_space<vmem>>) target(%dma_start3A_959 : memref<10240xf32, #tpu.memory_space<vmem_shared>>) offsets(%arg11 : memref<80xi32, #tpu.memory_space<vmem>>) semaphore(%run_scoped3A : memref<!tpu.dma_semaphore, #tpu.memory_space<semaphore_mem>>) {add = true}
        %dma_wait3A_960 = arith.constant 0 : i32
        %dma_wait3A_961 = tpu.memref_slice %arg7[%dma_wait3A_960] : memref<10240xf32, #tpu.memory_space<vmem_shared>> -> memref<10240xf32, #tpu.memory_space<vmem_shared>>
        tpu.wait_indirect_dma semaphore(%run_scoped3A : memref<!tpu.dma_semaphore, #tpu.memory_space<semaphore_mem>>) src(%arg20 : memref<80xf32, #tpu.memory_space<vmem>>) dst(%dma_wait3A_961 : memref<10240xf32, #tpu.memory_space<vmem_shared>>)
        tpu.yield
      }) : () -> ()
      %dma_wait3A_878 = arith.constant 0 : i32
      %dma_wait3A_879 = tpu.memref_slice %arg3[%dma_wait3A_878] : memref<320000xi32, #tpu.memory_space<hbm>> -> memref<80xi32, #tpu.memory_space<hbm>>
      %dma_wait3A_880 = arith.constant 0 : i32
      %dma_wait3A_881 = tpu.memref_slice %arg3[%dma_wait3A_880] : memref<320000xi32, #tpu.memory_space<hbm>> -> memref<80xi32, #tpu.memory_space<hbm>>
      tpu.wait_dma2 semaphore(%arg26 : memref<!tpu.dma_semaphore, #tpu.memory_space<semaphore_mem>>) src(%dma_wait3A_881 : memref<80xi32, #tpu.memory_space<hbm>>) dst(%arg15 : memref<80xi32, #tpu.memory_space<vmem>>)
      %get3A_882 = arith.constant 0 : index
      %get3A_883 = tpu.vector_load %arg15[%get3A_882] {strides = array<i32>} : memref<80xi32, #tpu.memory_space<vmem>>, vector<16xi32>,
      %get3A_884 = vector.shape_cast %get3A_883 : vector<16xi32> to vector<16xi32>
      %and3A_885 = arith.andi %get3A_884, %broadcast_in_dim3A_5 : vector<16xi32>
      %swap3A_886 = arith.constant 0 : index
      %swap3A_887 = tpu.vector_load %arg10[%swap3A_886] {strides = array<i32>} : memref<80xi32, #tpu.memory_space<vmem>>, vector<16xi32>,
      %swap3A_888 = vector.shape_cast %swap3A_887 : vector<16xi32> to vector<16xi32>
      %swap3A_889 = vector.shape_cast %and3A_885 : vector<16xi32> to vector<16xi32>
      tpu.vector_store %arg10[%swap3A_886], %swap3A_889 {strides = array<i32>} : memref<80xi32, #tpu.memory_space<vmem>>, vector<16xi32>,
      %shift_right_logical3A_890 = arith.shrui %get3A_884, %broadcast_in_dim3A_7 : vector<16xi32>
      %swap3A_891 = arith.constant 0 : index
      %swap3A_892 = tpu.vector_load %arg11[%swap3A_891] {strides = array<i32>} : memref<80xi32, #tpu.memory_space<vmem>>, vector<16xi32>,
      %swap3A_893 = vector.shape_cast %swap3A_892 : vector<16xi32> to vector<16xi32>
      %swap3A_894 = vector.shape_cast %shift_right_logical3A_890 : vector<16xi32> to vector<16xi32>
      tpu.vector_store %arg11[%swap3A_891], %swap3A_894 {strides = array<i32>} : memref<80xi32, #tpu.memory_space<vmem>>, vector<16xi32>,
      %get3A_895 = arith.constant 16 : index
      %get3A_896 = tpu.vector_load %arg15[%get3A_895] {strides = array<i32>} : memref<80xi32, #tpu.memory_space<vmem>>, vector<16xi32>,
      %get3A_897 = vector.shape_cast %get3A_896 : vector<16xi32> to vector<16xi32>
      %and3A_898 = arith.andi %get3A_897, %broadcast_in_dim3A_5 : vector<16xi32>
      %swap3A_899 = arith.constant 16 : index
      %swap3A_900 = tpu.vector_load %arg10[%swap3A_899] {strides = array<i32>} : memref<80xi32, #tpu.memory_space<vmem>>, vector<16xi32>,
      %swap3A_901 = vector.shape_cast %swap3A_900 : vector<16xi32> to vector<16xi32>
      %swap3A_902 = vector.shape_cast %and3A_898 : vector<16xi32> to vector<16xi32>
      tpu.vector_store %arg10[%swap3A_899], %swap3A_902 {strides = array<i32>} : memref<80xi32, #tpu.memory_space<vmem>>, vector<16xi32>,
      %shift_right_logical3A_903 = arith.shrui %get3A_897, %broadcast_in_dim3A_7 : vector<16xi32>
      %swap3A_904 = arith.constant 16 : index
      %swap3A_905 = tpu.vector_load %arg11[%swap3A_904] {strides = array<i32>} : memref<80xi32, #tpu.memory_space<vmem>>, vector<16xi32>,
      %swap3A_906 = vector.shape_cast %swap3A_905 : vector<16xi32> to vector<16xi32>
      %swap3A_907 = vector.shape_cast %shift_right_logical3A_903 : vector<16xi32> to vector<16xi32>
      tpu.vector_store %arg11[%swap3A_904], %swap3A_907 {strides = array<i32>} : memref<80xi32, #tpu.memory_space<vmem>>, vector<16xi32>,
      %get3A_908 = arith.constant 32 : index
      %get3A_909 = tpu.vector_load %arg15[%get3A_908] {strides = array<i32>} : memref<80xi32, #tpu.memory_space<vmem>>, vector<16xi32>,
      %get3A_910 = vector.shape_cast %get3A_909 : vector<16xi32> to vector<16xi32>
      %and3A_911 = arith.andi %get3A_910, %broadcast_in_dim3A_5 : vector<16xi32>
      %swap3A_912 = arith.constant 32 : index
      %swap3A_913 = tpu.vector_load %arg10[%swap3A_912] {strides = array<i32>} : memref<80xi32, #tpu.memory_space<vmem>>, vector<16xi32>,
      %swap3A_914 = vector.shape_cast %swap3A_913 : vector<16xi32> to vector<16xi32>
      %swap3A_915 = vector.shape_cast %and3A_911 : vector<16xi32> to vector<16xi32>
      tpu.vector_store %arg10[%swap3A_912], %swap3A_915 {strides = array<i32>} : memref<80xi32, #tpu.memory_space<vmem>>, vector<16xi32>,
      %shift_right_logical3A_916 = arith.shrui %get3A_910, %broadcast_in_dim3A_7 : vector<16xi32>
      %swap3A_917 = arith.constant 32 : index
      %swap3A_918 = tpu.vector_load %arg11[%swap3A_917] {strides = array<i32>} : memref<80xi32, #tpu.memory_space<vmem>>, vector<16xi32>,
      %swap3A_919 = vector.shape_cast %swap3A_918 : vector<16xi32> to vector<16xi32>
      %swap3A_920 = vector.shape_cast %shift_right_logical3A_916 : vector<16xi32> to vector<16xi32>
      tpu.vector_store %arg11[%swap3A_917], %swap3A_920 {strides = array<i32>} : memref<80xi32, #tpu.memory_space<vmem>>, vector<16xi32>,
      %get3A_921 = arith.constant 48 : index
      %get3A_922 = tpu.vector_load %arg15[%get3A_921] {strides = array<i32>} : memref<80xi32, #tpu.memory_space<vmem>>, vector<16xi32>,
      %get3A_923 = vector.shape_cast %get3A_922 : vector<16xi32> to vector<16xi32>
      %and3A_924 = arith.andi %get3A_923, %broadcast_in_dim3A_5 : vector<16xi32>
      %swap3A_925 = arith.constant 48 : index
      %swap3A_926 = tpu.vector_load %arg10[%swap3A_925] {strides = array<i32>} : memref<80xi32, #tpu.memory_space<vmem>>, vector<16xi32>,
      %swap3A_927 = vector.shape_cast %swap3A_926 : vector<16xi32> to vector<16xi32>
      %swap3A_928 = vector.shape_cast %and3A_924 : vector<16xi32> to vector<16xi32>
      tpu.vector_store %arg10[%swap3A_925], %swap3A_928 {strides = array<i32>} : memref<80xi32, #tpu.memory_space<vmem>>, vector<16xi32>,
      %shift_right_logical3A_929 = arith.shrui %get3A_923, %broadcast_in_dim3A_7 : vector<16xi32>
      %swap3A_930 = arith.constant 48 : index
      %swap3A_931 = tpu.vector_load %arg11[%swap3A_930] {strides = array<i32>} : memref<80xi32, #tpu.memory_space<vmem>>, vector<16xi32>,
      %swap3A_932 = vector.shape_cast %swap3A_931 : vector<16xi32> to vector<16xi32>
      %swap3A_933 = vector.shape_cast %shift_right_logical3A_929 : vector<16xi32> to vector<16xi32>
      tpu.vector_store %arg11[%swap3A_930], %swap3A_933 {strides = array<i32>} : memref<80xi32, #tpu.memory_space<vmem>>, vector<16xi32>,
      %get3A_934 = arith.constant 64 : index
      %get3A_935 = tpu.vector_load %arg15[%get3A_934] {strides = array<i32>} : memref<80xi32, #tpu.memory_space<vmem>>, vector<16xi32>,
      %get3A_936 = vector.shape_cast %get3A_935 : vector<16xi32> to vector<16xi32>
      %and3A_937 = arith.andi %get3A_936, %broadcast_in_dim3A_5 : vector<16xi32>
      %swap3A_938 = arith.constant 64 : index
      %swap3A_939 = tpu.vector_load %arg10[%swap3A_938] {strides = array<i32>} : memref<80xi32, #tpu.memory_space<vmem>>, vector<16xi32>,
      %swap3A_940 = vector.shape_cast %swap3A_939 : vector<16xi32> to vector<16xi32>
      %swap3A_941 = vector.shape_cast %and3A_937 : vector<16xi32> to vector<16xi32>
      tpu.vector_store %arg10[%swap3A_938], %swap3A_941 {strides = array<i32>} : memref<80xi32, #tpu.memory_space<vmem>>, vector<16xi32>,
      %shift_right_logical3A_942 = arith.shrui %get3A_936, %broadcast_in_dim3A_7 : vector<16xi32>
      %swap3A_943 = arith.constant 64 : index
      %swap3A_944 = tpu.vector_load %arg11[%swap3A_943] {strides = array<i32>} : memref<80xi32, #tpu.memory_space<vmem>>, vector<16xi32>,
      %swap3A_945 = vector.shape_cast %swap3A_944 : vector<16xi32> to vector<16xi32>
      %swap3A_946 = vector.shape_cast %shift_right_logical3A_942 : vector<16xi32> to vector<16xi32>
      tpu.vector_store %arg11[%swap3A_943], %swap3A_946 {strides = array<i32>} : memref<80xi32, #tpu.memory_space<vmem>>, vector<16xi32>,
      %dma_start3A_947 = arith.constant 0 : i32
      %dma_start3A_948 = arith.constant 0 : i32
      %dma_start3A_949 = tpu.memref_slice %arg2[%dma_start3A_947, %dma_start3A_948] : memref<10000x128xf32, #tpu.memory_space<hbm>> -> memref<10000x128xf32, #tpu.memory_space<hbm>>
      tpu.enqueue_indirect_dma source(%dma_start3A_949 : memref<10000x128xf32, #tpu.memory_space<hbm>>) target(%arg18 : memref<80x128xf32, #tpu.memory_space<vmem>>) offsets(%arg10 : memref<80xi32, #tpu.memory_space<vmem>>) semaphore(%arg23 : memref<!tpu.dma_semaphore, #tpu.memory_space<semaphore_mem>>)
      %add3A_950 = arith.constant 6 : i32
      %add3A_951 = arith.addi %add3A_874, %add3A_950 : i32
      %mul3A_952 = arith.constant 80 : i32
      %mul3A_953 = arith.muli %add3A_951, %mul3A_952 : i32
      %add3A_954 = arith.addi %mul3A_2, %mul3A_953 : i32
      %dma_start3A_955 = tpu.memref_slice %arg3[%add3A_954] : memref<320000xi32, #tpu.memory_space<hbm>> -> memref<80xi32, #tpu.memory_space<hbm>>
      %dma_start3A_956 = tpu.memref_slice %arg3[%add3A_954] : memref<320000xi32, #tpu.memory_space<hbm>> -> memref<80xi32, #tpu.memory_space<hbm>>
      tpu.enqueue_dma source(%dma_start3A_956 : memref<80xi32, #tpu.memory_space<hbm>>) target(%arg15 : memref<80xi32, #tpu.memory_space<vmem>>) target_semaphore(%arg26 : memref<!tpu.dma_semaphore, #tpu.memory_space<semaphore_mem>>)
      %scan3A_957 = arith.constant 0 : i32
      scf.yield %scan3A_957 : i32
    }
    %scan3A_451 = arith.constant 39 : i32
    %dma_wait3A_452 = arith.constant 0 : i32
    %dma_wait3A_453 = arith.constant 0 : i32
    %dma_wait3A_454 = tpu.memref_slice %arg2[%dma_wait3A_452, %dma_wait3A_453] : memref<10000x128xf32, #tpu.memory_space<hbm>> -> memref<10000x128xf32, #tpu.memory_space<hbm>>
    tpu.wait_indirect_dma semaphore(%arg24 : memref<!tpu.dma_semaphore, #tpu.memory_space<semaphore_mem>>) src(%dma_wait3A_454 : memref<10000x128xf32, #tpu.memory_space<hbm>>) dst(%arg19 : memref<80x128xf32, #tpu.memory_space<vmem>>)
    "tpu.region"() ({
      %run_scoped3A = tpu.sem_alloc : memref<!tpu.dma_semaphore, #tpu.memory_space<semaphore_mem>>
      %dma_start3A_699 = arith.constant 0 : i32
      %dma_start3A_700 = arith.constant 0 : i32
      %dma_start3A_701 = tpu.memref_slice %arg6[%dma_start3A_699, %dma_start3A_700] : memref<10240x128xf32, #tpu.memory_space<vmem_shared>> -> memref<10240x128xf32, #tpu.memory_space<vmem_shared>>
      tpu.enqueue_indirect_dma source(%arg19 : memref<80x128xf32, #tpu.memory_space<vmem>>) target(%dma_start3A_701 : memref<10240x128xf32, #tpu.memory_space<vmem_shared>>) offsets(%arg13 : memref<80xi32, #tpu.memory_space<vmem>>) semaphore(%run_scoped3A : memref<!tpu.dma_semaphore, #tpu.memory_space<semaphore_mem>>) {add = true}
      %dma_wait3A_702 = arith.constant 0 : i32
      %dma_wait3A_703 = arith.constant 0 : i32
      %dma_wait3A_704 = tpu.memref_slice %arg6[%dma_wait3A_702, %dma_wait3A_703] : memref<10240x128xf32, #tpu.memory_space<vmem_shared>> -> memref<10240x128xf32, #tpu.memory_space<vmem_shared>>
      tpu.wait_indirect_dma semaphore(%run_scoped3A : memref<!tpu.dma_semaphore, #tpu.memory_space<semaphore_mem>>) src(%arg19 : memref<80x128xf32, #tpu.memory_space<vmem>>) dst(%dma_wait3A_704 : memref<10240x128xf32, #tpu.memory_space<vmem_shared>>)
      tpu.yield
    }) : () -> ()
    "tpu.region"() ({
      %run_scoped3A = tpu.sem_alloc : memref<!tpu.dma_semaphore, #tpu.memory_space<semaphore_mem>>
      %dma_start3A_699 = arith.constant 0 : i32
      %dma_start3A_700 = tpu.memref_slice %arg7[%dma_start3A_699] : memref<10240xf32, #tpu.memory_space<vmem_shared>> -> memref<10240xf32, #tpu.memory_space<vmem_shared>>
      tpu.enqueue_indirect_dma source(%arg20 : memref<80xf32, #tpu.memory_space<vmem>>) target(%dma_start3A_700 : memref<10240xf32, #tpu.memory_space<vmem_shared>>) offsets(%arg13 : memref<80xi32, #tpu.memory_space<vmem>>) semaphore(%run_scoped3A : memref<!tpu.dma_semaphore, #tpu.memory_space<semaphore_mem>>) {add = true}
      %dma_wait3A_701 = arith.constant 0 : i32
      %dma_wait3A_702 = tpu.memref_slice %arg7[%dma_wait3A_701] : memref<10240xf32, #tpu.memory_space<vmem_shared>> -> memref<10240xf32, #tpu.memory_space<vmem_shared>>
      tpu.wait_indirect_dma semaphore(%run_scoped3A : memref<!tpu.dma_semaphore, #tpu.memory_space<semaphore_mem>>) src(%arg20 : memref<80xf32, #tpu.memory_space<vmem>>) dst(%dma_wait3A_702 : memref<10240xf32, #tpu.memory_space<vmem_shared>>)
      tpu.yield
    }) : () -> ()
    %dma_wait3A_455 = arith.constant 0 : i32
    %dma_wait3A_456 = tpu.memref_slice %arg3[%dma_wait3A_455] : memref<320000xi32, #tpu.memory_space<hbm>> -> memref<80xi32, #tpu.memory_space<hbm>>
    %dma_wait3A_457 = arith.constant 0 : i32
    %dma_wait3A_458 = tpu.memref_slice %arg3[%dma_wait3A_457] : memref<320000xi32, #tpu.memory_space<hbm>> -> memref<80xi32, #tpu.memory_space<hbm>>
    tpu.wait_dma2 semaphore(%arg27 : memref<!tpu.dma_semaphore, #tpu.memory_space<semaphore_mem>>) src(%dma_wait3A_458 : memref<80xi32, #tpu.memory_space<hbm>>) dst(%arg16 : memref<80xi32, #tpu.memory_space<vmem>>)
    %get3A_459 = arith.constant 0 : index
    %get3A_460 = tpu.vector_load %arg16[%get3A_459] {strides = array<i32>} : memref<80xi32, #tpu.memory_space<vmem>>, vector<16xi32>,
    %get3A_461 = vector.shape_cast %get3A_460 : vector<16xi32> to vector<16xi32>
    %and3A_462 = arith.andi %get3A_461, %broadcast_in_dim3A_5 : vector<16xi32>
    %swap3A_463 = arith.constant 0 : index
    %swap3A_464 = tpu.vector_load %arg12[%swap3A_463] {strides = array<i32>} : memref<80xi32, #tpu.memory_space<vmem>>, vector<16xi32>,
    %swap3A_465 = vector.shape_cast %swap3A_464 : vector<16xi32> to vector<16xi32>
    %swap3A_466 = vector.shape_cast %and3A_462 : vector<16xi32> to vector<16xi32>
    tpu.vector_store %arg12[%swap3A_463], %swap3A_466 {strides = array<i32>} : memref<80xi32, #tpu.memory_space<vmem>>, vector<16xi32>,
    %shift_right_logical3A_467 = arith.shrui %get3A_461, %broadcast_in_dim3A_7 : vector<16xi32>
    %swap3A_468 = arith.constant 0 : index
    %swap3A_469 = tpu.vector_load %arg13[%swap3A_468] {strides = array<i32>} : memref<80xi32, #tpu.memory_space<vmem>>, vector<16xi32>,
    %swap3A_470 = vector.shape_cast %swap3A_469 : vector<16xi32> to vector<16xi32>
    %swap3A_471 = vector.shape_cast %shift_right_logical3A_467 : vector<16xi32> to vector<16xi32>
    tpu.vector_store %arg13[%swap3A_468], %swap3A_471 {strides = array<i32>} : memref<80xi32, #tpu.memory_space<vmem>>, vector<16xi32>,
    %get3A_472 = arith.constant 16 : index
    %get3A_473 = tpu.vector_load %arg16[%get3A_472] {strides = array<i32>} : memref<80xi32, #tpu.memory_space<vmem>>, vector<16xi32>,
    %get3A_474 = vector.shape_cast %get3A_473 : vector<16xi32> to vector<16xi32>
    %and3A_475 = arith.andi %get3A_474, %broadcast_in_dim3A_5 : vector<16xi32>
    %swap3A_476 = arith.constant 16 : index
    %swap3A_477 = tpu.vector_load %arg12[%swap3A_476] {strides = array<i32>} : memref<80xi32, #tpu.memory_space<vmem>>, vector<16xi32>,
    %swap3A_478 = vector.shape_cast %swap3A_477 : vector<16xi32> to vector<16xi32>
    %swap3A_479 = vector.shape_cast %and3A_475 : vector<16xi32> to vector<16xi32>
    tpu.vector_store %arg12[%swap3A_476], %swap3A_479 {strides = array<i32>} : memref<80xi32, #tpu.memory_space<vmem>>, vector<16xi32>,
    %shift_right_logical3A_480 = arith.shrui %get3A_474, %broadcast_in_dim3A_7 : vector<16xi32>
    %swap3A_481 = arith.constant 16 : index
    %swap3A_482 = tpu.vector_load %arg13[%swap3A_481] {strides = array<i32>} : memref<80xi32, #tpu.memory_space<vmem>>, vector<16xi32>,
    %swap3A_483 = vector.shape_cast %swap3A_482 : vector<16xi32> to vector<16xi32>
    %swap3A_484 = vector.shape_cast %shift_right_logical3A_480 : vector<16xi32> to vector<16xi32>
    tpu.vector_store %arg13[%swap3A_481], %swap3A_484 {strides = array<i32>} : memref<80xi32, #tpu.memory_space<vmem>>, vector<16xi32>,
    %get3A_485 = arith.constant 32 : index
    %get3A_486 = tpu.vector_load %arg16[%get3A_485] {strides = array<i32>} : memref<80xi32, #tpu.memory_space<vmem>>, vector<16xi32>,
    %get3A_487 = vector.shape_cast %get3A_486 : vector<16xi32> to vector<16xi32>
    %and3A_488 = arith.andi %get3A_487, %broadcast_in_dim3A_5 : vector<16xi32>
    %swap3A_489 = arith.constant 32 : index
    %swap3A_490 = tpu.vector_load %arg12[%swap3A_489] {strides = array<i32>} : memref<80xi32, #tpu.memory_space<vmem>>, vector<16xi32>,
    %swap3A_491 = vector.shape_cast %swap3A_490 : vector<16xi32> to vector<16xi32>
    %swap3A_492 = vector.shape_cast %and3A_488 : vector<16xi32> to vector<16xi32>
    tpu.vector_store %arg12[%swap3A_489], %swap3A_492 {strides = array<i32>} : memref<80xi32, #tpu.memory_space<vmem>>, vector<16xi32>,
    %shift_right_logical3A_493 = arith.shrui %get3A_487, %broadcast_in_dim3A_7 : vector<16xi32>
    %swap3A_494 = arith.constant 32 : index
    %swap3A_495 = tpu.vector_load %arg13[%swap3A_494] {strides = array<i32>} : memref<80xi32, #tpu.memory_space<vmem>>, vector<16xi32>,
    %swap3A_496 = vector.shape_cast %swap3A_495 : vector<16xi32> to vector<16xi32>
    %swap3A_497 = vector.shape_cast %shift_right_logical3A_493 : vector<16xi32> to vector<16xi32>
    tpu.vector_store %arg13[%swap3A_494], %swap3A_497 {strides = array<i32>} : memref<80xi32, #tpu.memory_space<vmem>>, vector<16xi32>,
    %get3A_498 = arith.constant 48 : index
    %get3A_499 = tpu.vector_load %arg16[%get3A_498] {strides = array<i32>} : memref<80xi32, #tpu.memory_space<vmem>>, vector<16xi32>,
    %get3A_500 = vector.shape_cast %get3A_499 : vector<16xi32> to vector<16xi32>
    %and3A_501 = arith.andi %get3A_500, %broadcast_in_dim3A_5 : vector<16xi32>
    %swap3A_502 = arith.constant 48 : index
    %swap3A_503 = tpu.vector_load %arg12[%swap3A_502] {strides = array<i32>} : memref<80xi32, #tpu.memory_space<vmem>>, vector<16xi32>,
    %swap3A_504 = vector.shape_cast %swap3A_503 : vector<16xi32> to vector<16xi32>
    %swap3A_505 = vector.shape_cast %and3A_501 : vector<16xi32> to vector<16xi32>
    tpu.vector_store %arg12[%swap3A_502], %swap3A_505 {strides = array<i32>} : memref<80xi32, #tpu.memory_space<vmem>>, vector<16xi32>,
    %shift_right_logical3A_506 = arith.shrui %get3A_500, %broadcast_in_dim3A_7 : vector<16xi32>
    %swap3A_507 = arith.constant 48 : index
    %swap3A_508 = tpu.vector_load %arg13[%swap3A_507] {strides = array<i32>} : memref<80xi32, #tpu.memory_space<vmem>>, vector<16xi32>,
    %swap3A_509 = vector.shape_cast %swap3A_508 : vector<16xi32> to vector<16xi32>
    %swap3A_510 = vector.shape_cast %shift_right_logical3A_506 : vector<16xi32> to vector<16xi32>
    tpu.vector_store %arg13[%swap3A_507], %swap3A_510 {strides = array<i32>} : memref<80xi32, #tpu.memory_space<vmem>>, vector<16xi32>,
    %get3A_511 = arith.constant 64 : index
    %get3A_512 = tpu.vector_load %arg16[%get3A_511] {strides = array<i32>} : memref<80xi32, #tpu.memory_space<vmem>>, vector<16xi32>,
    %get3A_513 = vector.shape_cast %get3A_512 : vector<16xi32> to vector<16xi32>
    %and3A_514 = arith.andi %get3A_513, %broadcast_in_dim3A_5 : vector<16xi32>
    %swap3A_515 = arith.constant 64 : index
    %swap3A_516 = tpu.vector_load %arg12[%swap3A_515] {strides = array<i32>} : memref<80xi32, #tpu.memory_space<vmem>>, vector<16xi32>,
    %swap3A_517 = vector.shape_cast %swap3A_516 : vector<16xi32> to vector<16xi32>
    %swap3A_518 = vector.shape_cast %and3A_514 : vector<16xi32> to vector<16xi32>
    tpu.vector_store %arg12[%swap3A_515], %swap3A_518 {strides = array<i32>} : memref<80xi32, #tpu.memory_space<vmem>>, vector<16xi32>,
    %shift_right_logical3A_519 = arith.shrui %get3A_513, %broadcast_in_dim3A_7 : vector<16xi32>
    %swap3A_520 = arith.constant 64 : index
    %swap3A_521 = tpu.vector_load %arg13[%swap3A_520] {strides = array<i32>} : memref<80xi32, #tpu.memory_space<vmem>>, vector<16xi32>,
    %swap3A_522 = vector.shape_cast %swap3A_521 : vector<16xi32> to vector<16xi32>
    %swap3A_523 = vector.shape_cast %shift_right_logical3A_519 : vector<16xi32> to vector<16xi32>
    tpu.vector_store %arg13[%swap3A_520], %swap3A_523 {strides = array<i32>} : memref<80xi32, #tpu.memory_space<vmem>>, vector<16xi32>,
    %dma_start3A_524 = arith.constant 0 : i32
    %dma_start3A_525 = arith.constant 0 : i32
    %dma_start3A_526 = tpu.memref_slice %arg2[%dma_start3A_524, %dma_start3A_525] : memref<10000x128xf32, #tpu.memory_space<hbm>> -> memref<10000x128xf32, #tpu.memory_space<hbm>>
    tpu.enqueue_indirect_dma source(%dma_start3A_526 : memref<10000x128xf32, #tpu.memory_space<hbm>>) target(%arg19 : memref<80x128xf32, #tpu.memory_space<vmem>>) offsets(%arg12 : memref<80xi32, #tpu.memory_space<vmem>>) semaphore(%arg24 : memref<!tpu.dma_semaphore, #tpu.memory_space<semaphore_mem>>)
    %dma_wait3A_527 = arith.constant 0 : i32
    %dma_wait3A_528 = arith.constant 0 : i32
    %dma_wait3A_529 = tpu.memref_slice %arg2[%dma_wait3A_527, %dma_wait3A_528] : memref<10000x128xf32, #tpu.memory_space<hbm>> -> memref<10000x128xf32, #tpu.memory_space<hbm>>
    tpu.wait_indirect_dma semaphore(%arg22 : memref<!tpu.dma_semaphore, #tpu.memory_space<semaphore_mem>>) src(%dma_wait3A_529 : memref<10000x128xf32, #tpu.memory_space<hbm>>) dst(%arg17 : memref<80x128xf32, #tpu.memory_space<vmem>>)
    "tpu.region"() ({
      %run_scoped3A = tpu.sem_alloc : memref<!tpu.dma_semaphore, #tpu.memory_space<semaphore_mem>>
      %dma_start3A_699 = arith.constant 0 : i32
      %dma_start3A_700 = arith.constant 0 : i32
      %dma_start3A_701 = tpu.memref_slice %arg6[%dma_start3A_699, %dma_start3A_700] : memref<10240x128xf32, #tpu.memory_space<vmem_shared>> -> memref<10240x128xf32, #tpu.memory_space<vmem_shared>>
      tpu.enqueue_indirect_dma source(%arg17 : memref<80x128xf32, #tpu.memory_space<vmem>>) target(%dma_start3A_701 : memref<10240x128xf32, #tpu.memory_space<vmem_shared>>) offsets(%arg9 : memref<80xi32, #tpu.memory_space<vmem>>) semaphore(%run_scoped3A : memref<!tpu.dma_semaphore, #tpu.memory_space<semaphore_mem>>) {add = true}
      %dma_wait3A_702 = arith.constant 0 : i32
      %dma_wait3A_703 = arith.constant 0 : i32
      %dma_wait3A_704 = tpu.memref_slice %arg6[%dma_wait3A_702, %dma_wait3A_703] : memref<10240x128xf32, #tpu.memory_space<vmem_shared>> -> memref<10240x128xf32, #tpu.memory_space<vmem_shared>>
      tpu.wait_indirect_dma semaphore(%run_scoped3A : memref<!tpu.dma_semaphore, #tpu.memory_space<semaphore_mem>>) src(%arg17 : memref<80x128xf32, #tpu.memory_space<vmem>>) dst(%dma_wait3A_704 : memref<10240x128xf32, #tpu.memory_space<vmem_shared>>)
      tpu.yield
    }) : () -> ()
    "tpu.region"() ({
      %run_scoped3A = tpu.sem_alloc : memref<!tpu.dma_semaphore, #tpu.memory_space<semaphore_mem>>
      %dma_start3A_699 = arith.constant 0 : i32
      %dma_start3A_700 = tpu.memref_slice %arg7[%dma_start3A_699] : memref<10240xf32, #tpu.memory_space<vmem_shared>> -> memref<10240xf32, #tpu.memory_space<vmem_shared>>
      tpu.enqueue_indirect_dma source(%arg20 : memref<80xf32, #tpu.memory_space<vmem>>) target(%dma_start3A_700 : memref<10240xf32, #tpu.memory_space<vmem_shared>>) offsets(%arg9 : memref<80xi32, #tpu.memory_space<vmem>>) semaphore(%run_scoped3A : memref<!tpu.dma_semaphore, #tpu.memory_space<semaphore_mem>>) {add = true}
      %dma_wait3A_701 = arith.constant 0 : i32
      %dma_wait3A_702 = tpu.memref_slice %arg7[%dma_wait3A_701] : memref<10240xf32, #tpu.memory_space<vmem_shared>> -> memref<10240xf32, #tpu.memory_space<vmem_shared>>
      tpu.wait_indirect_dma semaphore(%run_scoped3A : memref<!tpu.dma_semaphore, #tpu.memory_space<semaphore_mem>>) src(%arg20 : memref<80xf32, #tpu.memory_space<vmem>>) dst(%dma_wait3A_702 : memref<10240xf32, #tpu.memory_space<vmem_shared>>)
      tpu.yield
    }) : () -> ()
    %dma_wait3A_530 = arith.constant 0 : i32
    %dma_wait3A_531 = tpu.memref_slice %arg3[%dma_wait3A_530] : memref<320000xi32, #tpu.memory_space<hbm>> -> memref<80xi32, #tpu.memory_space<hbm>>
    %dma_wait3A_532 = arith.constant 0 : i32
    %dma_wait3A_533 = tpu.memref_slice %arg3[%dma_wait3A_532] : memref<320000xi32, #tpu.memory_space<hbm>> -> memref<80xi32, #tpu.memory_space<hbm>>
    tpu.wait_dma2 semaphore(%arg25 : memref<!tpu.dma_semaphore, #tpu.memory_space<semaphore_mem>>) src(%dma_wait3A_533 : memref<80xi32, #tpu.memory_space<hbm>>) dst(%arg14 : memref<80xi32, #tpu.memory_space<vmem>>)
    %get3A_534 = arith.constant 0 : index
    %get3A_535 = tpu.vector_load %arg14[%get3A_534] {strides = array<i32>} : memref<80xi32, #tpu.memory_space<vmem>>, vector<16xi32>,
    %get3A_536 = vector.shape_cast %get3A_535 : vector<16xi32> to vector<16xi32>
    %and3A_537 = arith.andi %get3A_536, %broadcast_in_dim3A_5 : vector<16xi32>
    %swap3A_538 = arith.constant 0 : index
    %swap3A_539 = tpu.vector_load %arg8[%swap3A_538] {strides = array<i32>} : memref<80xi32, #tpu.memory_space<vmem>>, vector<16xi32>,
    %swap3A_540 = vector.shape_cast %swap3A_539 : vector<16xi32> to vector<16xi32>
    %swap3A_541 = vector.shape_cast %and3A_537 : vector<16xi32> to vector<16xi32>
    tpu.vector_store %arg8[%swap3A_538], %swap3A_541 {strides = array<i32>} : memref<80xi32, #tpu.memory_space<vmem>>, vector<16xi32>,
    %shift_right_logical3A_542 = arith.shrui %get3A_536, %broadcast_in_dim3A_7 : vector<16xi32>
    %swap3A_543 = arith.constant 0 : index
    %swap3A_544 = tpu.vector_load %arg9[%swap3A_543] {strides = array<i32>} : memref<80xi32, #tpu.memory_space<vmem>>, vector<16xi32>,
    %swap3A_545 = vector.shape_cast %swap3A_544 : vector<16xi32> to vector<16xi32>
    %swap3A_546 = vector.shape_cast %shift_right_logical3A_542 : vector<16xi32> to vector<16xi32>
    tpu.vector_store %arg9[%swap3A_543], %swap3A_546 {strides = array<i32>} : memref<80xi32, #tpu.memory_space<vmem>>, vector<16xi32>,
    %get3A_547 = arith.constant 16 : index
    %get3A_548 = tpu.vector_load %arg14[%get3A_547] {strides = array<i32>} : memref<80xi32, #tpu.memory_space<vmem>>, vector<16xi32>,
    %get3A_549 = vector.shape_cast %get3A_548 : vector<16xi32> to vector<16xi32>
    %and3A_550 = arith.andi %get3A_549, %broadcast_in_dim3A_5 : vector<16xi32>
    %swap3A_551 = arith.constant 16 : index
    %swap3A_552 = tpu.vector_load %arg8[%swap3A_551] {strides = array<i32>} : memref<80xi32, #tpu.memory_space<vmem>>, vector<16xi32>,
    %swap3A_553 = vector.shape_cast %swap3A_552 : vector<16xi32> to vector<16xi32>
    %swap3A_554 = vector.shape_cast %and3A_550 : vector<16xi32> to vector<16xi32>
    tpu.vector_store %arg8[%swap3A_551], %swap3A_554 {strides = array<i32>} : memref<80xi32, #tpu.memory_space<vmem>>, vector<16xi32>,
    %shift_right_logical3A_555 = arith.shrui %get3A_549, %broadcast_in_dim3A_7 : vector<16xi32>
    %swap3A_556 = arith.constant 16 : index
    %swap3A_557 = tpu.vector_load %arg9[%swap3A_556] {strides = array<i32>} : memref<80xi32, #tpu.memory_space<vmem>>, vector<16xi32>,
    %swap3A_558 = vector.shape_cast %swap3A_557 : vector<16xi32> to vector<16xi32>
    %swap3A_559 = vector.shape_cast %shift_right_logical3A_555 : vector<16xi32> to vector<16xi32>
    tpu.vector_store %arg9[%swap3A_556], %swap3A_559 {strides = array<i32>} : memref<80xi32, #tpu.memory_space<vmem>>, vector<16xi32>,
    %get3A_560 = arith.constant 32 : index
    %get3A_561 = tpu.vector_load %arg14[%get3A_560] {strides = array<i32>} : memref<80xi32, #tpu.memory_space<vmem>>, vector<16xi32>,
    %get3A_562 = vector.shape_cast %get3A_561 : vector<16xi32> to vector<16xi32>
    %and3A_563 = arith.andi %get3A_562, %broadcast_in_dim3A_5 : vector<16xi32>
    %swap3A_564 = arith.constant 32 : index
    %swap3A_565 = tpu.vector_load %arg8[%swap3A_564] {strides = array<i32>} : memref<80xi32, #tpu.memory_space<vmem>>, vector<16xi32>,
    %swap3A_566 = vector.shape_cast %swap3A_565 : vector<16xi32> to vector<16xi32>
    %swap3A_567 = vector.shape_cast %and3A_563 : vector<16xi32> to vector<16xi32>
    tpu.vector_store %arg8[%swap3A_564], %swap3A_567 {strides = array<i32>} : memref<80xi32, #tpu.memory_space<vmem>>, vector<16xi32>,
    %shift_right_logical3A_568 = arith.shrui %get3A_562, %broadcast_in_dim3A_7 : vector<16xi32>
    %swap3A_569 = arith.constant 32 : index
    %swap3A_570 = tpu.vector_load %arg9[%swap3A_569] {strides = array<i32>} : memref<80xi32, #tpu.memory_space<vmem>>, vector<16xi32>,
    %swap3A_571 = vector.shape_cast %swap3A_570 : vector<16xi32> to vector<16xi32>
    %swap3A_572 = vector.shape_cast %shift_right_logical3A_568 : vector<16xi32> to vector<16xi32>
    tpu.vector_store %arg9[%swap3A_569], %swap3A_572 {strides = array<i32>} : memref<80xi32, #tpu.memory_space<vmem>>, vector<16xi32>,
    %get3A_573 = arith.constant 48 : index
    %get3A_574 = tpu.vector_load %arg14[%get3A_573] {strides = array<i32>} : memref<80xi32, #tpu.memory_space<vmem>>, vector<16xi32>,
    %get3A_575 = vector.shape_cast %get3A_574 : vector<16xi32> to vector<16xi32>
    %and3A_576 = arith.andi %get3A_575, %broadcast_in_dim3A_5 : vector<16xi32>
    %swap3A_577 = arith.constant 48 : index
    %swap3A_578 = tpu.vector_load %arg8[%swap3A_577] {strides = array<i32>} : memref<80xi32, #tpu.memory_space<vmem>>, vector<16xi32>,
    %swap3A_579 = vector.shape_cast %swap3A_578 : vector<16xi32> to vector<16xi32>
    %swap3A_580 = vector.shape_cast %and3A_576 : vector<16xi32> to vector<16xi32>
    tpu.vector_store %arg8[%swap3A_577], %swap3A_580 {strides = array<i32>} : memref<80xi32, #tpu.memory_space<vmem>>, vector<16xi32>,
    %shift_right_logical3A_581 = arith.shrui %get3A_575, %broadcast_in_dim3A_7 : vector<16xi32>
    %swap3A_582 = arith.constant 48 : index
    %swap3A_583 = tpu.vector_load %arg9[%swap3A_582] {strides = array<i32>} : memref<80xi32, #tpu.memory_space<vmem>>, vector<16xi32>,
    %swap3A_584 = vector.shape_cast %swap3A_583 : vector<16xi32> to vector<16xi32>
    %swap3A_585 = vector.shape_cast %shift_right_logical3A_581 : vector<16xi32> to vector<16xi32>
    tpu.vector_store %arg9[%swap3A_582], %swap3A_585 {strides = array<i32>} : memref<80xi32, #tpu.memory_space<vmem>>, vector<16xi32>,
    %get3A_586 = arith.constant 64 : index
    %get3A_587 = tpu.vector_load %arg14[%get3A_586] {strides = array<i32>} : memref<80xi32, #tpu.memory_space<vmem>>, vector<16xi32>,
    %get3A_588 = vector.shape_cast %get3A_587 : vector<16xi32> to vector<16xi32>
    %and3A_589 = arith.andi %get3A_588, %broadcast_in_dim3A_5 : vector<16xi32>
    %swap3A_590 = arith.constant 64 : index
    %swap3A_591 = tpu.vector_load %arg8[%swap3A_590] {strides = array<i32>} : memref<80xi32, #tpu.memory_space<vmem>>, vector<16xi32>,
    %swap3A_592 = vector.shape_cast %swap3A_591 : vector<16xi32> to vector<16xi32>
    %swap3A_593 = vector.shape_cast %and3A_589 : vector<16xi32> to vector<16xi32>
    tpu.vector_store %arg8[%swap3A_590], %swap3A_593 {strides = array<i32>} : memref<80xi32, #tpu.memory_space<vmem>>, vector<16xi32>,
    %shift_right_logical3A_594 = arith.shrui %get3A_588, %broadcast_in_dim3A_7 : vector<16xi32>
    %swap3A_595 = arith.constant 64 : index
    %swap3A_596 = tpu.vector_load %arg9[%swap3A_595] {strides = array<i32>} : memref<80xi32, #tpu.memory_space<vmem>>, vector<16xi32>,
    %swap3A_597 = vector.shape_cast %swap3A_596 : vector<16xi32> to vector<16xi32>
    %swap3A_598 = vector.shape_cast %shift_right_logical3A_594 : vector<16xi32> to vector<16xi32>
    tpu.vector_store %arg9[%swap3A_595], %swap3A_598 {strides = array<i32>} : memref<80xi32, #tpu.memory_space<vmem>>, vector<16xi32>,
    %dma_start3A_599 = arith.constant 0 : i32
    %dma_start3A_600 = arith.constant 0 : i32
    %dma_start3A_601 = tpu.memref_slice %arg2[%dma_start3A_599, %dma_start3A_600] : memref<10000x128xf32, #tpu.memory_space<hbm>> -> memref<10000x128xf32, #tpu.memory_space<hbm>>
    tpu.enqueue_indirect_dma source(%dma_start3A_601 : memref<10000x128xf32, #tpu.memory_space<hbm>>) target(%arg17 : memref<80x128xf32, #tpu.memory_space<vmem>>) offsets(%arg8 : memref<80xi32, #tpu.memory_space<vmem>>) semaphore(%arg22 : memref<!tpu.dma_semaphore, #tpu.memory_space<semaphore_mem>>)
    %dma_wait3A_602 = arith.constant 0 : i32
    %dma_wait3A_603 = arith.constant 0 : i32
    %dma_wait3A_604 = tpu.memref_slice %arg2[%dma_wait3A_602, %dma_wait3A_603] : memref<10000x128xf32, #tpu.memory_space<hbm>> -> memref<10000x128xf32, #tpu.memory_space<hbm>>
    tpu.wait_indirect_dma semaphore(%arg23 : memref<!tpu.dma_semaphore, #tpu.memory_space<semaphore_mem>>) src(%dma_wait3A_604 : memref<10000x128xf32, #tpu.memory_space<hbm>>) dst(%arg18 : memref<80x128xf32, #tpu.memory_space<vmem>>)
    "tpu.region"() ({
      %run_scoped3A = tpu.sem_alloc : memref<!tpu.dma_semaphore, #tpu.memory_space<semaphore_mem>>
      %dma_start3A_699 = arith.constant 0 : i32
      %dma_start3A_700 = arith.constant 0 : i32
      %dma_start3A_701 = tpu.memref_slice %arg6[%dma_start3A_699, %dma_start3A_700] : memref<10240x128xf32, #tpu.memory_space<vmem_shared>> -> memref<10240x128xf32, #tpu.memory_space<vmem_shared>>
      tpu.enqueue_indirect_dma source(%arg18 : memref<80x128xf32, #tpu.memory_space<vmem>>) target(%dma_start3A_701 : memref<10240x128xf32, #tpu.memory_space<vmem_shared>>) offsets(%arg11 : memref<80xi32, #tpu.memory_space<vmem>>) semaphore(%run_scoped3A : memref<!tpu.dma_semaphore, #tpu.memory_space<semaphore_mem>>) {add = true}
      %dma_wait3A_702 = arith.constant 0 : i32
      %dma_wait3A_703 = arith.constant 0 : i32
      %dma_wait3A_704 = tpu.memref_slice %arg6[%dma_wait3A_702, %dma_wait3A_703] : memref<10240x128xf32, #tpu.memory_space<vmem_shared>> -> memref<10240x128xf32, #tpu.memory_space<vmem_shared>>
      tpu.wait_indirect_dma semaphore(%run_scoped3A : memref<!tpu.dma_semaphore, #tpu.memory_space<semaphore_mem>>) src(%arg18 : memref<80x128xf32, #tpu.memory_space<vmem>>) dst(%dma_wait3A_704 : memref<10240x128xf32, #tpu.memory_space<vmem_shared>>)
      tpu.yield
    }) : () -> ()
    "tpu.region"() ({
      %run_scoped3A = tpu.sem_alloc : memref<!tpu.dma_semaphore, #tpu.memory_space<semaphore_mem>>
      %dma_start3A_699 = arith.constant 0 : i32
      %dma_start3A_700 = tpu.memref_slice %arg7[%dma_start3A_699] : memref<10240xf32, #tpu.memory_space<vmem_shared>> -> memref<10240xf32, #tpu.memory_space<vmem_shared>>
      tpu.enqueue_indirect_dma source(%arg20 : memref<80xf32, #tpu.memory_space<vmem>>) target(%dma_start3A_700 : memref<10240xf32, #tpu.memory_space<vmem_shared>>) offsets(%arg11 : memref<80xi32, #tpu.memory_space<vmem>>) semaphore(%run_scoped3A : memref<!tpu.dma_semaphore, #tpu.memory_space<semaphore_mem>>) {add = true}
      %dma_wait3A_701 = arith.constant 0 : i32
      %dma_wait3A_702 = tpu.memref_slice %arg7[%dma_wait3A_701] : memref<10240xf32, #tpu.memory_space<vmem_shared>> -> memref<10240xf32, #tpu.memory_space<vmem_shared>>
      tpu.wait_indirect_dma semaphore(%run_scoped3A : memref<!tpu.dma_semaphore, #tpu.memory_space<semaphore_mem>>) src(%arg20 : memref<80xf32, #tpu.memory_space<vmem>>) dst(%dma_wait3A_702 : memref<10240xf32, #tpu.memory_space<vmem_shared>>)
      tpu.yield
    }) : () -> ()
    %dma_wait3A_605 = arith.constant 0 : i32
    %dma_wait3A_606 = tpu.memref_slice %arg3[%dma_wait3A_605] : memref<320000xi32, #tpu.memory_space<hbm>> -> memref<80xi32, #tpu.memory_space<hbm>>
    %dma_wait3A_607 = arith.constant 0 : i32
    %dma_wait3A_608 = tpu.memref_slice %arg3[%dma_wait3A_607] : memref<320000xi32, #tpu.memory_space<hbm>> -> memref<80xi32, #tpu.memory_space<hbm>>
    tpu.wait_dma2 semaphore(%arg26 : memref<!tpu.dma_semaphore, #tpu.memory_space<semaphore_mem>>) src(%dma_wait3A_608 : memref<80xi32, #tpu.memory_space<hbm>>) dst(%arg15 : memref<80xi32, #tpu.memory_space<vmem>>)
    %get3A_609 = arith.constant 0 : index
    %get3A_610 = tpu.vector_load %arg15[%get3A_609] {strides = array<i32>} : memref<80xi32, #tpu.memory_space<vmem>>, vector<16xi32>,
    %get3A_611 = vector.shape_cast %get3A_610 : vector<16xi32> to vector<16xi32>
    %and3A_612 = arith.andi %get3A_611, %broadcast_in_dim3A_5 : vector<16xi32>
    %swap3A_613 = arith.constant 0 : index
    %swap3A_614 = tpu.vector_load %arg10[%swap3A_613] {strides = array<i32>} : memref<80xi32, #tpu.memory_space<vmem>>, vector<16xi32>,
    %swap3A_615 = vector.shape_cast %swap3A_614 : vector<16xi32> to vector<16xi32>
    %swap3A_616 = vector.shape_cast %and3A_612 : vector<16xi32> to vector<16xi32>
    tpu.vector_store %arg10[%swap3A_613], %swap3A_616 {strides = array<i32>} : memref<80xi32, #tpu.memory_space<vmem>>, vector<16xi32>,
    %shift_right_logical3A_617 = arith.shrui %get3A_611, %broadcast_in_dim3A_7 : vector<16xi32>
    %swap3A_618 = arith.constant 0 : index
    %swap3A_619 = tpu.vector_load %arg11[%swap3A_618] {strides = array<i32>} : memref<80xi32, #tpu.memory_space<vmem>>, vector<16xi32>,
    %swap3A_620 = vector.shape_cast %swap3A_619 : vector<16xi32> to vector<16xi32>
    %swap3A_621 = vector.shape_cast %shift_right_logical3A_617 : vector<16xi32> to vector<16xi32>
    tpu.vector_store %arg11[%swap3A_618], %swap3A_621 {strides = array<i32>} : memref<80xi32, #tpu.memory_space<vmem>>, vector<16xi32>,
    %get3A_622 = arith.constant 16 : index
    %get3A_623 = tpu.vector_load %arg15[%get3A_622] {strides = array<i32>} : memref<80xi32, #tpu.memory_space<vmem>>, vector<16xi32>,
    %get3A_624 = vector.shape_cast %get3A_623 : vector<16xi32> to vector<16xi32>
    %and3A_625 = arith.andi %get3A_624, %broadcast_in_dim3A_5 : vector<16xi32>
    %swap3A_626 = arith.constant 16 : index
    %swap3A_627 = tpu.vector_load %arg10[%swap3A_626] {strides = array<i32>} : memref<80xi32, #tpu.memory_space<vmem>>, vector<16xi32>,
    %swap3A_628 = vector.shape_cast %swap3A_627 : vector<16xi32> to vector<16xi32>
    %swap3A_629 = vector.shape_cast %and3A_625 : vector<16xi32> to vector<16xi32>
    tpu.vector_store %arg10[%swap3A_626], %swap3A_629 {strides = array<i32>} : memref<80xi32, #tpu.memory_space<vmem>>, vector<16xi32>,
    %shift_right_logical3A_630 = arith.shrui %get3A_624, %broadcast_in_dim3A_7 : vector<16xi32>
    %swap3A_631 = arith.constant 16 : index
    %swap3A_632 = tpu.vector_load %arg11[%swap3A_631] {strides = array<i32>} : memref<80xi32, #tpu.memory_space<vmem>>, vector<16xi32>,
    %swap3A_633 = vector.shape_cast %swap3A_632 : vector<16xi32> to vector<16xi32>
    %swap3A_634 = vector.shape_cast %shift_right_logical3A_630 : vector<16xi32> to vector<16xi32>
    tpu.vector_store %arg11[%swap3A_631], %swap3A_634 {strides = array<i32>} : memref<80xi32, #tpu.memory_space<vmem>>, vector<16xi32>,
    %get3A_635 = arith.constant 32 : index
    %get3A_636 = tpu.vector_load %arg15[%get3A_635] {strides = array<i32>} : memref<80xi32, #tpu.memory_space<vmem>>, vector<16xi32>,
    %get3A_637 = vector.shape_cast %get3A_636 : vector<16xi32> to vector<16xi32>
    %and3A_638 = arith.andi %get3A_637, %broadcast_in_dim3A_5 : vector<16xi32>
    %swap3A_639 = arith.constant 32 : index
    %swap3A_640 = tpu.vector_load %arg10[%swap3A_639] {strides = array<i32>} : memref<80xi32, #tpu.memory_space<vmem>>, vector<16xi32>,
    %swap3A_641 = vector.shape_cast %swap3A_640 : vector<16xi32> to vector<16xi32>
    %swap3A_642 = vector.shape_cast %and3A_638 : vector<16xi32> to vector<16xi32>
    tpu.vector_store %arg10[%swap3A_639], %swap3A_642 {strides = array<i32>} : memref<80xi32, #tpu.memory_space<vmem>>, vector<16xi32>,
    %shift_right_logical3A_643 = arith.shrui %get3A_637, %broadcast_in_dim3A_7 : vector<16xi32>
    %swap3A_644 = arith.constant 32 : index
    %swap3A_645 = tpu.vector_load %arg11[%swap3A_644] {strides = array<i32>} : memref<80xi32, #tpu.memory_space<vmem>>, vector<16xi32>,
    %swap3A_646 = vector.shape_cast %swap3A_645 : vector<16xi32> to vector<16xi32>
    %swap3A_647 = vector.shape_cast %shift_right_logical3A_643 : vector<16xi32> to vector<16xi32>
    tpu.vector_store %arg11[%swap3A_644], %swap3A_647 {strides = array<i32>} : memref<80xi32, #tpu.memory_space<vmem>>, vector<16xi32>,
    %get3A_648 = arith.constant 48 : index
    %get3A_649 = tpu.vector_load %arg15[%get3A_648] {strides = array<i32>} : memref<80xi32, #tpu.memory_space<vmem>>, vector<16xi32>,
    %get3A_650 = vector.shape_cast %get3A_649 : vector<16xi32> to vector<16xi32>
    %and3A_651 = arith.andi %get3A_650, %broadcast_in_dim3A_5 : vector<16xi32>
    %swap3A_652 = arith.constant 48 : index
    %swap3A_653 = tpu.vector_load %arg10[%swap3A_652] {strides = array<i32>} : memref<80xi32, #tpu.memory_space<vmem>>, vector<16xi32>,
    %swap3A_654 = vector.shape_cast %swap3A_653 : vector<16xi32> to vector<16xi32>
    %swap3A_655 = vector.shape_cast %and3A_651 : vector<16xi32> to vector<16xi32>
    tpu.vector_store %arg10[%swap3A_652], %swap3A_655 {strides = array<i32>} : memref<80xi32, #tpu.memory_space<vmem>>, vector<16xi32>,
    %shift_right_logical3A_656 = arith.shrui %get3A_650, %broadcast_in_dim3A_7 : vector<16xi32>
    %swap3A_657 = arith.constant 48 : index
    %swap3A_658 = tpu.vector_load %arg11[%swap3A_657] {strides = array<i32>} : memref<80xi32, #tpu.memory_space<vmem>>, vector<16xi32>,
    %swap3A_659 = vector.shape_cast %swap3A_658 : vector<16xi32> to vector<16xi32>
    %swap3A_660 = vector.shape_cast %shift_right_logical3A_656 : vector<16xi32> to vector<16xi32>
    tpu.vector_store %arg11[%swap3A_657], %swap3A_660 {strides = array<i32>} : memref<80xi32, #tpu.memory_space<vmem>>, vector<16xi32>,
    %get3A_661 = arith.constant 64 : index
    %get3A_662 = tpu.vector_load %arg15[%get3A_661] {strides = array<i32>} : memref<80xi32, #tpu.memory_space<vmem>>, vector<16xi32>,
    %get3A_663 = vector.shape_cast %get3A_662 : vector<16xi32> to vector<16xi32>
    %and3A_664 = arith.andi %get3A_663, %broadcast_in_dim3A_5 : vector<16xi32>
    %swap3A_665 = arith.constant 64 : index
    %swap3A_666 = tpu.vector_load %arg10[%swap3A_665] {strides = array<i32>} : memref<80xi32, #tpu.memory_space<vmem>>, vector<16xi32>,
    %swap3A_667 = vector.shape_cast %swap3A_666 : vector<16xi32> to vector<16xi32>
    %swap3A_668 = vector.shape_cast %and3A_664 : vector<16xi32> to vector<16xi32>
    tpu.vector_store %arg10[%swap3A_665], %swap3A_668 {strides = array<i32>} : memref<80xi32, #tpu.memory_space<vmem>>, vector<16xi32>,
    %shift_right_logical3A_669 = arith.shrui %get3A_663, %broadcast_in_dim3A_7 : vector<16xi32>
    %swap3A_670 = arith.constant 64 : index
    %swap3A_671 = tpu.vector_load %arg11[%swap3A_670] {strides = array<i32>} : memref<80xi32, #tpu.memory_space<vmem>>, vector<16xi32>,
    %swap3A_672 = vector.shape_cast %swap3A_671 : vector<16xi32> to vector<16xi32>
    %swap3A_673 = vector.shape_cast %shift_right_logical3A_669 : vector<16xi32> to vector<16xi32>
    tpu.vector_store %arg11[%swap3A_670], %swap3A_673 {strides = array<i32>} : memref<80xi32, #tpu.memory_space<vmem>>, vector<16xi32>,
    %dma_start3A_674 = arith.constant 0 : i32
    %dma_start3A_675 = arith.constant 0 : i32
    %dma_start3A_676 = tpu.memref_slice %arg2[%dma_start3A_674, %dma_start3A_675] : memref<10000x128xf32, #tpu.memory_space<hbm>> -> memref<10000x128xf32, #tpu.memory_space<hbm>>
    tpu.enqueue_indirect_dma source(%dma_start3A_676 : memref<10000x128xf32, #tpu.memory_space<hbm>>) target(%arg18 : memref<80x128xf32, #tpu.memory_space<vmem>>) offsets(%arg10 : memref<80xi32, #tpu.memory_space<vmem>>) semaphore(%arg23 : memref<!tpu.dma_semaphore, #tpu.memory_space<semaphore_mem>>)
    %dma_wait3A_677 = arith.constant 0 : i32
    %dma_wait3A_678 = arith.constant 0 : i32
    %dma_wait3A_679 = tpu.memref_slice %arg2[%dma_wait3A_677, %dma_wait3A_678] : memref<10000x128xf32, #tpu.memory_space<hbm>> -> memref<10000x128xf32, #tpu.memory_space<hbm>>
    tpu.wait_indirect_dma semaphore(%arg24 : memref<!tpu.dma_semaphore, #tpu.memory_space<semaphore_mem>>) src(%dma_wait3A_679 : memref<10000x128xf32, #tpu.memory_space<hbm>>) dst(%arg19 : memref<80x128xf32, #tpu.memory_space<vmem>>)
    "tpu.region"() ({
      %run_scoped3A = tpu.sem_alloc : memref<!tpu.dma_semaphore, #tpu.memory_space<semaphore_mem>>
      %dma_start3A_699 = arith.constant 0 : i32
      %dma_start3A_700 = arith.constant 0 : i32
      %dma_start3A_701 = tpu.memref_slice %arg6[%dma_start3A_699, %dma_start3A_700] : memref<10240x128xf32, #tpu.memory_space<vmem_shared>> -> memref<10240x128xf32, #tpu.memory_space<vmem_shared>>
      tpu.enqueue_indirect_dma source(%arg19 : memref<80x128xf32, #tpu.memory_space<vmem>>) target(%dma_start3A_701 : memref<10240x128xf32, #tpu.memory_space<vmem_shared>>) offsets(%arg13 : memref<80xi32, #tpu.memory_space<vmem>>) semaphore(%run_scoped3A : memref<!tpu.dma_semaphore, #tpu.memory_space<semaphore_mem>>) {add = true}
      %dma_wait3A_702 = arith.constant 0 : i32
      %dma_wait3A_703 = arith.constant 0 : i32
      %dma_wait3A_704 = tpu.memref_slice %arg6[%dma_wait3A_702, %dma_wait3A_703] : memref<10240x128xf32, #tpu.memory_space<vmem_shared>> -> memref<10240x128xf32, #tpu.memory_space<vmem_shared>>
      tpu.wait_indirect_dma semaphore(%run_scoped3A : memref<!tpu.dma_semaphore, #tpu.memory_space<semaphore_mem>>) src(%arg19 : memref<80x128xf32, #tpu.memory_space<vmem>>) dst(%dma_wait3A_704 : memref<10240x128xf32, #tpu.memory_space<vmem_shared>>)
      tpu.yield
    }) : () -> ()
    "tpu.region"() ({
      %run_scoped3A = tpu.sem_alloc : memref<!tpu.dma_semaphore, #tpu.memory_space<semaphore_mem>>
      %dma_start3A_699 = arith.constant 0 : i32
      %dma_start3A_700 = tpu.memref_slice %arg7[%dma_start3A_699] : memref<10240xf32, #tpu.memory_space<vmem_shared>> -> memref<10240xf32, #tpu.memory_space<vmem_shared>>
      tpu.enqueue_indirect_dma source(%arg20 : memref<80xf32, #tpu.memory_space<vmem>>) target(%dma_start3A_700 : memref<10240xf32, #tpu.memory_space<vmem_shared>>) offsets(%arg13 : memref<80xi32, #tpu.memory_space<vmem>>) semaphore(%run_scoped3A : memref<!tpu.dma_semaphore, #tpu.memory_space<semaphore_mem>>) {add = true}
      %dma_wait3A_701 = arith.constant 0 : i32
      %dma_wait3A_702 = tpu.memref_slice %arg7[%dma_wait3A_701] : memref<10240xf32, #tpu.memory_space<vmem_shared>> -> memref<10240xf32, #tpu.memory_space<vmem_shared>>
      tpu.wait_indirect_dma semaphore(%run_scoped3A : memref<!tpu.dma_semaphore, #tpu.memory_space<semaphore_mem>>) src(%arg20 : memref<80xf32, #tpu.memory_space<vmem>>) dst(%dma_wait3A_702 : memref<10240xf32, #tpu.memory_space<vmem_shared>>)
      tpu.yield
    }) : () -> ()
    %dma_wait3A_680 = arith.constant 0 : i32
    %dma_wait3A_681 = arith.constant 0 : i32
    %dma_wait3A_682 = tpu.memref_slice %arg2[%dma_wait3A_680, %dma_wait3A_681] : memref<10000x128xf32, #tpu.memory_space<hbm>> -> memref<10000x128xf32, #tpu.memory_space<hbm>>
    tpu.wait_indirect_dma semaphore(%arg22 : memref<!tpu.dma_semaphore, #tpu.memory_space<semaphore_mem>>) src(%dma_wait3A_682 : memref<10000x128xf32, #tpu.memory_space<hbm>>) dst(%arg17 : memref<80x128xf32, #tpu.memory_space<vmem>>)
    "tpu.region"() ({
      %run_scoped3A = tpu.sem_alloc : memref<!tpu.dma_semaphore, #tpu.memory_space<semaphore_mem>>
      %dma_start3A_699 = arith.constant 0 : i32
      %dma_start3A_700 = arith.constant 0 : i32
      %dma_start3A_701 = tpu.memref_slice %arg6[%dma_start3A_699, %dma_start3A_700] : memref<10240x128xf32, #tpu.memory_space<vmem_shared>> -> memref<10240x128xf32, #tpu.memory_space<vmem_shared>>
      tpu.enqueue_indirect_dma source(%arg17 : memref<80x128xf32, #tpu.memory_space<vmem>>) target(%dma_start3A_701 : memref<10240x128xf32, #tpu.memory_space<vmem_shared>>) offsets(%arg9 : memref<80xi32, #tpu.memory_space<vmem>>) semaphore(%run_scoped3A : memref<!tpu.dma_semaphore, #tpu.memory_space<semaphore_mem>>) {add = true}
      %dma_wait3A_702 = arith.constant 0 : i32
      %dma_wait3A_703 = arith.constant 0 : i32
      %dma_wait3A_704 = tpu.memref_slice %arg6[%dma_wait3A_702, %dma_wait3A_703] : memref<10240x128xf32, #tpu.memory_space<vmem_shared>> -> memref<10240x128xf32, #tpu.memory_space<vmem_shared>>
      tpu.wait_indirect_dma semaphore(%run_scoped3A : memref<!tpu.dma_semaphore, #tpu.memory_space<semaphore_mem>>) src(%arg17 : memref<80x128xf32, #tpu.memory_space<vmem>>) dst(%dma_wait3A_704 : memref<10240x128xf32, #tpu.memory_space<vmem_shared>>)
      tpu.yield
    }) : () -> ()
    "tpu.region"() ({
      %run_scoped3A = tpu.sem_alloc : memref<!tpu.dma_semaphore, #tpu.memory_space<semaphore_mem>>
      %dma_start3A_699 = arith.constant 0 : i32
      %dma_start3A_700 = tpu.memref_slice %arg7[%dma_start3A_699] : memref<10240xf32, #tpu.memory_space<vmem_shared>> -> memref<10240xf32, #tpu.memory_space<vmem_shared>>
      tpu.enqueue_indirect_dma source(%arg20 : memref<80xf32, #tpu.memory_space<vmem>>) target(%dma_start3A_700 : memref<10240xf32, #tpu.memory_space<vmem_shared>>) offsets(%arg9 : memref<80xi32, #tpu.memory_space<vmem>>) semaphore(%run_scoped3A : memref<!tpu.dma_semaphore, #tpu.memory_space<semaphore_mem>>) {add = true}
      %dma_wait3A_701 = arith.constant 0 : i32
      %dma_wait3A_702 = tpu.memref_slice %arg7[%dma_wait3A_701] : memref<10240xf32, #tpu.memory_space<vmem_shared>> -> memref<10240xf32, #tpu.memory_space<vmem_shared>>
      tpu.wait_indirect_dma semaphore(%run_scoped3A : memref<!tpu.dma_semaphore, #tpu.memory_space<semaphore_mem>>) src(%arg20 : memref<80xf32, #tpu.memory_space<vmem>>) dst(%dma_wait3A_702 : memref<10240xf32, #tpu.memory_space<vmem_shared>>)
      tpu.yield
    }) : () -> ()
    %dma_wait3A_683 = arith.constant 0 : i32
    %dma_wait3A_684 = arith.constant 0 : i32
    %dma_wait3A_685 = tpu.memref_slice %arg2[%dma_wait3A_683, %dma_wait3A_684] : memref<10000x128xf32, #tpu.memory_space<hbm>> -> memref<10000x128xf32, #tpu.memory_space<hbm>>
    tpu.wait_indirect_dma semaphore(%arg23 : memref<!tpu.dma_semaphore, #tpu.memory_space<semaphore_mem>>) src(%dma_wait3A_685 : memref<10000x128xf32, #tpu.memory_space<hbm>>) dst(%arg18 : memref<80x128xf32, #tpu.memory_space<vmem>>)
    "tpu.region"() ({
      %run_scoped3A = tpu.sem_alloc : memref<!tpu.dma_semaphore, #tpu.memory_space<semaphore_mem>>
      %dma_start3A_699 = arith.constant 0 : i32
      %dma_start3A_700 = arith.constant 0 : i32
      %dma_start3A_701 = tpu.memref_slice %arg6[%dma_start3A_699, %dma_start3A_700] : memref<10240x128xf32, #tpu.memory_space<vmem_shared>> -> memref<10240x128xf32, #tpu.memory_space<vmem_shared>>
      tpu.enqueue_indirect_dma source(%arg18 : memref<80x128xf32, #tpu.memory_space<vmem>>) target(%dma_start3A_701 : memref<10240x128xf32, #tpu.memory_space<vmem_shared>>) offsets(%arg11 : memref<80xi32, #tpu.memory_space<vmem>>) semaphore(%run_scoped3A : memref<!tpu.dma_semaphore, #tpu.memory_space<semaphore_mem>>) {add = true}
      %dma_wait3A_702 = arith.constant 0 : i32
      %dma_wait3A_703 = arith.constant 0 : i32
      %dma_wait3A_704 = tpu.memref_slice %arg6[%dma_wait3A_702, %dma_wait3A_703] : memref<10240x128xf32, #tpu.memory_space<vmem_shared>> -> memref<10240x128xf32, #tpu.memory_space<vmem_shared>>
      tpu.wait_indirect_dma semaphore(%run_scoped3A : memref<!tpu.dma_semaphore, #tpu.memory_space<semaphore_mem>>) src(%arg18 : memref<80x128xf32, #tpu.memory_space<vmem>>) dst(%dma_wait3A_704 : memref<10240x128xf32, #tpu.memory_space<vmem_shared>>)
      tpu.yield
    }) : () -> ()
    "tpu.region"() ({
      %run_scoped3A = tpu.sem_alloc : memref<!tpu.dma_semaphore, #tpu.memory_space<semaphore_mem>>
      %dma_start3A_699 = arith.constant 0 : i32
      %dma_start3A_700 = tpu.memref_slice %arg7[%dma_start3A_699] : memref<10240xf32, #tpu.memory_space<vmem_shared>> -> memref<10240xf32, #tpu.memory_space<vmem_shared>>
      tpu.enqueue_indirect_dma source(%arg20 : memref<80xf32, #tpu.memory_space<vmem>>) target(%dma_start3A_700 : memref<10240xf32, #tpu.memory_space<vmem_shared>>) offsets(%arg11 : memref<80xi32, #tpu.memory_space<vmem>>) semaphore(%run_scoped3A : memref<!tpu.dma_semaphore, #tpu.memory_space<semaphore_mem>>) {add = true}
      %dma_wait3A_701 = arith.constant 0 : i32
      %dma_wait3A_702 = tpu.memref_slice %arg7[%dma_wait3A_701] : memref<10240xf32, #tpu.memory_space<vmem_shared>> -> memref<10240xf32, #tpu.memory_space<vmem_shared>>
      tpu.wait_indirect_dma semaphore(%run_scoped3A : memref<!tpu.dma_semaphore, #tpu.memory_space<semaphore_mem>>) src(%arg20 : memref<80xf32, #tpu.memory_space<vmem>>) dst(%dma_wait3A_702 : memref<10240xf32, #tpu.memory_space<vmem_shared>>)
      tpu.yield
    }) : () -> ()
    %barrier3A_686 = arith.constant 0 : index
    tpu.barrier barrier_id(%barrier3A_686)
    %lt3A_687 = arith.constant 10 : i32
    %lt3A_688 = arith.cmpi slt, %arg1, %lt3A_687 : i32
    %convert_element_type3A_689 = arith.extui %lt3A_688 : i1 to i32
    %cond3A_690 = arith.constant 0 : i32
    %cond3A_691 = arith.cmpi ne, %convert_element_type3A_689, %cond3A_690 : i32
    scf.if %cond3A_691 {
      %mul3A_699 = arith.constant 10000 : i32
      %mul3A_700 = arith.muli %arg0, %mul3A_699 : i32
      %add3A_701 = arith.addi %mul3A_700, %mul3A_15 : i32
      "tpu.region"() ({
        %run_scoped3A = tpu.sem_alloc : memref<!tpu.dma_semaphore, #tpu.memory_space<semaphore_mem>>
        %dma_start3A_702 = arith.constant 0 : i32
        %dma_start3A_703 = tpu.memref_slice %arg4[%add3A_701, %dma_start3A_702] : memref<20000x128xf32, #tpu.memory_space<hbm>> -> memref<1000x128xf32, #tpu.memory_space<hbm>>
        %dma_start3A_704 = arith.constant 0 : i32
        %dma_start3A_705 = tpu.memref_slice %arg6[%mul3A_15, %dma_start3A_704] : memref<10240x128xf32, #tpu.memory_space<vmem_shared>> -> memref<1000x128xf32, #tpu.memory_space<vmem_shared>>
        tpu.enqueue_dma source(%dma_start3A_705 : memref<1000x128xf32, #tpu.memory_space<vmem_shared>>) target(%dma_start3A_703 : memref<1000x128xf32, #tpu.memory_space<hbm>>) target_semaphore(%run_scoped3A : memref<!tpu.dma_semaphore, #tpu.memory_space<semaphore_mem>>)
        %dma_wait3A_706 = arith.constant 0 : i32
        %dma_wait3A_707 = tpu.memref_slice %arg4[%add3A_701, %dma_wait3A_706] : memref<20000x128xf32, #tpu.memory_space<hbm>> -> memref<1000x128xf32, #tpu.memory_space<hbm>>
        %dma_wait3A_708 = arith.constant 0 : i32
        %dma_wait3A_709 = tpu.memref_slice %arg6[%mul3A_15, %dma_wait3A_708] : memref<10240x128xf32, #tpu.memory_space<vmem_shared>> -> memref<1000x128xf32, #tpu.memory_space<vmem_shared>>
        tpu.wait_dma2 semaphore(%run_scoped3A : memref<!tpu.dma_semaphore, #tpu.memory_space<semaphore_mem>>) src(%dma_wait3A_709 : memref<1000x128xf32, #tpu.memory_space<vmem_shared>>) dst(%dma_wait3A_707 : memref<1000x128xf32, #tpu.memory_space<hbm>>)
        tpu.yield
      }) : () -> ()
    } else {
    }
    %mul3A_692 = arith.constant 640 : i32
    %mul3A_693 = arith.muli %arg1, %mul3A_692 : i32
    %mul3A_694 = arith.constant 10240 : i32
    %mul3A_695 = arith.muli %arg0, %mul3A_694 : i32
    %mul3A_696 = arith.constant 640 : i32
    %mul3A_697 = arith.muli %arg1, %mul3A_696 : i32
    %add3A_698 = arith.addi %mul3A_695, %mul3A_697 : i32
    "tpu.region"() ({
      %run_scoped3A = tpu.sem_alloc : memref<!tpu.dma_semaphore, #tpu.memory_space<semaphore_mem>>
      %dma_start3A_699 = tpu.memref_slice %arg5[%add3A_698] : memref<20480xf32, #tpu.memory_space<hbm>> -> memref<640xf32, #tpu.memory_space<hbm>>
      %dma_start3A_700 = tpu.memref_slice %arg7[%mul3A_693] : memref<10240xf32, #tpu.memory_space<vmem_shared>> -> memref<640xf32, #tpu.memory_space<vmem_shared>>
      tpu.enqueue_dma source(%dma_start3A_700 : memref<640xf32, #tpu.memory_space<vmem_shared>>) target(%dma_start3A_699 : memref<640xf32, #tpu.memory_space<hbm>>) target_semaphore(%run_scoped3A : memref<!tpu.dma_semaphore, #tpu.memory_space<semaphore_mem>>)
      %dma_wait3A_701 = tpu.memref_slice %arg5[%add3A_698] : memref<20480xf32, #tpu.memory_space<hbm>> -> memref<640xf32, #tpu.memory_space<hbm>>
      %dma_wait3A_702 = tpu.memref_slice %arg7[%mul3A_693] : memref<10240xf32, #tpu.memory_space<vmem_shared>> -> memref<640xf32, #tpu.memory_space<vmem_shared>>
      tpu.wait_dma2 semaphore(%run_scoped3A : memref<!tpu.dma_semaphore, #tpu.memory_space<semaphore_mem>>) src(%dma_wait3A_702 : memref<640xf32, #tpu.memory_space<vmem_shared>>) dst(%dma_wait3A_701 : memref<640xf32, #tpu.memory_space<hbm>>)
      tpu.yield
    }) : () -> ()
    return
  }
}

#map = affine_map<(d0, d1) -> (0, 0)>
#map1 = affine_map<(d0, d1) -> (0)>
module attributes {stable_mosaic.version = 14 : i64} {
  func.func @sage_sc_agg(%arg0: i32, %arg1: i32, %arg2: memref<10000x128xf32, #tpu.memory_space<hbm>>, %arg3: memref<320000xi32, #tpu.memory_space<hbm>>, %arg4: memref<20000x128xf32, #tpu.memory_space<hbm>>, %arg5: memref<10240x128xf32, #tpu.memory_space<vmem_shared>>, %arg6: memref<80xi32, #tpu.memory_space<vmem>>, %arg7: memref<80xi32, #tpu.memory_space<vmem>>, %arg8: memref<80xi32, #tpu.memory_space<vmem>>, %arg9: memref<80xi32, #tpu.memory_space<vmem>>, %arg10: memref<80xi32, #tpu.memory_space<vmem>>, %arg11: memref<80xi32, #tpu.memory_space<vmem>>, %arg12: memref<80xi32, #tpu.memory_space<vmem>>, %arg13: memref<80xi32, #tpu.memory_space<vmem>>, %arg14: memref<80xi32, #tpu.memory_space<vmem>>, %arg15: memref<80x128xf32, #tpu.memory_space<vmem>>, %arg16: memref<80x128xf32, #tpu.memory_space<vmem>>, %arg17: memref<80x128xf32, #tpu.memory_space<vmem>>, %arg18: memref<!tpu.dma_semaphore, #tpu.memory_space<semaphore_mem>>, %arg19: memref<!tpu.dma_semaphore, #tpu.memory_space<semaphore_mem>>, %arg20: memref<!tpu.dma_semaphore, #tpu.memory_space<semaphore_mem>>, %arg21: memref<!tpu.dma_semaphore, #tpu.memory_space<semaphore_mem>>, %arg22: memref<!tpu.dma_semaphore, #tpu.memory_space<semaphore_mem>>, %arg23: memref<!tpu.dma_semaphore, #tpu.memory_space<semaphore_mem>>) attributes {dimension_semantics = [#tpu.dimension_semantics<core_parallel>, #tpu.dimension_semantics<subcore_parallel>], iteration_bounds = array<i64: 2, 16>, scalar_prefetch = 0 : i64, scratch_operands = 19 : i64, tpu.core_type = #tpu.core_type<sc_vector_subcore>, window_params = [{transform_indices = #map}, {transform_indices = #map1}, {transform_indices = #map}]} {
    %mul3A = arith.constant 16 : i32
    %mul3A_0 = arith.muli %arg0, %mul3A : i32
    %add3A = arith.addi %mul3A_0, %arg1 : i32
    %mul3A_1 = arith.constant 10000 : i32
    %mul3A_2 = arith.muli %add3A, %mul3A_1 : i32
    %broadcast_in_dim3A = arith.constant 0.000000e+00 : f32
    %broadcast_in_dim3A_3 = vector.broadcast %broadcast_in_dim3A : f32 to vector<16xf32>
    %broadcast_in_dim3A_4 = arith.constant 65535 : i32
    %broadcast_in_dim3A_5 = vector.broadcast %broadcast_in_dim3A_4 : i32 to vector<16xi32>
    %broadcast_in_dim3A_6 = arith.constant 16 : i32
    %broadcast_in_dim3A_7 = vector.broadcast %broadcast_in_dim3A_6 : i32 to vector<16xi32>
    %scan3A = arith.constant 0 : i32
    %scan3A_8 = arith.constant 0 : i32
    %scan3A_9 = arith.constant 80 : i32
    %scan3A_10 = arith.addi %scan3A_8, %scan3A_9 : i32
    %scan3A_11 = arith.constant 1 : i32
    %scan3A_12 = scf.for %scan3A_661 = %scan3A_8 to %scan3A_10 step %scan3A_11 iter_args(%scan3A_662 = %scan3A) -> (i32)  : i32 {
      %swap3A_663 = arith.index_cast %scan3A_661 : i32 to index
      %swap3A_664 = arith.constant 0 : index
      %swap3A_665 = tpu.vector_load %arg15[%swap3A_663, %swap3A_664] {strides = array<i32>} : memref<80x128xf32, #tpu.memory_space<vmem>>, vector<1x16xf32>,
      %swap3A_666 = vector.shape_cast %swap3A_665 : vector<1x16xf32> to vector<16xf32>
      %swap3A_667 = vector.shape_cast %broadcast_in_dim3A_3 : vector<16xf32> to vector<1x16xf32>
      tpu.vector_store %arg15[%swap3A_663, %swap3A_664], %swap3A_667 {strides = array<i32>} : memref<80x128xf32, #tpu.memory_space<vmem>>, vector<1x16xf32>,
      %swap3A_668 = arith.index_cast %scan3A_661 : i32 to index
      %swap3A_669 = arith.constant 16 : index
      %swap3A_670 = tpu.vector_load %arg15[%swap3A_668, %swap3A_669] {strides = array<i32>} : memref<80x128xf32, #tpu.memory_space<vmem>>, vector<1x16xf32>,
      %swap3A_671 = vector.shape_cast %swap3A_670 : vector<1x16xf32> to vector<16xf32>
      %swap3A_672 = vector.shape_cast %broadcast_in_dim3A_3 : vector<16xf32> to vector<1x16xf32>
      tpu.vector_store %arg15[%swap3A_668, %swap3A_669], %swap3A_672 {strides = array<i32>} : memref<80x128xf32, #tpu.memory_space<vmem>>, vector<1x16xf32>,
      %swap3A_673 = arith.index_cast %scan3A_661 : i32 to index
      %swap3A_674 = arith.constant 32 : index
      %swap3A_675 = tpu.vector_load %arg15[%swap3A_673, %swap3A_674] {strides = array<i32>} : memref<80x128xf32, #tpu.memory_space<vmem>>, vector<1x16xf32>,
      %swap3A_676 = vector.shape_cast %swap3A_675 : vector<1x16xf32> to vector<16xf32>
      %swap3A_677 = vector.shape_cast %broadcast_in_dim3A_3 : vector<16xf32> to vector<1x16xf32>
      tpu.vector_store %arg15[%swap3A_673, %swap3A_674], %swap3A_677 {strides = array<i32>} : memref<80x128xf32, #tpu.memory_space<vmem>>, vector<1x16xf32>,
      %swap3A_678 = arith.index_cast %scan3A_661 : i32 to index
      %swap3A_679 = arith.constant 48 : index
      %swap3A_680 = tpu.vector_load %arg15[%swap3A_678, %swap3A_679] {strides = array<i32>} : memref<80x128xf32, #tpu.memory_space<vmem>>, vector<1x16xf32>,
      %swap3A_681 = vector.shape_cast %swap3A_680 : vector<1x16xf32> to vector<16xf32>
      %swap3A_682 = vector.shape_cast %broadcast_in_dim3A_3 : vector<16xf32> to vector<1x16xf32>
      tpu.vector_store %arg15[%swap3A_678, %swap3A_679], %swap3A_682 {strides = array<i32>} : memref<80x128xf32, #tpu.memory_space<vmem>>, vector<1x16xf32>,
      %swap3A_683 = arith.index_cast %scan3A_661 : i32 to index
      %swap3A_684 = arith.constant 64 : index
      %swap3A_685 = tpu.vector_load %arg15[%swap3A_683, %swap3A_684] {strides = array<i32>} : memref<80x128xf32, #tpu.memory_space<vmem>>, vector<1x16xf32>,
      %swap3A_686 = vector.shape_cast %swap3A_685 : vector<1x16xf32> to vector<16xf32>
      %swap3A_687 = vector.shape_cast %broadcast_in_dim3A_3 : vector<16xf32> to vector<1x16xf32>
      tpu.vector_store %arg15[%swap3A_683, %swap3A_684], %swap3A_687 {strides = array<i32>} : memref<80x128xf32, #tpu.memory_space<vmem>>, vector<1x16xf32>,
      %swap3A_688 = arith.index_cast %scan3A_661 : i32 to index
      %swap3A_689 = arith.constant 80 : index
      %swap3A_690 = tpu.vector_load %arg15[%swap3A_688, %swap3A_689] {strides = array<i32>} : memref<80x128xf32, #tpu.memory_space<vmem>>, vector<1x16xf32>,
      %swap3A_691 = vector.shape_cast %swap3A_690 : vector<1x16xf32> to vector<16xf32>
      %swap3A_692 = vector.shape_cast %broadcast_in_dim3A_3 : vector<16xf32> to vector<1x16xf32>
      tpu.vector_store %arg15[%swap3A_688, %swap3A_689], %swap3A_692 {strides = array<i32>} : memref<80x128xf32, #tpu.memory_space<vmem>>, vector<1x16xf32>,
      %swap3A_693 = arith.index_cast %scan3A_661 : i32 to index
      %swap3A_694 = arith.constant 96 : index
      %swap3A_695 = tpu.vector_load %arg15[%swap3A_693, %swap3A_694] {strides = array<i32>} : memref<80x128xf32, #tpu.memory_space<vmem>>, vector<1x16xf32>,
      %swap3A_696 = vector.shape_cast %swap3A_695 : vector<1x16xf32> to vector<16xf32>
      %swap3A_697 = vector.shape_cast %broadcast_in_dim3A_3 : vector<16xf32> to vector<1x16xf32>
      tpu.vector_store %arg15[%swap3A_693, %swap3A_694], %swap3A_697 {strides = array<i32>} : memref<80x128xf32, #tpu.memory_space<vmem>>, vector<1x16xf32>,
      %swap3A_698 = arith.index_cast %scan3A_661 : i32 to index
      %swap3A_699 = arith.constant 112 : index
      %swap3A_700 = tpu.vector_load %arg15[%swap3A_698, %swap3A_699] {strides = array<i32>} : memref<80x128xf32, #tpu.memory_space<vmem>>, vector<1x16xf32>,
      %swap3A_701 = vector.shape_cast %swap3A_700 : vector<1x16xf32> to vector<16xf32>
      %swap3A_702 = vector.shape_cast %broadcast_in_dim3A_3 : vector<16xf32> to vector<1x16xf32>
      tpu.vector_store %arg15[%swap3A_698, %swap3A_699], %swap3A_702 {strides = array<i32>} : memref<80x128xf32, #tpu.memory_space<vmem>>, vector<1x16xf32>,
      %scan3A_703 = arith.constant 0 : i32
      scf.yield %scan3A_703 : i32
    }
    %scan3A_13 = arith.constant 80 : i32
    %mul3A_14 = arith.constant 1000 : i32
    %mul3A_15 = arith.muli %arg1, %mul3A_14 : i32
    %lt3A = arith.constant 10 : i32
    %lt3A_16 = arith.cmpi slt, %arg1, %lt3A : i32
    %convert_element_type3A = arith.extui %lt3A_16 : i1 to i32
    %cond3A = arith.constant 0 : i32
    %cond3A_17 = arith.cmpi ne, %convert_element_type3A, %cond3A : i32
    scf.if %cond3A_17 {
      %add3A_661 = arith.constant 0 : i32
      %add3A_662 = arith.addi %mul3A_15, %add3A_661 : i32
      "tpu.region"() ({
        %run_scoped3A = tpu.sem_alloc : memref<!tpu.dma_semaphore, #tpu.memory_space<semaphore_mem>>
        %dma_start3A_688 = arith.constant 0 : i32
        %dma_start3A_689 = tpu.memref_slice %arg5[%add3A_662, %dma_start3A_688] : memref<10240x128xf32, #tpu.memory_space<vmem_shared>> -> memref<80x128xf32, #tpu.memory_space<vmem_shared>>
        %dma_start3A_690 = arith.constant 0 : i32
        %dma_start3A_691 = tpu.memref_slice %arg5[%add3A_662, %dma_start3A_690] : memref<10240x128xf32, #tpu.memory_space<vmem_shared>> -> memref<80x128xf32, #tpu.memory_space<vmem_shared>>
        tpu.enqueue_dma source(%arg15 : memref<80x128xf32, #tpu.memory_space<vmem>>) target(%dma_start3A_691 : memref<80x128xf32, #tpu.memory_space<vmem_shared>>) target_semaphore(%run_scoped3A : memref<!tpu.dma_semaphore, #tpu.memory_space<semaphore_mem>>)
        %dma_wait3A_692 = arith.constant 0 : i32
        %dma_wait3A_693 = tpu.memref_slice %arg5[%add3A_662, %dma_wait3A_692] : memref<10240x128xf32, #tpu.memory_space<vmem_shared>> -> memref<80x128xf32, #tpu.memory_space<vmem_shared>>
        %dma_wait3A_694 = arith.constant 0 : i32
        %dma_wait3A_695 = tpu.memref_slice %arg5[%add3A_662, %dma_wait3A_694] : memref<10240x128xf32, #tpu.memory_space<vmem_shared>> -> memref<80x128xf32, #tpu.memory_space<vmem_shared>>
        tpu.wait_dma2 semaphore(%run_scoped3A : memref<!tpu.dma_semaphore, #tpu.memory_space<semaphore_mem>>) src(%arg15 : memref<80x128xf32, #tpu.memory_space<vmem>>) dst(%dma_wait3A_695 : memref<80x128xf32, #tpu.memory_space<vmem_shared>>)
        tpu.yield
      }) : () -> ()
      %add3A_663 = arith.constant 80 : i32
      %add3A_664 = arith.addi %mul3A_15, %add3A_663 : i32
      "tpu.region"() ({
        %run_scoped3A = tpu.sem_alloc : memref<!tpu.dma_semaphore, #tpu.memory_space<semaphore_mem>>
        %dma_start3A_688 = arith.constant 0 : i32
        %dma_start3A_689 = tpu.memref_slice %arg5[%add3A_664, %dma_start3A_688] : memref<10240x128xf32, #tpu.memory_space<vmem_shared>> -> memref<80x128xf32, #tpu.memory_space<vmem_shared>>
        %dma_start3A_690 = arith.constant 0 : i32
        %dma_start3A_691 = tpu.memref_slice %arg5[%add3A_664, %dma_start3A_690] : memref<10240x128xf32, #tpu.memory_space<vmem_shared>> -> memref<80x128xf32, #tpu.memory_space<vmem_shared>>
        tpu.enqueue_dma source(%arg15 : memref<80x128xf32, #tpu.memory_space<vmem>>) target(%dma_start3A_691 : memref<80x128xf32, #tpu.memory_space<vmem_shared>>) target_semaphore(%run_scoped3A : memref<!tpu.dma_semaphore, #tpu.memory_space<semaphore_mem>>)
        %dma_wait3A_692 = arith.constant 0 : i32
        %dma_wait3A_693 = tpu.memref_slice %arg5[%add3A_664, %dma_wait3A_692] : memref<10240x128xf32, #tpu.memory_space<vmem_shared>> -> memref<80x128xf32, #tpu.memory_space<vmem_shared>>
        %dma_wait3A_694 = arith.constant 0 : i32
        %dma_wait3A_695 = tpu.memref_slice %arg5[%add3A_664, %dma_wait3A_694] : memref<10240x128xf32, #tpu.memory_space<vmem_shared>> -> memref<80x128xf32, #tpu.memory_space<vmem_shared>>
        tpu.wait_dma2 semaphore(%run_scoped3A : memref<!tpu.dma_semaphore, #tpu.memory_space<semaphore_mem>>) src(%arg15 : memref<80x128xf32, #tpu.memory_space<vmem>>) dst(%dma_wait3A_695 : memref<80x128xf32, #tpu.memory_space<vmem_shared>>)
        tpu.yield
      }) : () -> ()
      %add3A_665 = arith.constant 160 : i32
      %add3A_666 = arith.addi %mul3A_15, %add3A_665 : i32
      "tpu.region"() ({
        %run_scoped3A = tpu.sem_alloc : memref<!tpu.dma_semaphore, #tpu.memory_space<semaphore_mem>>
        %dma_start3A_688 = arith.constant 0 : i32
        %dma_start3A_689 = tpu.memref_slice %arg5[%add3A_666, %dma_start3A_688] : memref<10240x128xf32, #tpu.memory_space<vmem_shared>> -> memref<80x128xf32, #tpu.memory_space<vmem_shared>>
        %dma_start3A_690 = arith.constant 0 : i32
        %dma_start3A_691 = tpu.memref_slice %arg5[%add3A_666, %dma_start3A_690] : memref<10240x128xf32, #tpu.memory_space<vmem_shared>> -> memref<80x128xf32, #tpu.memory_space<vmem_shared>>
        tpu.enqueue_dma source(%arg15 : memref<80x128xf32, #tpu.memory_space<vmem>>) target(%dma_start3A_691 : memref<80x128xf32, #tpu.memory_space<vmem_shared>>) target_semaphore(%run_scoped3A : memref<!tpu.dma_semaphore, #tpu.memory_space<semaphore_mem>>)
        %dma_wait3A_692 = arith.constant 0 : i32
        %dma_wait3A_693 = tpu.memref_slice %arg5[%add3A_666, %dma_wait3A_692] : memref<10240x128xf32, #tpu.memory_space<vmem_shared>> -> memref<80x128xf32, #tpu.memory_space<vmem_shared>>
        %dma_wait3A_694 = arith.constant 0 : i32
        %dma_wait3A_695 = tpu.memref_slice %arg5[%add3A_666, %dma_wait3A_694] : memref<10240x128xf32, #tpu.memory_space<vmem_shared>> -> memref<80x128xf32, #tpu.memory_space<vmem_shared>>
        tpu.wait_dma2 semaphore(%run_scoped3A : memref<!tpu.dma_semaphore, #tpu.memory_space<semaphore_mem>>) src(%arg15 : memref<80x128xf32, #tpu.memory_space<vmem>>) dst(%dma_wait3A_695 : memref<80x128xf32, #tpu.memory_space<vmem_shared>>)
        tpu.yield
      }) : () -> ()
      %add3A_667 = arith.constant 240 : i32
      %add3A_668 = arith.addi %mul3A_15, %add3A_667 : i32
      "tpu.region"() ({
        %run_scoped3A = tpu.sem_alloc : memref<!tpu.dma_semaphore, #tpu.memory_space<semaphore_mem>>
        %dma_start3A_688 = arith.constant 0 : i32
        %dma_start3A_689 = tpu.memref_slice %arg5[%add3A_668, %dma_start3A_688] : memref<10240x128xf32, #tpu.memory_space<vmem_shared>> -> memref<80x128xf32, #tpu.memory_space<vmem_shared>>
        %dma_start3A_690 = arith.constant 0 : i32
        %dma_start3A_691 = tpu.memref_slice %arg5[%add3A_668, %dma_start3A_690] : memref<10240x128xf32, #tpu.memory_space<vmem_shared>> -> memref<80x128xf32, #tpu.memory_space<vmem_shared>>
        tpu.enqueue_dma source(%arg15 : memref<80x128xf32, #tpu.memory_space<vmem>>) target(%dma_start3A_691 : memref<80x128xf32, #tpu.memory_space<vmem_shared>>) target_semaphore(%run_scoped3A : memref<!tpu.dma_semaphore, #tpu.memory_space<semaphore_mem>>)
        %dma_wait3A_692 = arith.constant 0 : i32
        %dma_wait3A_693 = tpu.memref_slice %arg5[%add3A_668, %dma_wait3A_692] : memref<10240x128xf32, #tpu.memory_space<vmem_shared>> -> memref<80x128xf32, #tpu.memory_space<vmem_shared>>
        %dma_wait3A_694 = arith.constant 0 : i32
        %dma_wait3A_695 = tpu.memref_slice %arg5[%add3A_668, %dma_wait3A_694] : memref<10240x128xf32, #tpu.memory_space<vmem_shared>> -> memref<80x128xf32, #tpu.memory_space<vmem_shared>>
        tpu.wait_dma2 semaphore(%run_scoped3A : memref<!tpu.dma_semaphore, #tpu.memory_space<semaphore_mem>>) src(%arg15 : memref<80x128xf32, #tpu.memory_space<vmem>>) dst(%dma_wait3A_695 : memref<80x128xf32, #tpu.memory_space<vmem_shared>>)
        tpu.yield
      }) : () -> ()
      %add3A_669 = arith.constant 320 : i32
      %add3A_670 = arith.addi %mul3A_15, %add3A_669 : i32
      "tpu.region"() ({
        %run_scoped3A = tpu.sem_alloc : memref<!tpu.dma_semaphore, #tpu.memory_space<semaphore_mem>>
        %dma_start3A_688 = arith.constant 0 : i32
        %dma_start3A_689 = tpu.memref_slice %arg5[%add3A_670, %dma_start3A_688] : memref<10240x128xf32, #tpu.memory_space<vmem_shared>> -> memref<80x128xf32, #tpu.memory_space<vmem_shared>>
        %dma_start3A_690 = arith.constant 0 : i32
        %dma_start3A_691 = tpu.memref_slice %arg5[%add3A_670, %dma_start3A_690] : memref<10240x128xf32, #tpu.memory_space<vmem_shared>> -> memref<80x128xf32, #tpu.memory_space<vmem_shared>>
        tpu.enqueue_dma source(%arg15 : memref<80x128xf32, #tpu.memory_space<vmem>>) target(%dma_start3A_691 : memref<80x128xf32, #tpu.memory_space<vmem_shared>>) target_semaphore(%run_scoped3A : memref<!tpu.dma_semaphore, #tpu.memory_space<semaphore_mem>>)
        %dma_wait3A_692 = arith.constant 0 : i32
        %dma_wait3A_693 = tpu.memref_slice %arg5[%add3A_670, %dma_wait3A_692] : memref<10240x128xf32, #tpu.memory_space<vmem_shared>> -> memref<80x128xf32, #tpu.memory_space<vmem_shared>>
        %dma_wait3A_694 = arith.constant 0 : i32
        %dma_wait3A_695 = tpu.memref_slice %arg5[%add3A_670, %dma_wait3A_694] : memref<10240x128xf32, #tpu.memory_space<vmem_shared>> -> memref<80x128xf32, #tpu.memory_space<vmem_shared>>
        tpu.wait_dma2 semaphore(%run_scoped3A : memref<!tpu.dma_semaphore, #tpu.memory_space<semaphore_mem>>) src(%arg15 : memref<80x128xf32, #tpu.memory_space<vmem>>) dst(%dma_wait3A_695 : memref<80x128xf32, #tpu.memory_space<vmem_shared>>)
        tpu.yield
      }) : () -> ()
      %add3A_671 = arith.constant 400 : i32
      %add3A_672 = arith.addi %mul3A_15, %add3A_671 : i32
      "tpu.region"() ({
        %run_scoped3A = tpu.sem_alloc : memref<!tpu.dma_semaphore, #tpu.memory_space<semaphore_mem>>
        %dma_start3A_688 = arith.constant 0 : i32
        %dma_start3A_689 = tpu.memref_slice %arg5[%add3A_672, %dma_start3A_688] : memref<10240x128xf32, #tpu.memory_space<vmem_shared>> -> memref<80x128xf32, #tpu.memory_space<vmem_shared>>
        %dma_start3A_690 = arith.constant 0 : i32
        %dma_start3A_691 = tpu.memref_slice %arg5[%add3A_672, %dma_start3A_690] : memref<10240x128xf32, #tpu.memory_space<vmem_shared>> -> memref<80x128xf32, #tpu.memory_space<vmem_shared>>
        tpu.enqueue_dma source(%arg15 : memref<80x128xf32, #tpu.memory_space<vmem>>) target(%dma_start3A_691 : memref<80x128xf32, #tpu.memory_space<vmem_shared>>) target_semaphore(%run_scoped3A : memref<!tpu.dma_semaphore, #tpu.memory_space<semaphore_mem>>)
        %dma_wait3A_692 = arith.constant 0 : i32
        %dma_wait3A_693 = tpu.memref_slice %arg5[%add3A_672, %dma_wait3A_692] : memref<10240x128xf32, #tpu.memory_space<vmem_shared>> -> memref<80x128xf32, #tpu.memory_space<vmem_shared>>
        %dma_wait3A_694 = arith.constant 0 : i32
        %dma_wait3A_695 = tpu.memref_slice %arg5[%add3A_672, %dma_wait3A_694] : memref<10240x128xf32, #tpu.memory_space<vmem_shared>> -> memref<80x128xf32, #tpu.memory_space<vmem_shared>>
        tpu.wait_dma2 semaphore(%run_scoped3A : memref<!tpu.dma_semaphore, #tpu.memory_space<semaphore_mem>>) src(%arg15 : memref<80x128xf32, #tpu.memory_space<vmem>>) dst(%dma_wait3A_695 : memref<80x128xf32, #tpu.memory_space<vmem_shared>>)
        tpu.yield
      }) : () -> ()
      %add3A_673 = arith.constant 480 : i32
      %add3A_674 = arith.addi %mul3A_15, %add3A_673 : i32
      "tpu.region"() ({
        %run_scoped3A = tpu.sem_alloc : memref<!tpu.dma_semaphore, #tpu.memory_space<semaphore_mem>>
        %dma_start3A_688 = arith.constant 0 : i32
        %dma_start3A_689 = tpu.memref_slice %arg5[%add3A_674, %dma_start3A_688] : memref<10240x128xf32, #tpu.memory_space<vmem_shared>> -> memref<80x128xf32, #tpu.memory_space<vmem_shared>>
        %dma_start3A_690 = arith.constant 0 : i32
        %dma_start3A_691 = tpu.memref_slice %arg5[%add3A_674, %dma_start3A_690] : memref<10240x128xf32, #tpu.memory_space<vmem_shared>> -> memref<80x128xf32, #tpu.memory_space<vmem_shared>>
        tpu.enqueue_dma source(%arg15 : memref<80x128xf32, #tpu.memory_space<vmem>>) target(%dma_start3A_691 : memref<80x128xf32, #tpu.memory_space<vmem_shared>>) target_semaphore(%run_scoped3A : memref<!tpu.dma_semaphore, #tpu.memory_space<semaphore_mem>>)
        %dma_wait3A_692 = arith.constant 0 : i32
        %dma_wait3A_693 = tpu.memref_slice %arg5[%add3A_674, %dma_wait3A_692] : memref<10240x128xf32, #tpu.memory_space<vmem_shared>> -> memref<80x128xf32, #tpu.memory_space<vmem_shared>>
        %dma_wait3A_694 = arith.constant 0 : i32
        %dma_wait3A_695 = tpu.memref_slice %arg5[%add3A_674, %dma_wait3A_694] : memref<10240x128xf32, #tpu.memory_space<vmem_shared>> -> memref<80x128xf32, #tpu.memory_space<vmem_shared>>
        tpu.wait_dma2 semaphore(%run_scoped3A : memref<!tpu.dma_semaphore, #tpu.memory_space<semaphore_mem>>) src(%arg15 : memref<80x128xf32, #tpu.memory_space<vmem>>) dst(%dma_wait3A_695 : memref<80x128xf32, #tpu.memory_space<vmem_shared>>)
        tpu.yield
      }) : () -> ()
      %add3A_675 = arith.constant 560 : i32
      %add3A_676 = arith.addi %mul3A_15, %add3A_675 : i32
      "tpu.region"() ({
        %run_scoped3A = tpu.sem_alloc : memref<!tpu.dma_semaphore, #tpu.memory_space<semaphore_mem>>
        %dma_start3A_688 = arith.constant 0 : i32
        %dma_start3A_689 = tpu.memref_slice %arg5[%add3A_676, %dma_start3A_688] : memref<10240x128xf32, #tpu.memory_space<vmem_shared>> -> memref<80x128xf32, #tpu.memory_space<vmem_shared>>
        %dma_start3A_690 = arith.constant 0 : i32
        %dma_start3A_691 = tpu.memref_slice %arg5[%add3A_676, %dma_start3A_690] : memref<10240x128xf32, #tpu.memory_space<vmem_shared>> -> memref<80x128xf32, #tpu.memory_space<vmem_shared>>
        tpu.enqueue_dma source(%arg15 : memref<80x128xf32, #tpu.memory_space<vmem>>) target(%dma_start3A_691 : memref<80x128xf32, #tpu.memory_space<vmem_shared>>) target_semaphore(%run_scoped3A : memref<!tpu.dma_semaphore, #tpu.memory_space<semaphore_mem>>)
        %dma_wait3A_692 = arith.constant 0 : i32
        %dma_wait3A_693 = tpu.memref_slice %arg5[%add3A_676, %dma_wait3A_692] : memref<10240x128xf32, #tpu.memory_space<vmem_shared>> -> memref<80x128xf32, #tpu.memory_space<vmem_shared>>
        %dma_wait3A_694 = arith.constant 0 : i32
        %dma_wait3A_695 = tpu.memref_slice %arg5[%add3A_676, %dma_wait3A_694] : memref<10240x128xf32, #tpu.memory_space<vmem_shared>> -> memref<80x128xf32, #tpu.memory_space<vmem_shared>>
        tpu.wait_dma2 semaphore(%run_scoped3A : memref<!tpu.dma_semaphore, #tpu.memory_space<semaphore_mem>>) src(%arg15 : memref<80x128xf32, #tpu.memory_space<vmem>>) dst(%dma_wait3A_695 : memref<80x128xf32, #tpu.memory_space<vmem_shared>>)
        tpu.yield
      }) : () -> ()
      %add3A_677 = arith.constant 640 : i32
      %add3A_678 = arith.addi %mul3A_15, %add3A_677 : i32
      "tpu.region"() ({
        %run_scoped3A = tpu.sem_alloc : memref<!tpu.dma_semaphore, #tpu.memory_space<semaphore_mem>>
        %dma_start3A_688 = arith.constant 0 : i32
        %dma_start3A_689 = tpu.memref_slice %arg5[%add3A_678, %dma_start3A_688] : memref<10240x128xf32, #tpu.memory_space<vmem_shared>> -> memref<80x128xf32, #tpu.memory_space<vmem_shared>>
        %dma_start3A_690 = arith.constant 0 : i32
        %dma_start3A_691 = tpu.memref_slice %arg5[%add3A_678, %dma_start3A_690] : memref<10240x128xf32, #tpu.memory_space<vmem_shared>> -> memref<80x128xf32, #tpu.memory_space<vmem_shared>>
        tpu.enqueue_dma source(%arg15 : memref<80x128xf32, #tpu.memory_space<vmem>>) target(%dma_start3A_691 : memref<80x128xf32, #tpu.memory_space<vmem_shared>>) target_semaphore(%run_scoped3A : memref<!tpu.dma_semaphore, #tpu.memory_space<semaphore_mem>>)
        %dma_wait3A_692 = arith.constant 0 : i32
        %dma_wait3A_693 = tpu.memref_slice %arg5[%add3A_678, %dma_wait3A_692] : memref<10240x128xf32, #tpu.memory_space<vmem_shared>> -> memref<80x128xf32, #tpu.memory_space<vmem_shared>>
        %dma_wait3A_694 = arith.constant 0 : i32
        %dma_wait3A_695 = tpu.memref_slice %arg5[%add3A_678, %dma_wait3A_694] : memref<10240x128xf32, #tpu.memory_space<vmem_shared>> -> memref<80x128xf32, #tpu.memory_space<vmem_shared>>
        tpu.wait_dma2 semaphore(%run_scoped3A : memref<!tpu.dma_semaphore, #tpu.memory_space<semaphore_mem>>) src(%arg15 : memref<80x128xf32, #tpu.memory_space<vmem>>) dst(%dma_wait3A_695 : memref<80x128xf32, #tpu.memory_space<vmem_shared>>)
        tpu.yield
      }) : () -> ()
      %add3A_679 = arith.constant 720 : i32
      %add3A_680 = arith.addi %mul3A_15, %add3A_679 : i32
      "tpu.region"() ({
        %run_scoped3A = tpu.sem_alloc : memref<!tpu.dma_semaphore, #tpu.memory_space<semaphore_mem>>
        %dma_start3A_688 = arith.constant 0 : i32
        %dma_start3A_689 = tpu.memref_slice %arg5[%add3A_680, %dma_start3A_688] : memref<10240x128xf32, #tpu.memory_space<vmem_shared>> -> memref<80x128xf32, #tpu.memory_space<vmem_shared>>
        %dma_start3A_690 = arith.constant 0 : i32
        %dma_start3A_691 = tpu.memref_slice %arg5[%add3A_680, %dma_start3A_690] : memref<10240x128xf32, #tpu.memory_space<vmem_shared>> -> memref<80x128xf32, #tpu.memory_space<vmem_shared>>
        tpu.enqueue_dma source(%arg15 : memref<80x128xf32, #tpu.memory_space<vmem>>) target(%dma_start3A_691 : memref<80x128xf32, #tpu.memory_space<vmem_shared>>) target_semaphore(%run_scoped3A : memref<!tpu.dma_semaphore, #tpu.memory_space<semaphore_mem>>)
        %dma_wait3A_692 = arith.constant 0 : i32
        %dma_wait3A_693 = tpu.memref_slice %arg5[%add3A_680, %dma_wait3A_692] : memref<10240x128xf32, #tpu.memory_space<vmem_shared>> -> memref<80x128xf32, #tpu.memory_space<vmem_shared>>
        %dma_wait3A_694 = arith.constant 0 : i32
        %dma_wait3A_695 = tpu.memref_slice %arg5[%add3A_680, %dma_wait3A_694] : memref<10240x128xf32, #tpu.memory_space<vmem_shared>> -> memref<80x128xf32, #tpu.memory_space<vmem_shared>>
        tpu.wait_dma2 semaphore(%run_scoped3A : memref<!tpu.dma_semaphore, #tpu.memory_space<semaphore_mem>>) src(%arg15 : memref<80x128xf32, #tpu.memory_space<vmem>>) dst(%dma_wait3A_695 : memref<80x128xf32, #tpu.memory_space<vmem_shared>>)
        tpu.yield
      }) : () -> ()
      %add3A_681 = arith.constant 800 : i32
      %add3A_682 = arith.addi %mul3A_15, %add3A_681 : i32
      "tpu.region"() ({
        %run_scoped3A = tpu.sem_alloc : memref<!tpu.dma_semaphore, #tpu.memory_space<semaphore_mem>>
        %dma_start3A_688 = arith.constant 0 : i32
        %dma_start3A_689 = tpu.memref_slice %arg5[%add3A_682, %dma_start3A_688] : memref<10240x128xf32, #tpu.memory_space<vmem_shared>> -> memref<80x128xf32, #tpu.memory_space<vmem_shared>>
        %dma_start3A_690 = arith.constant 0 : i32
        %dma_start3A_691 = tpu.memref_slice %arg5[%add3A_682, %dma_start3A_690] : memref<10240x128xf32, #tpu.memory_space<vmem_shared>> -> memref<80x128xf32, #tpu.memory_space<vmem_shared>>
        tpu.enqueue_dma source(%arg15 : memref<80x128xf32, #tpu.memory_space<vmem>>) target(%dma_start3A_691 : memref<80x128xf32, #tpu.memory_space<vmem_shared>>) target_semaphore(%run_scoped3A : memref<!tpu.dma_semaphore, #tpu.memory_space<semaphore_mem>>)
        %dma_wait3A_692 = arith.constant 0 : i32
        %dma_wait3A_693 = tpu.memref_slice %arg5[%add3A_682, %dma_wait3A_692] : memref<10240x128xf32, #tpu.memory_space<vmem_shared>> -> memref<80x128xf32, #tpu.memory_space<vmem_shared>>
        %dma_wait3A_694 = arith.constant 0 : i32
        %dma_wait3A_695 = tpu.memref_slice %arg5[%add3A_682, %dma_wait3A_694] : memref<10240x128xf32, #tpu.memory_space<vmem_shared>> -> memref<80x128xf32, #tpu.memory_space<vmem_shared>>
        tpu.wait_dma2 semaphore(%run_scoped3A : memref<!tpu.dma_semaphore, #tpu.memory_space<semaphore_mem>>) src(%arg15 : memref<80x128xf32, #tpu.memory_space<vmem>>) dst(%dma_wait3A_695 : memref<80x128xf32, #tpu.memory_space<vmem_shared>>)
        tpu.yield
      }) : () -> ()
      %add3A_683 = arith.constant 880 : i32
      %add3A_684 = arith.addi %mul3A_15, %add3A_683 : i32
      "tpu.region"() ({
        %run_scoped3A = tpu.sem_alloc : memref<!tpu.dma_semaphore, #tpu.memory_space<semaphore_mem>>
        %dma_start3A_688 = arith.constant 0 : i32
        %dma_start3A_689 = tpu.memref_slice %arg5[%add3A_684, %dma_start3A_688] : memref<10240x128xf32, #tpu.memory_space<vmem_shared>> -> memref<80x128xf32, #tpu.memory_space<vmem_shared>>
        %dma_start3A_690 = arith.constant 0 : i32
        %dma_start3A_691 = tpu.memref_slice %arg5[%add3A_684, %dma_start3A_690] : memref<10240x128xf32, #tpu.memory_space<vmem_shared>> -> memref<80x128xf32, #tpu.memory_space<vmem_shared>>
        tpu.enqueue_dma source(%arg15 : memref<80x128xf32, #tpu.memory_space<vmem>>) target(%dma_start3A_691 : memref<80x128xf32, #tpu.memory_space<vmem_shared>>) target_semaphore(%run_scoped3A : memref<!tpu.dma_semaphore, #tpu.memory_space<semaphore_mem>>)
        %dma_wait3A_692 = arith.constant 0 : i32
        %dma_wait3A_693 = tpu.memref_slice %arg5[%add3A_684, %dma_wait3A_692] : memref<10240x128xf32, #tpu.memory_space<vmem_shared>> -> memref<80x128xf32, #tpu.memory_space<vmem_shared>>
        %dma_wait3A_694 = arith.constant 0 : i32
        %dma_wait3A_695 = tpu.memref_slice %arg5[%add3A_684, %dma_wait3A_694] : memref<10240x128xf32, #tpu.memory_space<vmem_shared>> -> memref<80x128xf32, #tpu.memory_space<vmem_shared>>
        tpu.wait_dma2 semaphore(%run_scoped3A : memref<!tpu.dma_semaphore, #tpu.memory_space<semaphore_mem>>) src(%arg15 : memref<80x128xf32, #tpu.memory_space<vmem>>) dst(%dma_wait3A_695 : memref<80x128xf32, #tpu.memory_space<vmem_shared>>)
        tpu.yield
      }) : () -> ()
      %add3A_685 = arith.constant 1000 : i32
      %add3A_686 = arith.addi %mul3A_15, %add3A_685 : i32
      %sub3A = arith.constant 80 : i32
      %sub3A_687 = arith.subi %add3A_686, %sub3A : i32
      "tpu.region"() ({
        %run_scoped3A = tpu.sem_alloc : memref<!tpu.dma_semaphore, #tpu.memory_space<semaphore_mem>>
        %dma_start3A_688 = arith.constant 0 : i32
        %dma_start3A_689 = tpu.memref_slice %arg5[%sub3A_687, %dma_start3A_688] : memref<10240x128xf32, #tpu.memory_space<vmem_shared>> -> memref<80x128xf32, #tpu.memory_space<vmem_shared>>
        %dma_start3A_690 = arith.constant 0 : i32
        %dma_start3A_691 = tpu.memref_slice %arg5[%sub3A_687, %dma_start3A_690] : memref<10240x128xf32, #tpu.memory_space<vmem_shared>> -> memref<80x128xf32, #tpu.memory_space<vmem_shared>>
        tpu.enqueue_dma source(%arg15 : memref<80x128xf32, #tpu.memory_space<vmem>>) target(%dma_start3A_691 : memref<80x128xf32, #tpu.memory_space<vmem_shared>>) target_semaphore(%run_scoped3A : memref<!tpu.dma_semaphore, #tpu.memory_space<semaphore_mem>>)
        %dma_wait3A_692 = arith.constant 0 : i32
        %dma_wait3A_693 = tpu.memref_slice %arg5[%sub3A_687, %dma_wait3A_692] : memref<10240x128xf32, #tpu.memory_space<vmem_shared>> -> memref<80x128xf32, #tpu.memory_space<vmem_shared>>
        %dma_wait3A_694 = arith.constant 0 : i32
        %dma_wait3A_695 = tpu.memref_slice %arg5[%sub3A_687, %dma_wait3A_694] : memref<10240x128xf32, #tpu.memory_space<vmem_shared>> -> memref<80x128xf32, #tpu.memory_space<vmem_shared>>
        tpu.wait_dma2 semaphore(%run_scoped3A : memref<!tpu.dma_semaphore, #tpu.memory_space<semaphore_mem>>) src(%arg15 : memref<80x128xf32, #tpu.memory_space<vmem>>) dst(%dma_wait3A_695 : memref<80x128xf32, #tpu.memory_space<vmem_shared>>)
        tpu.yield
      }) : () -> ()
    } else {
    }
    %eq3A = arith.constant 10 : i32
    %eq3A_18 = arith.cmpi eq, %arg1, %eq3A : i32
    %convert_element_type3A_19 = arith.extui %eq3A_18 : i1 to i32
    %cond3A_20 = arith.constant 0 : i32
    %cond3A_21 = arith.cmpi ne, %convert_element_type3A_19, %cond3A_20 : i32
    scf.if %cond3A_21 {
      "tpu.region"() ({
        %run_scoped3A = tpu.sem_alloc : memref<!tpu.dma_semaphore, #tpu.memory_space<semaphore_mem>>
        %dma_start3A_661 = arith.constant 10000 : i32
        %dma_start3A_662 = arith.constant 0 : i32
        %dma_start3A_663 = tpu.memref_slice %arg5[%dma_start3A_661, %dma_start3A_662] : memref<10240x128xf32, #tpu.memory_space<vmem_shared>> -> memref<80x128xf32, #tpu.memory_space<vmem_shared>>
        %dma_start3A_664 = arith.constant 10000 : i32
        %dma_start3A_665 = arith.constant 0 : i32
        %dma_start3A_666 = tpu.memref_slice %arg5[%dma_start3A_664, %dma_start3A_665] : memref<10240x128xf32, #tpu.memory_space<vmem_shared>> -> memref<80x128xf32, #tpu.memory_space<vmem_shared>>
        tpu.enqueue_dma source(%arg15 : memref<80x128xf32, #tpu.memory_space<vmem>>) target(%dma_start3A_666 : memref<80x128xf32, #tpu.memory_space<vmem_shared>>) target_semaphore(%run_scoped3A : memref<!tpu.dma_semaphore, #tpu.memory_space<semaphore_mem>>)
        %dma_wait3A_667 = arith.constant 10000 : i32
        %dma_wait3A_668 = arith.constant 0 : i32
        %dma_wait3A_669 = tpu.memref_slice %arg5[%dma_wait3A_667, %dma_wait3A_668] : memref<10240x128xf32, #tpu.memory_space<vmem_shared>> -> memref<80x128xf32, #tpu.memory_space<vmem_shared>>
        %dma_wait3A_670 = arith.constant 10000 : i32
        %dma_wait3A_671 = arith.constant 0 : i32
        %dma_wait3A_672 = tpu.memref_slice %arg5[%dma_wait3A_670, %dma_wait3A_671] : memref<10240x128xf32, #tpu.memory_space<vmem_shared>> -> memref<80x128xf32, #tpu.memory_space<vmem_shared>>
        tpu.wait_dma2 semaphore(%run_scoped3A : memref<!tpu.dma_semaphore, #tpu.memory_space<semaphore_mem>>) src(%arg15 : memref<80x128xf32, #tpu.memory_space<vmem>>) dst(%dma_wait3A_672 : memref<80x128xf32, #tpu.memory_space<vmem_shared>>)
        tpu.yield
      }) : () -> ()
      "tpu.region"() ({
        %run_scoped3A = tpu.sem_alloc : memref<!tpu.dma_semaphore, #tpu.memory_space<semaphore_mem>>
        %dma_start3A_661 = arith.constant 10080 : i32
        %dma_start3A_662 = arith.constant 0 : i32
        %dma_start3A_663 = tpu.memref_slice %arg5[%dma_start3A_661, %dma_start3A_662] : memref<10240x128xf32, #tpu.memory_space<vmem_shared>> -> memref<80x128xf32, #tpu.memory_space<vmem_shared>>
        %dma_start3A_664 = arith.constant 10080 : i32
        %dma_start3A_665 = arith.constant 0 : i32
        %dma_start3A_666 = tpu.memref_slice %arg5[%dma_start3A_664, %dma_start3A_665] : memref<10240x128xf32, #tpu.memory_space<vmem_shared>> -> memref<80x128xf32, #tpu.memory_space<vmem_shared>>
        tpu.enqueue_dma source(%arg15 : memref<80x128xf32, #tpu.memory_space<vmem>>) target(%dma_start3A_666 : memref<80x128xf32, #tpu.memory_space<vmem_shared>>) target_semaphore(%run_scoped3A : memref<!tpu.dma_semaphore, #tpu.memory_space<semaphore_mem>>)
        %dma_wait3A_667 = arith.constant 10080 : i32
        %dma_wait3A_668 = arith.constant 0 : i32
        %dma_wait3A_669 = tpu.memref_slice %arg5[%dma_wait3A_667, %dma_wait3A_668] : memref<10240x128xf32, #tpu.memory_space<vmem_shared>> -> memref<80x128xf32, #tpu.memory_space<vmem_shared>>
        %dma_wait3A_670 = arith.constant 10080 : i32
        %dma_wait3A_671 = arith.constant 0 : i32
        %dma_wait3A_672 = tpu.memref_slice %arg5[%dma_wait3A_670, %dma_wait3A_671] : memref<10240x128xf32, #tpu.memory_space<vmem_shared>> -> memref<80x128xf32, #tpu.memory_space<vmem_shared>>
        tpu.wait_dma2 semaphore(%run_scoped3A : memref<!tpu.dma_semaphore, #tpu.memory_space<semaphore_mem>>) src(%arg15 : memref<80x128xf32, #tpu.memory_space<vmem>>) dst(%dma_wait3A_672 : memref<80x128xf32, #tpu.memory_space<vmem_shared>>)
        tpu.yield
      }) : () -> ()
      "tpu.region"() ({
        %run_scoped3A = tpu.sem_alloc : memref<!tpu.dma_semaphore, #tpu.memory_space<semaphore_mem>>
        %dma_start3A_661 = arith.constant 10160 : i32
        %dma_start3A_662 = arith.constant 0 : i32
        %dma_start3A_663 = tpu.memref_slice %arg5[%dma_start3A_661, %dma_start3A_662] : memref<10240x128xf32, #tpu.memory_space<vmem_shared>> -> memref<80x128xf32, #tpu.memory_space<vmem_shared>>
        %dma_start3A_664 = arith.constant 10160 : i32
        %dma_start3A_665 = arith.constant 0 : i32
        %dma_start3A_666 = tpu.memref_slice %arg5[%dma_start3A_664, %dma_start3A_665] : memref<10240x128xf32, #tpu.memory_space<vmem_shared>> -> memref<80x128xf32, #tpu.memory_space<vmem_shared>>
        tpu.enqueue_dma source(%arg15 : memref<80x128xf32, #tpu.memory_space<vmem>>) target(%dma_start3A_666 : memref<80x128xf32, #tpu.memory_space<vmem_shared>>) target_semaphore(%run_scoped3A : memref<!tpu.dma_semaphore, #tpu.memory_space<semaphore_mem>>)
        %dma_wait3A_667 = arith.constant 10160 : i32
        %dma_wait3A_668 = arith.constant 0 : i32
        %dma_wait3A_669 = tpu.memref_slice %arg5[%dma_wait3A_667, %dma_wait3A_668] : memref<10240x128xf32, #tpu.memory_space<vmem_shared>> -> memref<80x128xf32, #tpu.memory_space<vmem_shared>>
        %dma_wait3A_670 = arith.constant 10160 : i32
        %dma_wait3A_671 = arith.constant 0 : i32
        %dma_wait3A_672 = tpu.memref_slice %arg5[%dma_wait3A_670, %dma_wait3A_671] : memref<10240x128xf32, #tpu.memory_space<vmem_shared>> -> memref<80x128xf32, #tpu.memory_space<vmem_shared>>
        tpu.wait_dma2 semaphore(%run_scoped3A : memref<!tpu.dma_semaphore, #tpu.memory_space<semaphore_mem>>) src(%arg15 : memref<80x128xf32, #tpu.memory_space<vmem>>) dst(%dma_wait3A_672 : memref<80x128xf32, #tpu.memory_space<vmem_shared>>)
        tpu.yield
      }) : () -> ()
      "tpu.region"() ({
        %run_scoped3A = tpu.sem_alloc : memref<!tpu.dma_semaphore, #tpu.memory_space<semaphore_mem>>
        %dma_start3A_661 = arith.constant 10160 : i32
        %dma_start3A_662 = arith.constant 0 : i32
        %dma_start3A_663 = tpu.memref_slice %arg5[%dma_start3A_661, %dma_start3A_662] : memref<10240x128xf32, #tpu.memory_space<vmem_shared>> -> memref<80x128xf32, #tpu.memory_space<vmem_shared>>
        %dma_start3A_664 = arith.constant 10160 : i32
        %dma_start3A_665 = arith.constant 0 : i32
        %dma_start3A_666 = tpu.memref_slice %arg5[%dma_start3A_664, %dma_start3A_665] : memref<10240x128xf32, #tpu.memory_space<vmem_shared>> -> memref<80x128xf32, #tpu.memory_space<vmem_shared>>
        tpu.enqueue_dma source(%arg15 : memref<80x128xf32, #tpu.memory_space<vmem>>) target(%dma_start3A_666 : memref<80x128xf32, #tpu.memory_space<vmem_shared>>) target_semaphore(%run_scoped3A : memref<!tpu.dma_semaphore, #tpu.memory_space<semaphore_mem>>)
        %dma_wait3A_667 = arith.constant 10160 : i32
        %dma_wait3A_668 = arith.constant 0 : i32
        %dma_wait3A_669 = tpu.memref_slice %arg5[%dma_wait3A_667, %dma_wait3A_668] : memref<10240x128xf32, #tpu.memory_space<vmem_shared>> -> memref<80x128xf32, #tpu.memory_space<vmem_shared>>
        %dma_wait3A_670 = arith.constant 10160 : i32
        %dma_wait3A_671 = arith.constant 0 : i32
        %dma_wait3A_672 = tpu.memref_slice %arg5[%dma_wait3A_670, %dma_wait3A_671] : memref<10240x128xf32, #tpu.memory_space<vmem_shared>> -> memref<80x128xf32, #tpu.memory_space<vmem_shared>>
        tpu.wait_dma2 semaphore(%run_scoped3A : memref<!tpu.dma_semaphore, #tpu.memory_space<semaphore_mem>>) src(%arg15 : memref<80x128xf32, #tpu.memory_space<vmem>>) dst(%dma_wait3A_672 : memref<80x128xf32, #tpu.memory_space<vmem_shared>>)
        tpu.yield
      }) : () -> ()
    } else {
    }
    %barrier3A = arith.constant 0 : index
    tpu.barrier barrier_id(%barrier3A)
    %add3A_22 = arith.constant 0 : i32
    %add3A_23 = arith.addi %mul3A_2, %add3A_22 : i32
    %dma_start3A = tpu.memref_slice %arg3[%add3A_23] : memref<320000xi32, #tpu.memory_space<hbm>> -> memref<80xi32, #tpu.memory_space<hbm>>
    %dma_start3A_24 = tpu.memref_slice %arg3[%add3A_23] : memref<320000xi32, #tpu.memory_space<hbm>> -> memref<80xi32, #tpu.memory_space<hbm>>
    tpu.enqueue_dma source(%dma_start3A_24 : memref<80xi32, #tpu.memory_space<hbm>>) target(%arg12 : memref<80xi32, #tpu.memory_space<vmem>>) target_semaphore(%arg21 : memref<!tpu.dma_semaphore, #tpu.memory_space<semaphore_mem>>)
    %add3A_25 = arith.constant 80 : i32
    %add3A_26 = arith.addi %mul3A_2, %add3A_25 : i32
    %dma_start3A_27 = tpu.memref_slice %arg3[%add3A_26] : memref<320000xi32, #tpu.memory_space<hbm>> -> memref<80xi32, #tpu.memory_space<hbm>>
    %dma_start3A_28 = tpu.memref_slice %arg3[%add3A_26] : memref<320000xi32, #tpu.memory_space<hbm>> -> memref<80xi32, #tpu.memory_space<hbm>>
    tpu.enqueue_dma source(%dma_start3A_28 : memref<80xi32, #tpu.memory_space<hbm>>) target(%arg13 : memref<80xi32, #tpu.memory_space<vmem>>) target_semaphore(%arg22 : memref<!tpu.dma_semaphore, #tpu.memory_space<semaphore_mem>>)
    %add3A_29 = arith.constant 160 : i32
    %add3A_30 = arith.addi %mul3A_2, %add3A_29 : i32
    %dma_start3A_31 = tpu.memref_slice %arg3[%add3A_30] : memref<320000xi32, #tpu.memory_space<hbm>> -> memref<80xi32, #tpu.memory_space<hbm>>
    %dma_start3A_32 = tpu.memref_slice %arg3[%add3A_30] : memref<320000xi32, #tpu.memory_space<hbm>> -> memref<80xi32, #tpu.memory_space<hbm>>
    tpu.enqueue_dma source(%dma_start3A_32 : memref<80xi32, #tpu.memory_space<hbm>>) target(%arg14 : memref<80xi32, #tpu.memory_space<vmem>>) target_semaphore(%arg23 : memref<!tpu.dma_semaphore, #tpu.memory_space<semaphore_mem>>)
    %dma_wait3A = arith.constant 0 : i32
    %dma_wait3A_33 = tpu.memref_slice %arg3[%dma_wait3A] : memref<320000xi32, #tpu.memory_space<hbm>> -> memref<80xi32, #tpu.memory_space<hbm>>
    %dma_wait3A_34 = arith.constant 0 : i32
    %dma_wait3A_35 = tpu.memref_slice %arg3[%dma_wait3A_34] : memref<320000xi32, #tpu.memory_space<hbm>> -> memref<80xi32, #tpu.memory_space<hbm>>
    tpu.wait_dma2 semaphore(%arg21 : memref<!tpu.dma_semaphore, #tpu.memory_space<semaphore_mem>>) src(%dma_wait3A_35 : memref<80xi32, #tpu.memory_space<hbm>>) dst(%arg12 : memref<80xi32, #tpu.memory_space<vmem>>)
    %get3A = arith.constant 0 : index
    %get3A_36 = tpu.vector_load %arg12[%get3A] {strides = array<i32>} : memref<80xi32, #tpu.memory_space<vmem>>, vector<16xi32>,
    %get3A_37 = vector.shape_cast %get3A_36 : vector<16xi32> to vector<16xi32>
    %and3A = arith.andi %get3A_37, %broadcast_in_dim3A_5 : vector<16xi32>
    %swap3A = arith.constant 0 : index
    %swap3A_38 = tpu.vector_load %arg6[%swap3A] {strides = array<i32>} : memref<80xi32, #tpu.memory_space<vmem>>, vector<16xi32>,
    %swap3A_39 = vector.shape_cast %swap3A_38 : vector<16xi32> to vector<16xi32>
    %swap3A_40 = vector.shape_cast %and3A : vector<16xi32> to vector<16xi32>
    tpu.vector_store %arg6[%swap3A], %swap3A_40 {strides = array<i32>} : memref<80xi32, #tpu.memory_space<vmem>>, vector<16xi32>,
    %shift_right_logical3A = arith.shrui %get3A_37, %broadcast_in_dim3A_7 : vector<16xi32>
    %swap3A_41 = arith.constant 0 : index
    %swap3A_42 = tpu.vector_load %arg7[%swap3A_41] {strides = array<i32>} : memref<80xi32, #tpu.memory_space<vmem>>, vector<16xi32>,
    %swap3A_43 = vector.shape_cast %swap3A_42 : vector<16xi32> to vector<16xi32>
    %swap3A_44 = vector.shape_cast %shift_right_logical3A : vector<16xi32> to vector<16xi32>
    tpu.vector_store %arg7[%swap3A_41], %swap3A_44 {strides = array<i32>} : memref<80xi32, #tpu.memory_space<vmem>>, vector<16xi32>,
    %get3A_45 = arith.constant 16 : index
    %get3A_46 = tpu.vector_load %arg12[%get3A_45] {strides = array<i32>} : memref<80xi32, #tpu.memory_space<vmem>>, vector<16xi32>,
    %get3A_47 = vector.shape_cast %get3A_46 : vector<16xi32> to vector<16xi32>
    %and3A_48 = arith.andi %get3A_47, %broadcast_in_dim3A_5 : vector<16xi32>
    %swap3A_49 = arith.constant 16 : index
    %swap3A_50 = tpu.vector_load %arg6[%swap3A_49] {strides = array<i32>} : memref<80xi32, #tpu.memory_space<vmem>>, vector<16xi32>,
    %swap3A_51 = vector.shape_cast %swap3A_50 : vector<16xi32> to vector<16xi32>
    %swap3A_52 = vector.shape_cast %and3A_48 : vector<16xi32> to vector<16xi32>
    tpu.vector_store %arg6[%swap3A_49], %swap3A_52 {strides = array<i32>} : memref<80xi32, #tpu.memory_space<vmem>>, vector<16xi32>,
    %shift_right_logical3A_53 = arith.shrui %get3A_47, %broadcast_in_dim3A_7 : vector<16xi32>
    %swap3A_54 = arith.constant 16 : index
    %swap3A_55 = tpu.vector_load %arg7[%swap3A_54] {strides = array<i32>} : memref<80xi32, #tpu.memory_space<vmem>>, vector<16xi32>,
    %swap3A_56 = vector.shape_cast %swap3A_55 : vector<16xi32> to vector<16xi32>
    %swap3A_57 = vector.shape_cast %shift_right_logical3A_53 : vector<16xi32> to vector<16xi32>
    tpu.vector_store %arg7[%swap3A_54], %swap3A_57 {strides = array<i32>} : memref<80xi32, #tpu.memory_space<vmem>>, vector<16xi32>,
    %get3A_58 = arith.constant 32 : index
    %get3A_59 = tpu.vector_load %arg12[%get3A_58] {strides = array<i32>} : memref<80xi32, #tpu.memory_space<vmem>>, vector<16xi32>,
    %get3A_60 = vector.shape_cast %get3A_59 : vector<16xi32> to vector<16xi32>
    %and3A_61 = arith.andi %get3A_60, %broadcast_in_dim3A_5 : vector<16xi32>
    %swap3A_62 = arith.constant 32 : index
    %swap3A_63 = tpu.vector_load %arg6[%swap3A_62] {strides = array<i32>} : memref<80xi32, #tpu.memory_space<vmem>>, vector<16xi32>,
    %swap3A_64 = vector.shape_cast %swap3A_63 : vector<16xi32> to vector<16xi32>
    %swap3A_65 = vector.shape_cast %and3A_61 : vector<16xi32> to vector<16xi32>
    tpu.vector_store %arg6[%swap3A_62], %swap3A_65 {strides = array<i32>} : memref<80xi32, #tpu.memory_space<vmem>>, vector<16xi32>,
    %shift_right_logical3A_66 = arith.shrui %get3A_60, %broadcast_in_dim3A_7 : vector<16xi32>
    %swap3A_67 = arith.constant 32 : index
    %swap3A_68 = tpu.vector_load %arg7[%swap3A_67] {strides = array<i32>} : memref<80xi32, #tpu.memory_space<vmem>>, vector<16xi32>,
    %swap3A_69 = vector.shape_cast %swap3A_68 : vector<16xi32> to vector<16xi32>
    %swap3A_70 = vector.shape_cast %shift_right_logical3A_66 : vector<16xi32> to vector<16xi32>
    tpu.vector_store %arg7[%swap3A_67], %swap3A_70 {strides = array<i32>} : memref<80xi32, #tpu.memory_space<vmem>>, vector<16xi32>,
    %get3A_71 = arith.constant 48 : index
    %get3A_72 = tpu.vector_load %arg12[%get3A_71] {strides = array<i32>} : memref<80xi32, #tpu.memory_space<vmem>>, vector<16xi32>,
    %get3A_73 = vector.shape_cast %get3A_72 : vector<16xi32> to vector<16xi32>
    %and3A_74 = arith.andi %get3A_73, %broadcast_in_dim3A_5 : vector<16xi32>
    %swap3A_75 = arith.constant 48 : index
    %swap3A_76 = tpu.vector_load %arg6[%swap3A_75] {strides = array<i32>} : memref<80xi32, #tpu.memory_space<vmem>>, vector<16xi32>,
    %swap3A_77 = vector.shape_cast %swap3A_76 : vector<16xi32> to vector<16xi32>
    %swap3A_78 = vector.shape_cast %and3A_74 : vector<16xi32> to vector<16xi32>
    tpu.vector_store %arg6[%swap3A_75], %swap3A_78 {strides = array<i32>} : memref<80xi32, #tpu.memory_space<vmem>>, vector<16xi32>,
    %shift_right_logical3A_79 = arith.shrui %get3A_73, %broadcast_in_dim3A_7 : vector<16xi32>
    %swap3A_80 = arith.constant 48 : index
    %swap3A_81 = tpu.vector_load %arg7[%swap3A_80] {strides = array<i32>} : memref<80xi32, #tpu.memory_space<vmem>>, vector<16xi32>,
    %swap3A_82 = vector.shape_cast %swap3A_81 : vector<16xi32> to vector<16xi32>
    %swap3A_83 = vector.shape_cast %shift_right_logical3A_79 : vector<16xi32> to vector<16xi32>
    tpu.vector_store %arg7[%swap3A_80], %swap3A_83 {strides = array<i32>} : memref<80xi32, #tpu.memory_space<vmem>>, vector<16xi32>,
    %get3A_84 = arith.constant 64 : index
    %get3A_85 = tpu.vector_load %arg12[%get3A_84] {strides = array<i32>} : memref<80xi32, #tpu.memory_space<vmem>>, vector<16xi32>,
    %get3A_86 = vector.shape_cast %get3A_85 : vector<16xi32> to vector<16xi32>
    %and3A_87 = arith.andi %get3A_86, %broadcast_in_dim3A_5 : vector<16xi32>
    %swap3A_88 = arith.constant 64 : index
    %swap3A_89 = tpu.vector_load %arg6[%swap3A_88] {strides = array<i32>} : memref<80xi32, #tpu.memory_space<vmem>>, vector<16xi32>,
    %swap3A_90 = vector.shape_cast %swap3A_89 : vector<16xi32> to vector<16xi32>
    %swap3A_91 = vector.shape_cast %and3A_87 : vector<16xi32> to vector<16xi32>
    tpu.vector_store %arg6[%swap3A_88], %swap3A_91 {strides = array<i32>} : memref<80xi32, #tpu.memory_space<vmem>>, vector<16xi32>,
    %shift_right_logical3A_92 = arith.shrui %get3A_86, %broadcast_in_dim3A_7 : vector<16xi32>
    %swap3A_93 = arith.constant 64 : index
    %swap3A_94 = tpu.vector_load %arg7[%swap3A_93] {strides = array<i32>} : memref<80xi32, #tpu.memory_space<vmem>>, vector<16xi32>,
    %swap3A_95 = vector.shape_cast %swap3A_94 : vector<16xi32> to vector<16xi32>
    %swap3A_96 = vector.shape_cast %shift_right_logical3A_92 : vector<16xi32> to vector<16xi32>
    tpu.vector_store %arg7[%swap3A_93], %swap3A_96 {strides = array<i32>} : memref<80xi32, #tpu.memory_space<vmem>>, vector<16xi32>,
    %dma_start3A_97 = arith.constant 0 : i32
    %dma_start3A_98 = arith.constant 0 : i32
    %dma_start3A_99 = tpu.memref_slice %arg2[%dma_start3A_97, %dma_start3A_98] : memref<10000x128xf32, #tpu.memory_space<hbm>> -> memref<10000x128xf32, #tpu.memory_space<hbm>>
    tpu.enqueue_indirect_dma source(%dma_start3A_99 : memref<10000x128xf32, #tpu.memory_space<hbm>>) target(%arg15 : memref<80x128xf32, #tpu.memory_space<vmem>>) offsets(%arg6 : memref<80xi32, #tpu.memory_space<vmem>>) semaphore(%arg18 : memref<!tpu.dma_semaphore, #tpu.memory_space<semaphore_mem>>)
    %add3A_100 = arith.constant 240 : i32
    %add3A_101 = arith.addi %mul3A_2, %add3A_100 : i32
    %dma_start3A_102 = tpu.memref_slice %arg3[%add3A_101] : memref<320000xi32, #tpu.memory_space<hbm>> -> memref<80xi32, #tpu.memory_space<hbm>>
    %dma_start3A_103 = tpu.memref_slice %arg3[%add3A_101] : memref<320000xi32, #tpu.memory_space<hbm>> -> memref<80xi32, #tpu.memory_space<hbm>>
    tpu.enqueue_dma source(%dma_start3A_103 : memref<80xi32, #tpu.memory_space<hbm>>) target(%arg12 : memref<80xi32, #tpu.memory_space<vmem>>) target_semaphore(%arg21 : memref<!tpu.dma_semaphore, #tpu.memory_space<semaphore_mem>>)
    %dma_wait3A_104 = arith.constant 0 : i32
    %dma_wait3A_105 = tpu.memref_slice %arg3[%dma_wait3A_104] : memref<320000xi32, #tpu.memory_space<hbm>> -> memref<80xi32, #tpu.memory_space<hbm>>
    %dma_wait3A_106 = arith.constant 0 : i32
    %dma_wait3A_107 = tpu.memref_slice %arg3[%dma_wait3A_106] : memref<320000xi32, #tpu.memory_space<hbm>> -> memref<80xi32, #tpu.memory_space<hbm>>
    tpu.wait_dma2 semaphore(%arg22 : memref<!tpu.dma_semaphore, #tpu.memory_space<semaphore_mem>>) src(%dma_wait3A_107 : memref<80xi32, #tpu.memory_space<hbm>>) dst(%arg13 : memref<80xi32, #tpu.memory_space<vmem>>)
    %get3A_108 = arith.constant 0 : index
    %get3A_109 = tpu.vector_load %arg13[%get3A_108] {strides = array<i32>} : memref<80xi32, #tpu.memory_space<vmem>>, vector<16xi32>,
    %get3A_110 = vector.shape_cast %get3A_109 : vector<16xi32> to vector<16xi32>
    %and3A_111 = arith.andi %get3A_110, %broadcast_in_dim3A_5 : vector<16xi32>
    %swap3A_112 = arith.constant 0 : index
    %swap3A_113 = tpu.vector_load %arg8[%swap3A_112] {strides = array<i32>} : memref<80xi32, #tpu.memory_space<vmem>>, vector<16xi32>,
    %swap3A_114 = vector.shape_cast %swap3A_113 : vector<16xi32> to vector<16xi32>
    %swap3A_115 = vector.shape_cast %and3A_111 : vector<16xi32> to vector<16xi32>
    tpu.vector_store %arg8[%swap3A_112], %swap3A_115 {strides = array<i32>} : memref<80xi32, #tpu.memory_space<vmem>>, vector<16xi32>,
    %shift_right_logical3A_116 = arith.shrui %get3A_110, %broadcast_in_dim3A_7 : vector<16xi32>
    %swap3A_117 = arith.constant 0 : index
    %swap3A_118 = tpu.vector_load %arg9[%swap3A_117] {strides = array<i32>} : memref<80xi32, #tpu.memory_space<vmem>>, vector<16xi32>,
    %swap3A_119 = vector.shape_cast %swap3A_118 : vector<16xi32> to vector<16xi32>
    %swap3A_120 = vector.shape_cast %shift_right_logical3A_116 : vector<16xi32> to vector<16xi32>
    tpu.vector_store %arg9[%swap3A_117], %swap3A_120 {strides = array<i32>} : memref<80xi32, #tpu.memory_space<vmem>>, vector<16xi32>,
    %get3A_121 = arith.constant 16 : index
    %get3A_122 = tpu.vector_load %arg13[%get3A_121] {strides = array<i32>} : memref<80xi32, #tpu.memory_space<vmem>>, vector<16xi32>,
    %get3A_123 = vector.shape_cast %get3A_122 : vector<16xi32> to vector<16xi32>
    %and3A_124 = arith.andi %get3A_123, %broadcast_in_dim3A_5 : vector<16xi32>
    %swap3A_125 = arith.constant 16 : index
    %swap3A_126 = tpu.vector_load %arg8[%swap3A_125] {strides = array<i32>} : memref<80xi32, #tpu.memory_space<vmem>>, vector<16xi32>,
    %swap3A_127 = vector.shape_cast %swap3A_126 : vector<16xi32> to vector<16xi32>
    %swap3A_128 = vector.shape_cast %and3A_124 : vector<16xi32> to vector<16xi32>
    tpu.vector_store %arg8[%swap3A_125], %swap3A_128 {strides = array<i32>} : memref<80xi32, #tpu.memory_space<vmem>>, vector<16xi32>,
    %shift_right_logical3A_129 = arith.shrui %get3A_123, %broadcast_in_dim3A_7 : vector<16xi32>
    %swap3A_130 = arith.constant 16 : index
    %swap3A_131 = tpu.vector_load %arg9[%swap3A_130] {strides = array<i32>} : memref<80xi32, #tpu.memory_space<vmem>>, vector<16xi32>,
    %swap3A_132 = vector.shape_cast %swap3A_131 : vector<16xi32> to vector<16xi32>
    %swap3A_133 = vector.shape_cast %shift_right_logical3A_129 : vector<16xi32> to vector<16xi32>
    tpu.vector_store %arg9[%swap3A_130], %swap3A_133 {strides = array<i32>} : memref<80xi32, #tpu.memory_space<vmem>>, vector<16xi32>,
    %get3A_134 = arith.constant 32 : index
    %get3A_135 = tpu.vector_load %arg13[%get3A_134] {strides = array<i32>} : memref<80xi32, #tpu.memory_space<vmem>>, vector<16xi32>,
    %get3A_136 = vector.shape_cast %get3A_135 : vector<16xi32> to vector<16xi32>
    %and3A_137 = arith.andi %get3A_136, %broadcast_in_dim3A_5 : vector<16xi32>
    %swap3A_138 = arith.constant 32 : index
    %swap3A_139 = tpu.vector_load %arg8[%swap3A_138] {strides = array<i32>} : memref<80xi32, #tpu.memory_space<vmem>>, vector<16xi32>,
    %swap3A_140 = vector.shape_cast %swap3A_139 : vector<16xi32> to vector<16xi32>
    %swap3A_141 = vector.shape_cast %and3A_137 : vector<16xi32> to vector<16xi32>
    tpu.vector_store %arg8[%swap3A_138], %swap3A_141 {strides = array<i32>} : memref<80xi32, #tpu.memory_space<vmem>>, vector<16xi32>,
    %shift_right_logical3A_142 = arith.shrui %get3A_136, %broadcast_in_dim3A_7 : vector<16xi32>
    %swap3A_143 = arith.constant 32 : index
    %swap3A_144 = tpu.vector_load %arg9[%swap3A_143] {strides = array<i32>} : memref<80xi32, #tpu.memory_space<vmem>>, vector<16xi32>,
    %swap3A_145 = vector.shape_cast %swap3A_144 : vector<16xi32> to vector<16xi32>
    %swap3A_146 = vector.shape_cast %shift_right_logical3A_142 : vector<16xi32> to vector<16xi32>
    tpu.vector_store %arg9[%swap3A_143], %swap3A_146 {strides = array<i32>} : memref<80xi32, #tpu.memory_space<vmem>>, vector<16xi32>,
    %get3A_147 = arith.constant 48 : index
    %get3A_148 = tpu.vector_load %arg13[%get3A_147] {strides = array<i32>} : memref<80xi32, #tpu.memory_space<vmem>>, vector<16xi32>,
    %get3A_149 = vector.shape_cast %get3A_148 : vector<16xi32> to vector<16xi32>
    %and3A_150 = arith.andi %get3A_149, %broadcast_in_dim3A_5 : vector<16xi32>
    %swap3A_151 = arith.constant 48 : index
    %swap3A_152 = tpu.vector_load %arg8[%swap3A_151] {strides = array<i32>} : memref<80xi32, #tpu.memory_space<vmem>>, vector<16xi32>,
    %swap3A_153 = vector.shape_cast %swap3A_152 : vector<16xi32> to vector<16xi32>
    %swap3A_154 = vector.shape_cast %and3A_150 : vector<16xi32> to vector<16xi32>
    tpu.vector_store %arg8[%swap3A_151], %swap3A_154 {strides = array<i32>} : memref<80xi32, #tpu.memory_space<vmem>>, vector<16xi32>,
    %shift_right_logical3A_155 = arith.shrui %get3A_149, %broadcast_in_dim3A_7 : vector<16xi32>
    %swap3A_156 = arith.constant 48 : index
    %swap3A_157 = tpu.vector_load %arg9[%swap3A_156] {strides = array<i32>} : memref<80xi32, #tpu.memory_space<vmem>>, vector<16xi32>,
    %swap3A_158 = vector.shape_cast %swap3A_157 : vector<16xi32> to vector<16xi32>
    %swap3A_159 = vector.shape_cast %shift_right_logical3A_155 : vector<16xi32> to vector<16xi32>
    tpu.vector_store %arg9[%swap3A_156], %swap3A_159 {strides = array<i32>} : memref<80xi32, #tpu.memory_space<vmem>>, vector<16xi32>,
    %get3A_160 = arith.constant 64 : index
    %get3A_161 = tpu.vector_load %arg13[%get3A_160] {strides = array<i32>} : memref<80xi32, #tpu.memory_space<vmem>>, vector<16xi32>,
    %get3A_162 = vector.shape_cast %get3A_161 : vector<16xi32> to vector<16xi32>
    %and3A_163 = arith.andi %get3A_162, %broadcast_in_dim3A_5 : vector<16xi32>
    %swap3A_164 = arith.constant 64 : index
    %swap3A_165 = tpu.vector_load %arg8[%swap3A_164] {strides = array<i32>} : memref<80xi32, #tpu.memory_space<vmem>>, vector<16xi32>,
    %swap3A_166 = vector.shape_cast %swap3A_165 : vector<16xi32> to vector<16xi32>
    %swap3A_167 = vector.shape_cast %and3A_163 : vector<16xi32> to vector<16xi32>
    tpu.vector_store %arg8[%swap3A_164], %swap3A_167 {strides = array<i32>} : memref<80xi32, #tpu.memory_space<vmem>>, vector<16xi32>,
    %shift_right_logical3A_168 = arith.shrui %get3A_162, %broadcast_in_dim3A_7 : vector<16xi32>
    %swap3A_169 = arith.constant 64 : index
    %swap3A_170 = tpu.vector_load %arg9[%swap3A_169] {strides = array<i32>} : memref<80xi32, #tpu.memory_space<vmem>>, vector<16xi32>,
    %swap3A_171 = vector.shape_cast %swap3A_170 : vector<16xi32> to vector<16xi32>
    %swap3A_172 = vector.shape_cast %shift_right_logical3A_168 : vector<16xi32> to vector<16xi32>
    tpu.vector_store %arg9[%swap3A_169], %swap3A_172 {strides = array<i32>} : memref<80xi32, #tpu.memory_space<vmem>>, vector<16xi32>,
    %dma_start3A_173 = arith.constant 0 : i32
    %dma_start3A_174 = arith.constant 0 : i32
    %dma_start3A_175 = tpu.memref_slice %arg2[%dma_start3A_173, %dma_start3A_174] : memref<10000x128xf32, #tpu.memory_space<hbm>> -> memref<10000x128xf32, #tpu.memory_space<hbm>>
    tpu.enqueue_indirect_dma source(%dma_start3A_175 : memref<10000x128xf32, #tpu.memory_space<hbm>>) target(%arg16 : memref<80x128xf32, #tpu.memory_space<vmem>>) offsets(%arg8 : memref<80xi32, #tpu.memory_space<vmem>>) semaphore(%arg19 : memref<!tpu.dma_semaphore, #tpu.memory_space<semaphore_mem>>)
    %add3A_176 = arith.constant 320 : i32
    %add3A_177 = arith.addi %mul3A_2, %add3A_176 : i32
    %dma_start3A_178 = tpu.memref_slice %arg3[%add3A_177] : memref<320000xi32, #tpu.memory_space<hbm>> -> memref<80xi32, #tpu.memory_space<hbm>>
    %dma_start3A_179 = tpu.memref_slice %arg3[%add3A_177] : memref<320000xi32, #tpu.memory_space<hbm>> -> memref<80xi32, #tpu.memory_space<hbm>>
    tpu.enqueue_dma source(%dma_start3A_179 : memref<80xi32, #tpu.memory_space<hbm>>) target(%arg13 : memref<80xi32, #tpu.memory_space<vmem>>) target_semaphore(%arg22 : memref<!tpu.dma_semaphore, #tpu.memory_space<semaphore_mem>>)
    %dma_wait3A_180 = arith.constant 0 : i32
    %dma_wait3A_181 = tpu.memref_slice %arg3[%dma_wait3A_180] : memref<320000xi32, #tpu.memory_space<hbm>> -> memref<80xi32, #tpu.memory_space<hbm>>
    %dma_wait3A_182 = arith.constant 0 : i32
    %dma_wait3A_183 = tpu.memref_slice %arg3[%dma_wait3A_182] : memref<320000xi32, #tpu.memory_space<hbm>> -> memref<80xi32, #tpu.memory_space<hbm>>
    tpu.wait_dma2 semaphore(%arg23 : memref<!tpu.dma_semaphore, #tpu.memory_space<semaphore_mem>>) src(%dma_wait3A_183 : memref<80xi32, #tpu.memory_space<hbm>>) dst(%arg14 : memref<80xi32, #tpu.memory_space<vmem>>)
    %get3A_184 = arith.constant 0 : index
    %get3A_185 = tpu.vector_load %arg14[%get3A_184] {strides = array<i32>} : memref<80xi32, #tpu.memory_space<vmem>>, vector<16xi32>,
    %get3A_186 = vector.shape_cast %get3A_185 : vector<16xi32> to vector<16xi32>
    %and3A_187 = arith.andi %get3A_186, %broadcast_in_dim3A_5 : vector<16xi32>
    %swap3A_188 = arith.constant 0 : index
    %swap3A_189 = tpu.vector_load %arg10[%swap3A_188] {strides = array<i32>} : memref<80xi32, #tpu.memory_space<vmem>>, vector<16xi32>,
    %swap3A_190 = vector.shape_cast %swap3A_189 : vector<16xi32> to vector<16xi32>
    %swap3A_191 = vector.shape_cast %and3A_187 : vector<16xi32> to vector<16xi32>
    tpu.vector_store %arg10[%swap3A_188], %swap3A_191 {strides = array<i32>} : memref<80xi32, #tpu.memory_space<vmem>>, vector<16xi32>,
    %shift_right_logical3A_192 = arith.shrui %get3A_186, %broadcast_in_dim3A_7 : vector<16xi32>
    %swap3A_193 = arith.constant 0 : index
    %swap3A_194 = tpu.vector_load %arg11[%swap3A_193] {strides = array<i32>} : memref<80xi32, #tpu.memory_space<vmem>>, vector<16xi32>,
    %swap3A_195 = vector.shape_cast %swap3A_194 : vector<16xi32> to vector<16xi32>
    %swap3A_196 = vector.shape_cast %shift_right_logical3A_192 : vector<16xi32> to vector<16xi32>
    tpu.vector_store %arg11[%swap3A_193], %swap3A_196 {strides = array<i32>} : memref<80xi32, #tpu.memory_space<vmem>>, vector<16xi32>,
    %get3A_197 = arith.constant 16 : index
    %get3A_198 = tpu.vector_load %arg14[%get3A_197] {strides = array<i32>} : memref<80xi32, #tpu.memory_space<vmem>>, vector<16xi32>,
    %get3A_199 = vector.shape_cast %get3A_198 : vector<16xi32> to vector<16xi32>
    %and3A_200 = arith.andi %get3A_199, %broadcast_in_dim3A_5 : vector<16xi32>
    %swap3A_201 = arith.constant 16 : index
    %swap3A_202 = tpu.vector_load %arg10[%swap3A_201] {strides = array<i32>} : memref<80xi32, #tpu.memory_space<vmem>>, vector<16xi32>,
    %swap3A_203 = vector.shape_cast %swap3A_202 : vector<16xi32> to vector<16xi32>
    %swap3A_204 = vector.shape_cast %and3A_200 : vector<16xi32> to vector<16xi32>
    tpu.vector_store %arg10[%swap3A_201], %swap3A_204 {strides = array<i32>} : memref<80xi32, #tpu.memory_space<vmem>>, vector<16xi32>,
    %shift_right_logical3A_205 = arith.shrui %get3A_199, %broadcast_in_dim3A_7 : vector<16xi32>
    %swap3A_206 = arith.constant 16 : index
    %swap3A_207 = tpu.vector_load %arg11[%swap3A_206] {strides = array<i32>} : memref<80xi32, #tpu.memory_space<vmem>>, vector<16xi32>,
    %swap3A_208 = vector.shape_cast %swap3A_207 : vector<16xi32> to vector<16xi32>
    %swap3A_209 = vector.shape_cast %shift_right_logical3A_205 : vector<16xi32> to vector<16xi32>
    tpu.vector_store %arg11[%swap3A_206], %swap3A_209 {strides = array<i32>} : memref<80xi32, #tpu.memory_space<vmem>>, vector<16xi32>,
    %get3A_210 = arith.constant 32 : index
    %get3A_211 = tpu.vector_load %arg14[%get3A_210] {strides = array<i32>} : memref<80xi32, #tpu.memory_space<vmem>>, vector<16xi32>,
    %get3A_212 = vector.shape_cast %get3A_211 : vector<16xi32> to vector<16xi32>
    %and3A_213 = arith.andi %get3A_212, %broadcast_in_dim3A_5 : vector<16xi32>
    %swap3A_214 = arith.constant 32 : index
    %swap3A_215 = tpu.vector_load %arg10[%swap3A_214] {strides = array<i32>} : memref<80xi32, #tpu.memory_space<vmem>>, vector<16xi32>,
    %swap3A_216 = vector.shape_cast %swap3A_215 : vector<16xi32> to vector<16xi32>
    %swap3A_217 = vector.shape_cast %and3A_213 : vector<16xi32> to vector<16xi32>
    tpu.vector_store %arg10[%swap3A_214], %swap3A_217 {strides = array<i32>} : memref<80xi32, #tpu.memory_space<vmem>>, vector<16xi32>,
    %shift_right_logical3A_218 = arith.shrui %get3A_212, %broadcast_in_dim3A_7 : vector<16xi32>
    %swap3A_219 = arith.constant 32 : index
    %swap3A_220 = tpu.vector_load %arg11[%swap3A_219] {strides = array<i32>} : memref<80xi32, #tpu.memory_space<vmem>>, vector<16xi32>,
    %swap3A_221 = vector.shape_cast %swap3A_220 : vector<16xi32> to vector<16xi32>
    %swap3A_222 = vector.shape_cast %shift_right_logical3A_218 : vector<16xi32> to vector<16xi32>
    tpu.vector_store %arg11[%swap3A_219], %swap3A_222 {strides = array<i32>} : memref<80xi32, #tpu.memory_space<vmem>>, vector<16xi32>,
    %get3A_223 = arith.constant 48 : index
    %get3A_224 = tpu.vector_load %arg14[%get3A_223] {strides = array<i32>} : memref<80xi32, #tpu.memory_space<vmem>>, vector<16xi32>,
    %get3A_225 = vector.shape_cast %get3A_224 : vector<16xi32> to vector<16xi32>
    %and3A_226 = arith.andi %get3A_225, %broadcast_in_dim3A_5 : vector<16xi32>
    %swap3A_227 = arith.constant 48 : index
    %swap3A_228 = tpu.vector_load %arg10[%swap3A_227] {strides = array<i32>} : memref<80xi32, #tpu.memory_space<vmem>>, vector<16xi32>,
    %swap3A_229 = vector.shape_cast %swap3A_228 : vector<16xi32> to vector<16xi32>
    %swap3A_230 = vector.shape_cast %and3A_226 : vector<16xi32> to vector<16xi32>
    tpu.vector_store %arg10[%swap3A_227], %swap3A_230 {strides = array<i32>} : memref<80xi32, #tpu.memory_space<vmem>>, vector<16xi32>,
    %shift_right_logical3A_231 = arith.shrui %get3A_225, %broadcast_in_dim3A_7 : vector<16xi32>
    %swap3A_232 = arith.constant 48 : index
    %swap3A_233 = tpu.vector_load %arg11[%swap3A_232] {strides = array<i32>} : memref<80xi32, #tpu.memory_space<vmem>>, vector<16xi32>,
    %swap3A_234 = vector.shape_cast %swap3A_233 : vector<16xi32> to vector<16xi32>
    %swap3A_235 = vector.shape_cast %shift_right_logical3A_231 : vector<16xi32> to vector<16xi32>
    tpu.vector_store %arg11[%swap3A_232], %swap3A_235 {strides = array<i32>} : memref<80xi32, #tpu.memory_space<vmem>>, vector<16xi32>,
    %get3A_236 = arith.constant 64 : index
    %get3A_237 = tpu.vector_load %arg14[%get3A_236] {strides = array<i32>} : memref<80xi32, #tpu.memory_space<vmem>>, vector<16xi32>,
    %get3A_238 = vector.shape_cast %get3A_237 : vector<16xi32> to vector<16xi32>
    %and3A_239 = arith.andi %get3A_238, %broadcast_in_dim3A_5 : vector<16xi32>
    %swap3A_240 = arith.constant 64 : index
    %swap3A_241 = tpu.vector_load %arg10[%swap3A_240] {strides = array<i32>} : memref<80xi32, #tpu.memory_space<vmem>>, vector<16xi32>,
    %swap3A_242 = vector.shape_cast %swap3A_241 : vector<16xi32> to vector<16xi32>
    %swap3A_243 = vector.shape_cast %and3A_239 : vector<16xi32> to vector<16xi32>
    tpu.vector_store %arg10[%swap3A_240], %swap3A_243 {strides = array<i32>} : memref<80xi32, #tpu.memory_space<vmem>>, vector<16xi32>,
    %shift_right_logical3A_244 = arith.shrui %get3A_238, %broadcast_in_dim3A_7 : vector<16xi32>
    %swap3A_245 = arith.constant 64 : index
    %swap3A_246 = tpu.vector_load %arg11[%swap3A_245] {strides = array<i32>} : memref<80xi32, #tpu.memory_space<vmem>>, vector<16xi32>,
    %swap3A_247 = vector.shape_cast %swap3A_246 : vector<16xi32> to vector<16xi32>
    %swap3A_248 = vector.shape_cast %shift_right_logical3A_244 : vector<16xi32> to vector<16xi32>
    tpu.vector_store %arg11[%swap3A_245], %swap3A_248 {strides = array<i32>} : memref<80xi32, #tpu.memory_space<vmem>>, vector<16xi32>,
    %dma_start3A_249 = arith.constant 0 : i32
    %dma_start3A_250 = arith.constant 0 : i32
    %dma_start3A_251 = tpu.memref_slice %arg2[%dma_start3A_249, %dma_start3A_250] : memref<10000x128xf32, #tpu.memory_space<hbm>> -> memref<10000x128xf32, #tpu.memory_space<hbm>>
    tpu.enqueue_indirect_dma source(%dma_start3A_251 : memref<10000x128xf32, #tpu.memory_space<hbm>>) target(%arg17 : memref<80x128xf32, #tpu.memory_space<vmem>>) offsets(%arg10 : memref<80xi32, #tpu.memory_space<vmem>>) semaphore(%arg20 : memref<!tpu.dma_semaphore, #tpu.memory_space<semaphore_mem>>)
    %add3A_252 = arith.constant 400 : i32
    %add3A_253 = arith.addi %mul3A_2, %add3A_252 : i32
    %dma_start3A_254 = tpu.memref_slice %arg3[%add3A_253] : memref<320000xi32, #tpu.memory_space<hbm>> -> memref<80xi32, #tpu.memory_space<hbm>>
    %dma_start3A_255 = tpu.memref_slice %arg3[%add3A_253] : memref<320000xi32, #tpu.memory_space<hbm>> -> memref<80xi32, #tpu.memory_space<hbm>>
    tpu.enqueue_dma source(%dma_start3A_255 : memref<80xi32, #tpu.memory_space<hbm>>) target(%arg14 : memref<80xi32, #tpu.memory_space<vmem>>) target_semaphore(%arg23 : memref<!tpu.dma_semaphore, #tpu.memory_space<semaphore_mem>>)
    %dma_wait3A_256 = arith.constant 0 : i32
    %dma_wait3A_257 = arith.constant 0 : i32
    %dma_wait3A_258 = tpu.memref_slice %arg2[%dma_wait3A_256, %dma_wait3A_257] : memref<10000x128xf32, #tpu.memory_space<hbm>> -> memref<10000x128xf32, #tpu.memory_space<hbm>>
    tpu.wait_indirect_dma semaphore(%arg18 : memref<!tpu.dma_semaphore, #tpu.memory_space<semaphore_mem>>) src(%dma_wait3A_258 : memref<10000x128xf32, #tpu.memory_space<hbm>>) dst(%arg15 : memref<80x128xf32, #tpu.memory_space<vmem>>)
    "tpu.region"() ({
      %run_scoped3A = tpu.sem_alloc : memref<!tpu.dma_semaphore, #tpu.memory_space<semaphore_mem>>
      %dma_start3A_661 = arith.constant 0 : i32
      %dma_start3A_662 = arith.constant 0 : i32
      %dma_start3A_663 = tpu.memref_slice %arg5[%dma_start3A_661, %dma_start3A_662] : memref<10240x128xf32, #tpu.memory_space<vmem_shared>> -> memref<10240x128xf32, #tpu.memory_space<vmem_shared>>
      tpu.enqueue_indirect_dma source(%arg15 : memref<80x128xf32, #tpu.memory_space<vmem>>) target(%dma_start3A_663 : memref<10240x128xf32, #tpu.memory_space<vmem_shared>>) offsets(%arg7 : memref<80xi32, #tpu.memory_space<vmem>>) semaphore(%run_scoped3A : memref<!tpu.dma_semaphore, #tpu.memory_space<semaphore_mem>>) {add = true}
      %dma_wait3A_664 = arith.constant 0 : i32
      %dma_wait3A_665 = arith.constant 0 : i32
      %dma_wait3A_666 = tpu.memref_slice %arg5[%dma_wait3A_664, %dma_wait3A_665] : memref<10240x128xf32, #tpu.memory_space<vmem_shared>> -> memref<10240x128xf32, #tpu.memory_space<vmem_shared>>
      tpu.wait_indirect_dma semaphore(%run_scoped3A : memref<!tpu.dma_semaphore, #tpu.memory_space<semaphore_mem>>) src(%arg15 : memref<80x128xf32, #tpu.memory_space<vmem>>) dst(%dma_wait3A_666 : memref<10240x128xf32, #tpu.memory_space<vmem_shared>>)
      tpu.yield
    }) : () -> ()
    %dma_wait3A_259 = arith.constant 0 : i32
    %dma_wait3A_260 = tpu.memref_slice %arg3[%dma_wait3A_259] : memref<320000xi32, #tpu.memory_space<hbm>> -> memref<80xi32, #tpu.memory_space<hbm>>
    %dma_wait3A_261 = arith.constant 0 : i32
    %dma_wait3A_262 = tpu.memref_slice %arg3[%dma_wait3A_261] : memref<320000xi32, #tpu.memory_space<hbm>> -> memref<80xi32, #tpu.memory_space<hbm>>
    tpu.wait_dma2 semaphore(%arg21 : memref<!tpu.dma_semaphore, #tpu.memory_space<semaphore_mem>>) src(%dma_wait3A_262 : memref<80xi32, #tpu.memory_space<hbm>>) dst(%arg12 : memref<80xi32, #tpu.memory_space<vmem>>)
    %get3A_263 = arith.constant 0 : index
    %get3A_264 = tpu.vector_load %arg12[%get3A_263] {strides = array<i32>} : memref<80xi32, #tpu.memory_space<vmem>>, vector<16xi32>,
    %get3A_265 = vector.shape_cast %get3A_264 : vector<16xi32> to vector<16xi32>
    %and3A_266 = arith.andi %get3A_265, %broadcast_in_dim3A_5 : vector<16xi32>
    %swap3A_267 = arith.constant 0 : index
    %swap3A_268 = tpu.vector_load %arg6[%swap3A_267] {strides = array<i32>} : memref<80xi32, #tpu.memory_space<vmem>>, vector<16xi32>,
    %swap3A_269 = vector.shape_cast %swap3A_268 : vector<16xi32> to vector<16xi32>
    %swap3A_270 = vector.shape_cast %and3A_266 : vector<16xi32> to vector<16xi32>
    tpu.vector_store %arg6[%swap3A_267], %swap3A_270 {strides = array<i32>} : memref<80xi32, #tpu.memory_space<vmem>>, vector<16xi32>,
    %shift_right_logical3A_271 = arith.shrui %get3A_265, %broadcast_in_dim3A_7 : vector<16xi32>
    %swap3A_272 = arith.constant 0 : index
    %swap3A_273 = tpu.vector_load %arg7[%swap3A_272] {strides = array<i32>} : memref<80xi32, #tpu.memory_space<vmem>>, vector<16xi32>,
    %swap3A_274 = vector.shape_cast %swap3A_273 : vector<16xi32> to vector<16xi32>
    %swap3A_275 = vector.shape_cast %shift_right_logical3A_271 : vector<16xi32> to vector<16xi32>
    tpu.vector_store %arg7[%swap3A_272], %swap3A_275 {strides = array<i32>} : memref<80xi32, #tpu.memory_space<vmem>>, vector<16xi32>,
    %get3A_276 = arith.constant 16 : index
    %get3A_277 = tpu.vector_load %arg12[%get3A_276] {strides = array<i32>} : memref<80xi32, #tpu.memory_space<vmem>>, vector<16xi32>,
    %get3A_278 = vector.shape_cast %get3A_277 : vector<16xi32> to vector<16xi32>
    %and3A_279 = arith.andi %get3A_278, %broadcast_in_dim3A_5 : vector<16xi32>
    %swap3A_280 = arith.constant 16 : index
    %swap3A_281 = tpu.vector_load %arg6[%swap3A_280] {strides = array<i32>} : memref<80xi32, #tpu.memory_space<vmem>>, vector<16xi32>,
    %swap3A_282 = vector.shape_cast %swap3A_281 : vector<16xi32> to vector<16xi32>
    %swap3A_283 = vector.shape_cast %and3A_279 : vector<16xi32> to vector<16xi32>
    tpu.vector_store %arg6[%swap3A_280], %swap3A_283 {strides = array<i32>} : memref<80xi32, #tpu.memory_space<vmem>>, vector<16xi32>,
    %shift_right_logical3A_284 = arith.shrui %get3A_278, %broadcast_in_dim3A_7 : vector<16xi32>
    %swap3A_285 = arith.constant 16 : index
    %swap3A_286 = tpu.vector_load %arg7[%swap3A_285] {strides = array<i32>} : memref<80xi32, #tpu.memory_space<vmem>>, vector<16xi32>,
    %swap3A_287 = vector.shape_cast %swap3A_286 : vector<16xi32> to vector<16xi32>
    %swap3A_288 = vector.shape_cast %shift_right_logical3A_284 : vector<16xi32> to vector<16xi32>
    tpu.vector_store %arg7[%swap3A_285], %swap3A_288 {strides = array<i32>} : memref<80xi32, #tpu.memory_space<vmem>>, vector<16xi32>,
    %get3A_289 = arith.constant 32 : index
    %get3A_290 = tpu.vector_load %arg12[%get3A_289] {strides = array<i32>} : memref<80xi32, #tpu.memory_space<vmem>>, vector<16xi32>,
    %get3A_291 = vector.shape_cast %get3A_290 : vector<16xi32> to vector<16xi32>
    %and3A_292 = arith.andi %get3A_291, %broadcast_in_dim3A_5 : vector<16xi32>
    %swap3A_293 = arith.constant 32 : index
    %swap3A_294 = tpu.vector_load %arg6[%swap3A_293] {strides = array<i32>} : memref<80xi32, #tpu.memory_space<vmem>>, vector<16xi32>,
    %swap3A_295 = vector.shape_cast %swap3A_294 : vector<16xi32> to vector<16xi32>
    %swap3A_296 = vector.shape_cast %and3A_292 : vector<16xi32> to vector<16xi32>
    tpu.vector_store %arg6[%swap3A_293], %swap3A_296 {strides = array<i32>} : memref<80xi32, #tpu.memory_space<vmem>>, vector<16xi32>,
    %shift_right_logical3A_297 = arith.shrui %get3A_291, %broadcast_in_dim3A_7 : vector<16xi32>
    %swap3A_298 = arith.constant 32 : index
    %swap3A_299 = tpu.vector_load %arg7[%swap3A_298] {strides = array<i32>} : memref<80xi32, #tpu.memory_space<vmem>>, vector<16xi32>,
    %swap3A_300 = vector.shape_cast %swap3A_299 : vector<16xi32> to vector<16xi32>
    %swap3A_301 = vector.shape_cast %shift_right_logical3A_297 : vector<16xi32> to vector<16xi32>
    tpu.vector_store %arg7[%swap3A_298], %swap3A_301 {strides = array<i32>} : memref<80xi32, #tpu.memory_space<vmem>>, vector<16xi32>,
    %get3A_302 = arith.constant 48 : index
    %get3A_303 = tpu.vector_load %arg12[%get3A_302] {strides = array<i32>} : memref<80xi32, #tpu.memory_space<vmem>>, vector<16xi32>,
    %get3A_304 = vector.shape_cast %get3A_303 : vector<16xi32> to vector<16xi32>
    %and3A_305 = arith.andi %get3A_304, %broadcast_in_dim3A_5 : vector<16xi32>
    %swap3A_306 = arith.constant 48 : index
    %swap3A_307 = tpu.vector_load %arg6[%swap3A_306] {strides = array<i32>} : memref<80xi32, #tpu.memory_space<vmem>>, vector<16xi32>,
    %swap3A_308 = vector.shape_cast %swap3A_307 : vector<16xi32> to vector<16xi32>
    %swap3A_309 = vector.shape_cast %and3A_305 : vector<16xi32> to vector<16xi32>
    tpu.vector_store %arg6[%swap3A_306], %swap3A_309 {strides = array<i32>} : memref<80xi32, #tpu.memory_space<vmem>>, vector<16xi32>,
    %shift_right_logical3A_310 = arith.shrui %get3A_304, %broadcast_in_dim3A_7 : vector<16xi32>
    %swap3A_311 = arith.constant 48 : index
    %swap3A_312 = tpu.vector_load %arg7[%swap3A_311] {strides = array<i32>} : memref<80xi32, #tpu.memory_space<vmem>>, vector<16xi32>,
    %swap3A_313 = vector.shape_cast %swap3A_312 : vector<16xi32> to vector<16xi32>
    %swap3A_314 = vector.shape_cast %shift_right_logical3A_310 : vector<16xi32> to vector<16xi32>
    tpu.vector_store %arg7[%swap3A_311], %swap3A_314 {strides = array<i32>} : memref<80xi32, #tpu.memory_space<vmem>>, vector<16xi32>,
    %get3A_315 = arith.constant 64 : index
    %get3A_316 = tpu.vector_load %arg12[%get3A_315] {strides = array<i32>} : memref<80xi32, #tpu.memory_space<vmem>>, vector<16xi32>,
    %get3A_317 = vector.shape_cast %get3A_316 : vector<16xi32> to vector<16xi32>
    %and3A_318 = arith.andi %get3A_317, %broadcast_in_dim3A_5 : vector<16xi32>
    %swap3A_319 = arith.constant 64 : index
    %swap3A_320 = tpu.vector_load %arg6[%swap3A_319] {strides = array<i32>} : memref<80xi32, #tpu.memory_space<vmem>>, vector<16xi32>,
    %swap3A_321 = vector.shape_cast %swap3A_320 : vector<16xi32> to vector<16xi32>
    %swap3A_322 = vector.shape_cast %and3A_318 : vector<16xi32> to vector<16xi32>
    tpu.vector_store %arg6[%swap3A_319], %swap3A_322 {strides = array<i32>} : memref<80xi32, #tpu.memory_space<vmem>>, vector<16xi32>,
    %shift_right_logical3A_323 = arith.shrui %get3A_317, %broadcast_in_dim3A_7 : vector<16xi32>
    %swap3A_324 = arith.constant 64 : index
    %swap3A_325 = tpu.vector_load %arg7[%swap3A_324] {strides = array<i32>} : memref<80xi32, #tpu.memory_space<vmem>>, vector<16xi32>,
    %swap3A_326 = vector.shape_cast %swap3A_325 : vector<16xi32> to vector<16xi32>
    %swap3A_327 = vector.shape_cast %shift_right_logical3A_323 : vector<16xi32> to vector<16xi32>
    tpu.vector_store %arg7[%swap3A_324], %swap3A_327 {strides = array<i32>} : memref<80xi32, #tpu.memory_space<vmem>>, vector<16xi32>,
    %dma_start3A_328 = arith.constant 0 : i32
    %dma_start3A_329 = arith.constant 0 : i32
    %dma_start3A_330 = tpu.memref_slice %arg2[%dma_start3A_328, %dma_start3A_329] : memref<10000x128xf32, #tpu.memory_space<hbm>> -> memref<10000x128xf32, #tpu.memory_space<hbm>>
    tpu.enqueue_indirect_dma source(%dma_start3A_330 : memref<10000x128xf32, #tpu.memory_space<hbm>>) target(%arg15 : memref<80x128xf32, #tpu.memory_space<vmem>>) offsets(%arg6 : memref<80xi32, #tpu.memory_space<vmem>>) semaphore(%arg18 : memref<!tpu.dma_semaphore, #tpu.memory_space<semaphore_mem>>)
    %add3A_331 = arith.constant 480 : i32
    %add3A_332 = arith.addi %mul3A_2, %add3A_331 : i32
    %dma_start3A_333 = tpu.memref_slice %arg3[%add3A_332] : memref<320000xi32, #tpu.memory_space<hbm>> -> memref<80xi32, #tpu.memory_space<hbm>>
    %dma_start3A_334 = tpu.memref_slice %arg3[%add3A_332] : memref<320000xi32, #tpu.memory_space<hbm>> -> memref<80xi32, #tpu.memory_space<hbm>>
    tpu.enqueue_dma source(%dma_start3A_334 : memref<80xi32, #tpu.memory_space<hbm>>) target(%arg12 : memref<80xi32, #tpu.memory_space<vmem>>) target_semaphore(%arg21 : memref<!tpu.dma_semaphore, #tpu.memory_space<semaphore_mem>>)
    %dma_wait3A_335 = arith.constant 0 : i32
    %dma_wait3A_336 = arith.constant 0 : i32
    %dma_wait3A_337 = tpu.memref_slice %arg2[%dma_wait3A_335, %dma_wait3A_336] : memref<10000x128xf32, #tpu.memory_space<hbm>> -> memref<10000x128xf32, #tpu.memory_space<hbm>>
    tpu.wait_indirect_dma semaphore(%arg19 : memref<!tpu.dma_semaphore, #tpu.memory_space<semaphore_mem>>) src(%dma_wait3A_337 : memref<10000x128xf32, #tpu.memory_space<hbm>>) dst(%arg16 : memref<80x128xf32, #tpu.memory_space<vmem>>)
    "tpu.region"() ({
      %run_scoped3A = tpu.sem_alloc : memref<!tpu.dma_semaphore, #tpu.memory_space<semaphore_mem>>
      %dma_start3A_661 = arith.constant 0 : i32
      %dma_start3A_662 = arith.constant 0 : i32
      %dma_start3A_663 = tpu.memref_slice %arg5[%dma_start3A_661, %dma_start3A_662] : memref<10240x128xf32, #tpu.memory_space<vmem_shared>> -> memref<10240x128xf32, #tpu.memory_space<vmem_shared>>
      tpu.enqueue_indirect_dma source(%arg16 : memref<80x128xf32, #tpu.memory_space<vmem>>) target(%dma_start3A_663 : memref<10240x128xf32, #tpu.memory_space<vmem_shared>>) offsets(%arg9 : memref<80xi32, #tpu.memory_space<vmem>>) semaphore(%run_scoped3A : memref<!tpu.dma_semaphore, #tpu.memory_space<semaphore_mem>>) {add = true}
      %dma_wait3A_664 = arith.constant 0 : i32
      %dma_wait3A_665 = arith.constant 0 : i32
      %dma_wait3A_666 = tpu.memref_slice %arg5[%dma_wait3A_664, %dma_wait3A_665] : memref<10240x128xf32, #tpu.memory_space<vmem_shared>> -> memref<10240x128xf32, #tpu.memory_space<vmem_shared>>
      tpu.wait_indirect_dma semaphore(%run_scoped3A : memref<!tpu.dma_semaphore, #tpu.memory_space<semaphore_mem>>) src(%arg16 : memref<80x128xf32, #tpu.memory_space<vmem>>) dst(%dma_wait3A_666 : memref<10240x128xf32, #tpu.memory_space<vmem_shared>>)
      tpu.yield
    }) : () -> ()
    %dma_wait3A_338 = arith.constant 0 : i32
    %dma_wait3A_339 = tpu.memref_slice %arg3[%dma_wait3A_338] : memref<320000xi32, #tpu.memory_space<hbm>> -> memref<80xi32, #tpu.memory_space<hbm>>
    %dma_wait3A_340 = arith.constant 0 : i32
    %dma_wait3A_341 = tpu.memref_slice %arg3[%dma_wait3A_340] : memref<320000xi32, #tpu.memory_space<hbm>> -> memref<80xi32, #tpu.memory_space<hbm>>
    tpu.wait_dma2 semaphore(%arg22 : memref<!tpu.dma_semaphore, #tpu.memory_space<semaphore_mem>>) src(%dma_wait3A_341 : memref<80xi32, #tpu.memory_space<hbm>>) dst(%arg13 : memref<80xi32, #tpu.memory_space<vmem>>)
    %get3A_342 = arith.constant 0 : index
    %get3A_343 = tpu.vector_load %arg13[%get3A_342] {strides = array<i32>} : memref<80xi32, #tpu.memory_space<vmem>>, vector<16xi32>,
    %get3A_344 = vector.shape_cast %get3A_343 : vector<16xi32> to vector<16xi32>
    %and3A_345 = arith.andi %get3A_344, %broadcast_in_dim3A_5 : vector<16xi32>
    %swap3A_346 = arith.constant 0 : index
    %swap3A_347 = tpu.vector_load %arg8[%swap3A_346] {strides = array<i32>} : memref<80xi32, #tpu.memory_space<vmem>>, vector<16xi32>,
    %swap3A_348 = vector.shape_cast %swap3A_347 : vector<16xi32> to vector<16xi32>
    %swap3A_349 = vector.shape_cast %and3A_345 : vector<16xi32> to vector<16xi32>
    tpu.vector_store %arg8[%swap3A_346], %swap3A_349 {strides = array<i32>} : memref<80xi32, #tpu.memory_space<vmem>>, vector<16xi32>,
    %shift_right_logical3A_350 = arith.shrui %get3A_344, %broadcast_in_dim3A_7 : vector<16xi32>
    %swap3A_351 = arith.constant 0 : index
    %swap3A_352 = tpu.vector_load %arg9[%swap3A_351] {strides = array<i32>} : memref<80xi32, #tpu.memory_space<vmem>>, vector<16xi32>,
    %swap3A_353 = vector.shape_cast %swap3A_352 : vector<16xi32> to vector<16xi32>
    %swap3A_354 = vector.shape_cast %shift_right_logical3A_350 : vector<16xi32> to vector<16xi32>
    tpu.vector_store %arg9[%swap3A_351], %swap3A_354 {strides = array<i32>} : memref<80xi32, #tpu.memory_space<vmem>>, vector<16xi32>,
    %get3A_355 = arith.constant 16 : index
    %get3A_356 = tpu.vector_load %arg13[%get3A_355] {strides = array<i32>} : memref<80xi32, #tpu.memory_space<vmem>>, vector<16xi32>,
    %get3A_357 = vector.shape_cast %get3A_356 : vector<16xi32> to vector<16xi32>
    %and3A_358 = arith.andi %get3A_357, %broadcast_in_dim3A_5 : vector<16xi32>
    %swap3A_359 = arith.constant 16 : index
    %swap3A_360 = tpu.vector_load %arg8[%swap3A_359] {strides = array<i32>} : memref<80xi32, #tpu.memory_space<vmem>>, vector<16xi32>,
    %swap3A_361 = vector.shape_cast %swap3A_360 : vector<16xi32> to vector<16xi32>
    %swap3A_362 = vector.shape_cast %and3A_358 : vector<16xi32> to vector<16xi32>
    tpu.vector_store %arg8[%swap3A_359], %swap3A_362 {strides = array<i32>} : memref<80xi32, #tpu.memory_space<vmem>>, vector<16xi32>,
    %shift_right_logical3A_363 = arith.shrui %get3A_357, %broadcast_in_dim3A_7 : vector<16xi32>
    %swap3A_364 = arith.constant 16 : index
    %swap3A_365 = tpu.vector_load %arg9[%swap3A_364] {strides = array<i32>} : memref<80xi32, #tpu.memory_space<vmem>>, vector<16xi32>,
    %swap3A_366 = vector.shape_cast %swap3A_365 : vector<16xi32> to vector<16xi32>
    %swap3A_367 = vector.shape_cast %shift_right_logical3A_363 : vector<16xi32> to vector<16xi32>
    tpu.vector_store %arg9[%swap3A_364], %swap3A_367 {strides = array<i32>} : memref<80xi32, #tpu.memory_space<vmem>>, vector<16xi32>,
    %get3A_368 = arith.constant 32 : index
    %get3A_369 = tpu.vector_load %arg13[%get3A_368] {strides = array<i32>} : memref<80xi32, #tpu.memory_space<vmem>>, vector<16xi32>,
    %get3A_370 = vector.shape_cast %get3A_369 : vector<16xi32> to vector<16xi32>
    %and3A_371 = arith.andi %get3A_370, %broadcast_in_dim3A_5 : vector<16xi32>
    %swap3A_372 = arith.constant 32 : index
    %swap3A_373 = tpu.vector_load %arg8[%swap3A_372] {strides = array<i32>} : memref<80xi32, #tpu.memory_space<vmem>>, vector<16xi32>,
    %swap3A_374 = vector.shape_cast %swap3A_373 : vector<16xi32> to vector<16xi32>
    %swap3A_375 = vector.shape_cast %and3A_371 : vector<16xi32> to vector<16xi32>
    tpu.vector_store %arg8[%swap3A_372], %swap3A_375 {strides = array<i32>} : memref<80xi32, #tpu.memory_space<vmem>>, vector<16xi32>,
    %shift_right_logical3A_376 = arith.shrui %get3A_370, %broadcast_in_dim3A_7 : vector<16xi32>
    %swap3A_377 = arith.constant 32 : index
    %swap3A_378 = tpu.vector_load %arg9[%swap3A_377] {strides = array<i32>} : memref<80xi32, #tpu.memory_space<vmem>>, vector<16xi32>,
    %swap3A_379 = vector.shape_cast %swap3A_378 : vector<16xi32> to vector<16xi32>
    %swap3A_380 = vector.shape_cast %shift_right_logical3A_376 : vector<16xi32> to vector<16xi32>
    tpu.vector_store %arg9[%swap3A_377], %swap3A_380 {strides = array<i32>} : memref<80xi32, #tpu.memory_space<vmem>>, vector<16xi32>,
    %get3A_381 = arith.constant 48 : index
    %get3A_382 = tpu.vector_load %arg13[%get3A_381] {strides = array<i32>} : memref<80xi32, #tpu.memory_space<vmem>>, vector<16xi32>,
    %get3A_383 = vector.shape_cast %get3A_382 : vector<16xi32> to vector<16xi32>
    %and3A_384 = arith.andi %get3A_383, %broadcast_in_dim3A_5 : vector<16xi32>
    %swap3A_385 = arith.constant 48 : index
    %swap3A_386 = tpu.vector_load %arg8[%swap3A_385] {strides = array<i32>} : memref<80xi32, #tpu.memory_space<vmem>>, vector<16xi32>,
    %swap3A_387 = vector.shape_cast %swap3A_386 : vector<16xi32> to vector<16xi32>
    %swap3A_388 = vector.shape_cast %and3A_384 : vector<16xi32> to vector<16xi32>
    tpu.vector_store %arg8[%swap3A_385], %swap3A_388 {strides = array<i32>} : memref<80xi32, #tpu.memory_space<vmem>>, vector<16xi32>,
    %shift_right_logical3A_389 = arith.shrui %get3A_383, %broadcast_in_dim3A_7 : vector<16xi32>
    %swap3A_390 = arith.constant 48 : index
    %swap3A_391 = tpu.vector_load %arg9[%swap3A_390] {strides = array<i32>} : memref<80xi32, #tpu.memory_space<vmem>>, vector<16xi32>,
    %swap3A_392 = vector.shape_cast %swap3A_391 : vector<16xi32> to vector<16xi32>
    %swap3A_393 = vector.shape_cast %shift_right_logical3A_389 : vector<16xi32> to vector<16xi32>
    tpu.vector_store %arg9[%swap3A_390], %swap3A_393 {strides = array<i32>} : memref<80xi32, #tpu.memory_space<vmem>>, vector<16xi32>,
    %get3A_394 = arith.constant 64 : index
    %get3A_395 = tpu.vector_load %arg13[%get3A_394] {strides = array<i32>} : memref<80xi32, #tpu.memory_space<vmem>>, vector<16xi32>,
    %get3A_396 = vector.shape_cast %get3A_395 : vector<16xi32> to vector<16xi32>
    %and3A_397 = arith.andi %get3A_396, %broadcast_in_dim3A_5 : vector<16xi32>
    %swap3A_398 = arith.constant 64 : index
    %swap3A_399 = tpu.vector_load %arg8[%swap3A_398] {strides = array<i32>} : memref<80xi32, #tpu.memory_space<vmem>>, vector<16xi32>,
    %swap3A_400 = vector.shape_cast %swap3A_399 : vector<16xi32> to vector<16xi32>
    %swap3A_401 = vector.shape_cast %and3A_397 : vector<16xi32> to vector<16xi32>
    tpu.vector_store %arg8[%swap3A_398], %swap3A_401 {strides = array<i32>} : memref<80xi32, #tpu.memory_space<vmem>>, vector<16xi32>,
    %shift_right_logical3A_402 = arith.shrui %get3A_396, %broadcast_in_dim3A_7 : vector<16xi32>
    %swap3A_403 = arith.constant 64 : index
    %swap3A_404 = tpu.vector_load %arg9[%swap3A_403] {strides = array<i32>} : memref<80xi32, #tpu.memory_space<vmem>>, vector<16xi32>,
    %swap3A_405 = vector.shape_cast %swap3A_404 : vector<16xi32> to vector<16xi32>
    %swap3A_406 = vector.shape_cast %shift_right_logical3A_402 : vector<16xi32> to vector<16xi32>
    tpu.vector_store %arg9[%swap3A_403], %swap3A_406 {strides = array<i32>} : memref<80xi32, #tpu.memory_space<vmem>>, vector<16xi32>,
    %dma_start3A_407 = arith.constant 0 : i32
    %dma_start3A_408 = arith.constant 0 : i32
    %dma_start3A_409 = tpu.memref_slice %arg2[%dma_start3A_407, %dma_start3A_408] : memref<10000x128xf32, #tpu.memory_space<hbm>> -> memref<10000x128xf32, #tpu.memory_space<hbm>>
    tpu.enqueue_indirect_dma source(%dma_start3A_409 : memref<10000x128xf32, #tpu.memory_space<hbm>>) target(%arg16 : memref<80x128xf32, #tpu.memory_space<vmem>>) offsets(%arg8 : memref<80xi32, #tpu.memory_space<vmem>>) semaphore(%arg19 : memref<!tpu.dma_semaphore, #tpu.memory_space<semaphore_mem>>)
    %add3A_410 = arith.constant 560 : i32
    %add3A_411 = arith.addi %mul3A_2, %add3A_410 : i32
    %dma_start3A_412 = tpu.memref_slice %arg3[%add3A_411] : memref<320000xi32, #tpu.memory_space<hbm>> -> memref<80xi32, #tpu.memory_space<hbm>>
    %dma_start3A_413 = tpu.memref_slice %arg3[%add3A_411] : memref<320000xi32, #tpu.memory_space<hbm>> -> memref<80xi32, #tpu.memory_space<hbm>>
    tpu.enqueue_dma source(%dma_start3A_413 : memref<80xi32, #tpu.memory_space<hbm>>) target(%arg13 : memref<80xi32, #tpu.memory_space<vmem>>) target_semaphore(%arg22 : memref<!tpu.dma_semaphore, #tpu.memory_space<semaphore_mem>>)
    %scan3A_414 = arith.constant 0 : i32
    %scan3A_415 = arith.constant 0 : i32
    %scan3A_416 = arith.constant 39 : i32
    %scan3A_417 = arith.addi %scan3A_415, %scan3A_416 : i32
    %scan3A_418 = arith.constant 1 : i32
    %scan3A_419 = scf.for %scan3A_661 = %scan3A_415 to %scan3A_417 step %scan3A_418 iter_args(%scan3A_662 = %scan3A_414) -> (i32)  : i32 {
      %mul3A_663 = arith.constant 3 : i32
      %mul3A_664 = arith.muli %mul3A_663, %scan3A_661 : i32
      %add3A_665 = arith.constant 2 : i32
      %add3A_666 = arith.addi %add3A_665, %mul3A_664 : i32
      %add3A_667 = arith.constant 0 : i32
      %add3A_668 = arith.addi %add3A_666, %add3A_667 : i32
      %dma_wait3A_669 = arith.constant 0 : i32
      %dma_wait3A_670 = arith.constant 0 : i32
      %dma_wait3A_671 = tpu.memref_slice %arg2[%dma_wait3A_669, %dma_wait3A_670] : memref<10000x128xf32, #tpu.memory_space<hbm>> -> memref<10000x128xf32, #tpu.memory_space<hbm>>
      tpu.wait_indirect_dma semaphore(%arg20 : memref<!tpu.dma_semaphore, #tpu.memory_space<semaphore_mem>>) src(%dma_wait3A_671 : memref<10000x128xf32, #tpu.memory_space<hbm>>) dst(%arg17 : memref<80x128xf32, #tpu.memory_space<vmem>>)
      "tpu.region"() ({
        %run_scoped3A = tpu.sem_alloc : memref<!tpu.dma_semaphore, #tpu.memory_space<semaphore_mem>>
        %dma_start3A_920 = arith.constant 0 : i32
        %dma_start3A_921 = arith.constant 0 : i32
        %dma_start3A_922 = tpu.memref_slice %arg5[%dma_start3A_920, %dma_start3A_921] : memref<10240x128xf32, #tpu.memory_space<vmem_shared>> -> memref<10240x128xf32, #tpu.memory_space<vmem_shared>>
        tpu.enqueue_indirect_dma source(%arg17 : memref<80x128xf32, #tpu.memory_space<vmem>>) target(%dma_start3A_922 : memref<10240x128xf32, #tpu.memory_space<vmem_shared>>) offsets(%arg11 : memref<80xi32, #tpu.memory_space<vmem>>) semaphore(%run_scoped3A : memref<!tpu.dma_semaphore, #tpu.memory_space<semaphore_mem>>) {add = true}
        %dma_wait3A_923 = arith.constant 0 : i32
        %dma_wait3A_924 = arith.constant 0 : i32
        %dma_wait3A_925 = tpu.memref_slice %arg5[%dma_wait3A_923, %dma_wait3A_924] : memref<10240x128xf32, #tpu.memory_space<vmem_shared>> -> memref<10240x128xf32, #tpu.memory_space<vmem_shared>>
        tpu.wait_indirect_dma semaphore(%run_scoped3A : memref<!tpu.dma_semaphore, #tpu.memory_space<semaphore_mem>>) src(%arg17 : memref<80x128xf32, #tpu.memory_space<vmem>>) dst(%dma_wait3A_925 : memref<10240x128xf32, #tpu.memory_space<vmem_shared>>)
        tpu.yield
      }) : () -> ()
      %dma_wait3A_672 = arith.constant 0 : i32
      %dma_wait3A_673 = tpu.memref_slice %arg3[%dma_wait3A_672] : memref<320000xi32, #tpu.memory_space<hbm>> -> memref<80xi32, #tpu.memory_space<hbm>>
      %dma_wait3A_674 = arith.constant 0 : i32
      %dma_wait3A_675 = tpu.memref_slice %arg3[%dma_wait3A_674] : memref<320000xi32, #tpu.memory_space<hbm>> -> memref<80xi32, #tpu.memory_space<hbm>>
      tpu.wait_dma2 semaphore(%arg23 : memref<!tpu.dma_semaphore, #tpu.memory_space<semaphore_mem>>) src(%dma_wait3A_675 : memref<80xi32, #tpu.memory_space<hbm>>) dst(%arg14 : memref<80xi32, #tpu.memory_space<vmem>>)
      %get3A_676 = arith.constant 0 : index
      %get3A_677 = tpu.vector_load %arg14[%get3A_676] {strides = array<i32>} : memref<80xi32, #tpu.memory_space<vmem>>, vector<16xi32>,
      %get3A_678 = vector.shape_cast %get3A_677 : vector<16xi32> to vector<16xi32>
      %and3A_679 = arith.andi %get3A_678, %broadcast_in_dim3A_5 : vector<16xi32>
      %swap3A_680 = arith.constant 0 : index
      %swap3A_681 = tpu.vector_load %arg10[%swap3A_680] {strides = array<i32>} : memref<80xi32, #tpu.memory_space<vmem>>, vector<16xi32>,
      %swap3A_682 = vector.shape_cast %swap3A_681 : vector<16xi32> to vector<16xi32>
      %swap3A_683 = vector.shape_cast %and3A_679 : vector<16xi32> to vector<16xi32>
      tpu.vector_store %arg10[%swap3A_680], %swap3A_683 {strides = array<i32>} : memref<80xi32, #tpu.memory_space<vmem>>, vector<16xi32>,
      %shift_right_logical3A_684 = arith.shrui %get3A_678, %broadcast_in_dim3A_7 : vector<16xi32>
      %swap3A_685 = arith.constant 0 : index
      %swap3A_686 = tpu.vector_load %arg11[%swap3A_685] {strides = array<i32>} : memref<80xi32, #tpu.memory_space<vmem>>, vector<16xi32>,
      %swap3A_687 = vector.shape_cast %swap3A_686 : vector<16xi32> to vector<16xi32>
      %swap3A_688 = vector.shape_cast %shift_right_logical3A_684 : vector<16xi32> to vector<16xi32>
      tpu.vector_store %arg11[%swap3A_685], %swap3A_688 {strides = array<i32>} : memref<80xi32, #tpu.memory_space<vmem>>, vector<16xi32>,
      %get3A_689 = arith.constant 16 : index
      %get3A_690 = tpu.vector_load %arg14[%get3A_689] {strides = array<i32>} : memref<80xi32, #tpu.memory_space<vmem>>, vector<16xi32>,
      %get3A_691 = vector.shape_cast %get3A_690 : vector<16xi32> to vector<16xi32>
      %and3A_692 = arith.andi %get3A_691, %broadcast_in_dim3A_5 : vector<16xi32>
      %swap3A_693 = arith.constant 16 : index
      %swap3A_694 = tpu.vector_load %arg10[%swap3A_693] {strides = array<i32>} : memref<80xi32, #tpu.memory_space<vmem>>, vector<16xi32>,
      %swap3A_695 = vector.shape_cast %swap3A_694 : vector<16xi32> to vector<16xi32>
      %swap3A_696 = vector.shape_cast %and3A_692 : vector<16xi32> to vector<16xi32>
      tpu.vector_store %arg10[%swap3A_693], %swap3A_696 {strides = array<i32>} : memref<80xi32, #tpu.memory_space<vmem>>, vector<16xi32>,
      %shift_right_logical3A_697 = arith.shrui %get3A_691, %broadcast_in_dim3A_7 : vector<16xi32>
      %swap3A_698 = arith.constant 16 : index
      %swap3A_699 = tpu.vector_load %arg11[%swap3A_698] {strides = array<i32>} : memref<80xi32, #tpu.memory_space<vmem>>, vector<16xi32>,
      %swap3A_700 = vector.shape_cast %swap3A_699 : vector<16xi32> to vector<16xi32>
      %swap3A_701 = vector.shape_cast %shift_right_logical3A_697 : vector<16xi32> to vector<16xi32>
      tpu.vector_store %arg11[%swap3A_698], %swap3A_701 {strides = array<i32>} : memref<80xi32, #tpu.memory_space<vmem>>, vector<16xi32>,
      %get3A_702 = arith.constant 32 : index
      %get3A_703 = tpu.vector_load %arg14[%get3A_702] {strides = array<i32>} : memref<80xi32, #tpu.memory_space<vmem>>, vector<16xi32>,
      %get3A_704 = vector.shape_cast %get3A_703 : vector<16xi32> to vector<16xi32>
      %and3A_705 = arith.andi %get3A_704, %broadcast_in_dim3A_5 : vector<16xi32>
      %swap3A_706 = arith.constant 32 : index
      %swap3A_707 = tpu.vector_load %arg10[%swap3A_706] {strides = array<i32>} : memref<80xi32, #tpu.memory_space<vmem>>, vector<16xi32>,
      %swap3A_708 = vector.shape_cast %swap3A_707 : vector<16xi32> to vector<16xi32>
      %swap3A_709 = vector.shape_cast %and3A_705 : vector<16xi32> to vector<16xi32>
      tpu.vector_store %arg10[%swap3A_706], %swap3A_709 {strides = array<i32>} : memref<80xi32, #tpu.memory_space<vmem>>, vector<16xi32>,
      %shift_right_logical3A_710 = arith.shrui %get3A_704, %broadcast_in_dim3A_7 : vector<16xi32>
      %swap3A_711 = arith.constant 32 : index
      %swap3A_712 = tpu.vector_load %arg11[%swap3A_711] {strides = array<i32>} : memref<80xi32, #tpu.memory_space<vmem>>, vector<16xi32>,
      %swap3A_713 = vector.shape_cast %swap3A_712 : vector<16xi32> to vector<16xi32>
      %swap3A_714 = vector.shape_cast %shift_right_logical3A_710 : vector<16xi32> to vector<16xi32>
      tpu.vector_store %arg11[%swap3A_711], %swap3A_714 {strides = array<i32>} : memref<80xi32, #tpu.memory_space<vmem>>, vector<16xi32>,
      %get3A_715 = arith.constant 48 : index
      %get3A_716 = tpu.vector_load %arg14[%get3A_715] {strides = array<i32>} : memref<80xi32, #tpu.memory_space<vmem>>, vector<16xi32>,
      %get3A_717 = vector.shape_cast %get3A_716 : vector<16xi32> to vector<16xi32>
      %and3A_718 = arith.andi %get3A_717, %broadcast_in_dim3A_5 : vector<16xi32>
      %swap3A_719 = arith.constant 48 : index
      %swap3A_720 = tpu.vector_load %arg10[%swap3A_719] {strides = array<i32>} : memref<80xi32, #tpu.memory_space<vmem>>, vector<16xi32>,
      %swap3A_721 = vector.shape_cast %swap3A_720 : vector<16xi32> to vector<16xi32>
      %swap3A_722 = vector.shape_cast %and3A_718 : vector<16xi32> to vector<16xi32>
      tpu.vector_store %arg10[%swap3A_719], %swap3A_722 {strides = array<i32>} : memref<80xi32, #tpu.memory_space<vmem>>, vector<16xi32>,
      %shift_right_logical3A_723 = arith.shrui %get3A_717, %broadcast_in_dim3A_7 : vector<16xi32>
      %swap3A_724 = arith.constant 48 : index
      %swap3A_725 = tpu.vector_load %arg11[%swap3A_724] {strides = array<i32>} : memref<80xi32, #tpu.memory_space<vmem>>, vector<16xi32>,
      %swap3A_726 = vector.shape_cast %swap3A_725 : vector<16xi32> to vector<16xi32>
      %swap3A_727 = vector.shape_cast %shift_right_logical3A_723 : vector<16xi32> to vector<16xi32>
      tpu.vector_store %arg11[%swap3A_724], %swap3A_727 {strides = array<i32>} : memref<80xi32, #tpu.memory_space<vmem>>, vector<16xi32>,
      %get3A_728 = arith.constant 64 : index
      %get3A_729 = tpu.vector_load %arg14[%get3A_728] {strides = array<i32>} : memref<80xi32, #tpu.memory_space<vmem>>, vector<16xi32>,
      %get3A_730 = vector.shape_cast %get3A_729 : vector<16xi32> to vector<16xi32>
      %and3A_731 = arith.andi %get3A_730, %broadcast_in_dim3A_5 : vector<16xi32>
      %swap3A_732 = arith.constant 64 : index
      %swap3A_733 = tpu.vector_load %arg10[%swap3A_732] {strides = array<i32>} : memref<80xi32, #tpu.memory_space<vmem>>, vector<16xi32>,
      %swap3A_734 = vector.shape_cast %swap3A_733 : vector<16xi32> to vector<16xi32>
      %swap3A_735 = vector.shape_cast %and3A_731 : vector<16xi32> to vector<16xi32>
      tpu.vector_store %arg10[%swap3A_732], %swap3A_735 {strides = array<i32>} : memref<80xi32, #tpu.memory_space<vmem>>, vector<16xi32>,
      %shift_right_logical3A_736 = arith.shrui %get3A_730, %broadcast_in_dim3A_7 : vector<16xi32>
      %swap3A_737 = arith.constant 64 : index
      %swap3A_738 = tpu.vector_load %arg11[%swap3A_737] {strides = array<i32>} : memref<80xi32, #tpu.memory_space<vmem>>, vector<16xi32>,
      %swap3A_739 = vector.shape_cast %swap3A_738 : vector<16xi32> to vector<16xi32>
      %swap3A_740 = vector.shape_cast %shift_right_logical3A_736 : vector<16xi32> to vector<16xi32>
      tpu.vector_store %arg11[%swap3A_737], %swap3A_740 {strides = array<i32>} : memref<80xi32, #tpu.memory_space<vmem>>, vector<16xi32>,
      %dma_start3A_741 = arith.constant 0 : i32
      %dma_start3A_742 = arith.constant 0 : i32
      %dma_start3A_743 = tpu.memref_slice %arg2[%dma_start3A_741, %dma_start3A_742] : memref<10000x128xf32, #tpu.memory_space<hbm>> -> memref<10000x128xf32, #tpu.memory_space<hbm>>
      tpu.enqueue_indirect_dma source(%dma_start3A_743 : memref<10000x128xf32, #tpu.memory_space<hbm>>) target(%arg17 : memref<80x128xf32, #tpu.memory_space<vmem>>) offsets(%arg10 : memref<80xi32, #tpu.memory_space<vmem>>) semaphore(%arg20 : memref<!tpu.dma_semaphore, #tpu.memory_space<semaphore_mem>>)
      %add3A_744 = arith.constant 6 : i32
      %add3A_745 = arith.addi %add3A_668, %add3A_744 : i32
      %mul3A_746 = arith.constant 80 : i32
      %mul3A_747 = arith.muli %add3A_745, %mul3A_746 : i32
      %add3A_748 = arith.addi %mul3A_2, %mul3A_747 : i32
      %dma_start3A_749 = tpu.memref_slice %arg3[%add3A_748] : memref<320000xi32, #tpu.memory_space<hbm>> -> memref<80xi32, #tpu.memory_space<hbm>>
      %dma_start3A_750 = tpu.memref_slice %arg3[%add3A_748] : memref<320000xi32, #tpu.memory_space<hbm>> -> memref<80xi32, #tpu.memory_space<hbm>>
      tpu.enqueue_dma source(%dma_start3A_750 : memref<80xi32, #tpu.memory_space<hbm>>) target(%arg14 : memref<80xi32, #tpu.memory_space<vmem>>) target_semaphore(%arg23 : memref<!tpu.dma_semaphore, #tpu.memory_space<semaphore_mem>>)
      %add3A_751 = arith.constant 1 : i32
      %add3A_752 = arith.addi %add3A_666, %add3A_751 : i32
      %dma_wait3A_753 = arith.constant 0 : i32
      %dma_wait3A_754 = arith.constant 0 : i32
      %dma_wait3A_755 = tpu.memref_slice %arg2[%dma_wait3A_753, %dma_wait3A_754] : memref<10000x128xf32, #tpu.memory_space<hbm>> -> memref<10000x128xf32, #tpu.memory_space<hbm>>
      tpu.wait_indirect_dma semaphore(%arg18 : memref<!tpu.dma_semaphore, #tpu.memory_space<semaphore_mem>>) src(%dma_wait3A_755 : memref<10000x128xf32, #tpu.memory_space<hbm>>) dst(%arg15 : memref<80x128xf32, #tpu.memory_space<vmem>>)
      "tpu.region"() ({
        %run_scoped3A = tpu.sem_alloc : memref<!tpu.dma_semaphore, #tpu.memory_space<semaphore_mem>>
        %dma_start3A_920 = arith.constant 0 : i32
        %dma_start3A_921 = arith.constant 0 : i32
        %dma_start3A_922 = tpu.memref_slice %arg5[%dma_start3A_920, %dma_start3A_921] : memref<10240x128xf32, #tpu.memory_space<vmem_shared>> -> memref<10240x128xf32, #tpu.memory_space<vmem_shared>>
        tpu.enqueue_indirect_dma source(%arg15 : memref<80x128xf32, #tpu.memory_space<vmem>>) target(%dma_start3A_922 : memref<10240x128xf32, #tpu.memory_space<vmem_shared>>) offsets(%arg7 : memref<80xi32, #tpu.memory_space<vmem>>) semaphore(%run_scoped3A : memref<!tpu.dma_semaphore, #tpu.memory_space<semaphore_mem>>) {add = true}
        %dma_wait3A_923 = arith.constant 0 : i32
        %dma_wait3A_924 = arith.constant 0 : i32
        %dma_wait3A_925 = tpu.memref_slice %arg5[%dma_wait3A_923, %dma_wait3A_924] : memref<10240x128xf32, #tpu.memory_space<vmem_shared>> -> memref<10240x128xf32, #tpu.memory_space<vmem_shared>>
        tpu.wait_indirect_dma semaphore(%run_scoped3A : memref<!tpu.dma_semaphore, #tpu.memory_space<semaphore_mem>>) src(%arg15 : memref<80x128xf32, #tpu.memory_space<vmem>>) dst(%dma_wait3A_925 : memref<10240x128xf32, #tpu.memory_space<vmem_shared>>)
        tpu.yield
      }) : () -> ()
      %dma_wait3A_756 = arith.constant 0 : i32
      %dma_wait3A_757 = tpu.memref_slice %arg3[%dma_wait3A_756] : memref<320000xi32, #tpu.memory_space<hbm>> -> memref<80xi32, #tpu.memory_space<hbm>>
      %dma_wait3A_758 = arith.constant 0 : i32
      %dma_wait3A_759 = tpu.memref_slice %arg3[%dma_wait3A_758] : memref<320000xi32, #tpu.memory_space<hbm>> -> memref<80xi32, #tpu.memory_space<hbm>>
      tpu.wait_dma2 semaphore(%arg21 : memref<!tpu.dma_semaphore, #tpu.memory_space<semaphore_mem>>) src(%dma_wait3A_759 : memref<80xi32, #tpu.memory_space<hbm>>) dst(%arg12 : memref<80xi32, #tpu.memory_space<vmem>>)
      %get3A_760 = arith.constant 0 : index
      %get3A_761 = tpu.vector_load %arg12[%get3A_760] {strides = array<i32>} : memref<80xi32, #tpu.memory_space<vmem>>, vector<16xi32>,
      %get3A_762 = vector.shape_cast %get3A_761 : vector<16xi32> to vector<16xi32>
      %and3A_763 = arith.andi %get3A_762, %broadcast_in_dim3A_5 : vector<16xi32>
      %swap3A_764 = arith.constant 0 : index
      %swap3A_765 = tpu.vector_load %arg6[%swap3A_764] {strides = array<i32>} : memref<80xi32, #tpu.memory_space<vmem>>, vector<16xi32>,
      %swap3A_766 = vector.shape_cast %swap3A_765 : vector<16xi32> to vector<16xi32>
      %swap3A_767 = vector.shape_cast %and3A_763 : vector<16xi32> to vector<16xi32>
      tpu.vector_store %arg6[%swap3A_764], %swap3A_767 {strides = array<i32>} : memref<80xi32, #tpu.memory_space<vmem>>, vector<16xi32>,
      %shift_right_logical3A_768 = arith.shrui %get3A_762, %broadcast_in_dim3A_7 : vector<16xi32>
      %swap3A_769 = arith.constant 0 : index
      %swap3A_770 = tpu.vector_load %arg7[%swap3A_769] {strides = array<i32>} : memref<80xi32, #tpu.memory_space<vmem>>, vector<16xi32>,
      %swap3A_771 = vector.shape_cast %swap3A_770 : vector<16xi32> to vector<16xi32>
      %swap3A_772 = vector.shape_cast %shift_right_logical3A_768 : vector<16xi32> to vector<16xi32>
      tpu.vector_store %arg7[%swap3A_769], %swap3A_772 {strides = array<i32>} : memref<80xi32, #tpu.memory_space<vmem>>, vector<16xi32>,
      %get3A_773 = arith.constant 16 : index
      %get3A_774 = tpu.vector_load %arg12[%get3A_773] {strides = array<i32>} : memref<80xi32, #tpu.memory_space<vmem>>, vector<16xi32>,
      %get3A_775 = vector.shape_cast %get3A_774 : vector<16xi32> to vector<16xi32>
      %and3A_776 = arith.andi %get3A_775, %broadcast_in_dim3A_5 : vector<16xi32>
      %swap3A_777 = arith.constant 16 : index
      %swap3A_778 = tpu.vector_load %arg6[%swap3A_777] {strides = array<i32>} : memref<80xi32, #tpu.memory_space<vmem>>, vector<16xi32>,
      %swap3A_779 = vector.shape_cast %swap3A_778 : vector<16xi32> to vector<16xi32>
      %swap3A_780 = vector.shape_cast %and3A_776 : vector<16xi32> to vector<16xi32>
      tpu.vector_store %arg6[%swap3A_777], %swap3A_780 {strides = array<i32>} : memref<80xi32, #tpu.memory_space<vmem>>, vector<16xi32>,
      %shift_right_logical3A_781 = arith.shrui %get3A_775, %broadcast_in_dim3A_7 : vector<16xi32>
      %swap3A_782 = arith.constant 16 : index
      %swap3A_783 = tpu.vector_load %arg7[%swap3A_782] {strides = array<i32>} : memref<80xi32, #tpu.memory_space<vmem>>, vector<16xi32>,
      %swap3A_784 = vector.shape_cast %swap3A_783 : vector<16xi32> to vector<16xi32>
      %swap3A_785 = vector.shape_cast %shift_right_logical3A_781 : vector<16xi32> to vector<16xi32>
      tpu.vector_store %arg7[%swap3A_782], %swap3A_785 {strides = array<i32>} : memref<80xi32, #tpu.memory_space<vmem>>, vector<16xi32>,
      %get3A_786 = arith.constant 32 : index
      %get3A_787 = tpu.vector_load %arg12[%get3A_786] {strides = array<i32>} : memref<80xi32, #tpu.memory_space<vmem>>, vector<16xi32>,
      %get3A_788 = vector.shape_cast %get3A_787 : vector<16xi32> to vector<16xi32>
      %and3A_789 = arith.andi %get3A_788, %broadcast_in_dim3A_5 : vector<16xi32>
      %swap3A_790 = arith.constant 32 : index
      %swap3A_791 = tpu.vector_load %arg6[%swap3A_790] {strides = array<i32>} : memref<80xi32, #tpu.memory_space<vmem>>, vector<16xi32>,
      %swap3A_792 = vector.shape_cast %swap3A_791 : vector<16xi32> to vector<16xi32>
      %swap3A_793 = vector.shape_cast %and3A_789 : vector<16xi32> to vector<16xi32>
      tpu.vector_store %arg6[%swap3A_790], %swap3A_793 {strides = array<i32>} : memref<80xi32, #tpu.memory_space<vmem>>, vector<16xi32>,
      %shift_right_logical3A_794 = arith.shrui %get3A_788, %broadcast_in_dim3A_7 : vector<16xi32>
      %swap3A_795 = arith.constant 32 : index
      %swap3A_796 = tpu.vector_load %arg7[%swap3A_795] {strides = array<i32>} : memref<80xi32, #tpu.memory_space<vmem>>, vector<16xi32>,
      %swap3A_797 = vector.shape_cast %swap3A_796 : vector<16xi32> to vector<16xi32>
      %swap3A_798 = vector.shape_cast %shift_right_logical3A_794 : vector<16xi32> to vector<16xi32>
      tpu.vector_store %arg7[%swap3A_795], %swap3A_798 {strides = array<i32>} : memref<80xi32, #tpu.memory_space<vmem>>, vector<16xi32>,
      %get3A_799 = arith.constant 48 : index
      %get3A_800 = tpu.vector_load %arg12[%get3A_799] {strides = array<i32>} : memref<80xi32, #tpu.memory_space<vmem>>, vector<16xi32>,
      %get3A_801 = vector.shape_cast %get3A_800 : vector<16xi32> to vector<16xi32>
      %and3A_802 = arith.andi %get3A_801, %broadcast_in_dim3A_5 : vector<16xi32>
      %swap3A_803 = arith.constant 48 : index
      %swap3A_804 = tpu.vector_load %arg6[%swap3A_803] {strides = array<i32>} : memref<80xi32, #tpu.memory_space<vmem>>, vector<16xi32>,
      %swap3A_805 = vector.shape_cast %swap3A_804 : vector<16xi32> to vector<16xi32>
      %swap3A_806 = vector.shape_cast %and3A_802 : vector<16xi32> to vector<16xi32>
      tpu.vector_store %arg6[%swap3A_803], %swap3A_806 {strides = array<i32>} : memref<80xi32, #tpu.memory_space<vmem>>, vector<16xi32>,
      %shift_right_logical3A_807 = arith.shrui %get3A_801, %broadcast_in_dim3A_7 : vector<16xi32>
      %swap3A_808 = arith.constant 48 : index
      %swap3A_809 = tpu.vector_load %arg7[%swap3A_808] {strides = array<i32>} : memref<80xi32, #tpu.memory_space<vmem>>, vector<16xi32>,
      %swap3A_810 = vector.shape_cast %swap3A_809 : vector<16xi32> to vector<16xi32>
      %swap3A_811 = vector.shape_cast %shift_right_logical3A_807 : vector<16xi32> to vector<16xi32>
      tpu.vector_store %arg7[%swap3A_808], %swap3A_811 {strides = array<i32>} : memref<80xi32, #tpu.memory_space<vmem>>, vector<16xi32>,
      %get3A_812 = arith.constant 64 : index
      %get3A_813 = tpu.vector_load %arg12[%get3A_812] {strides = array<i32>} : memref<80xi32, #tpu.memory_space<vmem>>, vector<16xi32>,
      %get3A_814 = vector.shape_cast %get3A_813 : vector<16xi32> to vector<16xi32>
      %and3A_815 = arith.andi %get3A_814, %broadcast_in_dim3A_5 : vector<16xi32>
      %swap3A_816 = arith.constant 64 : index
      %swap3A_817 = tpu.vector_load %arg6[%swap3A_816] {strides = array<i32>} : memref<80xi32, #tpu.memory_space<vmem>>, vector<16xi32>,
      %swap3A_818 = vector.shape_cast %swap3A_817 : vector<16xi32> to vector<16xi32>
      %swap3A_819 = vector.shape_cast %and3A_815 : vector<16xi32> to vector<16xi32>
      tpu.vector_store %arg6[%swap3A_816], %swap3A_819 {strides = array<i32>} : memref<80xi32, #tpu.memory_space<vmem>>, vector<16xi32>,
      %shift_right_logical3A_820 = arith.shrui %get3A_814, %broadcast_in_dim3A_7 : vector<16xi32>
      %swap3A_821 = arith.constant 64 : index
      %swap3A_822 = tpu.vector_load %arg7[%swap3A_821] {strides = array<i32>} : memref<80xi32, #tpu.memory_space<vmem>>, vector<16xi32>,
      %swap3A_823 = vector.shape_cast %swap3A_822 : vector<16xi32> to vector<16xi32>
      %swap3A_824 = vector.shape_cast %shift_right_logical3A_820 : vector<16xi32> to vector<16xi32>
      tpu.vector_store %arg7[%swap3A_821], %swap3A_824 {strides = array<i32>} : memref<80xi32, #tpu.memory_space<vmem>>, vector<16xi32>,
      %dma_start3A_825 = arith.constant 0 : i32
      %dma_start3A_826 = arith.constant 0 : i32
      %dma_start3A_827 = tpu.memref_slice %arg2[%dma_start3A_825, %dma_start3A_826] : memref<10000x128xf32, #tpu.memory_space<hbm>> -> memref<10000x128xf32, #tpu.memory_space<hbm>>
      tpu.enqueue_indirect_dma source(%dma_start3A_827 : memref<10000x128xf32, #tpu.memory_space<hbm>>) target(%arg15 : memref<80x128xf32, #tpu.memory_space<vmem>>) offsets(%arg6 : memref<80xi32, #tpu.memory_space<vmem>>) semaphore(%arg18 : memref<!tpu.dma_semaphore, #tpu.memory_space<semaphore_mem>>)
      %add3A_828 = arith.constant 6 : i32
      %add3A_829 = arith.addi %add3A_752, %add3A_828 : i32
      %mul3A_830 = arith.constant 80 : i32
      %mul3A_831 = arith.muli %add3A_829, %mul3A_830 : i32
      %add3A_832 = arith.addi %mul3A_2, %mul3A_831 : i32
      %dma_start3A_833 = tpu.memref_slice %arg3[%add3A_832] : memref<320000xi32, #tpu.memory_space<hbm>> -> memref<80xi32, #tpu.memory_space<hbm>>
      %dma_start3A_834 = tpu.memref_slice %arg3[%add3A_832] : memref<320000xi32, #tpu.memory_space<hbm>> -> memref<80xi32, #tpu.memory_space<hbm>>
      tpu.enqueue_dma source(%dma_start3A_834 : memref<80xi32, #tpu.memory_space<hbm>>) target(%arg12 : memref<80xi32, #tpu.memory_space<vmem>>) target_semaphore(%arg21 : memref<!tpu.dma_semaphore, #tpu.memory_space<semaphore_mem>>)
      %add3A_835 = arith.constant 2 : i32
      %add3A_836 = arith.addi %add3A_666, %add3A_835 : i32
      %dma_wait3A_837 = arith.constant 0 : i32
      %dma_wait3A_838 = arith.constant 0 : i32
      %dma_wait3A_839 = tpu.memref_slice %arg2[%dma_wait3A_837, %dma_wait3A_838] : memref<10000x128xf32, #tpu.memory_space<hbm>> -> memref<10000x128xf32, #tpu.memory_space<hbm>>
      tpu.wait_indirect_dma semaphore(%arg19 : memref<!tpu.dma_semaphore, #tpu.memory_space<semaphore_mem>>) src(%dma_wait3A_839 : memref<10000x128xf32, #tpu.memory_space<hbm>>) dst(%arg16 : memref<80x128xf32, #tpu.memory_space<vmem>>)
      "tpu.region"() ({
        %run_scoped3A = tpu.sem_alloc : memref<!tpu.dma_semaphore, #tpu.memory_space<semaphore_mem>>
        %dma_start3A_920 = arith.constant 0 : i32
        %dma_start3A_921 = arith.constant 0 : i32
        %dma_start3A_922 = tpu.memref_slice %arg5[%dma_start3A_920, %dma_start3A_921] : memref<10240x128xf32, #tpu.memory_space<vmem_shared>> -> memref<10240x128xf32, #tpu.memory_space<vmem_shared>>
        tpu.enqueue_indirect_dma source(%arg16 : memref<80x128xf32, #tpu.memory_space<vmem>>) target(%dma_start3A_922 : memref<10240x128xf32, #tpu.memory_space<vmem_shared>>) offsets(%arg9 : memref<80xi32, #tpu.memory_space<vmem>>) semaphore(%run_scoped3A : memref<!tpu.dma_semaphore, #tpu.memory_space<semaphore_mem>>) {add = true}
        %dma_wait3A_923 = arith.constant 0 : i32
        %dma_wait3A_924 = arith.constant 0 : i32
        %dma_wait3A_925 = tpu.memref_slice %arg5[%dma_wait3A_923, %dma_wait3A_924] : memref<10240x128xf32, #tpu.memory_space<vmem_shared>> -> memref<10240x128xf32, #tpu.memory_space<vmem_shared>>
        tpu.wait_indirect_dma semaphore(%run_scoped3A : memref<!tpu.dma_semaphore, #tpu.memory_space<semaphore_mem>>) src(%arg16 : memref<80x128xf32, #tpu.memory_space<vmem>>) dst(%dma_wait3A_925 : memref<10240x128xf32, #tpu.memory_space<vmem_shared>>)
        tpu.yield
      }) : () -> ()
      %dma_wait3A_840 = arith.constant 0 : i32
      %dma_wait3A_841 = tpu.memref_slice %arg3[%dma_wait3A_840] : memref<320000xi32, #tpu.memory_space<hbm>> -> memref<80xi32, #tpu.memory_space<hbm>>
      %dma_wait3A_842 = arith.constant 0 : i32
      %dma_wait3A_843 = tpu.memref_slice %arg3[%dma_wait3A_842] : memref<320000xi32, #tpu.memory_space<hbm>> -> memref<80xi32, #tpu.memory_space<hbm>>
      tpu.wait_dma2 semaphore(%arg22 : memref<!tpu.dma_semaphore, #tpu.memory_space<semaphore_mem>>) src(%dma_wait3A_843 : memref<80xi32, #tpu.memory_space<hbm>>) dst(%arg13 : memref<80xi32, #tpu.memory_space<vmem>>)
      %get3A_844 = arith.constant 0 : index
      %get3A_845 = tpu.vector_load %arg13[%get3A_844] {strides = array<i32>} : memref<80xi32, #tpu.memory_space<vmem>>, vector<16xi32>,
      %get3A_846 = vector.shape_cast %get3A_845 : vector<16xi32> to vector<16xi32>
      %and3A_847 = arith.andi %get3A_846, %broadcast_in_dim3A_5 : vector<16xi32>
      %swap3A_848 = arith.constant 0 : index
      %swap3A_849 = tpu.vector_load %arg8[%swap3A_848] {strides = array<i32>} : memref<80xi32, #tpu.memory_space<vmem>>, vector<16xi32>,
      %swap3A_850 = vector.shape_cast %swap3A_849 : vector<16xi32> to vector<16xi32>
      %swap3A_851 = vector.shape_cast %and3A_847 : vector<16xi32> to vector<16xi32>
      tpu.vector_store %arg8[%swap3A_848], %swap3A_851 {strides = array<i32>} : memref<80xi32, #tpu.memory_space<vmem>>, vector<16xi32>,
      %shift_right_logical3A_852 = arith.shrui %get3A_846, %broadcast_in_dim3A_7 : vector<16xi32>
      %swap3A_853 = arith.constant 0 : index
      %swap3A_854 = tpu.vector_load %arg9[%swap3A_853] {strides = array<i32>} : memref<80xi32, #tpu.memory_space<vmem>>, vector<16xi32>,
      %swap3A_855 = vector.shape_cast %swap3A_854 : vector<16xi32> to vector<16xi32>
      %swap3A_856 = vector.shape_cast %shift_right_logical3A_852 : vector<16xi32> to vector<16xi32>
      tpu.vector_store %arg9[%swap3A_853], %swap3A_856 {strides = array<i32>} : memref<80xi32, #tpu.memory_space<vmem>>, vector<16xi32>,
      %get3A_857 = arith.constant 16 : index
      %get3A_858 = tpu.vector_load %arg13[%get3A_857] {strides = array<i32>} : memref<80xi32, #tpu.memory_space<vmem>>, vector<16xi32>,
      %get3A_859 = vector.shape_cast %get3A_858 : vector<16xi32> to vector<16xi32>
      %and3A_860 = arith.andi %get3A_859, %broadcast_in_dim3A_5 : vector<16xi32>
      %swap3A_861 = arith.constant 16 : index
      %swap3A_862 = tpu.vector_load %arg8[%swap3A_861] {strides = array<i32>} : memref<80xi32, #tpu.memory_space<vmem>>, vector<16xi32>,
      %swap3A_863 = vector.shape_cast %swap3A_862 : vector<16xi32> to vector<16xi32>
      %swap3A_864 = vector.shape_cast %and3A_860 : vector<16xi32> to vector<16xi32>
      tpu.vector_store %arg8[%swap3A_861], %swap3A_864 {strides = array<i32>} : memref<80xi32, #tpu.memory_space<vmem>>, vector<16xi32>,
      %shift_right_logical3A_865 = arith.shrui %get3A_859, %broadcast_in_dim3A_7 : vector<16xi32>
      %swap3A_866 = arith.constant 16 : index
      %swap3A_867 = tpu.vector_load %arg9[%swap3A_866] {strides = array<i32>} : memref<80xi32, #tpu.memory_space<vmem>>, vector<16xi32>,
      %swap3A_868 = vector.shape_cast %swap3A_867 : vector<16xi32> to vector<16xi32>
      %swap3A_869 = vector.shape_cast %shift_right_logical3A_865 : vector<16xi32> to vector<16xi32>
      tpu.vector_store %arg9[%swap3A_866], %swap3A_869 {strides = array<i32>} : memref<80xi32, #tpu.memory_space<vmem>>, vector<16xi32>,
      %get3A_870 = arith.constant 32 : index
      %get3A_871 = tpu.vector_load %arg13[%get3A_870] {strides = array<i32>} : memref<80xi32, #tpu.memory_space<vmem>>, vector<16xi32>,
      %get3A_872 = vector.shape_cast %get3A_871 : vector<16xi32> to vector<16xi32>
      %and3A_873 = arith.andi %get3A_872, %broadcast_in_dim3A_5 : vector<16xi32>
      %swap3A_874 = arith.constant 32 : index
      %swap3A_875 = tpu.vector_load %arg8[%swap3A_874] {strides = array<i32>} : memref<80xi32, #tpu.memory_space<vmem>>, vector<16xi32>,
      %swap3A_876 = vector.shape_cast %swap3A_875 : vector<16xi32> to vector<16xi32>
      %swap3A_877 = vector.shape_cast %and3A_873 : vector<16xi32> to vector<16xi32>
      tpu.vector_store %arg8[%swap3A_874], %swap3A_877 {strides = array<i32>} : memref<80xi32, #tpu.memory_space<vmem>>, vector<16xi32>,
      %shift_right_logical3A_878 = arith.shrui %get3A_872, %broadcast_in_dim3A_7 : vector<16xi32>
      %swap3A_879 = arith.constant 32 : index
      %swap3A_880 = tpu.vector_load %arg9[%swap3A_879] {strides = array<i32>} : memref<80xi32, #tpu.memory_space<vmem>>, vector<16xi32>,
      %swap3A_881 = vector.shape_cast %swap3A_880 : vector<16xi32> to vector<16xi32>
      %swap3A_882 = vector.shape_cast %shift_right_logical3A_878 : vector<16xi32> to vector<16xi32>
      tpu.vector_store %arg9[%swap3A_879], %swap3A_882 {strides = array<i32>} : memref<80xi32, #tpu.memory_space<vmem>>, vector<16xi32>,
      %get3A_883 = arith.constant 48 : index
      %get3A_884 = tpu.vector_load %arg13[%get3A_883] {strides = array<i32>} : memref<80xi32, #tpu.memory_space<vmem>>, vector<16xi32>,
      %get3A_885 = vector.shape_cast %get3A_884 : vector<16xi32> to vector<16xi32>
      %and3A_886 = arith.andi %get3A_885, %broadcast_in_dim3A_5 : vector<16xi32>
      %swap3A_887 = arith.constant 48 : index
      %swap3A_888 = tpu.vector_load %arg8[%swap3A_887] {strides = array<i32>} : memref<80xi32, #tpu.memory_space<vmem>>, vector<16xi32>,
      %swap3A_889 = vector.shape_cast %swap3A_888 : vector<16xi32> to vector<16xi32>
      %swap3A_890 = vector.shape_cast %and3A_886 : vector<16xi32> to vector<16xi32>
      tpu.vector_store %arg8[%swap3A_887], %swap3A_890 {strides = array<i32>} : memref<80xi32, #tpu.memory_space<vmem>>, vector<16xi32>,
      %shift_right_logical3A_891 = arith.shrui %get3A_885, %broadcast_in_dim3A_7 : vector<16xi32>
      %swap3A_892 = arith.constant 48 : index
      %swap3A_893 = tpu.vector_load %arg9[%swap3A_892] {strides = array<i32>} : memref<80xi32, #tpu.memory_space<vmem>>, vector<16xi32>,
      %swap3A_894 = vector.shape_cast %swap3A_893 : vector<16xi32> to vector<16xi32>
      %swap3A_895 = vector.shape_cast %shift_right_logical3A_891 : vector<16xi32> to vector<16xi32>
      tpu.vector_store %arg9[%swap3A_892], %swap3A_895 {strides = array<i32>} : memref<80xi32, #tpu.memory_space<vmem>>, vector<16xi32>,
      %get3A_896 = arith.constant 64 : index
      %get3A_897 = tpu.vector_load %arg13[%get3A_896] {strides = array<i32>} : memref<80xi32, #tpu.memory_space<vmem>>, vector<16xi32>,
      %get3A_898 = vector.shape_cast %get3A_897 : vector<16xi32> to vector<16xi32>
      %and3A_899 = arith.andi %get3A_898, %broadcast_in_dim3A_5 : vector<16xi32>
      %swap3A_900 = arith.constant 64 : index
      %swap3A_901 = tpu.vector_load %arg8[%swap3A_900] {strides = array<i32>} : memref<80xi32, #tpu.memory_space<vmem>>, vector<16xi32>,
      %swap3A_902 = vector.shape_cast %swap3A_901 : vector<16xi32> to vector<16xi32>
      %swap3A_903 = vector.shape_cast %and3A_899 : vector<16xi32> to vector<16xi32>
      tpu.vector_store %arg8[%swap3A_900], %swap3A_903 {strides = array<i32>} : memref<80xi32, #tpu.memory_space<vmem>>, vector<16xi32>,
      %shift_right_logical3A_904 = arith.shrui %get3A_898, %broadcast_in_dim3A_7 : vector<16xi32>
      %swap3A_905 = arith.constant 64 : index
      %swap3A_906 = tpu.vector_load %arg9[%swap3A_905] {strides = array<i32>} : memref<80xi32, #tpu.memory_space<vmem>>, vector<16xi32>,
      %swap3A_907 = vector.shape_cast %swap3A_906 : vector<16xi32> to vector<16xi32>
      %swap3A_908 = vector.shape_cast %shift_right_logical3A_904 : vector<16xi32> to vector<16xi32>
      tpu.vector_store %arg9[%swap3A_905], %swap3A_908 {strides = array<i32>} : memref<80xi32, #tpu.memory_space<vmem>>, vector<16xi32>,
      %dma_start3A_909 = arith.constant 0 : i32
      %dma_start3A_910 = arith.constant 0 : i32
      %dma_start3A_911 = tpu.memref_slice %arg2[%dma_start3A_909, %dma_start3A_910] : memref<10000x128xf32, #tpu.memory_space<hbm>> -> memref<10000x128xf32, #tpu.memory_space<hbm>>
      tpu.enqueue_indirect_dma source(%dma_start3A_911 : memref<10000x128xf32, #tpu.memory_space<hbm>>) target(%arg16 : memref<80x128xf32, #tpu.memory_space<vmem>>) offsets(%arg8 : memref<80xi32, #tpu.memory_space<vmem>>) semaphore(%arg19 : memref<!tpu.dma_semaphore, #tpu.memory_space<semaphore_mem>>)
      %add3A_912 = arith.constant 6 : i32
      %add3A_913 = arith.addi %add3A_836, %add3A_912 : i32
      %mul3A_914 = arith.constant 80 : i32
      %mul3A_915 = arith.muli %add3A_913, %mul3A_914 : i32
      %add3A_916 = arith.addi %mul3A_2, %mul3A_915 : i32
      %dma_start3A_917 = tpu.memref_slice %arg3[%add3A_916] : memref<320000xi32, #tpu.memory_space<hbm>> -> memref<80xi32, #tpu.memory_space<hbm>>
      %dma_start3A_918 = tpu.memref_slice %arg3[%add3A_916] : memref<320000xi32, #tpu.memory_space<hbm>> -> memref<80xi32, #tpu.memory_space<hbm>>
      tpu.enqueue_dma source(%dma_start3A_918 : memref<80xi32, #tpu.memory_space<hbm>>) target(%arg13 : memref<80xi32, #tpu.memory_space<vmem>>) target_semaphore(%arg22 : memref<!tpu.dma_semaphore, #tpu.memory_space<semaphore_mem>>)
      %scan3A_919 = arith.constant 0 : i32
      scf.yield %scan3A_919 : i32
    }
    %scan3A_420 = arith.constant 39 : i32
    %dma_wait3A_421 = arith.constant 0 : i32
    %dma_wait3A_422 = arith.constant 0 : i32
    %dma_wait3A_423 = tpu.memref_slice %arg2[%dma_wait3A_421, %dma_wait3A_422] : memref<10000x128xf32, #tpu.memory_space<hbm>> -> memref<10000x128xf32, #tpu.memory_space<hbm>>
    tpu.wait_indirect_dma semaphore(%arg20 : memref<!tpu.dma_semaphore, #tpu.memory_space<semaphore_mem>>) src(%dma_wait3A_423 : memref<10000x128xf32, #tpu.memory_space<hbm>>) dst(%arg17 : memref<80x128xf32, #tpu.memory_space<vmem>>)
    "tpu.region"() ({
      %run_scoped3A = tpu.sem_alloc : memref<!tpu.dma_semaphore, #tpu.memory_space<semaphore_mem>>
      %dma_start3A_661 = arith.constant 0 : i32
      %dma_start3A_662 = arith.constant 0 : i32
      %dma_start3A_663 = tpu.memref_slice %arg5[%dma_start3A_661, %dma_start3A_662] : memref<10240x128xf32, #tpu.memory_space<vmem_shared>> -> memref<10240x128xf32, #tpu.memory_space<vmem_shared>>
      tpu.enqueue_indirect_dma source(%arg17 : memref<80x128xf32, #tpu.memory_space<vmem>>) target(%dma_start3A_663 : memref<10240x128xf32, #tpu.memory_space<vmem_shared>>) offsets(%arg11 : memref<80xi32, #tpu.memory_space<vmem>>) semaphore(%run_scoped3A : memref<!tpu.dma_semaphore, #tpu.memory_space<semaphore_mem>>) {add = true}
      %dma_wait3A_664 = arith.constant 0 : i32
      %dma_wait3A_665 = arith.constant 0 : i32
      %dma_wait3A_666 = tpu.memref_slice %arg5[%dma_wait3A_664, %dma_wait3A_665] : memref<10240x128xf32, #tpu.memory_space<vmem_shared>> -> memref<10240x128xf32, #tpu.memory_space<vmem_shared>>
      tpu.wait_indirect_dma semaphore(%run_scoped3A : memref<!tpu.dma_semaphore, #tpu.memory_space<semaphore_mem>>) src(%arg17 : memref<80x128xf32, #tpu.memory_space<vmem>>) dst(%dma_wait3A_666 : memref<10240x128xf32, #tpu.memory_space<vmem_shared>>)
      tpu.yield
    }) : () -> ()
    %dma_wait3A_424 = arith.constant 0 : i32
    %dma_wait3A_425 = tpu.memref_slice %arg3[%dma_wait3A_424] : memref<320000xi32, #tpu.memory_space<hbm>> -> memref<80xi32, #tpu.memory_space<hbm>>
    %dma_wait3A_426 = arith.constant 0 : i32
    %dma_wait3A_427 = tpu.memref_slice %arg3[%dma_wait3A_426] : memref<320000xi32, #tpu.memory_space<hbm>> -> memref<80xi32, #tpu.memory_space<hbm>>
    tpu.wait_dma2 semaphore(%arg23 : memref<!tpu.dma_semaphore, #tpu.memory_space<semaphore_mem>>) src(%dma_wait3A_427 : memref<80xi32, #tpu.memory_space<hbm>>) dst(%arg14 : memref<80xi32, #tpu.memory_space<vmem>>)
    %get3A_428 = arith.constant 0 : index
    %get3A_429 = tpu.vector_load %arg14[%get3A_428] {strides = array<i32>} : memref<80xi32, #tpu.memory_space<vmem>>, vector<16xi32>,
    %get3A_430 = vector.shape_cast %get3A_429 : vector<16xi32> to vector<16xi32>
    %and3A_431 = arith.andi %get3A_430, %broadcast_in_dim3A_5 : vector<16xi32>
    %swap3A_432 = arith.constant 0 : index
    %swap3A_433 = tpu.vector_load %arg10[%swap3A_432] {strides = array<i32>} : memref<80xi32, #tpu.memory_space<vmem>>, vector<16xi32>,
    %swap3A_434 = vector.shape_cast %swap3A_433 : vector<16xi32> to vector<16xi32>
    %swap3A_435 = vector.shape_cast %and3A_431 : vector<16xi32> to vector<16xi32>
    tpu.vector_store %arg10[%swap3A_432], %swap3A_435 {strides = array<i32>} : memref<80xi32, #tpu.memory_space<vmem>>, vector<16xi32>,
    %shift_right_logical3A_436 = arith.shrui %get3A_430, %broadcast_in_dim3A_7 : vector<16xi32>
    %swap3A_437 = arith.constant 0 : index
    %swap3A_438 = tpu.vector_load %arg11[%swap3A_437] {strides = array<i32>} : memref<80xi32, #tpu.memory_space<vmem>>, vector<16xi32>,
    %swap3A_439 = vector.shape_cast %swap3A_438 : vector<16xi32> to vector<16xi32>
    %swap3A_440 = vector.shape_cast %shift_right_logical3A_436 : vector<16xi32> to vector<16xi32>
    tpu.vector_store %arg11[%swap3A_437], %swap3A_440 {strides = array<i32>} : memref<80xi32, #tpu.memory_space<vmem>>, vector<16xi32>,
    %get3A_441 = arith.constant 16 : index
    %get3A_442 = tpu.vector_load %arg14[%get3A_441] {strides = array<i32>} : memref<80xi32, #tpu.memory_space<vmem>>, vector<16xi32>,
    %get3A_443 = vector.shape_cast %get3A_442 : vector<16xi32> to vector<16xi32>
    %and3A_444 = arith.andi %get3A_443, %broadcast_in_dim3A_5 : vector<16xi32>
    %swap3A_445 = arith.constant 16 : index
    %swap3A_446 = tpu.vector_load %arg10[%swap3A_445] {strides = array<i32>} : memref<80xi32, #tpu.memory_space<vmem>>, vector<16xi32>,
    %swap3A_447 = vector.shape_cast %swap3A_446 : vector<16xi32> to vector<16xi32>
    %swap3A_448 = vector.shape_cast %and3A_444 : vector<16xi32> to vector<16xi32>
    tpu.vector_store %arg10[%swap3A_445], %swap3A_448 {strides = array<i32>} : memref<80xi32, #tpu.memory_space<vmem>>, vector<16xi32>,
    %shift_right_logical3A_449 = arith.shrui %get3A_443, %broadcast_in_dim3A_7 : vector<16xi32>
    %swap3A_450 = arith.constant 16 : index
    %swap3A_451 = tpu.vector_load %arg11[%swap3A_450] {strides = array<i32>} : memref<80xi32, #tpu.memory_space<vmem>>, vector<16xi32>,
    %swap3A_452 = vector.shape_cast %swap3A_451 : vector<16xi32> to vector<16xi32>
    %swap3A_453 = vector.shape_cast %shift_right_logical3A_449 : vector<16xi32> to vector<16xi32>
    tpu.vector_store %arg11[%swap3A_450], %swap3A_453 {strides = array<i32>} : memref<80xi32, #tpu.memory_space<vmem>>, vector<16xi32>,
    %get3A_454 = arith.constant 32 : index
    %get3A_455 = tpu.vector_load %arg14[%get3A_454] {strides = array<i32>} : memref<80xi32, #tpu.memory_space<vmem>>, vector<16xi32>,
    %get3A_456 = vector.shape_cast %get3A_455 : vector<16xi32> to vector<16xi32>
    %and3A_457 = arith.andi %get3A_456, %broadcast_in_dim3A_5 : vector<16xi32>
    %swap3A_458 = arith.constant 32 : index
    %swap3A_459 = tpu.vector_load %arg10[%swap3A_458] {strides = array<i32>} : memref<80xi32, #tpu.memory_space<vmem>>, vector<16xi32>,
    %swap3A_460 = vector.shape_cast %swap3A_459 : vector<16xi32> to vector<16xi32>
    %swap3A_461 = vector.shape_cast %and3A_457 : vector<16xi32> to vector<16xi32>
    tpu.vector_store %arg10[%swap3A_458], %swap3A_461 {strides = array<i32>} : memref<80xi32, #tpu.memory_space<vmem>>, vector<16xi32>,
    %shift_right_logical3A_462 = arith.shrui %get3A_456, %broadcast_in_dim3A_7 : vector<16xi32>
    %swap3A_463 = arith.constant 32 : index
    %swap3A_464 = tpu.vector_load %arg11[%swap3A_463] {strides = array<i32>} : memref<80xi32, #tpu.memory_space<vmem>>, vector<16xi32>,
    %swap3A_465 = vector.shape_cast %swap3A_464 : vector<16xi32> to vector<16xi32>
    %swap3A_466 = vector.shape_cast %shift_right_logical3A_462 : vector<16xi32> to vector<16xi32>
    tpu.vector_store %arg11[%swap3A_463], %swap3A_466 {strides = array<i32>} : memref<80xi32, #tpu.memory_space<vmem>>, vector<16xi32>,
    %get3A_467 = arith.constant 48 : index
    %get3A_468 = tpu.vector_load %arg14[%get3A_467] {strides = array<i32>} : memref<80xi32, #tpu.memory_space<vmem>>, vector<16xi32>,
    %get3A_469 = vector.shape_cast %get3A_468 : vector<16xi32> to vector<16xi32>
    %and3A_470 = arith.andi %get3A_469, %broadcast_in_dim3A_5 : vector<16xi32>
    %swap3A_471 = arith.constant 48 : index
    %swap3A_472 = tpu.vector_load %arg10[%swap3A_471] {strides = array<i32>} : memref<80xi32, #tpu.memory_space<vmem>>, vector<16xi32>,
    %swap3A_473 = vector.shape_cast %swap3A_472 : vector<16xi32> to vector<16xi32>
    %swap3A_474 = vector.shape_cast %and3A_470 : vector<16xi32> to vector<16xi32>
    tpu.vector_store %arg10[%swap3A_471], %swap3A_474 {strides = array<i32>} : memref<80xi32, #tpu.memory_space<vmem>>, vector<16xi32>,
    %shift_right_logical3A_475 = arith.shrui %get3A_469, %broadcast_in_dim3A_7 : vector<16xi32>
    %swap3A_476 = arith.constant 48 : index
    %swap3A_477 = tpu.vector_load %arg11[%swap3A_476] {strides = array<i32>} : memref<80xi32, #tpu.memory_space<vmem>>, vector<16xi32>,
    %swap3A_478 = vector.shape_cast %swap3A_477 : vector<16xi32> to vector<16xi32>
    %swap3A_479 = vector.shape_cast %shift_right_logical3A_475 : vector<16xi32> to vector<16xi32>
    tpu.vector_store %arg11[%swap3A_476], %swap3A_479 {strides = array<i32>} : memref<80xi32, #tpu.memory_space<vmem>>, vector<16xi32>,
    %get3A_480 = arith.constant 64 : index
    %get3A_481 = tpu.vector_load %arg14[%get3A_480] {strides = array<i32>} : memref<80xi32, #tpu.memory_space<vmem>>, vector<16xi32>,
    %get3A_482 = vector.shape_cast %get3A_481 : vector<16xi32> to vector<16xi32>
    %and3A_483 = arith.andi %get3A_482, %broadcast_in_dim3A_5 : vector<16xi32>
    %swap3A_484 = arith.constant 64 : index
    %swap3A_485 = tpu.vector_load %arg10[%swap3A_484] {strides = array<i32>} : memref<80xi32, #tpu.memory_space<vmem>>, vector<16xi32>,
    %swap3A_486 = vector.shape_cast %swap3A_485 : vector<16xi32> to vector<16xi32>
    %swap3A_487 = vector.shape_cast %and3A_483 : vector<16xi32> to vector<16xi32>
    tpu.vector_store %arg10[%swap3A_484], %swap3A_487 {strides = array<i32>} : memref<80xi32, #tpu.memory_space<vmem>>, vector<16xi32>,
    %shift_right_logical3A_488 = arith.shrui %get3A_482, %broadcast_in_dim3A_7 : vector<16xi32>
    %swap3A_489 = arith.constant 64 : index
    %swap3A_490 = tpu.vector_load %arg11[%swap3A_489] {strides = array<i32>} : memref<80xi32, #tpu.memory_space<vmem>>, vector<16xi32>,
    %swap3A_491 = vector.shape_cast %swap3A_490 : vector<16xi32> to vector<16xi32>
    %swap3A_492 = vector.shape_cast %shift_right_logical3A_488 : vector<16xi32> to vector<16xi32>
    tpu.vector_store %arg11[%swap3A_489], %swap3A_492 {strides = array<i32>} : memref<80xi32, #tpu.memory_space<vmem>>, vector<16xi32>,
    %dma_start3A_493 = arith.constant 0 : i32
    %dma_start3A_494 = arith.constant 0 : i32
    %dma_start3A_495 = tpu.memref_slice %arg2[%dma_start3A_493, %dma_start3A_494] : memref<10000x128xf32, #tpu.memory_space<hbm>> -> memref<10000x128xf32, #tpu.memory_space<hbm>>
    tpu.enqueue_indirect_dma source(%dma_start3A_495 : memref<10000x128xf32, #tpu.memory_space<hbm>>) target(%arg17 : memref<80x128xf32, #tpu.memory_space<vmem>>) offsets(%arg10 : memref<80xi32, #tpu.memory_space<vmem>>) semaphore(%arg20 : memref<!tpu.dma_semaphore, #tpu.memory_space<semaphore_mem>>)
    %dma_wait3A_496 = arith.constant 0 : i32
    %dma_wait3A_497 = arith.constant 0 : i32
    %dma_wait3A_498 = tpu.memref_slice %arg2[%dma_wait3A_496, %dma_wait3A_497] : memref<10000x128xf32, #tpu.memory_space<hbm>> -> memref<10000x128xf32, #tpu.memory_space<hbm>>
    tpu.wait_indirect_dma semaphore(%arg18 : memref<!tpu.dma_semaphore, #tpu.memory_space<semaphore_mem>>) src(%dma_wait3A_498 : memref<10000x128xf32, #tpu.memory_space<hbm>>) dst(%arg15 : memref<80x128xf32, #tpu.memory_space<vmem>>)
    "tpu.region"() ({
      %run_scoped3A = tpu.sem_alloc : memref<!tpu.dma_semaphore, #tpu.memory_space<semaphore_mem>>
      %dma_start3A_661 = arith.constant 0 : i32
      %dma_start3A_662 = arith.constant 0 : i32
      %dma_start3A_663 = tpu.memref_slice %arg5[%dma_start3A_661, %dma_start3A_662] : memref<10240x128xf32, #tpu.memory_space<vmem_shared>> -> memref<10240x128xf32, #tpu.memory_space<vmem_shared>>
      tpu.enqueue_indirect_dma source(%arg15 : memref<80x128xf32, #tpu.memory_space<vmem>>) target(%dma_start3A_663 : memref<10240x128xf32, #tpu.memory_space<vmem_shared>>) offsets(%arg7 : memref<80xi32, #tpu.memory_space<vmem>>) semaphore(%run_scoped3A : memref<!tpu.dma_semaphore, #tpu.memory_space<semaphore_mem>>) {add = true}
      %dma_wait3A_664 = arith.constant 0 : i32
      %dma_wait3A_665 = arith.constant 0 : i32
      %dma_wait3A_666 = tpu.memref_slice %arg5[%dma_wait3A_664, %dma_wait3A_665] : memref<10240x128xf32, #tpu.memory_space<vmem_shared>> -> memref<10240x128xf32, #tpu.memory_space<vmem_shared>>
      tpu.wait_indirect_dma semaphore(%run_scoped3A : memref<!tpu.dma_semaphore, #tpu.memory_space<semaphore_mem>>) src(%arg15 : memref<80x128xf32, #tpu.memory_space<vmem>>) dst(%dma_wait3A_666 : memref<10240x128xf32, #tpu.memory_space<vmem_shared>>)
      tpu.yield
    }) : () -> ()
    %dma_wait3A_499 = arith.constant 0 : i32
    %dma_wait3A_500 = tpu.memref_slice %arg3[%dma_wait3A_499] : memref<320000xi32, #tpu.memory_space<hbm>> -> memref<80xi32, #tpu.memory_space<hbm>>
    %dma_wait3A_501 = arith.constant 0 : i32
    %dma_wait3A_502 = tpu.memref_slice %arg3[%dma_wait3A_501] : memref<320000xi32, #tpu.memory_space<hbm>> -> memref<80xi32, #tpu.memory_space<hbm>>
    tpu.wait_dma2 semaphore(%arg21 : memref<!tpu.dma_semaphore, #tpu.memory_space<semaphore_mem>>) src(%dma_wait3A_502 : memref<80xi32, #tpu.memory_space<hbm>>) dst(%arg12 : memref<80xi32, #tpu.memory_space<vmem>>)
    %get3A_503 = arith.constant 0 : index
    %get3A_504 = tpu.vector_load %arg12[%get3A_503] {strides = array<i32>} : memref<80xi32, #tpu.memory_space<vmem>>, vector<16xi32>,
    %get3A_505 = vector.shape_cast %get3A_504 : vector<16xi32> to vector<16xi32>
    %and3A_506 = arith.andi %get3A_505, %broadcast_in_dim3A_5 : vector<16xi32>
    %swap3A_507 = arith.constant 0 : index
    %swap3A_508 = tpu.vector_load %arg6[%swap3A_507] {strides = array<i32>} : memref<80xi32, #tpu.memory_space<vmem>>, vector<16xi32>,
    %swap3A_509 = vector.shape_cast %swap3A_508 : vector<16xi32> to vector<16xi32>
    %swap3A_510 = vector.shape_cast %and3A_506 : vector<16xi32> to vector<16xi32>
    tpu.vector_store %arg6[%swap3A_507], %swap3A_510 {strides = array<i32>} : memref<80xi32, #tpu.memory_space<vmem>>, vector<16xi32>,
    %shift_right_logical3A_511 = arith.shrui %get3A_505, %broadcast_in_dim3A_7 : vector<16xi32>
    %swap3A_512 = arith.constant 0 : index
    %swap3A_513 = tpu.vector_load %arg7[%swap3A_512] {strides = array<i32>} : memref<80xi32, #tpu.memory_space<vmem>>, vector<16xi32>,
    %swap3A_514 = vector.shape_cast %swap3A_513 : vector<16xi32> to vector<16xi32>
    %swap3A_515 = vector.shape_cast %shift_right_logical3A_511 : vector<16xi32> to vector<16xi32>
    tpu.vector_store %arg7[%swap3A_512], %swap3A_515 {strides = array<i32>} : memref<80xi32, #tpu.memory_space<vmem>>, vector<16xi32>,
    %get3A_516 = arith.constant 16 : index
    %get3A_517 = tpu.vector_load %arg12[%get3A_516] {strides = array<i32>} : memref<80xi32, #tpu.memory_space<vmem>>, vector<16xi32>,
    %get3A_518 = vector.shape_cast %get3A_517 : vector<16xi32> to vector<16xi32>
    %and3A_519 = arith.andi %get3A_518, %broadcast_in_dim3A_5 : vector<16xi32>
    %swap3A_520 = arith.constant 16 : index
    %swap3A_521 = tpu.vector_load %arg6[%swap3A_520] {strides = array<i32>} : memref<80xi32, #tpu.memory_space<vmem>>, vector<16xi32>,
    %swap3A_522 = vector.shape_cast %swap3A_521 : vector<16xi32> to vector<16xi32>
    %swap3A_523 = vector.shape_cast %and3A_519 : vector<16xi32> to vector<16xi32>
    tpu.vector_store %arg6[%swap3A_520], %swap3A_523 {strides = array<i32>} : memref<80xi32, #tpu.memory_space<vmem>>, vector<16xi32>,
    %shift_right_logical3A_524 = arith.shrui %get3A_518, %broadcast_in_dim3A_7 : vector<16xi32>
    %swap3A_525 = arith.constant 16 : index
    %swap3A_526 = tpu.vector_load %arg7[%swap3A_525] {strides = array<i32>} : memref<80xi32, #tpu.memory_space<vmem>>, vector<16xi32>,
    %swap3A_527 = vector.shape_cast %swap3A_526 : vector<16xi32> to vector<16xi32>
    %swap3A_528 = vector.shape_cast %shift_right_logical3A_524 : vector<16xi32> to vector<16xi32>
    tpu.vector_store %arg7[%swap3A_525], %swap3A_528 {strides = array<i32>} : memref<80xi32, #tpu.memory_space<vmem>>, vector<16xi32>,
    %get3A_529 = arith.constant 32 : index
    %get3A_530 = tpu.vector_load %arg12[%get3A_529] {strides = array<i32>} : memref<80xi32, #tpu.memory_space<vmem>>, vector<16xi32>,
    %get3A_531 = vector.shape_cast %get3A_530 : vector<16xi32> to vector<16xi32>
    %and3A_532 = arith.andi %get3A_531, %broadcast_in_dim3A_5 : vector<16xi32>
    %swap3A_533 = arith.constant 32 : index
    %swap3A_534 = tpu.vector_load %arg6[%swap3A_533] {strides = array<i32>} : memref<80xi32, #tpu.memory_space<vmem>>, vector<16xi32>,
    %swap3A_535 = vector.shape_cast %swap3A_534 : vector<16xi32> to vector<16xi32>
    %swap3A_536 = vector.shape_cast %and3A_532 : vector<16xi32> to vector<16xi32>
    tpu.vector_store %arg6[%swap3A_533], %swap3A_536 {strides = array<i32>} : memref<80xi32, #tpu.memory_space<vmem>>, vector<16xi32>,
    %shift_right_logical3A_537 = arith.shrui %get3A_531, %broadcast_in_dim3A_7 : vector<16xi32>
    %swap3A_538 = arith.constant 32 : index
    %swap3A_539 = tpu.vector_load %arg7[%swap3A_538] {strides = array<i32>} : memref<80xi32, #tpu.memory_space<vmem>>, vector<16xi32>,
    %swap3A_540 = vector.shape_cast %swap3A_539 : vector<16xi32> to vector<16xi32>
    %swap3A_541 = vector.shape_cast %shift_right_logical3A_537 : vector<16xi32> to vector<16xi32>
    tpu.vector_store %arg7[%swap3A_538], %swap3A_541 {strides = array<i32>} : memref<80xi32, #tpu.memory_space<vmem>>, vector<16xi32>,
    %get3A_542 = arith.constant 48 : index
    %get3A_543 = tpu.vector_load %arg12[%get3A_542] {strides = array<i32>} : memref<80xi32, #tpu.memory_space<vmem>>, vector<16xi32>,
    %get3A_544 = vector.shape_cast %get3A_543 : vector<16xi32> to vector<16xi32>
    %and3A_545 = arith.andi %get3A_544, %broadcast_in_dim3A_5 : vector<16xi32>
    %swap3A_546 = arith.constant 48 : index
    %swap3A_547 = tpu.vector_load %arg6[%swap3A_546] {strides = array<i32>} : memref<80xi32, #tpu.memory_space<vmem>>, vector<16xi32>,
    %swap3A_548 = vector.shape_cast %swap3A_547 : vector<16xi32> to vector<16xi32>
    %swap3A_549 = vector.shape_cast %and3A_545 : vector<16xi32> to vector<16xi32>
    tpu.vector_store %arg6[%swap3A_546], %swap3A_549 {strides = array<i32>} : memref<80xi32, #tpu.memory_space<vmem>>, vector<16xi32>,
    %shift_right_logical3A_550 = arith.shrui %get3A_544, %broadcast_in_dim3A_7 : vector<16xi32>
    %swap3A_551 = arith.constant 48 : index
    %swap3A_552 = tpu.vector_load %arg7[%swap3A_551] {strides = array<i32>} : memref<80xi32, #tpu.memory_space<vmem>>, vector<16xi32>,
    %swap3A_553 = vector.shape_cast %swap3A_552 : vector<16xi32> to vector<16xi32>
    %swap3A_554 = vector.shape_cast %shift_right_logical3A_550 : vector<16xi32> to vector<16xi32>
    tpu.vector_store %arg7[%swap3A_551], %swap3A_554 {strides = array<i32>} : memref<80xi32, #tpu.memory_space<vmem>>, vector<16xi32>,
    %get3A_555 = arith.constant 64 : index
    %get3A_556 = tpu.vector_load %arg12[%get3A_555] {strides = array<i32>} : memref<80xi32, #tpu.memory_space<vmem>>, vector<16xi32>,
    %get3A_557 = vector.shape_cast %get3A_556 : vector<16xi32> to vector<16xi32>
    %and3A_558 = arith.andi %get3A_557, %broadcast_in_dim3A_5 : vector<16xi32>
    %swap3A_559 = arith.constant 64 : index
    %swap3A_560 = tpu.vector_load %arg6[%swap3A_559] {strides = array<i32>} : memref<80xi32, #tpu.memory_space<vmem>>, vector<16xi32>,
    %swap3A_561 = vector.shape_cast %swap3A_560 : vector<16xi32> to vector<16xi32>
    %swap3A_562 = vector.shape_cast %and3A_558 : vector<16xi32> to vector<16xi32>
    tpu.vector_store %arg6[%swap3A_559], %swap3A_562 {strides = array<i32>} : memref<80xi32, #tpu.memory_space<vmem>>, vector<16xi32>,
    %shift_right_logical3A_563 = arith.shrui %get3A_557, %broadcast_in_dim3A_7 : vector<16xi32>
    %swap3A_564 = arith.constant 64 : index
    %swap3A_565 = tpu.vector_load %arg7[%swap3A_564] {strides = array<i32>} : memref<80xi32, #tpu.memory_space<vmem>>, vector<16xi32>,
    %swap3A_566 = vector.shape_cast %swap3A_565 : vector<16xi32> to vector<16xi32>
    %swap3A_567 = vector.shape_cast %shift_right_logical3A_563 : vector<16xi32> to vector<16xi32>
    tpu.vector_store %arg7[%swap3A_564], %swap3A_567 {strides = array<i32>} : memref<80xi32, #tpu.memory_space<vmem>>, vector<16xi32>,
    %dma_start3A_568 = arith.constant 0 : i32
    %dma_start3A_569 = arith.constant 0 : i32
    %dma_start3A_570 = tpu.memref_slice %arg2[%dma_start3A_568, %dma_start3A_569] : memref<10000x128xf32, #tpu.memory_space<hbm>> -> memref<10000x128xf32, #tpu.memory_space<hbm>>
    tpu.enqueue_indirect_dma source(%dma_start3A_570 : memref<10000x128xf32, #tpu.memory_space<hbm>>) target(%arg15 : memref<80x128xf32, #tpu.memory_space<vmem>>) offsets(%arg6 : memref<80xi32, #tpu.memory_space<vmem>>) semaphore(%arg18 : memref<!tpu.dma_semaphore, #tpu.memory_space<semaphore_mem>>)
    %dma_wait3A_571 = arith.constant 0 : i32
    %dma_wait3A_572 = arith.constant 0 : i32
    %dma_wait3A_573 = tpu.memref_slice %arg2[%dma_wait3A_571, %dma_wait3A_572] : memref<10000x128xf32, #tpu.memory_space<hbm>> -> memref<10000x128xf32, #tpu.memory_space<hbm>>
    tpu.wait_indirect_dma semaphore(%arg19 : memref<!tpu.dma_semaphore, #tpu.memory_space<semaphore_mem>>) src(%dma_wait3A_573 : memref<10000x128xf32, #tpu.memory_space<hbm>>) dst(%arg16 : memref<80x128xf32, #tpu.memory_space<vmem>>)
    "tpu.region"() ({
      %run_scoped3A = tpu.sem_alloc : memref<!tpu.dma_semaphore, #tpu.memory_space<semaphore_mem>>
      %dma_start3A_661 = arith.constant 0 : i32
      %dma_start3A_662 = arith.constant 0 : i32
      %dma_start3A_663 = tpu.memref_slice %arg5[%dma_start3A_661, %dma_start3A_662] : memref<10240x128xf32, #tpu.memory_space<vmem_shared>> -> memref<10240x128xf32, #tpu.memory_space<vmem_shared>>
      tpu.enqueue_indirect_dma source(%arg16 : memref<80x128xf32, #tpu.memory_space<vmem>>) target(%dma_start3A_663 : memref<10240x128xf32, #tpu.memory_space<vmem_shared>>) offsets(%arg9 : memref<80xi32, #tpu.memory_space<vmem>>) semaphore(%run_scoped3A : memref<!tpu.dma_semaphore, #tpu.memory_space<semaphore_mem>>) {add = true}
      %dma_wait3A_664 = arith.constant 0 : i32
      %dma_wait3A_665 = arith.constant 0 : i32
      %dma_wait3A_666 = tpu.memref_slice %arg5[%dma_wait3A_664, %dma_wait3A_665] : memref<10240x128xf32, #tpu.memory_space<vmem_shared>> -> memref<10240x128xf32, #tpu.memory_space<vmem_shared>>
      tpu.wait_indirect_dma semaphore(%run_scoped3A : memref<!tpu.dma_semaphore, #tpu.memory_space<semaphore_mem>>) src(%arg16 : memref<80x128xf32, #tpu.memory_space<vmem>>) dst(%dma_wait3A_666 : memref<10240x128xf32, #tpu.memory_space<vmem_shared>>)
      tpu.yield
    }) : () -> ()
    %dma_wait3A_574 = arith.constant 0 : i32
    %dma_wait3A_575 = tpu.memref_slice %arg3[%dma_wait3A_574] : memref<320000xi32, #tpu.memory_space<hbm>> -> memref<80xi32, #tpu.memory_space<hbm>>
    %dma_wait3A_576 = arith.constant 0 : i32
    %dma_wait3A_577 = tpu.memref_slice %arg3[%dma_wait3A_576] : memref<320000xi32, #tpu.memory_space<hbm>> -> memref<80xi32, #tpu.memory_space<hbm>>
    tpu.wait_dma2 semaphore(%arg22 : memref<!tpu.dma_semaphore, #tpu.memory_space<semaphore_mem>>) src(%dma_wait3A_577 : memref<80xi32, #tpu.memory_space<hbm>>) dst(%arg13 : memref<80xi32, #tpu.memory_space<vmem>>)
    %get3A_578 = arith.constant 0 : index
    %get3A_579 = tpu.vector_load %arg13[%get3A_578] {strides = array<i32>} : memref<80xi32, #tpu.memory_space<vmem>>, vector<16xi32>,
    %get3A_580 = vector.shape_cast %get3A_579 : vector<16xi32> to vector<16xi32>
    %and3A_581 = arith.andi %get3A_580, %broadcast_in_dim3A_5 : vector<16xi32>
    %swap3A_582 = arith.constant 0 : index
    %swap3A_583 = tpu.vector_load %arg8[%swap3A_582] {strides = array<i32>} : memref<80xi32, #tpu.memory_space<vmem>>, vector<16xi32>,
    %swap3A_584 = vector.shape_cast %swap3A_583 : vector<16xi32> to vector<16xi32>
    %swap3A_585 = vector.shape_cast %and3A_581 : vector<16xi32> to vector<16xi32>
    tpu.vector_store %arg8[%swap3A_582], %swap3A_585 {strides = array<i32>} : memref<80xi32, #tpu.memory_space<vmem>>, vector<16xi32>,
    %shift_right_logical3A_586 = arith.shrui %get3A_580, %broadcast_in_dim3A_7 : vector<16xi32>
    %swap3A_587 = arith.constant 0 : index
    %swap3A_588 = tpu.vector_load %arg9[%swap3A_587] {strides = array<i32>} : memref<80xi32, #tpu.memory_space<vmem>>, vector<16xi32>,
    %swap3A_589 = vector.shape_cast %swap3A_588 : vector<16xi32> to vector<16xi32>
    %swap3A_590 = vector.shape_cast %shift_right_logical3A_586 : vector<16xi32> to vector<16xi32>
    tpu.vector_store %arg9[%swap3A_587], %swap3A_590 {strides = array<i32>} : memref<80xi32, #tpu.memory_space<vmem>>, vector<16xi32>,
    %get3A_591 = arith.constant 16 : index
    %get3A_592 = tpu.vector_load %arg13[%get3A_591] {strides = array<i32>} : memref<80xi32, #tpu.memory_space<vmem>>, vector<16xi32>,
    %get3A_593 = vector.shape_cast %get3A_592 : vector<16xi32> to vector<16xi32>
    %and3A_594 = arith.andi %get3A_593, %broadcast_in_dim3A_5 : vector<16xi32>
    %swap3A_595 = arith.constant 16 : index
    %swap3A_596 = tpu.vector_load %arg8[%swap3A_595] {strides = array<i32>} : memref<80xi32, #tpu.memory_space<vmem>>, vector<16xi32>,
    %swap3A_597 = vector.shape_cast %swap3A_596 : vector<16xi32> to vector<16xi32>
    %swap3A_598 = vector.shape_cast %and3A_594 : vector<16xi32> to vector<16xi32>
    tpu.vector_store %arg8[%swap3A_595], %swap3A_598 {strides = array<i32>} : memref<80xi32, #tpu.memory_space<vmem>>, vector<16xi32>,
    %shift_right_logical3A_599 = arith.shrui %get3A_593, %broadcast_in_dim3A_7 : vector<16xi32>
    %swap3A_600 = arith.constant 16 : index
    %swap3A_601 = tpu.vector_load %arg9[%swap3A_600] {strides = array<i32>} : memref<80xi32, #tpu.memory_space<vmem>>, vector<16xi32>,
    %swap3A_602 = vector.shape_cast %swap3A_601 : vector<16xi32> to vector<16xi32>
    %swap3A_603 = vector.shape_cast %shift_right_logical3A_599 : vector<16xi32> to vector<16xi32>
    tpu.vector_store %arg9[%swap3A_600], %swap3A_603 {strides = array<i32>} : memref<80xi32, #tpu.memory_space<vmem>>, vector<16xi32>,
    %get3A_604 = arith.constant 32 : index
    %get3A_605 = tpu.vector_load %arg13[%get3A_604] {strides = array<i32>} : memref<80xi32, #tpu.memory_space<vmem>>, vector<16xi32>,
    %get3A_606 = vector.shape_cast %get3A_605 : vector<16xi32> to vector<16xi32>
    %and3A_607 = arith.andi %get3A_606, %broadcast_in_dim3A_5 : vector<16xi32>
    %swap3A_608 = arith.constant 32 : index
    %swap3A_609 = tpu.vector_load %arg8[%swap3A_608] {strides = array<i32>} : memref<80xi32, #tpu.memory_space<vmem>>, vector<16xi32>,
    %swap3A_610 = vector.shape_cast %swap3A_609 : vector<16xi32> to vector<16xi32>
    %swap3A_611 = vector.shape_cast %and3A_607 : vector<16xi32> to vector<16xi32>
    tpu.vector_store %arg8[%swap3A_608], %swap3A_611 {strides = array<i32>} : memref<80xi32, #tpu.memory_space<vmem>>, vector<16xi32>,
    %shift_right_logical3A_612 = arith.shrui %get3A_606, %broadcast_in_dim3A_7 : vector<16xi32>
    %swap3A_613 = arith.constant 32 : index
    %swap3A_614 = tpu.vector_load %arg9[%swap3A_613] {strides = array<i32>} : memref<80xi32, #tpu.memory_space<vmem>>, vector<16xi32>,
    %swap3A_615 = vector.shape_cast %swap3A_614 : vector<16xi32> to vector<16xi32>
    %swap3A_616 = vector.shape_cast %shift_right_logical3A_612 : vector<16xi32> to vector<16xi32>
    tpu.vector_store %arg9[%swap3A_613], %swap3A_616 {strides = array<i32>} : memref<80xi32, #tpu.memory_space<vmem>>, vector<16xi32>,
    %get3A_617 = arith.constant 48 : index
    %get3A_618 = tpu.vector_load %arg13[%get3A_617] {strides = array<i32>} : memref<80xi32, #tpu.memory_space<vmem>>, vector<16xi32>,
    %get3A_619 = vector.shape_cast %get3A_618 : vector<16xi32> to vector<16xi32>
    %and3A_620 = arith.andi %get3A_619, %broadcast_in_dim3A_5 : vector<16xi32>
    %swap3A_621 = arith.constant 48 : index
    %swap3A_622 = tpu.vector_load %arg8[%swap3A_621] {strides = array<i32>} : memref<80xi32, #tpu.memory_space<vmem>>, vector<16xi32>,
    %swap3A_623 = vector.shape_cast %swap3A_622 : vector<16xi32> to vector<16xi32>
    %swap3A_624 = vector.shape_cast %and3A_620 : vector<16xi32> to vector<16xi32>
    tpu.vector_store %arg8[%swap3A_621], %swap3A_624 {strides = array<i32>} : memref<80xi32, #tpu.memory_space<vmem>>, vector<16xi32>,
    %shift_right_logical3A_625 = arith.shrui %get3A_619, %broadcast_in_dim3A_7 : vector<16xi32>
    %swap3A_626 = arith.constant 48 : index
    %swap3A_627 = tpu.vector_load %arg9[%swap3A_626] {strides = array<i32>} : memref<80xi32, #tpu.memory_space<vmem>>, vector<16xi32>,
    %swap3A_628 = vector.shape_cast %swap3A_627 : vector<16xi32> to vector<16xi32>
    %swap3A_629 = vector.shape_cast %shift_right_logical3A_625 : vector<16xi32> to vector<16xi32>
    tpu.vector_store %arg9[%swap3A_626], %swap3A_629 {strides = array<i32>} : memref<80xi32, #tpu.memory_space<vmem>>, vector<16xi32>,
    %get3A_630 = arith.constant 64 : index
    %get3A_631 = tpu.vector_load %arg13[%get3A_630] {strides = array<i32>} : memref<80xi32, #tpu.memory_space<vmem>>, vector<16xi32>,
    %get3A_632 = vector.shape_cast %get3A_631 : vector<16xi32> to vector<16xi32>
    %and3A_633 = arith.andi %get3A_632, %broadcast_in_dim3A_5 : vector<16xi32>
    %swap3A_634 = arith.constant 64 : index
    %swap3A_635 = tpu.vector_load %arg8[%swap3A_634] {strides = array<i32>} : memref<80xi32, #tpu.memory_space<vmem>>, vector<16xi32>,
    %swap3A_636 = vector.shape_cast %swap3A_635 : vector<16xi32> to vector<16xi32>
    %swap3A_637 = vector.shape_cast %and3A_633 : vector<16xi32> to vector<16xi32>
    tpu.vector_store %arg8[%swap3A_634], %swap3A_637 {strides = array<i32>} : memref<80xi32, #tpu.memory_space<vmem>>, vector<16xi32>,
    %shift_right_logical3A_638 = arith.shrui %get3A_632, %broadcast_in_dim3A_7 : vector<16xi32>
    %swap3A_639 = arith.constant 64 : index
    %swap3A_640 = tpu.vector_load %arg9[%swap3A_639] {strides = array<i32>} : memref<80xi32, #tpu.memory_space<vmem>>, vector<16xi32>,
    %swap3A_641 = vector.shape_cast %swap3A_640 : vector<16xi32> to vector<16xi32>
    %swap3A_642 = vector.shape_cast %shift_right_logical3A_638 : vector<16xi32> to vector<16xi32>
    tpu.vector_store %arg9[%swap3A_639], %swap3A_642 {strides = array<i32>} : memref<80xi32, #tpu.memory_space<vmem>>, vector<16xi32>,
    %dma_start3A_643 = arith.constant 0 : i32
    %dma_start3A_644 = arith.constant 0 : i32
    %dma_start3A_645 = tpu.memref_slice %arg2[%dma_start3A_643, %dma_start3A_644] : memref<10000x128xf32, #tpu.memory_space<hbm>> -> memref<10000x128xf32, #tpu.memory_space<hbm>>
    tpu.enqueue_indirect_dma source(%dma_start3A_645 : memref<10000x128xf32, #tpu.memory_space<hbm>>) target(%arg16 : memref<80x128xf32, #tpu.memory_space<vmem>>) offsets(%arg8 : memref<80xi32, #tpu.memory_space<vmem>>) semaphore(%arg19 : memref<!tpu.dma_semaphore, #tpu.memory_space<semaphore_mem>>)
    %dma_wait3A_646 = arith.constant 0 : i32
    %dma_wait3A_647 = arith.constant 0 : i32
    %dma_wait3A_648 = tpu.memref_slice %arg2[%dma_wait3A_646, %dma_wait3A_647] : memref<10000x128xf32, #tpu.memory_space<hbm>> -> memref<10000x128xf32, #tpu.memory_space<hbm>>
    tpu.wait_indirect_dma semaphore(%arg20 : memref<!tpu.dma_semaphore, #tpu.memory_space<semaphore_mem>>) src(%dma_wait3A_648 : memref<10000x128xf32, #tpu.memory_space<hbm>>) dst(%arg17 : memref<80x128xf32, #tpu.memory_space<vmem>>)
    "tpu.region"() ({
      %run_scoped3A = tpu.sem_alloc : memref<!tpu.dma_semaphore, #tpu.memory_space<semaphore_mem>>
      %dma_start3A_661 = arith.constant 0 : i32
      %dma_start3A_662 = arith.constant 0 : i32
      %dma_start3A_663 = tpu.memref_slice %arg5[%dma_start3A_661, %dma_start3A_662] : memref<10240x128xf32, #tpu.memory_space<vmem_shared>> -> memref<10240x128xf32, #tpu.memory_space<vmem_shared>>
      tpu.enqueue_indirect_dma source(%arg17 : memref<80x128xf32, #tpu.memory_space<vmem>>) target(%dma_start3A_663 : memref<10240x128xf32, #tpu.memory_space<vmem_shared>>) offsets(%arg11 : memref<80xi32, #tpu.memory_space<vmem>>) semaphore(%run_scoped3A : memref<!tpu.dma_semaphore, #tpu.memory_space<semaphore_mem>>) {add = true}
      %dma_wait3A_664 = arith.constant 0 : i32
      %dma_wait3A_665 = arith.constant 0 : i32
      %dma_wait3A_666 = tpu.memref_slice %arg5[%dma_wait3A_664, %dma_wait3A_665] : memref<10240x128xf32, #tpu.memory_space<vmem_shared>> -> memref<10240x128xf32, #tpu.memory_space<vmem_shared>>
      tpu.wait_indirect_dma semaphore(%run_scoped3A : memref<!tpu.dma_semaphore, #tpu.memory_space<semaphore_mem>>) src(%arg17 : memref<80x128xf32, #tpu.memory_space<vmem>>) dst(%dma_wait3A_666 : memref<10240x128xf32, #tpu.memory_space<vmem_shared>>)
      tpu.yield
    }) : () -> ()
    %dma_wait3A_649 = arith.constant 0 : i32
    %dma_wait3A_650 = arith.constant 0 : i32
    %dma_wait3A_651 = tpu.memref_slice %arg2[%dma_wait3A_649, %dma_wait3A_650] : memref<10000x128xf32, #tpu.memory_space<hbm>> -> memref<10000x128xf32, #tpu.memory_space<hbm>>
    tpu.wait_indirect_dma semaphore(%arg18 : memref<!tpu.dma_semaphore, #tpu.memory_space<semaphore_mem>>) src(%dma_wait3A_651 : memref<10000x128xf32, #tpu.memory_space<hbm>>) dst(%arg15 : memref<80x128xf32, #tpu.memory_space<vmem>>)
    "tpu.region"() ({
      %run_scoped3A = tpu.sem_alloc : memref<!tpu.dma_semaphore, #tpu.memory_space<semaphore_mem>>
      %dma_start3A_661 = arith.constant 0 : i32
      %dma_start3A_662 = arith.constant 0 : i32
      %dma_start3A_663 = tpu.memref_slice %arg5[%dma_start3A_661, %dma_start3A_662] : memref<10240x128xf32, #tpu.memory_space<vmem_shared>> -> memref<10240x128xf32, #tpu.memory_space<vmem_shared>>
      tpu.enqueue_indirect_dma source(%arg15 : memref<80x128xf32, #tpu.memory_space<vmem>>) target(%dma_start3A_663 : memref<10240x128xf32, #tpu.memory_space<vmem_shared>>) offsets(%arg7 : memref<80xi32, #tpu.memory_space<vmem>>) semaphore(%run_scoped3A : memref<!tpu.dma_semaphore, #tpu.memory_space<semaphore_mem>>) {add = true}
      %dma_wait3A_664 = arith.constant 0 : i32
      %dma_wait3A_665 = arith.constant 0 : i32
      %dma_wait3A_666 = tpu.memref_slice %arg5[%dma_wait3A_664, %dma_wait3A_665] : memref<10240x128xf32, #tpu.memory_space<vmem_shared>> -> memref<10240x128xf32, #tpu.memory_space<vmem_shared>>
      tpu.wait_indirect_dma semaphore(%run_scoped3A : memref<!tpu.dma_semaphore, #tpu.memory_space<semaphore_mem>>) src(%arg15 : memref<80x128xf32, #tpu.memory_space<vmem>>) dst(%dma_wait3A_666 : memref<10240x128xf32, #tpu.memory_space<vmem_shared>>)
      tpu.yield
    }) : () -> ()
    %dma_wait3A_652 = arith.constant 0 : i32
    %dma_wait3A_653 = arith.constant 0 : i32
    %dma_wait3A_654 = tpu.memref_slice %arg2[%dma_wait3A_652, %dma_wait3A_653] : memref<10000x128xf32, #tpu.memory_space<hbm>> -> memref<10000x128xf32, #tpu.memory_space<hbm>>
    tpu.wait_indirect_dma semaphore(%arg19 : memref<!tpu.dma_semaphore, #tpu.memory_space<semaphore_mem>>) src(%dma_wait3A_654 : memref<10000x128xf32, #tpu.memory_space<hbm>>) dst(%arg16 : memref<80x128xf32, #tpu.memory_space<vmem>>)
    "tpu.region"() ({
      %run_scoped3A = tpu.sem_alloc : memref<!tpu.dma_semaphore, #tpu.memory_space<semaphore_mem>>
      %dma_start3A_661 = arith.constant 0 : i32
      %dma_start3A_662 = arith.constant 0 : i32
      %dma_start3A_663 = tpu.memref_slice %arg5[%dma_start3A_661, %dma_start3A_662] : memref<10240x128xf32, #tpu.memory_space<vmem_shared>> -> memref<10240x128xf32, #tpu.memory_space<vmem_shared>>
      tpu.enqueue_indirect_dma source(%arg16 : memref<80x128xf32, #tpu.memory_space<vmem>>) target(%dma_start3A_663 : memref<10240x128xf32, #tpu.memory_space<vmem_shared>>) offsets(%arg9 : memref<80xi32, #tpu.memory_space<vmem>>) semaphore(%run_scoped3A : memref<!tpu.dma_semaphore, #tpu.memory_space<semaphore_mem>>) {add = true}
      %dma_wait3A_664 = arith.constant 0 : i32
      %dma_wait3A_665 = arith.constant 0 : i32
      %dma_wait3A_666 = tpu.memref_slice %arg5[%dma_wait3A_664, %dma_wait3A_665] : memref<10240x128xf32, #tpu.memory_space<vmem_shared>> -> memref<10240x128xf32, #tpu.memory_space<vmem_shared>>
      tpu.wait_indirect_dma semaphore(%run_scoped3A : memref<!tpu.dma_semaphore, #tpu.memory_space<semaphore_mem>>) src(%arg16 : memref<80x128xf32, #tpu.memory_space<vmem>>) dst(%dma_wait3A_666 : memref<10240x128xf32, #tpu.memory_space<vmem_shared>>)
      tpu.yield
    }) : () -> ()
    %barrier3A_655 = arith.constant 0 : index
    tpu.barrier barrier_id(%barrier3A_655)
    %lt3A_656 = arith.constant 10 : i32
    %lt3A_657 = arith.cmpi slt, %arg1, %lt3A_656 : i32
    %convert_element_type3A_658 = arith.extui %lt3A_657 : i1 to i32
    %cond3A_659 = arith.constant 0 : i32
    %cond3A_660 = arith.cmpi ne, %convert_element_type3A_658, %cond3A_659 : i32
    scf.if %cond3A_660 {
      %mul3A_661 = arith.constant 10000 : i32
      %mul3A_662 = arith.muli %arg0, %mul3A_661 : i32
      %add3A_663 = arith.addi %mul3A_662, %mul3A_15 : i32
      "tpu.region"() ({
        %run_scoped3A = tpu.sem_alloc : memref<!tpu.dma_semaphore, #tpu.memory_space<semaphore_mem>>
        %dma_start3A_664 = arith.constant 0 : i32
        %dma_start3A_665 = tpu.memref_slice %arg4[%add3A_663, %dma_start3A_664] : memref<20000x128xf32, #tpu.memory_space<hbm>> -> memref<1000x128xf32, #tpu.memory_space<hbm>>
        %dma_start3A_666 = arith.constant 0 : i32
        %dma_start3A_667 = tpu.memref_slice %arg5[%mul3A_15, %dma_start3A_666] : memref<10240x128xf32, #tpu.memory_space<vmem_shared>> -> memref<1000x128xf32, #tpu.memory_space<vmem_shared>>
        tpu.enqueue_dma source(%dma_start3A_667 : memref<1000x128xf32, #tpu.memory_space<vmem_shared>>) target(%dma_start3A_665 : memref<1000x128xf32, #tpu.memory_space<hbm>>) target_semaphore(%run_scoped3A : memref<!tpu.dma_semaphore, #tpu.memory_space<semaphore_mem>>)
        %dma_wait3A_668 = arith.constant 0 : i32
        %dma_wait3A_669 = tpu.memref_slice %arg4[%add3A_663, %dma_wait3A_668] : memref<20000x128xf32, #tpu.memory_space<hbm>> -> memref<1000x128xf32, #tpu.memory_space<hbm>>
        %dma_wait3A_670 = arith.constant 0 : i32
        %dma_wait3A_671 = tpu.memref_slice %arg5[%mul3A_15, %dma_wait3A_670] : memref<10240x128xf32, #tpu.memory_space<vmem_shared>> -> memref<1000x128xf32, #tpu.memory_space<vmem_shared>>
        tpu.wait_dma2 semaphore(%run_scoped3A : memref<!tpu.dma_semaphore, #tpu.memory_space<semaphore_mem>>) src(%dma_wait3A_671 : memref<1000x128xf32, #tpu.memory_space<vmem_shared>>) dst(%dma_wait3A_669 : memref<1000x128xf32, #tpu.memory_space<hbm>>)
        tpu.yield
      }) : () -> ()
    } else {
    }
    return
  }
}

module attributes {stable_mosaic.version = 14 : i64} {
  func.func @sage_tc_dense(%arg0: i32, %arg1: memref<5000x128xf32, #tpu.memory_space<vmem>>, %arg2: memref<2x5000x128xf32, #tpu.memory_space<vmem>>, %arg3: memref<2x5000x1xf32, #tpu.memory_space<vmem>>, %arg4: memref<128x128xf32, #tpu.memory_space<vmem>>, %arg5: memref<1x128xf32, #tpu.memory_space<vmem>>, %arg6: memref<128x128xf32, #tpu.memory_space<vmem>>, %arg7: memref<1x128xf32, #tpu.memory_space<vmem>>, %arg8: memref<1x128xf32, #tpu.memory_space<vmem>>, %arg9: memref<5000x128xf32, #tpu.memory_space<vmem>>) attributes {dimension_semantics = [#tpu.dimension_semantics<arbitrary>], iteration_bounds = array<i64: 2>, scalar_prefetch = 0 : i64, scratch_operands = 0 : i64, tpu.core_type = #tpu.core_type<tc>, window_params = [{transform_indices = @transform_0, window_bounds = array<i64: 5000, 128>}, {transform_indices = @transform_1, window_bounds = array<i64: 2, 5000, 128>}, {transform_indices = @transform_2, window_bounds = array<i64: 2, 5000, 1>}, {pipeline_mode = #tpu.pipeline_mode<synchronous>, transform_indices = @transform_3, window_bounds = array<i64: 128, 128>}, {pipeline_mode = #tpu.pipeline_mode<synchronous>, transform_indices = @transform_4, window_bounds = array<i64: 1, 128>}, {pipeline_mode = #tpu.pipeline_mode<synchronous>, transform_indices = @transform_5, window_bounds = array<i64: 128, 128>}, {pipeline_mode = #tpu.pipeline_mode<synchronous>, transform_indices = @transform_6, window_bounds = array<i64: 1, 128>}, {pipeline_mode = #tpu.pipeline_mode<synchronous>, transform_indices = @transform_7, window_bounds = array<i64: 1, 128>}, {transform_indices = @transform_8, window_bounds = array<i64: 5000, 128>}]} {
    %get3A = arith.constant 0 : index
    %get3A_0 = arith.constant 0 : index
    %get3A_1 = arith.constant 0 : index
    %get3A_2 = vector.load %arg2[%get3A, %get3A_0, %get3A_1] : memref<2x5000x128xf32, #tpu.memory_space<vmem>>, vector<1x5000x128xf32>
    %get3A_3 = vector.shape_cast %get3A_2 : vector<1x5000x128xf32> to vector<5000x128xf32>
    %get3A_4 = arith.constant 1 : index
    %get3A_5 = arith.constant 0 : index
    %get3A_6 = arith.constant 0 : index
    %get3A_7 = vector.load %arg2[%get3A_4, %get3A_5, %get3A_6] : memref<2x5000x128xf32, #tpu.memory_space<vmem>>, vector<1x5000x128xf32>
    %get3A_8 = vector.shape_cast %get3A_7 : vector<1x5000x128xf32> to vector<5000x128xf32>
    %add3A = arith.addf %get3A_3, %get3A_8 : vector<5000x128xf32>
    %get3A_9 = arith.constant 0 : index
    %get3A_10 = arith.constant 0 : index
    %get3A_11 = arith.constant 0 : index
    %get3A_12 = vector.load %arg3[%get3A_9, %get3A_10, %get3A_11] : memref<2x5000x1xf32, #tpu.memory_space<vmem>>, vector<1x5000x1xf32>
    %get3A_13 = vector.shape_cast %get3A_12 : vector<1x5000x1xf32> to vector<5000x1xf32>
    %get3A_14 = arith.constant 1 : index
    %get3A_15 = arith.constant 0 : index
    %get3A_16 = arith.constant 0 : index
    %get3A_17 = vector.load %arg3[%get3A_14, %get3A_15, %get3A_16] : memref<2x5000x1xf32, #tpu.memory_space<vmem>>, vector<1x5000x1xf32>
    %get3A_18 = vector.shape_cast %get3A_17 : vector<1x5000x1xf32> to vector<5000x1xf32>
    %add3A_19 = arith.addf %get3A_13, %get3A_18 : vector<5000x1xf32>
    %max3A = arith.constant 1.000000e+00 : f32
    %max3A_20 = vector.broadcast %max3A : f32 to vector<5000x1xf32>
    %max3A_21 = arith.maximumf %add3A_19, %max3A_20 : vector<5000x1xf32>
    %div3A = vector.broadcast %max3A_21 : vector<5000x1xf32> to vector<5000x128xf32>
    %div3A_22 = arith.divf %add3A, %div3A : vector<5000x128xf32>
    %get3A_23 = arith.constant 0 : index
    %get3A_24 = arith.constant 0 : index
    %get3A_25 = vector.load %arg4[%get3A_23, %get3A_24] : memref<128x128xf32, #tpu.memory_space<vmem>>, vector<128x128xf32>
    %dot_general3A = arith.constant dense<0.000000e+00> : vector<5000x128xf32>
    %dot_general3A_26 = tpu.matmul %div3A_22, %get3A_25, %dot_general3A {dimension_numbers = #tpu.dot_dimension_numbers<[1], [1], [0], [0], [0, 0, 1, 0], [], []>, transpose_lhs_hint = false} : vector<5000x128xf32>, vector<128x128xf32>, vector<5000x128xf32> -> vector<5000x128xf32>
    %get3A_27 = arith.constant 0 : index
    %get3A_28 = arith.constant 0 : index
    %get3A_29 = vector.load %arg1[%get3A_27, %get3A_28] : memref<5000x128xf32, #tpu.memory_space<vmem>>, vector<5000x128xf32>
    %get3A_30 = arith.constant 0 : index
    %get3A_31 = arith.constant 0 : index
    %get3A_32 = vector.load %arg6[%get3A_30, %get3A_31] : memref<128x128xf32, #tpu.memory_space<vmem>>, vector<128x128xf32>
    %dot_general3A_33 = arith.constant dense<0.000000e+00> : vector<5000x128xf32>
    %dot_general3A_34 = tpu.matmul %get3A_29, %get3A_32, %dot_general3A_33 {dimension_numbers = #tpu.dot_dimension_numbers<[1], [1], [0], [0], [0, 0, 1, 0], [], []>, transpose_lhs_hint = false} : vector<5000x128xf32>, vector<128x128xf32>, vector<5000x128xf32> -> vector<5000x128xf32>
    %add3A_35 = arith.addf %dot_general3A_26, %dot_general3A_34 : vector<5000x128xf32>
    %get3A_36 = arith.constant 0 : index
    %get3A_37 = arith.constant 0 : index
    %get3A_38 = vector.load %arg5[%get3A_36, %get3A_37] : memref<1x128xf32, #tpu.memory_space<vmem>>, vector<1x128xf32>
    %add3A_39 = vector.broadcast %get3A_38 : vector<1x128xf32> to vector<5000x128xf32>
    %add3A_40 = arith.addf %add3A_35, %add3A_39 : vector<5000x128xf32>
    %max3A_41 = arith.constant 0.000000e+00 : f32
    %max3A_42 = vector.broadcast %max3A_41 : f32 to vector<5000x128xf32>
    %max3A_43 = arith.maximumf %add3A_40, %max3A_42 : vector<5000x128xf32>
    %reduce_sum3A = arith.constant dense<0.000000e+00> : vector<5000xf32>
    %reduce_sum3A_44 = vector.multi_reduction <add>, %max3A_43, %reduce_sum3A [1] : vector<5000x128xf32> to vector<5000xf32>
    %broadcast_in_dim3A = vector.shape_cast %reduce_sum3A_44 : vector<5000xf32> to vector<5000x1xf32>
    %div3A_45 = arith.constant 1.280000e+02 : f32
    %div3A_46 = vector.broadcast %div3A_45 : f32 to vector<5000x1xf32>
    %div3A_47 = arith.divf %broadcast_in_dim3A, %div3A_46 : vector<5000x1xf32>
    %sub3A = vector.broadcast %div3A_47 : vector<5000x1xf32> to vector<5000x128xf32>
    %sub3A_48 = arith.subf %max3A_43, %sub3A : vector<5000x128xf32>
    %mul3A = arith.mulf %sub3A_48, %sub3A_48 : vector<5000x128xf32>
    %reduce_sum3A_49 = arith.constant dense<0.000000e+00> : vector<5000xf32>
    %reduce_sum3A_50 = vector.multi_reduction <add>, %mul3A, %reduce_sum3A_49 [1] : vector<5000x128xf32> to vector<5000xf32>
    %broadcast_in_dim3A_51 = vector.shape_cast %reduce_sum3A_50 : vector<5000xf32> to vector<5000x1xf32>
    %div3A_52 = arith.constant 1.280000e+02 : f32
    %div3A_53 = vector.broadcast %div3A_52 : f32 to vector<5000x1xf32>
    %div3A_54 = arith.divf %broadcast_in_dim3A_51, %div3A_53 : vector<5000x1xf32>
    %add3A_55 = arith.constant 9.99999974E-6 : f32
    %add3A_56 = vector.broadcast %add3A_55 : f32 to vector<5000x1xf32>
    %add3A_57 = arith.addf %div3A_54, %add3A_56 : vector<5000x1xf32>
    %rsqrt3A = math.rsqrt %add3A_57 : vector<5000x1xf32>
    %mul3A_58 = vector.broadcast %rsqrt3A : vector<5000x1xf32> to vector<5000x128xf32>
    %mul3A_59 = arith.mulf %sub3A_48, %mul3A_58 : vector<5000x128xf32>
    %get3A_60 = arith.constant 0 : index
    %get3A_61 = arith.constant 0 : index
    %get3A_62 = vector.load %arg7[%get3A_60, %get3A_61] : memref<1x128xf32, #tpu.memory_space<vmem>>, vector<1x128xf32>
    %mul3A_63 = vector.broadcast %get3A_62 : vector<1x128xf32> to vector<5000x128xf32>
    %mul3A_64 = arith.mulf %mul3A_59, %mul3A_63 : vector<5000x128xf32>
    %get3A_65 = arith.constant 0 : index
    %get3A_66 = arith.constant 0 : index
    %get3A_67 = vector.load %arg8[%get3A_65, %get3A_66] : memref<1x128xf32, #tpu.memory_space<vmem>>, vector<1x128xf32>
    %add3A_68 = vector.broadcast %get3A_67 : vector<1x128xf32> to vector<5000x128xf32>
    %add3A_69 = arith.addf %mul3A_64, %add3A_68 : vector<5000x128xf32>
    %swap3A = arith.constant 0 : index
    %swap3A_70 = arith.constant 0 : index
    %swap3A_71 = vector.load %arg9[%swap3A, %swap3A_70] : memref<5000x128xf32, #tpu.memory_space<vmem>>, vector<5000x128xf32>
    tpu.vector_store %arg9[%swap3A, %swap3A_70], %add3A_69 {strides = array<i32>} : memref<5000x128xf32, #tpu.memory_space<vmem>>, vector<5000x128xf32>,
    return
  }
  func.func @transform_0(%arg0: i32) -> (i32, i32) {
    %c0_i32 = arith.constant 0 : i32
    %c0_i32_0 = arith.constant 0 : i32
    return %arg0, %c0_i32 : i32, i32
  }
  func.func @transform_1(%arg0: i32) -> (i32, i32, i32) {
    %c0_i32 = arith.constant 0 : i32
    %c0_i32_0 = arith.constant 0 : i32
    %c0_i32_1 = arith.constant 0 : i32
    return %c0_i32, %arg0, %c0_i32_0 : i32, i32, i32
  }
  func.func @transform_2(%arg0: i32) -> (i32, i32, i32) {
    %c0_i32 = arith.constant 0 : i32
    %c0_i32_0 = arith.constant 0 : i32
    %c0_i32_1 = arith.constant 0 : i32
    return %c0_i32, %arg0, %c0_i32_0 : i32, i32, i32
  }
  func.func @transform_3(%arg0: i32) -> (i32, i32) {
    %c0_i32 = arith.constant 0 : i32
    %c0_i32_0 = arith.constant 0 : i32
    %c0_i32_1 = arith.constant 0 : i32
    return %c0_i32, %c0_i32_0 : i32, i32
  }
  func.func @transform_4(%arg0: i32) -> (i32, i32) {
    %c0_i32 = arith.constant 0 : i32
    %c0_i32_0 = arith.constant 0 : i32
    %c0_i32_1 = arith.constant 0 : i32
    return %c0_i32, %c0_i32_0 : i32, i32
  }
  func.func @transform_5(%arg0: i32) -> (i32, i32) {
    %c0_i32 = arith.constant 0 : i32
    %c0_i32_0 = arith.constant 0 : i32
    %c0_i32_1 = arith.constant 0 : i32
    return %c0_i32, %c0_i32_0 : i32, i32
  }
  func.func @transform_6(%arg0: i32) -> (i32, i32) {
    %c0_i32 = arith.constant 0 : i32
    %c0_i32_0 = arith.constant 0 : i32
    %c0_i32_1 = arith.constant 0 : i32
    return %c0_i32, %c0_i32_0 : i32, i32
  }
  func.func @transform_7(%arg0: i32) -> (i32, i32) {
    %c0_i32 = arith.constant 0 : i32
    %c0_i32_0 = arith.constant 0 : i32
    %c0_i32_1 = arith.constant 0 : i32
    return %c0_i32, %c0_i32_0 : i32, i32
  }
  func.func @transform_8(%arg0: i32) -> (i32, i32) {
    %c0_i32 = arith.constant 0 : i32
    %c0_i32_0 = arith.constant 0 : i32
    return %arg0, %c0_i32 : i32, i32
  }
}

module attributes {stable_mosaic.version = 14 : i64} {
  func.func @sage_tc_dense(%arg0: i32, %arg1: memref<5000x128xf32, #tpu.memory_space<vmem>>, %arg2: memref<2x5000x128xf32, #tpu.memory_space<vmem>>, %arg3: memref<2x5000x1xf32, #tpu.memory_space<vmem>>, %arg4: memref<128x128xf32, #tpu.memory_space<vmem>>, %arg5: memref<1x128xf32, #tpu.memory_space<vmem>>, %arg6: memref<128x128xf32, #tpu.memory_space<vmem>>, %arg7: memref<1x128xf32, #tpu.memory_space<vmem>>, %arg8: memref<1x128xf32, #tpu.memory_space<vmem>>, %arg9: memref<5000x128xf32, #tpu.memory_space<vmem>>) attributes {dimension_semantics = [#tpu.dimension_semantics<arbitrary>], iteration_bounds = array<i64: 2>, scalar_prefetch = 0 : i64, scratch_operands = 0 : i64, tpu.core_type = #tpu.core_type<tc>, window_params = [{transform_indices = @transform_0, window_bounds = array<i64: 5000, 128>}, {transform_indices = @transform_1, window_bounds = array<i64: 2, 5000, 128>}, {transform_indices = @transform_2, window_bounds = array<i64: 2, 5000, 1>}, {pipeline_mode = #tpu.pipeline_mode<synchronous>, transform_indices = @transform_3, window_bounds = array<i64: 128, 128>}, {pipeline_mode = #tpu.pipeline_mode<synchronous>, transform_indices = @transform_4, window_bounds = array<i64: 1, 128>}, {pipeline_mode = #tpu.pipeline_mode<synchronous>, transform_indices = @transform_5, window_bounds = array<i64: 128, 128>}, {pipeline_mode = #tpu.pipeline_mode<synchronous>, transform_indices = @transform_6, window_bounds = array<i64: 1, 128>}, {pipeline_mode = #tpu.pipeline_mode<synchronous>, transform_indices = @transform_7, window_bounds = array<i64: 1, 128>}, {transform_indices = @transform_8, window_bounds = array<i64: 5000, 128>}]} {
    %get3A = arith.constant 0 : index
    %get3A_0 = arith.constant 0 : index
    %get3A_1 = arith.constant 0 : index
    %get3A_2 = vector.load %arg2[%get3A, %get3A_0, %get3A_1] : memref<2x5000x128xf32, #tpu.memory_space<vmem>>, vector<1x5000x128xf32>
    %get3A_3 = vector.shape_cast %get3A_2 : vector<1x5000x128xf32> to vector<5000x128xf32>
    %get3A_4 = arith.constant 1 : index
    %get3A_5 = arith.constant 0 : index
    %get3A_6 = arith.constant 0 : index
    %get3A_7 = vector.load %arg2[%get3A_4, %get3A_5, %get3A_6] : memref<2x5000x128xf32, #tpu.memory_space<vmem>>, vector<1x5000x128xf32>
    %get3A_8 = vector.shape_cast %get3A_7 : vector<1x5000x128xf32> to vector<5000x128xf32>
    %add3A = arith.addf %get3A_3, %get3A_8 : vector<5000x128xf32>
    %get3A_9 = arith.constant 0 : index
    %get3A_10 = arith.constant 0 : index
    %get3A_11 = arith.constant 0 : index
    %get3A_12 = vector.load %arg3[%get3A_9, %get3A_10, %get3A_11] : memref<2x5000x1xf32, #tpu.memory_space<vmem>>, vector<1x5000x1xf32>
    %get3A_13 = vector.shape_cast %get3A_12 : vector<1x5000x1xf32> to vector<5000x1xf32>
    %get3A_14 = arith.constant 1 : index
    %get3A_15 = arith.constant 0 : index
    %get3A_16 = arith.constant 0 : index
    %get3A_17 = vector.load %arg3[%get3A_14, %get3A_15, %get3A_16] : memref<2x5000x1xf32, #tpu.memory_space<vmem>>, vector<1x5000x1xf32>
    %get3A_18 = vector.shape_cast %get3A_17 : vector<1x5000x1xf32> to vector<5000x1xf32>
    %add3A_19 = arith.addf %get3A_13, %get3A_18 : vector<5000x1xf32>
    %max3A = arith.constant 1.000000e+00 : f32
    %max3A_20 = vector.broadcast %max3A : f32 to vector<5000x1xf32>
    %max3A_21 = arith.maximumf %add3A_19, %max3A_20 : vector<5000x1xf32>
    %div3A = vector.broadcast %max3A_21 : vector<5000x1xf32> to vector<5000x128xf32>
    %div3A_22 = arith.divf %add3A, %div3A : vector<5000x128xf32>
    %get3A_23 = arith.constant 0 : index
    %get3A_24 = arith.constant 0 : index
    %get3A_25 = vector.load %arg4[%get3A_23, %get3A_24] : memref<128x128xf32, #tpu.memory_space<vmem>>, vector<128x128xf32>
    %dot_general3A = arith.constant dense<0.000000e+00> : vector<5000x128xf32>
    %dot_general3A_26 = tpu.matmul %div3A_22, %get3A_25, %dot_general3A {dimension_numbers = #tpu.dot_dimension_numbers<[1], [1], [0], [0], [0, 0, 1, 0], [], []>, transpose_lhs_hint = false} : vector<5000x128xf32>, vector<128x128xf32>, vector<5000x128xf32> -> vector<5000x128xf32>
    %get3A_27 = arith.constant 0 : index
    %get3A_28 = arith.constant 0 : index
    %get3A_29 = vector.load %arg1[%get3A_27, %get3A_28] : memref<5000x128xf32, #tpu.memory_space<vmem>>, vector<5000x128xf32>
    %get3A_30 = arith.constant 0 : index
    %get3A_31 = arith.constant 0 : index
    %get3A_32 = vector.load %arg6[%get3A_30, %get3A_31] : memref<128x128xf32, #tpu.memory_space<vmem>>, vector<128x128xf32>
    %dot_general3A_33 = arith.constant dense<0.000000e+00> : vector<5000x128xf32>
    %dot_general3A_34 = tpu.matmul %get3A_29, %get3A_32, %dot_general3A_33 {dimension_numbers = #tpu.dot_dimension_numbers<[1], [1], [0], [0], [0, 0, 1, 0], [], []>, transpose_lhs_hint = false} : vector<5000x128xf32>, vector<128x128xf32>, vector<5000x128xf32> -> vector<5000x128xf32>
    %add3A_35 = arith.addf %dot_general3A_26, %dot_general3A_34 : vector<5000x128xf32>
    %get3A_36 = arith.constant 0 : index
    %get3A_37 = arith.constant 0 : index
    %get3A_38 = vector.load %arg5[%get3A_36, %get3A_37] : memref<1x128xf32, #tpu.memory_space<vmem>>, vector<1x128xf32>
    %add3A_39 = vector.broadcast %get3A_38 : vector<1x128xf32> to vector<5000x128xf32>
    %add3A_40 = arith.addf %add3A_35, %add3A_39 : vector<5000x128xf32>
    %max3A_41 = arith.constant 0.000000e+00 : f32
    %max3A_42 = vector.broadcast %max3A_41 : f32 to vector<5000x128xf32>
    %max3A_43 = arith.maximumf %add3A_40, %max3A_42 : vector<5000x128xf32>
    %reduce_sum3A = arith.constant dense<0.000000e+00> : vector<5000xf32>
    %reduce_sum3A_44 = vector.multi_reduction <add>, %max3A_43, %reduce_sum3A [1] : vector<5000x128xf32> to vector<5000xf32>
    %broadcast_in_dim3A = vector.shape_cast %reduce_sum3A_44 : vector<5000xf32> to vector<5000x1xf32>
    %div3A_45 = arith.constant 1.280000e+02 : f32
    %div3A_46 = vector.broadcast %div3A_45 : f32 to vector<5000x1xf32>
    %div3A_47 = arith.divf %broadcast_in_dim3A, %div3A_46 : vector<5000x1xf32>
    %sub3A = vector.broadcast %div3A_47 : vector<5000x1xf32> to vector<5000x128xf32>
    %sub3A_48 = arith.subf %max3A_43, %sub3A : vector<5000x128xf32>
    %mul3A = arith.mulf %sub3A_48, %sub3A_48 : vector<5000x128xf32>
    %reduce_sum3A_49 = arith.constant dense<0.000000e+00> : vector<5000xf32>
    %reduce_sum3A_50 = vector.multi_reduction <add>, %mul3A, %reduce_sum3A_49 [1] : vector<5000x128xf32> to vector<5000xf32>
    %broadcast_in_dim3A_51 = vector.shape_cast %reduce_sum3A_50 : vector<5000xf32> to vector<5000x1xf32>
    %div3A_52 = arith.constant 1.280000e+02 : f32
    %div3A_53 = vector.broadcast %div3A_52 : f32 to vector<5000x1xf32>
    %div3A_54 = arith.divf %broadcast_in_dim3A_51, %div3A_53 : vector<5000x1xf32>
    %add3A_55 = arith.constant 9.99999974E-6 : f32
    %add3A_56 = vector.broadcast %add3A_55 : f32 to vector<5000x1xf32>
    %add3A_57 = arith.addf %div3A_54, %add3A_56 : vector<5000x1xf32>
    %rsqrt3A = math.rsqrt %add3A_57 : vector<5000x1xf32>
    %mul3A_58 = vector.broadcast %rsqrt3A : vector<5000x1xf32> to vector<5000x128xf32>
    %mul3A_59 = arith.mulf %sub3A_48, %mul3A_58 : vector<5000x128xf32>
    %get3A_60 = arith.constant 0 : index
    %get3A_61 = arith.constant 0 : index
    %get3A_62 = vector.load %arg7[%get3A_60, %get3A_61] : memref<1x128xf32, #tpu.memory_space<vmem>>, vector<1x128xf32>
    %mul3A_63 = vector.broadcast %get3A_62 : vector<1x128xf32> to vector<5000x128xf32>
    %mul3A_64 = arith.mulf %mul3A_59, %mul3A_63 : vector<5000x128xf32>
    %get3A_65 = arith.constant 0 : index
    %get3A_66 = arith.constant 0 : index
    %get3A_67 = vector.load %arg8[%get3A_65, %get3A_66] : memref<1x128xf32, #tpu.memory_space<vmem>>, vector<1x128xf32>
    %add3A_68 = vector.broadcast %get3A_67 : vector<1x128xf32> to vector<5000x128xf32>
    %add3A_69 = arith.addf %mul3A_64, %add3A_68 : vector<5000x128xf32>
    %swap3A = arith.constant 0 : index
    %swap3A_70 = arith.constant 0 : index
    %swap3A_71 = vector.load %arg9[%swap3A, %swap3A_70] : memref<5000x128xf32, #tpu.memory_space<vmem>>, vector<5000x128xf32>
    tpu.vector_store %arg9[%swap3A, %swap3A_70], %add3A_69 {strides = array<i32>} : memref<5000x128xf32, #tpu.memory_space<vmem>>, vector<5000x128xf32>,
    return
  }
  func.func @transform_0(%arg0: i32) -> (i32, i32) {
    %c0_i32 = arith.constant 0 : i32
    %c0_i32_0 = arith.constant 0 : i32
    return %arg0, %c0_i32 : i32, i32
  }
  func.func @transform_1(%arg0: i32) -> (i32, i32, i32) {
    %c0_i32 = arith.constant 0 : i32
    %c0_i32_0 = arith.constant 0 : i32
    %c0_i32_1 = arith.constant 0 : i32
    return %c0_i32, %arg0, %c0_i32_0 : i32, i32, i32
  }
  func.func @transform_2(%arg0: i32) -> (i32, i32, i32) {
    %c0_i32 = arith.constant 0 : i32
    %c0_i32_0 = arith.constant 0 : i32
    %c0_i32_1 = arith.constant 0 : i32
    return %c0_i32, %arg0, %c0_i32_0 : i32, i32, i32
  }
  func.func @transform_3(%arg0: i32) -> (i32, i32) {
    %c0_i32 = arith.constant 0 : i32
    %c0_i32_0 = arith.constant 0 : i32
    %c0_i32_1 = arith.constant 0 : i32
    return %c0_i32, %c0_i32_0 : i32, i32
  }
  func.func @transform_4(%arg0: i32) -> (i32, i32) {
    %c0_i32 = arith.constant 0 : i32
    %c0_i32_0 = arith.constant 0 : i32
    %c0_i32_1 = arith.constant 0 : i32
    return %c0_i32, %c0_i32_0 : i32, i32
  }
  func.func @transform_5(%arg0: i32) -> (i32, i32) {
    %c0_i32 = arith.constant 0 : i32
    %c0_i32_0 = arith.constant 0 : i32
    %c0_i32_1 = arith.constant 0 : i32
    return %c0_i32, %c0_i32_0 : i32, i32
  }
  func.func @transform_6(%arg0: i32) -> (i32, i32) {
    %c0_i32 = arith.constant 0 : i32
    %c0_i32_0 = arith.constant 0 : i32
    %c0_i32_1 = arith.constant 0 : i32
    return %c0_i32, %c0_i32_0 : i32, i32
  }
  func.func @transform_7(%arg0: i32) -> (i32, i32) {
    %c0_i32 = arith.constant 0 : i32
    %c0_i32_0 = arith.constant 0 : i32
    %c0_i32_1 = arith.constant 0 : i32
    return %c0_i32, %c0_i32_0 : i32, i32
  }
  func.func @transform_8(%arg0: i32) -> (i32, i32) {
    %c0_i32 = arith.constant 0 : i32
    %c0_i32_0 = arith.constant 0 : i32
    return %arg0, %c0_i32 : i32, i32
  }
}

</mosaic_0001>

<sc_bundles>
// kernel: sage_sc_agg.3.cloned.1.call-start
scs
__scs_entry_jumppad:
0x0: {  	(pc) =	sbr.rel $0x88, $3  }
0x1: {  	(tag) =	ssettag $0x0;
	lr =	simm.s32 $0x1  }
0x2: {  	[smem:$0x3F95] =	sst lr;
	_ =	strace $0xD0000000  }
0x3: {  	_ = 	snop  }
0x4: {  	_ = 	snop  }
0x5: {  	_ = 	snop  }
0x6: {  	_ = 	snop  }
0x7: {  	_ = 	snop  }
__scs_overlays_trampoline_lowered:
0x8: {  	[smem:$0x3FA4] =	sst s0  }
0x9: {  	[smem:$0x3FA5] =	sst s1  }
0xa: {  	[smem:$0x3FA6] =	sst s2  }
0xb: {  	[smem:$0x3FA7] =	sst s3  }
0xc: {  	[smem:$0x3FA8] =	sst s4  }
0xd: {  	[smem:$0x3FA9] =	sst s5  }
0xe: {  	[smem:$0x3FAA] =	sst s6  }
0xf: {  	[smem:$0x3FAB] =	sst s7  }
0x10: {  	[smem:$0x3FAC] =	sst s8  }
0x11: {  	[smem:$0x3FAD] =	sst s9;
	s0 =	simm.s32 @!p0 $0x0  }
0x12: {  	s1 =	sld [smem:$0x3F93];
	s0 =	simm.s32 @p0 $0x1  }
0x13: {  	[smem:$0x3FAE] =	sst s0;
	s0 =	simm.s32 @!p1 $0x0  }
0x14: {  	s2 =	sld [smem:$0x3F92];
	s0 =	simm.s32 @p1 $0x1  }
0x15: {  	[smem:$0x3FAF] =	sst s0;
	s0 =	simm.s32 @!p2 $0x0  }
0x16: {  	s3 =	sld [smem:$0x3FDB];
	s0 =	simm.s32 @p2 $0x1  }
0x17: {  	s4 =	simm.s32 $0x1BF5;
	[smem:$0x3FB1] =	sst s0  }
0x18: {  	s0 =	sld [smem:$0x3F94];
	_ =	swait.ge [sflag:s4], $0x0  }
0x19: {  	s7 =	sld [smem:$0x3F95]  }
0x1a: {  	s8 =	sadd.s32 $0xFFFFE003, lr  }
0x1b: {  	s9 =	sadd.s32 $0xFFFFFEF7, lr;
	s5 =	simm.s32 $0xFFFFFFFF;
	p2 =	slt.u32 s8, $0xFFFFF086  }
0x1c: {  	p1 =	slt.u32 s9, $0xF7A;
	s5 =	simm.s32 @!p2 $0x0  }
0x1d: {  	s5 =	simm.s32 @p1 $0x1;
	p0 =	seq.s32 s7, s2  }
0x1e: {  	s7 =	smul.u32 @!p0 $0xF7A, s2;
	p2 =	seq.s32 @!p0 s5, $0x0  }
0x1f: {  	s9 =	smul.u32 $0xF7A, s1;
	s8 =	simm.s32 @!p0 $0x1BF5;
	p2 =	por !p2, p0  }
0x20: {  	[sflag:s8] =	ssyncset.s32 @!p0 $0xFFFFF086;
	s6 =	sadd.s32 @!p0 s3, s7;
	s7 =	simm.s32 @!p0 $0x108  }
0x21: {  	s3 =	sadd.s32 s3, s9;
	s6 =	sadd.s32 @!p0 $0x88, s6;
	s7 =	simm.s32 @p2 $0x1082  }
0x22: {  	[simem:s7], [sflag:s8] =	dma.local @!p0 [hbm:s6], $0xF7A  }
0x23: {  	s9 =	sor.u32 $0xD0000000, s2;
	s6 =	simm.s32 $0x108;
	_ =	swait.ge @!p0 [sflag:s8], $0x0  }
0x24: {  	s3 =	sadd.s32 $0x88, s3;
	s6 =	simm.s32 @!p1 $0x1082;
	[sflag:s4] =	ssyncset.s32 $0xFFFFF086  }
0x25: {  	[simem:s6], [sflag:s4] =	dma.local [hbm:s3], $0xF7A  }
0x26: {  	[smem:$0x3F95] =	sst s1;
	(tag) =	ssettag s2;
	_ =	strace s9  }
0x27: {  	s1 =	sld [smem:$0x3FA5]  }
0x28: {  	s2 =	sld [smem:$0x3FA6]  }
0x29: {  	s4 =	sld [smem:$0x3FA8]  }
0x2a: {  	p0 =	seq.s32 s5, $0x0;
	s5 =	sld [smem:$0x3FA9]  }
0x2b: {  	s6 =	sld [smem:$0x3FAA]  }
0x2c: {  	s7 =	sld [smem:$0x3FAB]  }
0x2d: {  	s3 =	simm.s32 $0x108;
	s8 =	sld [smem:$0x3FAC]  }
0x2e: {  	s3 =	simm.s32 @!p0 $0x1082;
	s9 =	sld [smem:$0x3FAD]  }
0x2f: {  	lr =	sadd.s32 s0, s3;
	s0 =	sld [smem:$0x3FA4]  }
0x30: {  	s3 =	sld [smem:$0x3FA7]  }
0x31: {  	[smem:$0x3FB0] =	sst s10  }
0x32: {  	s10 =	sld [smem:$0x3FAE];
	_ =	sdelay $0x3  }
0x33: {  	p0 =	seq.s32 s10, $0x1;
	s10 =	sld [smem:$0x3FB0];
	_ =	sdelay $0x3  }
0x34: {  	[smem:$0x3FB0] =	sst s10  }
0x35: {  	s10 =	sld [smem:$0x3FAF];
	_ =	sdelay $0x3  }
0x36: {  	p1 =	seq.s32 s10, $0x1;
	s10 =	sld [smem:$0x3FB0];
	_ =	sdelay $0x3  }
0x37: {  	[smem:$0x3FB0] =	sst s10  }
0x38: {  	s10 =	sld [smem:$0x3FB1]  }
0x39: {  	_ = 	snop;
	(pc) =	sbr.ind lr, $3  }
0x3a: {  	_ = 	snop  }
0x3b: {  	_ = 	snop  }
0x3c: {  	p2 =	seq.s32 s10, $0x1;
	s10 =	sld [smem:$0x3FB0]  }
0x3d: {  	_ =	shalt  }
0x3e: {  	_ =	shalt  }
0x3f: {  	_ =	shalt  }
0x40: {  	_ =	shalt  }
0x41: {  	_ =	shalt  }
0x42: {  	_ =	shalt  }
0x43: {  	_ =	shalt  }
0x44: {  	_ =	shalt  }
0x45: {  	_ =	shalt  }
0x46: {  	_ =	shalt  }
0x47: {  	_ =	shalt  }
0x48: {  	_ =	shalt  }
0x49: {  	_ =	shalt  }
0x4a: {  	_ =	shalt  }
0x4b: {  	_ =	shalt  }
0x4c: {  	_ =	shalt  }
0x4d: {  	_ =	shalt  }
0x4e: {  	_ =	shalt  }
0x4f: {  	_ =	shalt  }
0x50: {  	_ =	shalt  }
0x51: {  	_ =	shalt  }
0x52: {  	_ =	shalt  }
0x53: {  	_ =	shalt  }
0x54: {  	_ =	shalt  }
0x55: {  	_ =	shalt  }
0x56: {  	_ =	shalt  }
0x57: {  	_ =	shalt  }
0x58: {  	_ =	shalt  }
0x59: {  	_ =	shalt  }
0x5a: {  	_ =	shalt  }
0x5b: {  	_ =	shalt  }
0x5c: {  	_ =	shalt  }
0x5d: {  	_ =	shalt  }
0x5e: {  	_ =	shalt  }
0x5f: {  	_ =	shalt  }
0x60: {  	_ =	shalt  }
0x61: {  	_ =	shalt  }
0x62: {  	_ =	shalt  }
0x63: {  	_ =	shalt  }
0x64: {  	_ =	shalt  }
0x65: {  	_ =	shalt  }
0x66: {  	_ =	shalt  }
0x67: {  	_ =	shalt  }
0x68: {  	_ =	shalt  }
0x69: {  	_ =	shalt  }
0x6a: {  	_ =	shalt  }
0x6b: {  	_ =	shalt  }
0x6c: {  	_ =	shalt  }
0x6d: {  	_ =	shalt  }
0x6e: {  	_ =	shalt  }
0x6f: {  	_ =	shalt  }
0x70: {  	_ =	shalt  }
0x71: {  	_ =	shalt  }
0x72: {  	_ =	shalt  }
0x73: {  	_ =	shalt  }
0x74: {  	_ =	shalt  }
0x75: {  	_ =	shalt  }
0x76: {  	_ =	shalt  }
0x77: {  	_ =	shalt  }
0x78: {  	_ =	shalt  }
0x79: {  	_ =	shalt  }
0x7a: {  	_ =	shalt  }
0x7b: {  	_ =	shalt  }
0x7c: {  	_ =	shalt  }
0x7d: {  	_ =	shalt  }
0x7e: {  	_ =	shalt  }
0x7f: {  	_ =	shalt  }
0x80: {  	_ =	shalt  }
0x81: {  	_ =	shalt  }
0x82: {  	_ =	shalt  }
0x83: {  	_ =	shalt  }
0x84: {  	_ =	shalt  }
0x85: {  	_ =	shalt  }
0x86: {  	_ =	shalt  }
0x87: {  	_ =	shalt  }
.Lfunc_end0:
.L_simem_size_0:
called_computation.1_lowered:
.L_overlay_start_0:
0x88: {  	s2 =	sld [smem:$0x3FD9]  }
0x89: {  	s3 =	sld [smem:$0x3FFE];
	_ =	sdelay $0x1  }
0x8a: {  	s1 =	srdreg.scid  }
0x8b: {  	s0 =	sand.u32 $0x1, s1  }
0x8c: {  	s17 =	sshll.u32 s0, $0xA;
	s2 =	sadd.s32 s3, s2  }
0x8d: {  	s2 =	sadd.s32 s2, s17  }
0x8e: {  	[smem:$0x3FBC] =	sst s2  }
0x8f: {  	_ = 	snop  }
0x90: {  	s2 =	sld [smem:$0x3FD0];
	(tm) =	ssettm $0x1  }
0x91: {  	s18 =	sld [smem:$0x3FFB];
	_ =	sdelay $0x3  }
0x92: {  	_ =	strace s18  }
0x93: {  	s3 =	sld [smem:$0x3FFC];
	_ =	sdelay $0x3  }
0x94: {  	_ =	strace s3  }
0x95: {  	s3 =	sld [smem:$0x3FFD];
	_ =	sdelay $0x3  }
0x96: {  	_ =	strace s3  }
0x97: {  	_ =	strace $0x8FFFFFFF  }
0x98: {  	s19 =	sld [smem:$0x3FDB];
	_ =	sdelay $0x1  }
0x99: {  	s4 =	simm.s32 $_scs_section_size  }
0x9a: {  	s5 =	simm.s32 $_size__tile_overlayer_lowered;
	s6 =	simm.s32 $_tile_overlayer_lowered  }
0x9b: {  	s22 =	simm.s32 $0x1BFF;
	s21 =	sshll.u32 s6, $0x1;
	s3 =	sadd.s32 s4, s19  }
0x9c: {  	s7 =	simm.s32 $0x0;
	s20 =	sshll.u32 s5, $0x1;
	s5 =	sadd.s32 s21, s3  }
0x9d: {  	[timem:s7], [sflag:s22] =	dma.local [hbm:s5], s20  }
0x9e: {  	_ =	swait.ge [sflag:s22], s20  }
0x9f: {  	s4 =	ssub.s32 $0x0, s20;
	[sflag:s22] =	ssyncset.done $0x0  }
0xa0: {  	[sflag:s22] =	ssyncadd.s32 s4;
	_ =	sdelay $0x1  }
0xa1: {  	s23 =	simm.s32 $0x1B8B  }
0xa2: {  	_ =	swait.ge [sflag:s23], $0x1  }
0xa3: {  	[sflag:s23] =	ssyncset.done $0x0  }
0xa4: {  	s25 =	simm.s32 $0x1B8E;
	s24 =	sld [smem:$0x3FFE];
	[sflag:s23] =	ssyncadd.s32 $0xFFFFFFFF  }
0xa5: {  	s26 =	simm.s32 $execute0_lowered;
	[smem:$0x3FD2] =	sst s25  }
0xa6: {  	s5 =	sshll.u32 s26, $0x1;
	_ =	strace $0x80000049;
	[dreg:$0x1] =	wrdreg $0xFFFFFFFF  }
0xa7: {  	s28 =	simm.s32 $_size_execute0_lowered;
	s3 =	sadd.s32 s3, s5;
	[dreg:$0x0] =	wrdreg $0x0  }
0xa8: {  	s5 =	sshll.u32 s28, $0x1;
	[dreg:$0x2] =	wrdreg s3  }
0xa9: {  	[dreg:$0x3] =	wrdreg s5  }
0xaa: {  	[dreg:$0x4] =	wrdreg $0xC0  }
0xab: {  	_ =	task [dreg:s7], $0x5FFFF  }
0xac: {  	[dreg:$0x1] =	wrdreg $0xFFFFFFFF  }
0xad: {  	[dreg:$0x0] =	wrdreg $0x60  }
0xae: {  	[dreg:$0x2] =	wrdreg s2  }
0xaf: {  	[dreg:$0x3] =	wrdreg s24  }
0xb0: {  	[dreg:$0x4] =	wrdreg $0x0  }
0xb1: {  	[dreg:$0x5] =	wrdreg $0x9  }
0xb2: {  	_ =	task.clear_ibuf [dreg:s7], $0x6FFFF;
	_ =	strace $0x90000049  }
0xb3: {  	s29 =	simm.s32 $0x9;
	_ =	strace $0x8000004B  }
0xb4: {  	_ =	swait.ge [sflag:s29], $0x1  }
0xb5: {  	[sflag:s29] =	ssyncadd.s32 $0xFFFFFFFF  }
0xb6: {  	_ =	strace $0x9000004B  }
0xb7: {  	_ =	sfence  }
0xb8: {  	s30 =	sld [smem:$0x0];
	_ =	sdelay $0x2  }
0xb9: {  	s31 =	sshll.u32 s1, $0xD;
	s1 =	sshrl.u32 s1, $0x2  }
0xba: {  	s3 =	sand.u32 $0x4000, s31;
	s1 =	sadd.s32 s1, s30  }
0xbb: {  	s0 =	sor.u32 s3, s0;
	s1 =	sshll.u32 s1, $0x11  }
0xbc: {  	s0 =	sor.u32 s1, s0  }
0xbd: {  	s0 =	sadd.s32 $0x8F2B, s0  }
0xbe: {  	[sflag:s0] =	ssyncadd.remote.s32 $0x1  }
0xbf: {  	_ =	sfence.sel $0xFFFF  }
0xc0: {  	[dreg:$0x0] =	wrdreg $0xFFFFFFFF;
	(pc) =	sbr.abs _section_cstart, $3  }
0xc1: {  	[dreg:$0x1] =	wrdreg $0xFFFFFFFF  }
0xc2: {  	_ =	task.clear_ibuf [dreg:s7], $0x2FFFF;
	_ =	strace $0x9FFFFFFF  }
0xc3: {  	(tm) =	ssettm $0x7FFFFFFF  }
tec
execute0_lowered:
.L_overlay_start_1:
0x0: {  	(tag) =	ssettag $0x1  }
0x1: {  	s1 =	rddreg [dreg:$0x0]  }
0x2: {  	s0 =	rddreg [dreg:$0x1]  }
0x3: {  	s3 =	rddreg [dreg:$0x2];
	s2 =	srdreg.scid  }
0x4: {  	s11 =	stileid.u32;
	s4 =	simm.s32 $0x0;
	s28 =	simm.s32 $0x3  }
0x5: {  	s29 =	simm.s32 $0x14280;
	s30 =	simm.s32 $0x0;
	s2 =	sand.u32 $0x1, s2  }
0x6: {  	s5 =	smul.u32 $0x3E80, s11;
	[smem:$0x7FF] =	sst s4;
	s7 =	sadd.s32 $0x2C00, s0  }
0x7: {  	s10 =	smul.u32 $0x7D000, s11;
	s15 =	sadd.s32 $0x138800, s3;
	s16 =	sadd.s32 $0x13B000, s3  }
0x8: {  	s18 =	sadd.s32 $0x13D800, s3;
	s19 =	smul.u32 $0x2710, s11;
	p0 =	sgt.u32 s11, $0x9  }
0x9: {  	s6 =	smul.u32 $0x27100, s2;
	_ =	strace $0x8000004A;
	[dreg:$0x5] =	wrdreg s15  }
0xa: {  	p1 =	sne.s32 s11, $0xA;
	s8 =	ssub.s32 $0x2, s2;
	[dreg:$0x6] =	wrdreg s16  }
0xb: {  	s9 =	sshrl.u32 s8, $0x1;
	s17 =	sshrl.u32 s10, $0x2;
	s5 =	sadd.s32 s5, s6  }
0xc: {  	s0 =	sadd.s32 s5, s0;
	s5 =	ssub.s32 s8, s9;
	s8 =	sadd.s32 s17, s3  }
0xd: {  	s2 =	sshll.u32 s2, $0x4;
	[dreg:$0x7] =	wrdreg s18;
	s20 =	sadd.s32 $0x2800, s8  }
0xe: {  	s2 =	sor.u32 s11, s2;
	s21 =	sadd.s32 $0x5000, s8;
	[dreg:$0x8] =	wrdreg s20  }
0xf: {  	s10 =	simm.s32 $0x14380;
	s22 =	sadd.s32 $0x7800, s8;
	[dreg:$0x9] =	wrdreg s21  }
0x10: {  	s11 =	simm.s32 $0x14400;
	s23 =	sadd.s32 $0xA000, s8;
	[dreg:$0xa] =	wrdreg s22  }
0x11: {  	s2 =	smul.u32 $0x2710, s2;
	s24 =	sadd.s32 $0xC800, s8;
	[dreg:$0xb] =	wrdreg s23  }
0x12: {  	s6 =	sadd.s32 s19, s6;
	s25 =	sadd.s32 $0xF000, s8;
	[dreg:$0xc] =	wrdreg s24  }
0x13: {  	s31 =	sadd.s32 $0x320, s6;
	s26 =	sadd.s32 $0x11800, s8;
	[dreg:$0xd] =	wrdreg s25  }
0x14: {  	s16 =	sadd.s32 $0x2D0, s6;
	s12 =	sadd.s32 $0x14000, s8;
	[dreg:$0xe] =	wrdreg s26  }
0x15: {  	s6 =	sadd.s32 $0x280, s6;
	s13 =	sadd.s32 $0x16800, s8;
	[dreg:$0xf] =	wrdreg s12  }
0x16: {  	s9 =	sshrl.u32 s31, $0x3;
	s14 =	sadd.s32 $0x19000, s8;
	[dreg:$0x10] =	wrdreg s13  }
0x17: {  	s15 =	sadd.s32 $0x1B800, s8;
	s2 =	sshrl.u32 s2, $0x3;
	[dreg:$0x11] =	wrdreg s14  }
0x18: {  	s6 =	sshrl.u32 s6, $0x3;
	s17 =	sadd.s32 $0x1CC00, s8;
	[dreg:$0x12] =	wrdreg s15  }
0x19: {  	s0 =	sadd.s32 $0xCA00, s0;
	s18 =	smax.u32 s5, $0x1;
	[dreg:$0x14] =	wrdreg s17  }
0x1a: {  	s9 =	sadd.s32 s9, s7;
	s2 =	sadd.s32 s7, s2;
	[dreg:$0x15] =	wrdreg s0  }
0x1b: {  	s22 =	sadd.s32 s6, s7;
	[dreg:$0x16] =	wrdreg s18;
	s6 =	simm.s32 $0x14480  }
0x1c: {  	s12 =	simm.s32 $0x4;
	s13 =	simm.s32 $0x50;
	[dreg:$0x4] =	wrdreg s9  }
0x1d: {  	s14 =	simm.s32 $0x14000;
	s19 =	sadd.s32 $0xA, s2;
	[dreg:$0x13] =	wrdreg s2  }
0x1e: {  	s15 =	simm.s32 $0x5;
	s20 =	sadd.s32 $0x14, s2;
	[dreg:$0x17] =	wrdreg s19  }
0x1f: {  	s17 =	simm.s32 $0x16C80;
	s23 =	sadd.s32 $0x1E, s2;
	[dreg:$0x18] =	wrdreg s20  }
0x20: {  	s18 =	simm.s32 $0x6;
	s24 =	sadd.s32 $0x28, s2;
	[dreg:$0x19] =	wrdreg s23  }
0x21: {  	s9 =	sshrl.u32 s16, $0x3;
	s25 =	sadd.s32 $0x32, s2;
	[dreg:$0x1a] =	wrdreg s24  }
0x22: {  	s26 =	sadd.s32 $0x3C, s2;
	s31 =	sadd.s32 $0x46, s2;
	[dreg:$0x1b] =	wrdreg s25  }
0x23: {  	s16 =	simm.s32 $0x14100;
	s2 =	simm.s32 $0x1;
	[dreg:$0x1c] =	wrdreg s26  }
0x24: {  	s21 =	sadd.s32 s9, s7;
	[dreg:$0x1d] =	wrdreg s31;
	s7 =	simm.s32 $0x7  }
0x25: {  	s9 =	simm.s32 $0x14300;
	s19 =	simm.s32 $0x14200;
	s23 =	simm.s32 $0x19480  }
0x26: {  	v0 =	vimm.f32 $0.0e+00;
	s24 =	simm.s32 $0x14080;
	s25 =	simm.s32 $0x2;
	s26 =	simm.s32 $0x14180  }
.LBB2_1:
0x27: {  	s0 =	simm.s32 $0x0;
	s5 =	simm.s32 $0x200  }
.LBB2_2:
0x28: {  	p2 =	sne.s32 s5, $0x9E00;
	[tilespmem:s0+$0x144F0] =	vst v0  }
0x29: {  	[tilespmem:s0+$0x14480] =	vst v0  }
0x2a: {  	[tilespmem:s0+$0x14490] =	vst v0  }
.Ltmp0:
0x2b: {  	[tilespmem:s0+$0x144A0] =	vst v0;
	(pc) =	sbr.rel @p2 .LBB2_2-.Ltmp0, $4  }
0x2c: {  	[tilespmem:s0+$0x144B0] =	vst v0  }
0x2d: {  	[tilespmem:s0+$0x144C0] =	vst v0  }
0x2e: {  	[tilespmem:s0+$0x144D0] =	vst v0  }
0x2f: {  	[tilespmem:s0+$0x144E0] =	vst v0;
	s0 =	sshra.s32 s5, $0x2;
	s5 =	sadd.s32 $0x200, s5  }
0x30: {  	[tilespmem:s0+$0x144F0] =	vst v0  }
0x31: {  	[tilespmem:s0+$0x14480] =	vst v0  }
0x32: {  	[tilespmem:s0+$0x14490] =	vst v0  }
.Ltmp1:
0x33: {  	[tilespmem:s0+$0x144A0] =	vst v0;
	(pc) =	sbr.rel @p0 .LBB2_5-.Ltmp1, $4  }
0x34: {  	[tilespmem:s0+$0x144B0] =	vst v0  }
0x35: {  	[tilespmem:s0+$0x144C0] =	vst v0  }
0x36: {  	[tilespmem:s0+$0x144D0] =	vst v0  }
0x37: {  	[tilespmem:s0+$0x144E0] =	vst v0  }
0x38: {  	[spmem:s8] =	stream.linear.scatter [tilespmem:s6], [sflag:$0x7], $0x2800, $0x38;
	[tilespmem:$0x1BC80] =	vst v63  }
0x39: {  	_ =	swait.ge [sflag:s7], $0x2800  }
0x3a: {  	[sflag:s7] =	ssyncset.done $0x0  }
0x3b: {  	s0 =	rddreg [dreg:$0x8];
	[sflag:s7] =	ssyncadd.s32 $0xFFFFD800  }
0x3c: {  	[spmem:s0] =	stream.linear.scatter [tilespmem:s6], [sflag:$0x7], $0x2800, $0x38;
	[tilespmem:$0x1BC80] =	vst v63  }
0x3d: {  	_ =	swait.ge [sflag:s7], $0x2800  }
0x3e: {  	[sflag:s7] =	ssyncset.done $0x0  }
0x3f: {  	s20 =	rddreg [dreg:$0x9];
	[sflag:s7] =	ssyncadd.s32 $0xFFFFD800  }
0x40: {  	[spmem:s20] =	stream.linear.scatter [tilespmem:s6], [sflag:$0x7], $0x2800, $0x38;
	[tilespmem:$0x1BC80] =	vst v63  }
0x41: {  	_ =	swait.ge [sflag:s7], $0x2800  }
0x42: {  	[sflag:s7] =	ssyncset.done $0x0  }
0x43: {  	s31 =	rddreg [dreg:$0xa];
	[sflag:s7] =	ssyncadd.s32 $0xFFFFD800  }
0x44: {  	[spmem:s31] =	stream.linear.scatter [tilespmem:s6], [sflag:$0x7], $0x2800, $0x38;
	[tilespmem:$0x1BC80] =	vst v63  }
0x45: {  	_ =	swait.ge [sflag:s7], $0x2800  }
0x46: {  	[sflag:s7] =	ssyncset.done $0x0  }
0x47: {  	s5 =	rddreg [dreg:$0xb];
	[sflag:s7] =	ssyncadd.s32 $0xFFFFD800  }
0x48: {  	[spmem:s5] =	stream.linear.scatter [tilespmem:s6], [sflag:$0x7], $0x2800, $0x38;
	[tilespmem:$0x1BC80] =	vst v63  }
0x49: {  	_ =	swait.ge [sflag:s7], $0x2800  }
0x4a: {  	[sflag:s7] =	ssyncset.done $0x0  }
0x4b: {  	s20 =	rddreg [dreg:$0xc];
	[sflag:s7] =	ssyncadd.s32 $0xFFFFD800  }
0x4c: {  	[spmem:s20] =	stream.linear.scatter [tilespmem:s6], [sflag:$0x7], $0x2800, $0x38;
	[tilespmem:$0x1BC80] =	vst v63  }
0x4d: {  	_ =	swait.ge [sflag:s7], $0x2800  }
0x4e: {  	[sflag:s7] =	ssyncset.done $0x0  }
0x4f: {  	s31 =	rddreg [dreg:$0xd];
	[sflag:s7] =	ssyncadd.s32 $0xFFFFD800  }
0x50: {  	[spmem:s31] =	stream.linear.scatter [tilespmem:s6], [sflag:$0x7], $0x2800, $0x38;
	[tilespmem:$0x1BC80] =	vst v63  }
0x51: {  	_ =	swait.ge [sflag:s7], $0x2800  }
0x52: {  	[sflag:s7] =	ssyncset.done $0x0  }
0x53: {  	s5 =	rddreg [dreg:$0xe];
	[sflag:s7] =	ssyncadd.s32 $0xFFFFD800  }
0x54: {  	[spmem:s5] =	stream.linear.scatter [tilespmem:s6], [sflag:$0x7], $0x2800, $0x38;
	[tilespmem:$0x1BC80] =	vst v63  }
0x55: {  	_ =	swait.ge [sflag:s7], $0x2800  }
0x56: {  	[sflag:s7] =	ssyncset.done $0x0  }
0x57: {  	s20 =	rddreg [dreg:$0xf];
	[sflag:s7] =	ssyncadd.s32 $0xFFFFD800  }
0x58: {  	[spmem:s20] =	stream.linear.scatter [tilespmem:s6], [sflag:$0x7], $0x2800, $0x38;
	[tilespmem:$0x1BC80] =	vst v63  }
0x59: {  	_ =	swait.ge [sflag:s7], $0x2800  }
0x5a: {  	[sflag:s7] =	ssyncset.done $0x0  }
0x5b: {  	s31 =	rddreg [dreg:$0x10];
	[sflag:s7] =	ssyncadd.s32 $0xFFFFD800  }
0x5c: {  	[spmem:s31] =	stream.linear.scatter [tilespmem:s6], [sflag:$0x7], $0x2800, $0x38;
	[tilespmem:$0x1BC80] =	vst v63  }
0x5d: {  	_ =	swait.ge [sflag:s7], $0x2800  }
0x5e: {  	[sflag:s7] =	ssyncset.done $0x0  }
0x5f: {  	s5 =	rddreg [dreg:$0x11];
	[sflag:s7] =	ssyncadd.s32 $0xFFFFD800  }
0x60: {  	[spmem:s5] =	stream.linear.scatter [tilespmem:s6], [sflag:$0x7], $0x2800, $0x38;
	[tilespmem:$0x1BC80] =	vst v63  }
0x61: {  	_ =	swait.ge [sflag:s7], $0x2800  }
0x62: {  	[sflag:s7] =	ssyncset.done $0x0  }
0x63: {  	s20 =	rddreg [dreg:$0x12];
	[sflag:s7] =	ssyncadd.s32 $0xFFFFD800  }
0x64: {  	[spmem:s20] =	stream.linear.scatter [tilespmem:s6], [sflag:$0x7], $0x2800, $0x38;
	[tilespmem:$0x1BC80] =	vst v63  }
.Ltmp2:
0x65: {  	_ = 	snop;
	(pc) =	sbr.rel .LBB2_7-.Ltmp2, $4  }
0x66: {  	_ =	swait.ge [sflag:s7], $0x2800  }
0x67: {  	[sflag:s7] =	ssyncset.done $0x0  }
0x68: {  	s31 =	rddreg [dreg:$0x14];
	[sflag:s7] =	ssyncadd.s32 $0xFFFFD800  }
0x69: {  	[spmem:s31] =	stream.linear.scatter [tilespmem:s6], [sflag:$0x7], $0x2800, $0x38;
	[tilespmem:$0x1BC80] =	vst v63  }
.LBB2_5:
.Ltmp3:
0x6a: {  	(pc) =	sbr.rel @p1 .LBB2_8-.Ltmp3, $1  }
0x6b: {  	_ =	sdelay $0x3  }
0x6c: {  	s0 =	rddreg [dreg:$0x5]  }
0x6d: {  	[spmem:s0] =	stream.linear.scatter [tilespmem:s6], [sflag:$0x7], $0x2800, $0x38;
	[tilespmem:$0x1BC80] =	vst v63  }
0x6e: {  	_ =	swait.ge [sflag:s7], $0x2800  }
0x6f: {  	[sflag:s7] =	ssyncset.done $0x0  }
0x70: {  	s20 =	rddreg [dreg:$0x6];
	[sflag:s7] =	ssyncadd.s32 $0xFFFFD800  }
0x71: {  	[spmem:s20] =	stream.linear.scatter [tilespmem:s6], [sflag:$0x7], $0x2800, $0x38;
	[tilespmem:$0x1BC80] =	vst v63  }
0x72: {  	_ =	swait.ge [sflag:s7], $0x2800  }
0x73: {  	[sflag:s7] =	ssyncset.done $0x0  }
0x74: {  	s31 =	rddreg [dreg:$0x7];
	[sflag:s7] =	ssyncadd.s32 $0xFFFFD800  }
0x75: {  	[spmem:s31] =	stream.linear.scatter [tilespmem:s6], [sflag:$0x7], $0x2800, $0x38;
	[tilespmem:$0x1BC80] =	vst v63  }
0x76: {  	_ =	swait.ge [sflag:s7], $0x2800  }
0x77: {  	[sflag:s7] =	ssyncset.done $0x0  }
0x78: {  	[sflag:s7] =	ssyncadd.s32 $0xFFFFD800  }
0x79: {  	[spmem:s31] =	stream.linear.scatter [tilespmem:s6], [sflag:$0x7], $0x2800, $0x38;
	[tilespmem:$0x1BC80] =	vst v63  }
.LBB2_7:
0x7a: {  	_ =	swait.ge [sflag:s7], $0x2800  }
0x7b: {  	[sflag:s7] =	ssyncset.done $0x0  }
0x7c: {  	[sflag:s7] =	ssyncadd.s32 $0xFFFFD800  }
.LBB2_8:
0x7d: {  	[bflag:$0x0] =	sbarrier.arrive $0xFFFF  }
0x7e: {  	s31 =	simm.s32 $0x0;
	s0 =	rddreg [dreg:$0x13]  }
0x7f: {  	[tilespmem:s9], [sflag:$0x4] =	stream.linear.gather [hbm4b:s0+s31], $0x50, $0x38;
	[tilespmem:$0x1BC80] =	vst v63  }
0x80: {  	s5 =	rddreg [dreg:$0x17]  }
0x81: {  	[tilespmem:s10], [sflag:$0x5] =	stream.linear.gather [hbm4b:s5+s31], $0x50, $0x38;
	[tilespmem:$0x1BC80] =	vst v63  }
0x82: {  	s20 =	rddreg [dreg:$0x18]  }
0x83: {  	[tilespmem:s11], [sflag:$0x6] =	stream.linear.gather [hbm4b:s20+s31], $0x50, $0x38;
	[tilespmem:$0x1BC80] =	vst v63  }
0x84: {  	_ =	swait.ge [sflag:s12], $0x50  }
0x85: {  	[sflag:s12] =	ssyncset.done $0x0  }
0x86: {  	[sflag:s12] =	ssyncadd.s32 $0xFFFFFFB0  }
0x87: {  	v1 =	vld [tilespmem:$0x14300];
	_ =	sdelay $0x1  }
0x88: {  	v2 =	vld [tilespmem:$0x14310];
	_ =	sdelay $0x1  }
0x89: {  	v3 =	vld [tilespmem:$0x14320]  }
0x8a: {  	v4 =	vand.u32 $0xFFFF, v1  }
0x8b: {  	v1 =	vshrl.u32 v1, $0x10;
	[tilespmem:$0x14000] =	vst v4;
	v4 =	vld [tilespmem:$0x14330]  }
0x8c: {  	[tilespmem:$0x14080] =	vst v1;
	v1 =	vand.u32 $0xFFFF, v2  }
0x8d: {  	[tilespmem:$0x14010] =	vst v1;
	v1 =	vshrl.u32 v2, $0x10;
	v2 =	vld [tilespmem:$0x14340]  }
0x8e: {  	[tilespmem:$0x14090] =	vst v1;
	v1 =	vand.u32 $0xFFFF, v3  }
0x8f: {  	[tilespmem:$0x14020] =	vst v1;
	v1 =	vshrl.u32 v3, $0x10  }
0x90: {  	[tilespmem:$0x140A0] =	vst v1;
	v1 =	vand.u32 $0xFFFF, v4  }
0x91: {  	[tilespmem:$0x14030] =	vst v1;
	v1 =	vshrl.u32 v4, $0x10  }
0x92: {  	[tilespmem:$0x140B0] =	vst v1;
	v1 =	vand.u32 $0xFFFF, v2  }
0x93: {  	[tilespmem:$0x14040] =	vst v1;
	v1 =	vshrl.u32 v2, $0x10  }
0x94: {  	[tilespmem:$0x140C0] =	vst v1  }
0x95: {  	[tilespmem:s6], [sflag:$0x1] =	stream.indirect.gather [hbm4b:s1+s13], $0x80, s14, s13, $0xb8;
	[tilespmem:$0x1BC80] =	vst v63  }
0x96: {  	s5 =	rddreg [dreg:$0x19]  }
0x97: {  	[tilespmem:s9], [sflag:$0x4] =	stream.linear.gather [hbm4b:s5+s31], $0x50, $0x38;
	[tilespmem:$0x1BC80] =	vst v63  }
0x98: {  	_ =	swait.ge [sflag:s15], $0x50  }
0x99: {  	[sflag:s15] =	ssyncset.done $0x0  }
0x9a: {  	[sflag:s15] =	ssyncadd.s32 $0xFFFFFFB0  }
0x9b: {  	v1 =	vld [tilespmem:$0x14380];
	_ =	sdelay $0x1  }
0x9c: {  	v2 =	vld [tilespmem:$0x14390];
	_ =	sdelay $0x1  }
0x9d: {  	v3 =	vld [tilespmem:$0x143A0]  }
0x9e: {  	v4 =	vand.u32 $0xFFFF, v1  }
0x9f: {  	v1 =	vshrl.u32 v1, $0x10;
	[tilespmem:$0x14100] =	vst v4;
	v4 =	vld [tilespmem:$0x143B0]  }
0xa0: {  	[tilespmem:$0x14180] =	vst v1;
	v1 =	vand.u32 $0xFFFF, v2  }
0xa1: {  	[tilespmem:$0x14110] =	vst v1;
	v1 =	vshrl.u32 v2, $0x10;
	v2 =	vld [tilespmem:$0x143C0]  }
0xa2: {  	[tilespmem:$0x14190] =	vst v1;
	v1 =	vand.u32 $0xFFFF, v3  }
0xa3: {  	[tilespmem:$0x14120] =	vst v1;
	v1 =	vshrl.u32 v3, $0x10  }
0xa4: {  	[tilespmem:$0x141A0] =	vst v1;
	v1 =	vand.u32 $0xFFFF, v4  }
0xa5: {  	[tilespmem:$0x14130] =	vst v1;
	v1 =	vshrl.u32 v4, $0x10  }
0xa6: {  	[tilespmem:$0x141B0] =	vst v1;
	v1 =	vand.u32 $0xFFFF, v2  }
0xa7: {  	[tilespmem:$0x14140] =	vst v1;
	v1 =	vshrl.u32 v2, $0x10  }
0xa8: {  	[tilespmem:$0x141C0] =	vst v1  }
0xa9: {  	[tilespmem:s17], [sflag:$0x2] =	stream.indirect.gather [hbm4b:s1+s13], $0x80, s16, s13, $0xb8;
	[tilespmem:$0x1BC80] =	vst v63  }
0xaa: {  	s20 =	rddreg [dreg:$0x1a]  }
0xab: {  	[tilespmem:s10], [sflag:$0x5] =	stream.linear.gather [hbm4b:s20+s31], $0x50, $0x38;
	[tilespmem:$0x1BC80] =	vst v63  }
0xac: {  	_ =	swait.ge [sflag:s18], $0x50  }
0xad: {  	[sflag:s18] =	ssyncset.done $0x0  }
0xae: {  	[sflag:s18] =	ssyncadd.s32 $0xFFFFFFB0  }
0xaf: {  	v1 =	vld [tilespmem:$0x14400];
	_ =	sdelay $0x1  }
0xb0: {  	v2 =	vld [tilespmem:$0x14410];
	_ =	sdelay $0x1  }
0xb1: {  	v3 =	vld [tilespmem:$0x14420]  }
0xb2: {  	v4 =	vand.u32 $0xFFFF, v1  }
0xb3: {  	v1 =	vshrl.u32 v1, $0x10;
	[tilespmem:$0x14200] =	vst v4;
	v4 =	vld [tilespmem:$0x14430]  }
0xb4: {  	[tilespmem:$0x14280] =	vst v1;
	v1 =	vand.u32 $0xFFFF, v2  }
0xb5: {  	[tilespmem:$0x14210] =	vst v1;
	v1 =	vshrl.u32 v2, $0x10;
	v2 =	vld [tilespmem:$0x14440]  }
0xb6: {  	[tilespmem:$0x14290] =	vst v1;
	v1 =	vand.u32 $0xFFFF, v3  }
0xb7: {  	[tilespmem:$0x14220] =	vst v1;
	v1 =	vshrl.u32 v3, $0x10  }
0xb8: {  	[tilespmem:$0x142A0] =	vst v1;
	v1 =	vand.u32 $0xFFFF, v4  }
0xb9: {  	[tilespmem:$0x14230] =	vst v1;
	v1 =	vshrl.u32 v4, $0x10  }
0xba: {  	[tilespmem:$0x142B0] =	vst v1;
	v1 =	vand.u32 $0xFFFF, v2  }
0xbb: {  	[tilespmem:$0x14240] =	vst v1;
	v1 =	vshrl.u32 v2, $0x10  }
0xbc: {  	[tilespmem:$0x142C0] =	vst v1  }
0xbd: {  	[tilespmem:s23], [sflag:$0x3] =	stream.indirect.gather [hbm4b:s1+s13], $0x80, s19, s13, $0xb8;
	[tilespmem:$0x1BC80] =	vst v63  }
0xbe: {  	s5 =	rddreg [dreg:$0x1b]  }
0xbf: {  	[tilespmem:s11], [sflag:$0x6] =	stream.linear.gather [hbm4b:s5+s31], $0x50, $0x38;
	[tilespmem:$0x1BC80] =	vst v63  }
0xc0: {  	_ =	swait.ge [sflag:s2], $0x2800  }
0xc1: {  	[sflag:s2] =	ssyncset.done $0x0  }
0xc2: {  	[sflag:s2] =	ssyncadd.s32 $0xFFFFD800  }
0xc3: {  	[spmem:s3] =	stream.indirect.scatter.add.f32 [tilespmem:s6], [sflag:$0x7], $0x80, s24, s13, $0xb8;
	[tilespmem:$0x1BC80] =	vst v63  }
0xc4: {  	_ =	swait.ge [sflag:s7], $0x2800  }
0xc5: {  	[sflag:s7] =	ssyncset.done $0x0  }
0xc6: {  	[sflag:s7] =	ssyncadd.s32 $0xFFFFD800  }
0xc7: {  	_ =	swait.ge [sflag:s12], $0x50  }
0xc8: {  	[sflag:s12] =	ssyncset.done $0x0  }
0xc9: {  	[sflag:s12] =	ssyncadd.s32 $0xFFFFFFB0  }
0xca: {  	v1 =	vld [tilespmem:$0x14300];
	_ =	sdelay $0x1  }
0xcb: {  	v2 =	vld [tilespmem:$0x14310];
	_ =	sdelay $0x1  }
0xcc: {  	v3 =	vld [tilespmem:$0x14320]  }
0xcd: {  	v4 =	vand.u32 $0xFFFF, v1  }
0xce: {  	v1 =	vshrl.u32 v1, $0x10;
	[tilespmem:$0x14000] =	vst v4;
	v4 =	vld [tilespmem:$0x14330]  }
0xcf: {  	[tilespmem:$0x14080] =	vst v1;
	v1 =	vand.u32 $0xFFFF, v2  }
0xd0: {  	[tilespmem:$0x14010] =	vst v1;
	v1 =	vshrl.u32 v2, $0x10;
	v2 =	vld [tilespmem:$0x14340]  }
0xd1: {  	[tilespmem:$0x14090] =	vst v1;
	v1 =	vand.u32 $0xFFFF, v3  }
0xd2: {  	[tilespmem:$0x14020] =	vst v1;
	v1 =	vshrl.u32 v3, $0x10  }
0xd3: {  	[tilespmem:$0x140A0] =	vst v1;
	v1 =	vand.u32 $0xFFFF, v4  }
0xd4: {  	[tilespmem:$0x14030] =	vst v1;
	v1 =	vshrl.u32 v4, $0x10  }
0xd5: {  	[tilespmem:$0x140B0] =	vst v1;
	v1 =	vand.u32 $0xFFFF, v2  }
0xd6: {  	[tilespmem:$0x14040] =	vst v1;
	v1 =	vshrl.u32 v2, $0x10  }
0xd7: {  	[tilespmem:$0x140C0] =	vst v1  }
0xd8: {  	[tilespmem:s6], [sflag:$0x1] =	stream.indirect.gather [hbm4b:s1+s13], $0x80, s14, s13, $0xb8;
	[tilespmem:$0x1BC80] =	vst v63  }
0xd9: {  	s20 =	rddreg [dreg:$0x1c]  }
0xda: {  	[tilespmem:s9], [sflag:$0x4] =	stream.linear.gather [hbm4b:s20+s31], $0x50, $0x38;
	[tilespmem:$0x1BC80] =	vst v63  }
0xdb: {  	_ =	swait.ge [sflag:s25], $0x2800  }
0xdc: {  	[sflag:s25] =	ssyncset.done $0x0  }
0xdd: {  	[sflag:s25] =	ssyncadd.s32 $0xFFFFD800  }
0xde: {  	[spmem:s3] =	stream.indirect.scatter.add.f32 [tilespmem:s17], [sflag:$0x7], $0x80, s26, s13, $0xb8;
	[tilespmem:$0x1BC80] =	vst v63  }
0xdf: {  	_ =	swait.ge [sflag:s7], $0x2800  }
0xe0: {  	[sflag:s7] =	ssyncset.done $0x0  }
0xe1: {  	[sflag:s7] =	ssyncadd.s32 $0xFFFFD800  }
0xe2: {  	_ =	swait.ge [sflag:s15], $0x50  }
0xe3: {  	[sflag:s15] =	ssyncset.done $0x0  }
0xe4: {  	[sflag:s15] =	ssyncadd.s32 $0xFFFFFFB0  }
0xe5: {  	v1 =	vld [tilespmem:$0x14380];
	_ =	sdelay $0x1  }
0xe6: {  	v2 =	vld [tilespmem:$0x14390];
	_ =	sdelay $0x1  }
0xe7: {  	v3 =	vld [tilespmem:$0x143A0]  }
0xe8: {  	v4 =	vand.u32 $0xFFFF, v1  }
0xe9: {  	v1 =	vshrl.u32 v1, $0x10;
	[tilespmem:$0x14100] =	vst v4;
	v4 =	vld [tilespmem:$0x143B0]  }
0xea: {  	[tilespmem:$0x14180] =	vst v1;
	v1 =	vand.u32 $0xFFFF, v2  }
0xeb: {  	[tilespmem:$0x14110] =	vst v1;
	v1 =	vshrl.u32 v2, $0x10;
	v2 =	vld [tilespmem:$0x143C0]  }
0xec: {  	[tilespmem:$0x14190] =	vst v1;
	v1 =	vand.u32 $0xFFFF, v3  }
0xed: {  	[tilespmem:$0x14120] =	vst v1;
	v1 =	vshrl.u32 v3, $0x10  }
0xee: {  	[tilespmem:$0x141A0] =	vst v1;
	v1 =	vand.u32 $0xFFFF, v4  }
0xef: {  	[tilespmem:$0x14130] =	vst v1;
	v1 =	vshrl.u32 v4, $0x10  }
0xf0: {  	[tilespmem:$0x141B0] =	vst v1;
	v1 =	vand.u32 $0xFFFF, v2  }
0xf1: {  	[tilespmem:$0x14140] =	vst v1;
	v1 =	vshrl.u32 v2, $0x10  }
0xf2: {  	[tilespmem:$0x141C0] =	vst v1  }
0xf3: {  	[tilespmem:s17], [sflag:$0x2] =	stream.indirect.gather [hbm4b:s1+s13], $0x80, s16, s13, $0xb8;
	[tilespmem:$0x1BC80] =	vst v63  }
0xf4: {  	s5 =	rddreg [dreg:$0x1d]  }
0xf5: {  	[tilespmem:s10], [sflag:$0x5] =	stream.linear.gather [hbm4b:s5+s31], $0x50, $0x38;
	[tilespmem:$0x1BC80] =	vst v63  }
0xf6: {  	_ =	swait.ge [sflag:s28], $0x2800  }
0xf7: {  	[sflag:s28] =	ssyncset.done $0x0  }
0xf8: {  	[sflag:s28] =	ssyncadd.s32 $0xFFFFD800  }
0xf9: {  	[spmem:s3] =	stream.indirect.scatter.add.f32 [tilespmem:s23], [sflag:$0x7], $0x80, s29, s13, $0xb8;
	[tilespmem:$0x1BC80] =	vst v63  }
0xfa: {  	_ =	swait.ge [sflag:s7], $0x2800  }
0xfb: {  	[sflag:s7] =	ssyncset.done $0x0  }
0xfc: {  	[sflag:s7] =	ssyncadd.s32 $0xFFFFD800  }
0xfd: {  	_ =	swait.ge [sflag:s18], $0x50  }
0xfe: {  	[sflag:s18] =	ssyncset.done $0x0  }
0xff: {  	[sflag:s18] =	ssyncadd.s32 $0xFFFFFFB0  }
0x100: {  	v1 =	vld [tilespmem:$0x14430]  }
0x101: {  	v2 =	vld [tilespmem:$0x14400]  }
0x102: {  	v3 =	vld [tilespmem:$0x14420];
	_ =	sdelay $0x2  }
0x103: {  	v4 =	vshrl.u32 v1, $0x10  }
0x104: {  	v5 =	vld [tilespmem:$0x14410];
	v6 =	vand.u32 $0xFFFF, v2;
	[tilespmem:$0x142B0] =	vst v4  }
0x105: {  	[tilespmem:$0x14200] =	vst v6;
	v4 =	vand.u32 $0xFFFF, v3  }
0x106: {  	v1 =	vand.u32 $0xFFFF, v1;
	[tilespmem:$0x14220] =	vst v4;
	v4 =	vld [tilespmem:$0x14440]  }
0x107: {  	v3 =	vshrl.u32 v3, $0x10;
	[tilespmem:$0x14230] =	vst v1  }
0x108: {  	v1 =	vshrl.u32 v2, $0x10;
	[tilespmem:$0x142A0] =	vst v3  }
0x109: {  	v2 =	vshrl.u32 v5, $0x10;
	[tilespmem:$0x14280] =	vst v1  }
0x10a: {  	v1 =	vand.u32 $0xFFFF, v5;
	[tilespmem:$0x14290] =	vst v2  }
0x10b: {  	[tilespmem:$0x14210] =	vst v1;
	v1 =	vshrl.u32 v4, $0x10  }
0x10c: {  	v2 =	vand.u32 $0xFFFF, v4;
	[tilespmem:$0x142C0] =	vst v1  }
0x10d: {  	[tilespmem:$0x14240] =	vst v2  }
0x10e: {  	[tilespmem:s23], [sflag:$0x3] =	stream.indirect.gather [hbm4b:s1+s13], $0x80, s19, s13, $0xb8;
	[tilespmem:$0x1BC80] =	vst v63  }
0x10f: {  	s20 =	sadd.s32 $0x0, s22  }
0x110: {  	[tilespmem:s11], [sflag:$0x6] =	stream.linear.gather [hbm4b:s20+s4], $0x50, $0x38;
	[tilespmem:$0x1BC80] =	vst v63  }
0x111: {  	_ =	swait.ge [sflag:s2], $0x2800  }
0x112: {  	[sflag:s2] =	ssyncset.done $0x0  }
0x113: {  	[sflag:s2] =	ssyncadd.s32 $0xFFFFD800  }
0x114: {  	[spmem:s3] =	stream.indirect.scatter.add.f32 [tilespmem:s6], [sflag:$0x7], $0x80, s24, s13, $0xb8;
	[tilespmem:$0x1BC80] =	vst v63  }
0x115: {  	_ =	swait.ge [sflag:s7], $0x2800  }
0x116: {  	[sflag:s7] =	ssyncset.done $0x0  }
0x117: {  	[sflag:s7] =	ssyncadd.s32 $0xFFFFD800  }
0x118: {  	_ =	swait.ge [sflag:s12], $0x50  }
0x119: {  	[sflag:s12] =	ssyncset.done $0x0  }
0x11a: {  	[sflag:s12] =	ssyncadd.s32 $0xFFFFFFB0  }
0x11b: {  	v1 =	vld [tilespmem:$0x14330]  }
0x11c: {  	v2 =	vld [tilespmem:$0x14310]  }
0x11d: {  	v3 =	vld [tilespmem:$0x14340];
	_ =	sdelay $0x1  }
0x11e: {  	v6 =	vld [tilespmem:$0x14300]  }
0x11f: {  	v4 =	vand.u32 $0xFFFF, v1  }
0x120: {  	v5 =	vand.u32 $0xFFFF, v2;
	[tilespmem:$0x14030] =	vst v4  }
0x121: {  	v7 =	vshrl.u32 v3, $0x10;
	[tilespmem:$0x14010] =	vst v5  }
0x122: {  	v4 =	vshrl.u32 v2, $0x10;
	v2 =	vshrl.u32 v1, $0x10;
	[tilespmem:$0x140C0] =	vst v7  }
0x123: {  	s0 =	simm.s32 $0x1E;
	v1 =	vld [tilespmem:$0x14320];
	v5 =	vand.u32 $0xFFFF, v6;
	[tilespmem:$0x14090] =	vst v4;
	v4 =	vand.u32 $0xFFFF, v3;
	v3 =	vshrl.u32 v6, $0x10  }
.LBB2_9:
0x124: {  	_ = 	snop  }
0x125: {  	[tilespmem:$0x140B0] =	vst v2  }
0x126: {  	[tilespmem:$0x14040] =	vst v4  }
0x127: {  	[tilespmem:$0x14000] =	vst v5  }
0x128: {  	[tilespmem:$0x14080] =	vst v3;
	v6 =	vand.u32 $0xFFFF, v1  }
0x129: {  	v1 =	vshrl.u32 v1, $0x10;
	[tilespmem:$0x14020] =	vst v6  }
0x12a: {  	[tilespmem:$0x140A0] =	vst v1  }
0x12b: {  	[tilespmem:s6], [sflag:$0x1] =	stream.indirect.gather [hbm4b:s1+s13], $0x80, s14, s13, $0xb8;
	[tilespmem:$0x1BC80] =	vst v63  }
0x12c: {  	s20 =	sadd.s32 s31, s21  }
0x12d: {  	[tilespmem:s9], [sflag:$0x4] =	stream.linear.gather [hbm4b:s20+s4], $0x50, $0x38;
	[tilespmem:$0x1BC80] =	vst v63  }
0x12e: {  	_ =	swait.ge [sflag:s25], $0x2800  }
0x12f: {  	[sflag:s25] =	ssyncset.done $0x0  }
0x130: {  	[sflag:s25] =	ssyncadd.s32 $0xFFFFD800  }
0x131: {  	[spmem:s3] =	stream.indirect.scatter.add.f32 [tilespmem:s17], [sflag:$0x7], $0x80, s26, s13, $0xb8;
	[tilespmem:$0x1BC80] =	vst v63  }
0x132: {  	_ =	swait.ge [sflag:s7], $0x2800  }
0x133: {  	[sflag:s7] =	ssyncset.done $0x0  }
0x134: {  	[sflag:s7] =	ssyncadd.s32 $0xFFFFD800  }
0x135: {  	_ =	swait.ge [sflag:s15], $0x50  }
0x136: {  	[sflag:s15] =	ssyncset.done $0x0  }
0x137: {  	[sflag:s15] =	ssyncadd.s32 $0xFFFFFFB0  }
0x138: {  	v1 =	vld [tilespmem:$0x14380];
	_ =	sdelay $0x1  }
0x139: {  	v2 =	vld [tilespmem:$0x14390];
	_ =	sdelay $0x1  }
0x13a: {  	v3 =	vld [tilespmem:$0x143A0]  }
0x13b: {  	v6 =	vand.u32 $0xFFFF, v1  }
0x13c: {  	v4 =	vld [tilespmem:$0x143B0];
	v1 =	vshrl.u32 v1, $0x10;
	[tilespmem:$0x14100] =	vst v6  }
0x13d: {  	v6 =	vand.u32 $0xFFFF, v2;
	[tilespmem:$0x14180] =	vst v1  }
0x13e: {  	v5 =	vld [tilespmem:$0x143C0];
	v2 =	vshrl.u32 v2, $0x10;
	[tilespmem:$0x14110] =	vst v6  }
0x13f: {  	v6 =	vand.u32 $0xFFFF, v3;
	v3 =	vshrl.u32 v3, $0x10;
	[tilespmem:$0x14190] =	vst v2  }
0x140: {  	[tilespmem:$0x141A0] =	vst v3  }
0x141: {  	v3 =	vand.u32 $0xFFFF, v4;
	v4 =	vshrl.u32 v4, $0x10;
	[tilespmem:$0x14120] =	vst v6  }
0x142: {  	[tilespmem:$0x141B0] =	vst v4  }
0x143: {  	v4 =	vand.u32 $0xFFFF, v5;
	[tilespmem:$0x14130] =	vst v3  }
0x144: {  	v5 =	vshrl.u32 v5, $0x10;
	[tilespmem:$0x14140] =	vst v4  }
0x145: {  	s20 =	rddreg [dreg:$0x4];
	[tilespmem:$0x141C0] =	vst v5  }
0x146: {  	[tilespmem:s17], [sflag:$0x2] =	stream.indirect.gather [hbm4b:s1+s13], $0x80, s16, s13, $0xb8;
	[tilespmem:$0x1BC80] =	vst v63  }
0x147: {  	s20 =	sadd.s32 s31, s20  }
0x148: {  	[tilespmem:s10], [sflag:$0x5] =	stream.linear.gather [hbm4b:s20+s4], $0x50, $0x38;
	[tilespmem:$0x1BC80] =	vst v63  }
0x149: {  	_ =	swait.ge [sflag:s28], $0x2800  }
0x14a: {  	[sflag:s28] =	ssyncset.done $0x0  }
0x14b: {  	[sflag:s28] =	ssyncadd.s32 $0xFFFFD800  }
0x14c: {  	[spmem:s3] =	stream.indirect.scatter.add.f32 [tilespmem:s23], [sflag:$0x7], $0x80, s29, s13, $0xb8;
	[tilespmem:$0x1BC80] =	vst v63  }
0x14d: {  	_ =	swait.ge [sflag:s7], $0x2800  }
0x14e: {  	[sflag:s7] =	ssyncset.done $0x0  }
0x14f: {  	[sflag:s7] =	ssyncadd.s32 $0xFFFFD800  }
0x150: {  	_ =	swait.ge [sflag:s18], $0x50  }
0x151: {  	[sflag:s18] =	ssyncset.done $0x0  }
0x152: {  	[sflag:s18] =	ssyncadd.s32 $0xFFFFFFB0  }
0x153: {  	v1 =	vld [tilespmem:$0x14430]  }
0x154: {  	v2 =	vld [tilespmem:$0x14400]  }
0x155: {  	v3 =	vld [tilespmem:$0x14420];
	_ =	sdelay $0x2  }
0x156: {  	v5 =	vshrl.u32 v1, $0x10  }
0x157: {  	v4 =	vld [tilespmem:$0x14410];
	v6 =	vand.u32 $0xFFFF, v2;
	[tilespmem:$0x142B0] =	vst v5  }
0x158: {  	[tilespmem:$0x14200] =	vst v6;
	v5 =	vand.u32 $0xFFFF, v3  }
0x159: {  	v1 =	vand.u32 $0xFFFF, v1;
	[tilespmem:$0x14220] =	vst v5;
	v5 =	vld [tilespmem:$0x14440]  }
0x15a: {  	v2 =	vshrl.u32 v2, $0x10;
	[tilespmem:$0x14230] =	vst v1  }
0x15b: {  	v3 =	vshrl.u32 v3, $0x10;
	[tilespmem:$0x14280] =	vst v2  }
0x15c: {  	v6 =	vand.u32 $0xFFFF, v4;
	v4 =	vshrl.u32 v4, $0x10;
	[tilespmem:$0x142A0] =	vst v3  }
0x15d: {  	[tilespmem:$0x14290] =	vst v4  }
0x15e: {  	[tilespmem:$0x14210] =	vst v6;
	v2 =	vshrl.u32 v5, $0x10  }
0x15f: {  	s5 =	smov.u32 s0;
	v1 =	vand.u32 $0xFFFF, v5;
	[tilespmem:$0x142C0] =	vst v2  }
0x160: {  	s31 =	smov.u32 s5;
	[tilespmem:$0x14240] =	vst v1  }
0x161: {  	[tilespmem:s23], [sflag:$0x3] =	stream.indirect.gather [hbm4b:s1+s13], $0x80, s19, s13, $0xb8;
	[tilespmem:$0x1BC80] =	vst v63  }
0x162: {  	s5 =	sadd.s32 s31, s22  }
0x163: {  	[tilespmem:s11], [sflag:$0x6] =	stream.linear.gather [hbm4b:s5+s4], $0x50, $0x38;
	[tilespmem:$0x1BC80] =	vst v63  }
0x164: {  	_ =	swait.ge [sflag:s2], $0x2800  }
0x165: {  	[sflag:s2] =	ssyncset.done $0x0  }
0x166: {  	[sflag:s2] =	ssyncadd.s32 $0xFFFFD800  }
0x167: {  	[spmem:s3] =	stream.indirect.scatter.add.f32 [tilespmem:s6], [sflag:$0x7], $0x80, s24, s13, $0xb8;
	[tilespmem:$0x1BC80] =	vst v63  }
0x168: {  	_ =	swait.ge [sflag:s7], $0x2800  }
0x169: {  	[sflag:s7] =	ssyncset.done $0x0  }
0x16a: {  	[sflag:s7] =	ssyncadd.s32 $0xFFFFD800  }
0x16b: {  	_ =	swait.ge [sflag:s12], $0x50  }
0x16c: {  	[sflag:s12] =	ssyncset.done $0x0  }
0x16d: {  	[sflag:s12] =	ssyncadd.s32 $0xFFFFFFB0  }
0x16e: {  	v2 =	vld [tilespmem:$0x14330]  }
0x16f: {  	v3 =	vld [tilespmem:$0x14310];
	_ =	sdelay $0x1  }
0x170: {  	v5 =	vld [tilespmem:$0x14340]  }
0x171: {  	p2 =	sne.s32 s0, $0x474;
	v6 =	vld [tilespmem:$0x14300]  }
.Ltmp4:
0x172: {  	v4 =	vand.u32 $0xFFFF, v2;
	(pc) =	sbr.rel @p2 .LBB2_9-.Ltmp4, $4  }
0x173: {  	v7 =	vand.u32 $0xFFFF, v3;
	[tilespmem:$0x14030] =	vst v4  }
0x174: {  	v8 =	vshrl.u32 v3, $0x10;
	[tilespmem:$0x14010] =	vst v7  }
0x175: {  	v2 =	vshrl.u32 v2, $0x10;
	v7 =	vshrl.u32 v5, $0x10;
	[tilespmem:$0x14090] =	vst v8  }
0x176: {  	s0 =	sadd.s32 $0x1E, s0;
	v1 =	vld [tilespmem:$0x14320];
	v3 =	vshrl.u32 v6, $0x10;
	v4 =	vand.u32 $0xFFFF, v5;
	v5 =	vand.u32 $0xFFFF, v6;
	[tilespmem:$0x140C0] =	vst v7  }
0x177: {  	_ = 	snop  }
0x178: {  	[tilespmem:$0x140B0] =	vst v2  }
0x179: {  	[tilespmem:$0x14040] =	vst v4  }
0x17a: {  	[tilespmem:$0x14000] =	vst v5  }
0x17b: {  	[tilespmem:$0x14080] =	vst v3;
	v2 =	vand.u32 $0xFFFF, v1  }
0x17c: {  	v1 =	vshrl.u32 v1, $0x10;
	[tilespmem:$0x14020] =	vst v2  }
0x17d: {  	[tilespmem:$0x140A0] =	vst v1  }
0x17e: {  	[tilespmem:s6], [sflag:$0x1] =	stream.indirect.gather [hbm4b:s1+s13], $0x80, s14, s13, $0xb8;
	[tilespmem:$0x1BC80] =	vst v63  }
0x17f: {  	s0 =	sadd.s32 s31, s21  }
0x180: {  	[tilespmem:s9], [sflag:$0x4] =	stream.linear.gather [hbm4b:s0+s4], $0x50, $0x38;
	[tilespmem:$0x1BC80] =	vst v63  }
0x181: {  	_ =	swait.ge [sflag:s25], $0x2800  }
0x182: {  	[sflag:s25] =	ssyncset.done $0x0  }
0x183: {  	[sflag:s25] =	ssyncadd.s32 $0xFFFFD800  }
0x184: {  	[spmem:s3] =	stream.indirect.scatter.add.f32 [tilespmem:s17], [sflag:$0x7], $0x80, s26, s13, $0xb8;
	[tilespmem:$0x1BC80] =	vst v63  }
0x185: {  	_ =	swait.ge [sflag:s7], $0x2800  }
0x186: {  	[sflag:s7] =	ssyncset.done $0x0  }
0x187: {  	[sflag:s7] =	ssyncadd.s32 $0xFFFFD800  }
0x188: {  	_ =	swait.ge [sflag:s15], $0x50  }
0x189: {  	[sflag:s15] =	ssyncset.done $0x0  }
0x18a: {  	[sflag:s15] =	ssyncadd.s32 $0xFFFFFFB0  }
0x18b: {  	v1 =	vld [tilespmem:$0x14380]  }
0x18c: {  	v2 =	vld [tilespmem:$0x14390]  }
0x18d: {  	v3 =	vld [tilespmem:$0x143A0]  }
0x18e: {  	v53 =	vld [tilespmem:$0x143B0];
	_ =	sdelay $0x1  }
0x18f: {  	v54 =	vand.u32 $0xFFFF, v1  }
0x190: {  	v55 =	vand.u32 $0xFFFF, v2;
	[tilespmem:$0x14100] =	vst v54  }
0x191: {  	v6 =	vld [tilespmem:$0x143C0];
	v56 =	vshrl.u32 v3, $0x10;
	[tilespmem:$0x14110] =	vst v55  }
0x192: {  	v57 =	vshrl.u32 v53, $0x10;
	[tilespmem:$0x141A0] =	vst v56  }
0x193: {  	v3 =	vand.u32 $0xFFFF, v3;
	[tilespmem:$0x141B0] =	vst v57  }
0x194: {  	v2 =	vshrl.u32 v2, $0x10;
	[tilespmem:$0x14120] =	vst v3  }
0x195: {  	v1 =	vshrl.u32 v1, $0x10;
	[tilespmem:$0x14190] =	vst v2  }
0x196: {  	v3 =	vand.u32 $0xFFFF, v6;
	[tilespmem:$0x14180] =	vst v1  }
0x197: {  	v2 =	vshrl.u32 v6, $0x10;
	[tilespmem:$0x14140] =	vst v3  }
0x198: {  	[tilespmem:$0x141C0] =	vst v2;
	v2 =	vand.u32 $0xFFFF, v53  }
0x199: {  	s20 =	rddreg [dreg:$0x4];
	[tilespmem:$0x14130] =	vst v2  }
0x19a: {  	[tilespmem:s17], [sflag:$0x2] =	stream.indirect.gather [hbm4b:s1+s13], $0x80, s16, s13, $0xb8;
	[tilespmem:$0x1BC80] =	vst v63  }
0x19b: {  	s0 =	sadd.s32 s31, s20  }
0x19c: {  	[tilespmem:s10], [sflag:$0x5] =	stream.linear.gather [hbm4b:s0+s4], $0x50, $0x38;
	[tilespmem:$0x1BC80] =	vst v63  }
0x19d: {  	_ =	swait.ge [sflag:s28], $0x2800  }
0x19e: {  	[sflag:s28] =	ssyncset.done $0x0  }
0x19f: {  	[sflag:s28] =	ssyncadd.s32 $0xFFFFD800  }
0x1a0: {  	[spmem:s3] =	stream.indirect.scatter.add.f32 [tilespmem:s23], [sflag:$0x7], $0x80, s29, s13, $0xb8;
	[tilespmem:$0x1BC80] =	vst v63  }
0x1a1: {  	_ =	swait.ge [sflag:s7], $0x2800  }
0x1a2: {  	[sflag:s7] =	ssyncset.done $0x0  }
0x1a3: {  	[sflag:s7] =	ssyncadd.s32 $0xFFFFD800  }
0x1a4: {  	_ =	swait.ge [sflag:s18], $0x50  }
0x1a5: {  	[sflag:s18] =	ssyncset.done $0x0  }
0x1a6: {  	[sflag:s18] =	ssyncadd.s32 $0xFFFFFFB0  }
0x1a7: {  	v1 =	vld [tilespmem:$0x14400];
	_ =	sdelay $0x1  }
0x1a8: {  	v2 =	vld [tilespmem:$0x14410];
	_ =	sdelay $0x1  }
0x1a9: {  	v3 =	vld [tilespmem:$0x14420]  }
0x1aa: {  	v58 =	vand.u32 $0xFFFF, v1  }
0x1ab: {  	v59 =	vld [tilespmem:$0x14430];
	v1 =	vshrl.u32 v1, $0x10;
	[tilespmem:$0x14200] =	vst v58  }
0x1ac: {  	[tilespmem:$0x14280] =	vst v1;
	v1 =	vand.u32 $0xFFFF, v2  }
0x1ad: {  	[tilespmem:$0x14210] =	vst v1;
	v1 =	vshrl.u32 v2, $0x10;
	v2 =	vld [tilespmem:$0x14440]  }
0x1ae: {  	[tilespmem:$0x14290] =	vst v1;
	v1 =	vand.u32 $0xFFFF, v3  }
0x1af: {  	[tilespmem:$0x14220] =	vst v1;
	v1 =	vshrl.u32 v3, $0x10  }
0x1b0: {  	[tilespmem:$0x142A0] =	vst v1;
	v1 =	vand.u32 $0xFFFF, v59  }
0x1b1: {  	[tilespmem:$0x14230] =	vst v1;
	v1 =	vshrl.u32 v59, $0x10  }
0x1b2: {  	[tilespmem:$0x142B0] =	vst v1;
	v1 =	vand.u32 $0xFFFF, v2  }
0x1b3: {  	[tilespmem:$0x14240] =	vst v1;
	v1 =	vshrl.u32 v2, $0x10  }
0x1b4: {  	[tilespmem:$0x142C0] =	vst v1  }
0x1b5: {  	[tilespmem:s23], [sflag:$0x3] =	stream.indirect.gather [hbm4b:s1+s13], $0x80, s19, s13, $0xb8;
	[tilespmem:$0x1BC80] =	vst v63  }
0x1b6: {  	_ =	swait.ge [sflag:s2], $0x2800  }
0x1b7: {  	[sflag:s2] =	ssyncset.done $0x0  }
0x1b8: {  	[sflag:s2] =	ssyncadd.s32 $0xFFFFD800  }
0x1b9: {  	[spmem:s3] =	stream.indirect.scatter.add.f32 [tilespmem:s6], [sflag:$0x7], $0x80, s24, s13, $0xb8;
	[tilespmem:$0x1BC80] =	vst v63  }
0x1ba: {  	_ =	swait.ge [sflag:s7], $0x2800  }
0x1bb: {  	[sflag:s7] =	ssyncset.done $0x0  }
0x1bc: {  	[sflag:s7] =	ssyncadd.s32 $0xFFFFD800  }
0x1bd: {  	_ =	swait.ge [sflag:s12], $0x50  }
0x1be: {  	[sflag:s12] =	ssyncset.done $0x0  }
0x1bf: {  	[sflag:s12] =	ssyncadd.s32 $0xFFFFFFB0  }
0x1c0: {  	v1 =	vld [tilespmem:$0x14300];
	_ =	sdelay $0x1  }
0x1c1: {  	v2 =	vld [tilespmem:$0x14310];
	_ =	sdelay $0x1  }
0x1c2: {  	v3 =	vld [tilespmem:$0x14320]  }
0x1c3: {  	v60 =	vand.u32 $0xFFFF, v1  }
0x1c4: {  	v61 =	vld [tilespmem:$0x14330];
	v1 =	vshrl.u32 v1, $0x10;
	[tilespmem:$0x14000] =	vst v60  }
0x1c5: {  	[tilespmem:$0x14080] =	vst v1;
	v1 =	vand.u32 $0xFFFF, v2  }
0x1c6: {  	[tilespmem:$0x14010] =	vst v1;
	v1 =	vshrl.u32 v2, $0x10;
	v2 =	vld [tilespmem:$0x14340]  }
0x1c7: {  	[tilespmem:$0x14090] =	vst v1;
	v1 =	vand.u32 $0xFFFF, v3  }
0x1c8: {  	[tilespmem:$0x14020] =	vst v1;
	v1 =	vshrl.u32 v3, $0x10  }
0x1c9: {  	[tilespmem:$0x140A0] =	vst v1;
	v1 =	vand.u32 $0xFFFF, v61  }
0x1ca: {  	[tilespmem:$0x14030] =	vst v1;
	v1 =	vshrl.u32 v61, $0x10  }
0x1cb: {  	[tilespmem:$0x140B0] =	vst v1;
	v1 =	vand.u32 $0xFFFF, v2  }
0x1cc: {  	[tilespmem:$0x14040] =	vst v1;
	v1 =	vshrl.u32 v2, $0x10  }
0x1cd: {  	[tilespmem:$0x140C0] =	vst v1  }
0x1ce: {  	[tilespmem:s6], [sflag:$0x1] =	stream.indirect.gather [hbm4b:s1+s13], $0x80, s14, s13, $0xb8;
	[tilespmem:$0x1BC80] =	vst v63  }
0x1cf: {  	_ =	swait.ge [sflag:s25], $0x2800  }
0x1d0: {  	[sflag:s25] =	ssyncset.done $0x0  }
0x1d1: {  	[sflag:s25] =	ssyncadd.s32 $0xFFFFD800  }
0x1d2: {  	[spmem:s3] =	stream.indirect.scatter.add.f32 [tilespmem:s17], [sflag:$0x7], $0x80, s26, s13, $0xb8;
	[tilespmem:$0x1BC80] =	vst v63  }
0x1d3: {  	_ =	swait.ge [sflag:s7], $0x2800  }
0x1d4: {  	[sflag:s7] =	ssyncset.done $0x0  }
0x1d5: {  	[sflag:s7] =	ssyncadd.s32 $0xFFFFD800  }
0x1d6: {  	_ =	swait.ge [sflag:s15], $0x50  }
0x1d7: {  	[sflag:s15] =	ssyncset.done $0x0  }
0x1d8: {  	[sflag:s15] =	ssyncadd.s32 $0xFFFFFFB0  }
0x1d9: {  	v1 =	vld [tilespmem:$0x14380];
	_ =	sdelay $0x1  }
0x1da: {  	v2 =	vld [tilespmem:$0x14390];
	_ =	sdelay $0x1  }
0x1db: {  	v3 =	vld [tilespmem:$0x143A0]  }
0x1dc: {  	v62 =	vand.u32 $0xFFFF, v1  }
0x1dd: {  	v63 =	vld [tilespmem:$0x143B0];
	v1 =	vshrl.u32 v1, $0x10;
	[tilespmem:$0x14100] =	vst v62  }
0x1de: {  	[tilespmem:$0x14180] =	vst v1;
	v1 =	vand.u32 $0xFFFF, v2  }
0x1df: {  	[tilespmem:$0x14110] =	vst v1;
	v1 =	vshrl.u32 v2, $0x10;
	v2 =	vld [tilespmem:$0x143C0]  }
0x1e0: {  	[tilespmem:$0x14190] =	vst v1;
	v1 =	vand.u32 $0xFFFF, v3  }
0x1e1: {  	[tilespmem:$0x14120] =	vst v1;
	v1 =	vshrl.u32 v3, $0x10  }
0x1e2: {  	[tilespmem:$0x141A0] =	vst v1;
	v1 =	vand.u32 $0xFFFF, v63  }
0x1e3: {  	[tilespmem:$0x14130] =	vst v1;
	v1 =	vshrl.u32 v63, $0x10  }
0x1e4: {  	[tilespmem:$0x141B0] =	vst v1;
	v1 =	vand.u32 $0xFFFF, v2  }
0x1e5: {  	[tilespmem:$0x14140] =	vst v1;
	v1 =	vshrl.u32 v2, $0x10  }
0x1e6: {  	[tilespmem:$0x141C0] =	vst v1  }
0x1e7: {  	[tilespmem:s17], [sflag:$0x2] =	stream.indirect.gather [hbm4b:s1+s13], $0x80, s16, s13, $0xb8;
	[tilespmem:$0x1BC80] =	vst v63  }
0x1e8: {  	_ =	swait.ge [sflag:s28], $0x2800  }
0x1e9: {  	[sflag:s28] =	ssyncset.done $0x0  }
0x1ea: {  	[sflag:s28] =	ssyncadd.s32 $0xFFFFD800  }
0x1eb: {  	[spmem:s3] =	stream.indirect.scatter.add.f32 [tilespmem:s23], [sflag:$0x7], $0x80, s29, s13, $0xb8;
	[tilespmem:$0x1BC80] =	vst v63  }
0x1ec: {  	_ =	swait.ge [sflag:s7], $0x2800  }
0x1ed: {  	[sflag:s7] =	ssyncset.done $0x0  }
0x1ee: {  	[sflag:s7] =	ssyncadd.s32 $0xFFFFD800  }
0x1ef: {  	_ =	swait.ge [sflag:s2], $0x2800  }
0x1f0: {  	[sflag:s2] =	ssyncset.done $0x0  }
0x1f1: {  	[sflag:s2] =	ssyncadd.s32 $0xFFFFD800  }
0x1f2: {  	[spmem:s3] =	stream.indirect.scatter.add.f32 [tilespmem:s6], [sflag:$0x7], $0x80, s24, s13, $0xb8;
	[tilespmem:$0x1BC80] =	vst v63  }
0x1f3: {  	_ =	swait.ge [sflag:s7], $0x2800  }
0x1f4: {  	[sflag:s7] =	ssyncset.done $0x0  }
0x1f5: {  	[sflag:s7] =	ssyncadd.s32 $0xFFFFD800  }
0x1f6: {  	_ =	swait.ge [sflag:s25], $0x2800  }
0x1f7: {  	[sflag:s25] =	ssyncset.done $0x0  }
0x1f8: {  	[sflag:s25] =	ssyncadd.s32 $0xFFFFD800  }
0x1f9: {  	[spmem:s3] =	stream.indirect.scatter.add.f32 [tilespmem:s17], [sflag:$0x7], $0x80, s26, s13, $0xb8;
	[tilespmem:$0x1BC80] =	vst v63  }
0x1fa: {  	_ =	swait.ge [sflag:s7], $0x2800  }
0x1fb: {  	[sflag:s7] =	ssyncset.done $0x0  }
0x1fc: {  	s0 =	stileid.u32;
	[sflag:s7] =	ssyncadd.s32 $0xFFFFD800  }
0x1fd: {  	s0 =	sshll.u32 @!p0 s0, $0x6;
	[bflag:$0x0] =	sbarrier.arrive $0xFFFF  }
0x1fe: {  	s5 =	sshrl.u32 @!p0 s8, $0x3;
	s0 =	sor.u32 @!p0 $0x1C07, s0;
	s20 =	rddreg [dreg:$0x15]  }
0x1ff: {  	[hbm:s20], [sflag:s0] =	dma.local @!p0 [spmem:s5], $0x3E80  }
0x200: {  	s0 =	simm.s32 @!p0 $0x7  }
0x201: {  	_ =	swait.ge @!p0 [sflag:s0], $0x3E80  }
0x202: {  	s30 =	sadd.s32 $0x1, s30;
	s31 =	rddreg [dreg:$0x16]  }
0x203: {  	p2 =	sne.s32 s30, s31  }
.Ltmp5:
0x204: {  	_ = 	snop;
	(pc) =	sbr.rel @p2 .LBB2_1-.Ltmp5, $3  }
0x205: {  	_ =	sdelay $0x1  }
0x206: {  	[sflag:s0] =	ssyncset.done @!p0 $0x0  }
0x207: {  	[sflag:s0] =	ssyncadd.s32 @!p0 $0xFFFFC180  }
0x208: {  	_ =	sfence.sel $0x180000  }
0x209: {  	[bflag:$0x0] =	sbarrier.arrive $0xFFFF  }
0x20a: {  	_ =	strace $0x9000004A  }
0x20b: {  	s0 =	stileid.u32;
	[bflag:$0x2] =	sbarrier.arrive $0xFFFF  }
0x20c: {  	p0 =	sne.s32 s0, $0x0;
	s0 =	rddreg [dreg:$0x3]  }
0x20d: {  	s0 =	sadd.s32 @!p0 $0x100000, s0  }
0x20e: {  	[sflag:s0] =	ssyncadd.tile.s32 @!p0 $0x1;
	_ =	shalt  }
.Lfunc_end2:
_tile_overlayer_lowered:
.L_overlay_start_2:
0x20f: {  	(tag) =	ssettag $0x2  }
0x210: {  	s0 =	rddreg [dreg:$0x0];
	s2 =	stileid.u32  }
0x211: {  	s1 =	rddreg [dreg:$0x1];
	p0 =	sne.s32 s2, $0x0  }
0x212: {  	s3 =	rddreg [dreg:$0x2];
	[bflag:$0x3] =	sbarrier.arrive $0xFFFF;
	s2 =	simm.s32 @!p0 $0x1C07  }
0x213: {  	[timem:s3], [sflag:s2] =	dma.local @!p0 [hbm:s0], s1  }
0x214: {  	s0 =	simm.s32 @!p0 $0x7  }
0x215: {  	_ =	swait.ge @!p0 [sflag:s0], s1  }
0x216: {  	s1 =	ssub.s32 @!p0 $0x0, s1;
	[sflag:s0] =	ssyncset.done @!p0 $0x0  }
0x217: {  	[sflag:s0] =	ssyncadd.s32 @!p0 s1  }
0x218: {  	[bflag:$0x3] =	sbarrier.arrive $0xFFFF  }
0x219: {  	_ =	shalt  }

// kernel: sage_sc_agg_cnt.3.cloned.1.call-start
scs
__scs_entry_jumppad:
0x0: {  	(pc) =	sbr.rel $0x88, $3  }
0x1: {  	(tag) =	ssettag $0x0;
	lr =	simm.s32 $0x1  }
0x2: {  	[smem:$0x3F95] =	sst lr;
	_ =	strace $0xD0000000  }
0x3: {  	_ = 	snop  }
0x4: {  	_ = 	snop  }
0x5: {  	_ = 	snop  }
0x6: {  	_ = 	snop  }
0x7: {  	_ = 	snop  }
__scs_overlays_trampoline_lowered:
0x8: {  	[smem:$0x3FA4] =	sst s0  }
0x9: {  	[smem:$0x3FA5] =	sst s1  }
0xa: {  	[smem:$0x3FA6] =	sst s2  }
0xb: {  	[smem:$0x3FA7] =	sst s3  }
0xc: {  	[smem:$0x3FA8] =	sst s4  }
0xd: {  	[smem:$0x3FA9] =	sst s5  }
0xe: {  	[smem:$0x3FAA] =	sst s6  }
0xf: {  	[smem:$0x3FAB] =	sst s7  }
0x10: {  	[smem:$0x3FAC] =	sst s8  }
0x11: {  	[smem:$0x3FAD] =	sst s9;
	s0 =	simm.s32 @!p0 $0x0  }
0x12: {  	s1 =	sld [smem:$0x3F93];
	s0 =	simm.s32 @p0 $0x1  }
0x13: {  	[smem:$0x3FAE] =	sst s0;
	s0 =	simm.s32 @!p1 $0x0  }
0x14: {  	s2 =	sld [smem:$0x3F92];
	s0 =	simm.s32 @p1 $0x1  }
0x15: {  	[smem:$0x3FAF] =	sst s0;
	s0 =	simm.s32 @!p2 $0x0  }
0x16: {  	s3 =	sld [smem:$0x3FDB];
	s0 =	simm.s32 @p2 $0x1  }
0x17: {  	s4 =	simm.s32 $0x1BF5;
	[smem:$0x3FB1] =	sst s0  }
0x18: {  	s0 =	sld [smem:$0x3F94];
	_ =	swait.ge [sflag:s4], $0x0  }
0x19: {  	s7 =	sld [smem:$0x3F95]  }
0x1a: {  	s8 =	sadd.s32 $0xFFFFE003, lr  }
0x1b: {  	s9 =	sadd.s32 $0xFFFFFEF7, lr;
	s5 =	simm.s32 $0xFFFFFFFF;
	p2 =	slt.u32 s8, $0xFFFFF086  }
0x1c: {  	p1 =	slt.u32 s9, $0xF7A;
	s5 =	simm.s32 @!p2 $0x0  }
0x1d: {  	s5 =	simm.s32 @p1 $0x1;
	p0 =	seq.s32 s7, s2  }
0x1e: {  	s7 =	smul.u32 @!p0 $0xF7A, s2;
	p2 =	seq.s32 @!p0 s5, $0x0  }
0x1f: {  	s9 =	smul.u32 $0xF7A, s1;
	s8 =	simm.s32 @!p0 $0x1BF5;
	p2 =	por !p2, p0  }
0x20: {  	[sflag:s8] =	ssyncset.s32 @!p0 $0xFFFFF086;
	s6 =	sadd.s32 @!p0 s3, s7;
	s7 =	simm.s32 @!p0 $0x108  }
0x21: {  	s3 =	sadd.s32 s3, s9;
	s6 =	sadd.s32 @!p0 $0x88, s6;
	s7 =	simm.s32 @p2 $0x1082  }
0x22: {  	[simem:s7], [sflag:s8] =	dma.local @!p0 [hbm:s6], $0xF7A  }
0x23: {  	s9 =	sor.u32 $0xD0000000, s2;
	s6 =	simm.s32 $0x108;
	_ =	swait.ge @!p0 [sflag:s8], $0x0  }
0x24: {  	s3 =	sadd.s32 $0x88, s3;
	s6 =	simm.s32 @!p1 $0x1082;
	[sflag:s4] =	ssyncset.s32 $0xFFFFF086  }
0x25: {  	[simem:s6], [sflag:s4] =	dma.local [hbm:s3], $0xF7A  }
0x26: {  	[smem:$0x3F95] =	sst s1;
	(tag) =	ssettag s2;
	_ =	strace s9  }
0x27: {  	s1 =	sld [smem:$0x3FA5]  }
0x28: {  	s2 =	sld [smem:$0x3FA6]  }
0x29: {  	s4 =	sld [smem:$0x3FA8]  }
0x2a: {  	p0 =	seq.s32 s5, $0x0;
	s5 =	sld [smem:$0x3FA9]  }
0x2b: {  	s6 =	sld [smem:$0x3FAA]  }
0x2c: {  	s7 =	sld [smem:$0x3FAB]  }
0x2d: {  	s3 =	simm.s32 $0x108;
	s8 =	sld [smem:$0x3FAC]  }
0x2e: {  	s3 =	simm.s32 @!p0 $0x1082;
	s9 =	sld [smem:$0x3FAD]  }
0x2f: {  	lr =	sadd.s32 s0, s3;
	s0 =	sld [smem:$0x3FA4]  }
0x30: {  	s3 =	sld [smem:$0x3FA7]  }
0x31: {  	[smem:$0x3FB0] =	sst s10  }
0x32: {  	s10 =	sld [smem:$0x3FAE];
	_ =	sdelay $0x3  }
0x33: {  	p0 =	seq.s32 s10, $0x1;
	s10 =	sld [smem:$0x3FB0];
	_ =	sdelay $0x3  }
0x34: {  	[smem:$0x3FB0] =	sst s10  }
0x35: {  	s10 =	sld [smem:$0x3FAF];
	_ =	sdelay $0x3  }
0x36: {  	p1 =	seq.s32 s10, $0x1;
	s10 =	sld [smem:$0x3FB0];
	_ =	sdelay $0x3  }
0x37: {  	[smem:$0x3FB0] =	sst s10  }
0x38: {  	s10 =	sld [smem:$0x3FB1]  }
0x39: {  	_ = 	snop;
	(pc) =	sbr.ind lr, $3  }
0x3a: {  	_ = 	snop  }
0x3b: {  	_ = 	snop  }
0x3c: {  	p2 =	seq.s32 s10, $0x1;
	s10 =	sld [smem:$0x3FB0]  }
0x3d: {  	_ =	shalt  }
0x3e: {  	_ =	shalt  }
0x3f: {  	_ =	shalt  }
0x40: {  	_ =	shalt  }
0x41: {  	_ =	shalt  }
0x42: {  	_ =	shalt  }
0x43: {  	_ =	shalt  }
0x44: {  	_ =	shalt  }
0x45: {  	_ =	shalt  }
0x46: {  	_ =	shalt  }
0x47: {  	_ =	shalt  }
0x48: {  	_ =	shalt  }
0x49: {  	_ =	shalt  }
0x4a: {  	_ =	shalt  }
0x4b: {  	_ =	shalt  }
0x4c: {  	_ =	shalt  }
0x4d: {  	_ =	shalt  }
0x4e: {  	_ =	shalt  }
0x4f: {  	_ =	shalt  }
0x50: {  	_ =	shalt  }
0x51: {  	_ =	shalt  }
0x52: {  	_ =	shalt  }
0x53: {  	_ =	shalt  }
0x54: {  	_ =	shalt  }
0x55: {  	_ =	shalt  }
0x56: {  	_ =	shalt  }
0x57: {  	_ =	shalt  }
0x58: {  	_ =	shalt  }
0x59: {  	_ =	shalt  }
0x5a: {  	_ =	shalt  }
0x5b: {  	_ =	shalt  }
0x5c: {  	_ =	shalt  }
0x5d: {  	_ =	shalt  }
0x5e: {  	_ =	shalt  }
0x5f: {  	_ =	shalt  }
0x60: {  	_ =	shalt  }
0x61: {  	_ =	shalt  }
0x62: {  	_ =	shalt  }
0x63: {  	_ =	shalt  }
0x64: {  	_ =	shalt  }
0x65: {  	_ =	shalt  }
0x66: {  	_ =	shalt  }
0x67: {  	_ =	shalt  }
0x68: {  	_ =	shalt  }
0x69: {  	_ =	shalt  }
0x6a: {  	_ =	shalt  }
0x6b: {  	_ =	shalt  }
0x6c: {  	_ =	shalt  }
0x6d: {  	_ =	shalt  }
0x6e: {  	_ =	shalt  }
0x6f: {  	_ =	shalt  }
0x70: {  	_ =	shalt  }
0x71: {  	_ =	shalt  }
0x72: {  	_ =	shalt  }
0x73: {  	_ =	shalt  }
0x74: {  	_ =	shalt  }
0x75: {  	_ =	shalt  }
0x76: {  	_ =	shalt  }
0x77: {  	_ =	shalt  }
0x78: {  	_ =	shalt  }
0x79: {  	_ =	shalt  }
0x7a: {  	_ =	shalt  }
0x7b: {  	_ =	shalt  }
0x7c: {  	_ =	shalt  }
0x7d: {  	_ =	shalt  }
0x7e: {  	_ =	shalt  }
0x7f: {  	_ =	shalt  }
0x80: {  	_ =	shalt  }
0x81: {  	_ =	shalt  }
0x82: {  	_ =	shalt  }
0x83: {  	_ =	shalt  }
0x84: {  	_ =	shalt  }
0x85: {  	_ =	shalt  }
0x86: {  	_ =	shalt  }
0x87: {  	_ =	shalt  }
.Lfunc_end0:
.L_simem_size_0:
called_computation_lowered:
.L_overlay_start_0:
0x88: {  	s2 =	sld [smem:$0x3FD9]  }
0x89: {  	s3 =	sld [smem:$0x3FFE];
	_ =	sdelay $0x1  }
0x8a: {  	s1 =	srdreg.scid  }
0x8b: {  	s0 =	sand.u32 $0x1, s1  }
0x8c: {  	s17 =	sshll.u32 s0, $0xA;
	s2 =	sadd.s32 s3, s2  }
0x8d: {  	s2 =	sadd.s32 s2, s17  }
0x8e: {  	[smem:$0x3FBC] =	sst s2  }
0x8f: {  	_ = 	snop  }
0x90: {  	s2 =	sld [smem:$0x3FC9]  }
0x91: {  	s18 =	sld [smem:$0x3FD0];
	(tm) =	ssettm $0x1  }
0x92: {  	s4 =	sld [smem:$0x3FFB];
	_ =	sdelay $0x3  }
0x93: {  	_ =	strace s4  }
0x94: {  	s4 =	sld [smem:$0x3FFC];
	_ =	sdelay $0x3  }
0x95: {  	_ =	strace s4  }
0x96: {  	s4 =	sld [smem:$0x3FFD];
	_ =	sdelay $0x3  }
0x97: {  	_ =	strace s4  }
0x98: {  	_ =	strace $0x8FFFFFFF  }
0x99: {  	s19 =	sld [smem:$0x3FDB];
	_ =	sdelay $0x1  }
0x9a: {  	s5 =	simm.s32 $_scs_section_size  }
0x9b: {  	s6 =	simm.s32 $_size__tile_overlayer_lowered;
	s7 =	simm.s32 $_tile_overlayer_lowered  }
0x9c: {  	s22 =	simm.s32 $0x1BFF;
	s21 =	sshll.u32 s7, $0x1;
	s4 =	sadd.s32 s5, s19  }
0x9d: {  	s8 =	simm.s32 $0x0;
	s20 =	sshll.u32 s6, $0x1;
	s6 =	sadd.s32 s21, s4  }
0x9e: {  	[timem:s8], [sflag:s22] =	dma.local [hbm:s6], s20  }
0x9f: {  	_ =	swait.ge [sflag:s22], s20  }
0xa0: {  	s5 =	ssub.s32 $0x0, s20;
	[sflag:s22] =	ssyncset.done $0x0  }
0xa1: {  	[sflag:s22] =	ssyncadd.s32 s5;
	_ =	sdelay $0x1  }
0xa2: {  	s23 =	simm.s32 $0x1B8B  }
0xa3: {  	_ =	swait.ge [sflag:s23], $0x1  }
0xa4: {  	[sflag:s23] =	ssyncset.done $0x0  }
0xa5: {  	s25 =	simm.s32 $0x1B8E;
	s24 =	sld [smem:$0x3FFE];
	[sflag:s23] =	ssyncadd.s32 $0xFFFFFFFF  }
0xa6: {  	s26 =	simm.s32 $execute0_lowered;
	[smem:$0x3FD2] =	sst s25  }
0xa7: {  	s6 =	sshll.u32 s26, $0x1;
	_ =	strace $0x80000046;
	[dreg:$0x1] =	wrdreg $0xFFFFFFFF  }
0xa8: {  	s28 =	simm.s32 $_size_execute0_lowered;
	s4 =	sadd.s32 s4, s6;
	[dreg:$0x0] =	wrdreg $0x0  }
0xa9: {  	s6 =	sshll.u32 s28, $0x1;
	[dreg:$0x2] =	wrdreg s4  }
0xaa: {  	[dreg:$0x3] =	wrdreg s6  }
0xab: {  	[dreg:$0x4] =	wrdreg $0xC0  }
0xac: {  	_ =	task [dreg:s8], $0x5FFFF  }
0xad: {  	[dreg:$0x1] =	wrdreg $0xFFFFFFFF  }
0xae: {  	[dreg:$0x0] =	wrdreg $0x60  }
0xaf: {  	[dreg:$0x2] =	wrdreg s2  }
0xb0: {  	[dreg:$0x3] =	wrdreg s24  }
0xb1: {  	[dreg:$0x4] =	wrdreg s18  }
0xb2: {  	[dreg:$0x5] =	wrdreg $0x0  }
0xb3: {  	[dreg:$0x6] =	wrdreg $0x140000  }
0xb4: {  	[dreg:$0x7] =	wrdreg $0x9  }
0xb5: {  	_ =	task.clear_ibuf [dreg:s8], $0x8FFFF;
	_ =	strace $0x90000046  }
0xb6: {  	s29 =	simm.s32 $0x9;
	_ =	strace $0x80000048  }
0xb7: {  	_ =	swait.ge [sflag:s29], $0x1  }
0xb8: {  	[sflag:s29] =	ssyncadd.s32 $0xFFFFFFFF  }
0xb9: {  	_ =	strace $0x90000048  }
0xba: {  	_ =	sfence  }
0xbb: {  	s30 =	sld [smem:$0x0];
	_ =	sdelay $0x2  }
0xbc: {  	s31 =	sshll.u32 s1, $0xD;
	s1 =	sshrl.u32 s1, $0x2  }
0xbd: {  	s3 =	sand.u32 $0x4000, s31;
	s1 =	sadd.s32 s1, s30  }
0xbe: {  	s0 =	sor.u32 s3, s0;
	s1 =	sshll.u32 s1, $0x11  }
0xbf: {  	s0 =	sor.u32 s1, s0  }
0xc0: {  	s0 =	sadd.s32 $0x8F2B, s0  }
0xc1: {  	[sflag:s0] =	ssyncadd.remote.s32 $0x1  }
0xc2: {  	_ =	sfence.sel $0xFFFF  }
0xc3: {  	[dreg:$0x0] =	wrdreg $0xFFFFFFFF;
	(pc) =	sbr.abs _section_cstart, $3  }
0xc4: {  	[dreg:$0x1] =	wrdreg $0xFFFFFFFF  }
0xc5: {  	_ =	task.clear_ibuf [dreg:s8], $0x2FFFF;
	_ =	strace $0x9FFFFFFF  }
0xc6: {  	(tm) =	ssettm $0x7FFFFFFF  }
0xc7: {  	_ =	shalt  }
tec
execute0_lowered:
.L_overlay_start_1:
0x0: {  	(tag) =	ssettag $0x1  }
0x1: {  	s1 =	rddreg [dreg:$0x0]  }
0x2: {  	s0 =	rddreg [dreg:$0x1]  }
0x3: {  	s2 =	rddreg [dreg:$0x2]  }
0x4: {  	s3 =	rddreg [dreg:$0x3]  }
0x5: {  	s4 =	rddreg [dreg:$0x4]  }
0x6: {  	s6 =	srdreg.scid;
	s14 =	stileid.u32;
	s5 =	simm.s32 $0x0  }
0x7: {  	s28 =	simm.s32 $0x6;
	s29 =	simm.s32 $0x14300;
	s30 =	simm.s32 $0x1BF00  }
0x8: {  	s31 =	simm.s32 $0x2;
	s6 =	sand.u32 $0x1, s6;
	s7 =	smul.u32 $0x3E80, s14  }
0x9: {  	[smem:$0x7FF] =	sst s5;
	s9 =	sadd.s32 $0x2C00, s0;
	s20 =	sadd.s32 $0x138800, s3  }
0xa: {  	s13 =	smul.u32 $0x7D000, s14;
	s22 =	sadd.s32 $0x13B000, s3;
	s23 =	sadd.s32 $0x13D800, s3  }
0xb: {  	s25 =	smul.u32 $0x2710, s14;
	p0 =	sgt.u32 s14, $0x9;
	p1 =	sne.s32 s14, $0xA  }
0xc: {  	s8 =	smul.u32 $0x27100, s6;
	_ =	strace $0x80000047;
	[dreg:$0x8] =	wrdreg s20  }
0xd: {  	s10 =	ssub.s32 $0x2, s6;
	s11 =	sshll.u32 s6, $0x4;
	[dreg:$0x9] =	wrdreg s22  }
0xe: {  	s6 =	smul.u32 $0x2800, s6;
	[dreg:$0xb] =	wrdreg s23;
	s21 =	sshrl.u32 s13, $0x2  }
0xf: {  	s12 =	sshrl.u32 s10, $0x1;
	s11 =	sor.u32 s14, s11;
	s13 =	sadd.s32 s21, s3  }
0x10: {  	s7 =	sadd.s32 s7, s8;
	s24 =	sadd.s32 $0x2800, s13;
	[dreg:$0xa] =	wrdreg s13  }
0x11: {  	s8 =	sadd.s32 s25, s8;
	s15 =	sadd.s32 $0x5000, s13;
	[dreg:$0xc] =	wrdreg s24  }
0x12: {  	s0 =	sadd.s32 s7, s0;
	s26 =	sadd.s32 $0x7800, s13;
	[dreg:$0xd] =	wrdreg s15  }
0x13: {  	s7 =	ssub.s32 s10, s12;
	s16 =	sadd.s32 $0xA000, s13;
	[dreg:$0xe] =	wrdreg s26  }
0x14: {  	s10 =	smul.u32 $0x2710, s11;
	s17 =	sadd.s32 $0xC800, s13;
	[dreg:$0xf] =	wrdreg s16  }
0x15: {  	s12 =	smul.u32 $0x280, s14;
	s18 =	sadd.s32 $0xF000, s13;
	[dreg:$0x10] =	wrdreg s17  }
0x16: {  	s19 =	sadd.s32 $0x320, s8;
	s22 =	sadd.s32 $0x11800, s13;
	[dreg:$0x11] =	wrdreg s18  }
0x17: {  	s21 =	sadd.s32 $0x2D0, s8;
	s23 =	sadd.s32 $0x14000, s13;
	[dreg:$0x13] =	wrdreg s22  }
0x18: {  	s11 =	sadd.s32 $0x19000, s13;
	s14 =	simm.s32 $0x14600;
	[dreg:$0x14] =	wrdreg s23  }
0x19: {  	s20 =	sshrl.u32 s19, $0x3;
	[dreg:$0x17] =	wrdreg s11;
	s0 =	sadd.s32 $0xCA00, s0  }
0x1a: {  	s26 =	sadd.s32 $0x280, s8;
	s16 =	smax.u32 s7, $0x1;
	[dreg:$0x19] =	wrdreg s0  }
0x1b: {  	s17 =	sadd.s32 $0x1B800, s13;
	s18 =	sadd.s32 $0x1CC00, s13;
	[dreg:$0x1a] =	wrdreg s16  }
0x1c: {  	s11 =	simm.s32 $0x7;
	s6 =	sadd.s32 s12, s6;
	[dreg:$0x1b] =	wrdreg s17  }
0x1d: {  	s25 =	sshrl.u32 s10, $0x3;
	s10 =	sadd.s32 $0x16800, s13;
	[dreg:$0x1c] =	wrdreg s18  }
0x1e: {  	s15 =	sadd.s32 s12, s4;
	s6 =	sshrl.u32 s6, $0x3;
	[dreg:$0x15] =	wrdreg s10  }
0x1f: {  	s7 =	simm.s32 $0x14500;
	[dreg:$0x18] =	wrdreg s15;
	s2 =	sadd.s32 s2, s6  }
0x20: {  	s6 =	sshrl.u32 s21, $0x3;
	[dreg:$0x12] =	wrdreg s2;
	s2 =	sadd.s32 s20, s9  }
0x21: {  	s13 =	simm.s32 $0x14580;
	s24 =	sadd.s32 s6, s9;
	[dreg:$0x6] =	wrdreg s2  }
0x22: {  	s17 =	simm.s32 $0x4;
	s6 =	sadd.s32 s9, s25;
	[dreg:$0x7] =	wrdreg s24  }
0x23: {  	s12 =	simm.s32 $0x50;
	s19 =	sadd.s32 $0xA, s6;
	[dreg:$0x16] =	wrdreg s6  }
0x24: {  	s18 =	simm.s32 $0x14280;
	s20 =	sadd.s32 $0x14, s6;
	[dreg:$0x1d] =	wrdreg s19  }
0x25: {  	s16 =	simm.s32 $0x14480;
	s22 =	sadd.s32 $0x1E, s6;
	[dreg:$0x1e] =	wrdreg s20  }
0x26: {  	s0 =	simm.s32 $0x14400;
	s23 =	sadd.s32 $0x28, s6;
	[dreg:$0x1f] =	wrdreg s22  }
0x27: {  	s10 =	simm.s32 $0x14700;
	s24 =	sadd.s32 $0x32, s6;
	[smem:$0x7FA] =	sst s23  }
0x28: {  	s15 =	simm.s32 $0x14680;
	s25 =	sadd.s32 $0x3C, s6;
	[smem:$0x7FB] =	sst s24  }
0x29: {  	s2 =	sshrl.u32 s26, $0x3;
	s26 =	sadd.s32 $0x46, s6;
	[smem:$0x7FC] =	sst s25  }
0x2a: {  	s6 =	simm.s32 $0x3;
	s21 =	sadd.s32 s2, s9;
	[smem:$0x7FD] =	sst s26  }
0x2b: {  	s19 =	simm.s32 $0x5;
	s22 =	simm.s32 $0x14380;
	s26 =	simm.s32 $0x16F00  }
0x2c: {  	v0 =	vimm.f32 $0.0e+00;
	v1 =	vimm.f32 $1.000000000e+00;
	s24 =	simm.s32 $0x19700;
	s25 =	simm.s32 $0x1;
	s9 =	simm.s32 $0x0  }
.LBB2_1:
0x2d: {  	s2 =	simm.s32 $0x0;
	s8 =	simm.s32 $0x200  }
.LBB2_2:
0x2e: {  	p2 =	sne.s32 s8, $0x9E00;
	[tilespmem:s2+$0x14770] =	vst v0  }
0x2f: {  	[tilespmem:s2+$0x14700] =	vst v0  }
0x30: {  	[tilespmem:s2+$0x14710] =	vst v0  }
.Ltmp0:
0x31: {  	[tilespmem:s2+$0x14720] =	vst v0;
	(pc) =	sbr.rel @p2 .LBB2_2-.Ltmp0, $4  }
0x32: {  	[tilespmem:s2+$0x14730] =	vst v0  }
0x33: {  	[tilespmem:s2+$0x14740] =	vst v0  }
0x34: {  	[tilespmem:s2+$0x14750] =	vst v0  }
0x35: {  	[tilespmem:s2+$0x14760] =	vst v0;
	s2 =	sshra.s32 s8, $0x2;
	s8 =	sadd.s32 $0x200, s8  }
0x36: {  	[tilespmem:s2+$0x14770] =	vst v0  }
0x37: {  	[tilespmem:s2+$0x14700] =	vst v0  }
0x38: {  	[tilespmem:s2+$0x14710] =	vst v0  }
.Ltmp1:
0x39: {  	[tilespmem:s2+$0x14720] =	vst v0;
	(pc) =	sbr.rel @p0 .LBB2_5-.Ltmp1, $4  }
0x3a: {  	[tilespmem:s2+$0x14730] =	vst v0  }
0x3b: {  	[tilespmem:s2+$0x14740] =	vst v0  }
0x3c: {  	[tilespmem:s2+$0x14750] =	vst v0  }
0x3d: {  	[tilespmem:s2+$0x14760] =	vst v0  }
0x3e: {  	s2 =	rddreg [dreg:$0xa]  }
0x3f: {  	[spmem:s2] =	stream.linear.scatter [tilespmem:s10], [sflag:$0x7], $0x2800, $0x38;
	[tilespmem:$0x1C200] =	vst v63  }
0x40: {  	_ =	swait.ge [sflag:s11], $0x2800  }
0x41: {  	[sflag:s11] =	ssyncset.done $0x0  }
0x42: {  	s8 =	rddreg [dreg:$0xc];
	[sflag:s11] =	ssyncadd.s32 $0xFFFFD800  }
0x43: {  	[spmem:s8] =	stream.linear.scatter [tilespmem:s10], [sflag:$0x7], $0x2800, $0x38;
	[tilespmem:$0x1C200] =	vst v63  }
0x44: {  	_ =	swait.ge [sflag:s11], $0x2800  }
0x45: {  	[sflag:s11] =	ssyncset.done $0x0  }
0x46: {  	s20 =	rddreg [dreg:$0xd];
	[sflag:s11] =	ssyncadd.s32 $0xFFFFD800  }
0x47: {  	[spmem:s20] =	stream.linear.scatter [tilespmem:s10], [sflag:$0x7], $0x2800, $0x38;
	[tilespmem:$0x1C200] =	vst v63  }
0x48: {  	_ =	swait.ge [sflag:s11], $0x2800  }
0x49: {  	[sflag:s11] =	ssyncset.done $0x0  }
0x4a: {  	s23 =	rddreg [dreg:$0xe];
	[sflag:s11] =	ssyncadd.s32 $0xFFFFD800  }
0x4b: {  	[spmem:s23] =	stream.linear.scatter [tilespmem:s10], [sflag:$0x7], $0x2800, $0x38;
	[tilespmem:$0x1C200] =	vst v63  }
0x4c: {  	_ =	swait.ge [sflag:s11], $0x2800  }
0x4d: {  	[sflag:s11] =	ssyncset.done $0x0  }
0x4e: {  	s8 =	rddreg [dreg:$0xf];
	[sflag:s11] =	ssyncadd.s32 $0xFFFFD800  }
0x4f: {  	[spmem:s8] =	stream.linear.scatter [tilespmem:s10], [sflag:$0x7], $0x2800, $0x38;
	[tilespmem:$0x1C200] =	vst v63  }
0x50: {  	_ =	swait.ge [sflag:s11], $0x2800  }
0x51: {  	[sflag:s11] =	ssyncset.done $0x0  }
0x52: {  	s20 =	rddreg [dreg:$0x10];
	[sflag:s11] =	ssyncadd.s32 $0xFFFFD800  }
0x53: {  	[spmem:s20] =	stream.linear.scatter [tilespmem:s10], [sflag:$0x7], $0x2800, $0x38;
	[tilespmem:$0x1C200] =	vst v63  }
0x54: {  	_ =	swait.ge [sflag:s11], $0x2800  }
0x55: {  	[sflag:s11] =	ssyncset.done $0x0  }
0x56: {  	s23 =	rddreg [dreg:$0x11];
	[sflag:s11] =	ssyncadd.s32 $0xFFFFD800  }
0x57: {  	[spmem:s23] =	stream.linear.scatter [tilespmem:s10], [sflag:$0x7], $0x2800, $0x38;
	[tilespmem:$0x1C200] =	vst v63  }
0x58: {  	_ =	swait.ge [sflag:s11], $0x2800  }
0x59: {  	[sflag:s11] =	ssyncset.done $0x0  }
0x5a: {  	s8 =	rddreg [dreg:$0x13];
	[sflag:s11] =	ssyncadd.s32 $0xFFFFD800  }
0x5b: {  	[spmem:s8] =	stream.linear.scatter [tilespmem:s10], [sflag:$0x7], $0x2800, $0x38;
	[tilespmem:$0x1C200] =	vst v63  }
0x5c: {  	_ =	swait.ge [sflag:s11], $0x2800  }
0x5d: {  	[sflag:s11] =	ssyncset.done $0x0  }
0x5e: {  	s20 =	rddreg [dreg:$0x14];
	[sflag:s11] =	ssyncadd.s32 $0xFFFFD800  }
0x5f: {  	[spmem:s20] =	stream.linear.scatter [tilespmem:s10], [sflag:$0x7], $0x2800, $0x38;
	[tilespmem:$0x1C200] =	vst v63  }
0x60: {  	_ =	swait.ge [sflag:s11], $0x2800  }
0x61: {  	[sflag:s11] =	ssyncset.done $0x0  }
0x62: {  	s23 =	rddreg [dreg:$0x15];
	[sflag:s11] =	ssyncadd.s32 $0xFFFFD800  }
0x63: {  	[spmem:s23] =	stream.linear.scatter [tilespmem:s10], [sflag:$0x7], $0x2800, $0x38;
	[tilespmem:$0x1C200] =	vst v63  }
0x64: {  	_ =	swait.ge [sflag:s11], $0x2800  }
0x65: {  	[sflag:s11] =	ssyncset.done $0x0  }
0x66: {  	s8 =	rddreg [dreg:$0x17];
	[sflag:s11] =	ssyncadd.s32 $0xFFFFD800  }
0x67: {  	[spmem:s8] =	stream.linear.scatter [tilespmem:s10], [sflag:$0x7], $0x2800, $0x38;
	[tilespmem:$0x1C200] =	vst v63  }
0x68: {  	_ =	swait.ge [sflag:s11], $0x2800  }
0x69: {  	[sflag:s11] =	ssyncset.done $0x0  }
0x6a: {  	s20 =	rddreg [dreg:$0x1b];
	[sflag:s11] =	ssyncadd.s32 $0xFFFFD800  }
0x6b: {  	[spmem:s20] =	stream.linear.scatter [tilespmem:s10], [sflag:$0x7], $0x2800, $0x38;
	[tilespmem:$0x1C200] =	vst v63  }
.Ltmp2:
0x6c: {  	_ = 	snop;
	(pc) =	sbr.rel .LBB2_7-.Ltmp2, $4  }
0x6d: {  	_ =	swait.ge [sflag:s11], $0x2800  }
0x6e: {  	[sflag:s11] =	ssyncset.done $0x0  }
0x6f: {  	s23 =	rddreg [dreg:$0x1c];
	[sflag:s11] =	ssyncadd.s32 $0xFFFFD800  }
0x70: {  	[spmem:s23] =	stream.linear.scatter [tilespmem:s10], [sflag:$0x7], $0x2800, $0x38;
	[tilespmem:$0x1C200] =	vst v63  }
.LBB2_5:
.Ltmp3:
0x71: {  	(pc) =	sbr.rel @p1 .LBB2_8-.Ltmp3, $1  }
0x72: {  	_ =	sdelay $0x3  }
0x73: {  	s2 =	rddreg [dreg:$0x8]  }
0x74: {  	[spmem:s2] =	stream.linear.scatter [tilespmem:s10], [sflag:$0x7], $0x2800, $0x38;
	[tilespmem:$0x1C200] =	vst v63  }
0x75: {  	_ =	swait.ge [sflag:s11], $0x2800  }
0x76: {  	[sflag:s11] =	ssyncset.done $0x0  }
0x77: {  	s20 =	rddreg [dreg:$0x9];
	[sflag:s11] =	ssyncadd.s32 $0xFFFFD800  }
0x78: {  	[spmem:s20] =	stream.linear.scatter [tilespmem:s10], [sflag:$0x7], $0x2800, $0x38;
	[tilespmem:$0x1C200] =	vst v63  }
0x79: {  	_ =	swait.ge [sflag:s11], $0x2800  }
0x7a: {  	[sflag:s11] =	ssyncset.done $0x0  }
0x7b: {  	s23 =	rddreg [dreg:$0xb];
	[sflag:s11] =	ssyncadd.s32 $0xFFFFD800  }
0x7c: {  	[spmem:s23] =	stream.linear.scatter [tilespmem:s10], [sflag:$0x7], $0x2800, $0x38;
	[tilespmem:$0x1C200] =	vst v63  }
0x7d: {  	_ =	swait.ge [sflag:s11], $0x2800  }
0x7e: {  	[sflag:s11] =	ssyncset.done $0x0  }
0x7f: {  	[sflag:s11] =	ssyncadd.s32 $0xFFFFD800  }
0x80: {  	[spmem:s23] =	stream.linear.scatter [tilespmem:s10], [sflag:$0x7], $0x2800, $0x38;
	[tilespmem:$0x1C200] =	vst v63  }
.LBB2_7:
0x81: {  	_ =	swait.ge [sflag:s11], $0x2800  }
0x82: {  	[sflag:s11] =	ssyncset.done $0x0  }
0x83: {  	[sflag:s11] =	ssyncadd.s32 $0xFFFFD800  }
.LBB2_8:
0x84: {  	[tilespmem:$0x1BF00] =	vst v1  }
0x85: {  	[tilespmem:$0x1BF10] =	vst v1  }
0x86: {  	[tilespmem:$0x1BF20] =	vst v1  }
0x87: {  	[tilespmem:$0x1BF30] =	vst v1  }
0x88: {  	[tilespmem:$0x1BF40] =	vst v1  }
0x89: {  	[tilespmem:$0x1BF80] =	vst v0  }
0x8a: {  	[tilespmem:$0x1BF90] =	vst v0  }
0x8b: {  	[tilespmem:$0x1BFA0] =	vst v0  }
0x8c: {  	[tilespmem:$0x1BFB0] =	vst v0  }
0x8d: {  	[tilespmem:$0x1BFC0] =	vst v0  }
0x8e: {  	[tilespmem:$0x1BFD0] =	vst v0  }
0x8f: {  	[tilespmem:$0x1BFE0] =	vst v0  }
0x90: {  	[tilespmem:$0x1BFF0] =	vst v0  }
0x91: {  	[tilespmem:$0x1C000] =	vst v0  }
0x92: {  	[tilespmem:$0x1C010] =	vst v0  }
0x93: {  	[tilespmem:$0x1C020] =	vst v0  }
0x94: {  	[tilespmem:$0x1C030] =	vst v0  }
0x95: {  	[tilespmem:$0x1C040] =	vst v0  }
0x96: {  	[tilespmem:$0x1C050] =	vst v0  }
0x97: {  	[tilespmem:$0x1C060] =	vst v0  }
0x98: {  	[tilespmem:$0x1C070] =	vst v0  }
0x99: {  	[tilespmem:$0x1C080] =	vst v0  }
0x9a: {  	[tilespmem:$0x1C090] =	vst v0  }
0x9b: {  	[tilespmem:$0x1C0A0] =	vst v0  }
0x9c: {  	[tilespmem:$0x1C0B0] =	vst v0  }
0x9d: {  	[tilespmem:$0x1C0C0] =	vst v0  }
0x9e: {  	[tilespmem:$0x1C0D0] =	vst v0  }
0x9f: {  	[tilespmem:$0x1C0E0] =	vst v0  }
0xa0: {  	[tilespmem:$0x1C0F0] =	vst v0  }
0xa1: {  	[tilespmem:$0x1C100] =	vst v0  }
0xa2: {  	[tilespmem:$0x1C110] =	vst v0  }
0xa3: {  	[tilespmem:$0x1C120] =	vst v0  }
0xa4: {  	[tilespmem:$0x1C130] =	vst v0  }
0xa5: {  	[tilespmem:$0x1C140] =	vst v0  }
0xa6: {  	[tilespmem:$0x1C150] =	vst v0  }
0xa7: {  	[tilespmem:$0x1C160] =	vst v0  }
0xa8: {  	[tilespmem:$0x1C170] =	vst v0  }
0xa9: {  	[tilespmem:$0x1C180] =	vst v0  }
0xaa: {  	[tilespmem:$0x1C190] =	vst v0  }
0xab: {  	[tilespmem:$0x1C1A0] =	vst v0  }
0xac: {  	[tilespmem:$0x1C1B0] =	vst v0  }
0xad: {  	[tilespmem:$0x1C1C0] =	vst v0  }
0xae: {  	[tilespmem:$0x1C1D0] =	vst v0  }
0xaf: {  	[tilespmem:$0x1C1E0] =	vst v0  }
0xb0: {  	[tilespmem:$0x1C1F0] =	vst v0;
	s2 =	rddreg [dreg:$0x18];
	s8 =	simm.s32 $0x1BF80  }
0xb1: {  	[spmem:s2] =	stream.linear.scatter [tilespmem:s8], [sflag:$0x7], $0x280, $0x38;
	[tilespmem:$0x1C200] =	vst v63  }
0xb2: {  	_ =	swait.ge [sflag:s11], $0x280  }
0xb3: {  	[sflag:s11] =	ssyncset.done $0x0  }
0xb4: {  	[sflag:s11] =	ssyncadd.s32 $0xFFFFFD80  }
0xb5: {  	[bflag:$0x0] =	sbarrier.arrive $0xFFFF  }
0xb6: {  	s2 =	simm.s32 $0x0;
	s23 =	rddreg [dreg:$0x16]  }
0xb7: {  	[tilespmem:s13], [sflag:$0x4] =	stream.linear.gather [hbm4b:s23+s2], $0x50, $0x38;
	[tilespmem:$0x1C200] =	vst v63  }
0xb8: {  	s20 =	rddreg [dreg:$0x1d]  }
0xb9: {  	[tilespmem:s14], [sflag:$0x5] =	stream.linear.gather [hbm4b:s20+s2], $0x50, $0x38;
	[tilespmem:$0x1C200] =	vst v63  }
0xba: {  	s23 =	rddreg [dreg:$0x1e]  }
0xbb: {  	[tilespmem:s15], [sflag:$0x6] =	stream.linear.gather [hbm4b:s23+s2], $0x50, $0x38;
	[tilespmem:$0x1C200] =	vst v63  }
0xbc: {  	_ =	swait.ge [sflag:s17], $0x50  }
0xbd: {  	[sflag:s17] =	ssyncset.done $0x0  }
0xbe: {  	[sflag:s17] =	ssyncadd.s32 $0xFFFFFFB0  }
0xbf: {  	v2 =	vld [tilespmem:$0x14580];
	_ =	sdelay $0x1  }
0xc0: {  	v3 =	vld [tilespmem:$0x14590];
	_ =	sdelay $0x1  }
0xc1: {  	v4 =	vld [tilespmem:$0x145A0]  }
0xc2: {  	v5 =	vand.u32 $0xFFFF, v2  }
0xc3: {  	v2 =	vshrl.u32 v2, $0x10;
	[tilespmem:$0x14280] =	vst v5;
	v5 =	vld [tilespmem:$0x145B0]  }
0xc4: {  	[tilespmem:$0x14300] =	vst v2;
	v2 =	vand.u32 $0xFFFF, v3  }
0xc5: {  	[tilespmem:$0x14290] =	vst v2;
	v2 =	vshrl.u32 v3, $0x10;
	v3 =	vld [tilespmem:$0x145C0]  }
0xc6: {  	[tilespmem:$0x14310] =	vst v2;
	v2 =	vand.u32 $0xFFFF, v4  }
0xc7: {  	[tilespmem:$0x142A0] =	vst v2;
	v2 =	vshrl.u32 v4, $0x10  }
0xc8: {  	[tilespmem:$0x14320] =	vst v2;
	v2 =	vand.u32 $0xFFFF, v5  }
0xc9: {  	[tilespmem:$0x142B0] =	vst v2;
	v2 =	vshrl.u32 v5, $0x10  }
0xca: {  	[tilespmem:$0x14330] =	vst v2;
	v2 =	vand.u32 $0xFFFF, v3  }
0xcb: {  	[tilespmem:$0x142C0] =	vst v2;
	v2 =	vshrl.u32 v3, $0x10  }
0xcc: {  	[tilespmem:$0x14340] =	vst v2  }
0xcd: {  	[tilespmem:s10], [sflag:$0x1] =	stream.indirect.gather [hbm4b:s1+s12], $0x80, s18, s12, $0xb8;
	[tilespmem:$0x1C200] =	vst v63  }
0xce: {  	s20 =	rddreg [dreg:$0x1f]  }
0xcf: {  	[tilespmem:s13], [sflag:$0x4] =	stream.linear.gather [hbm4b:s20+s2], $0x50, $0x38;
	[tilespmem:$0x1C200] =	vst v63  }
0xd0: {  	_ =	swait.ge [sflag:s19], $0x50  }
0xd1: {  	[sflag:s19] =	ssyncset.done $0x0  }
0xd2: {  	[sflag:s19] =	ssyncadd.s32 $0xFFFFFFB0  }
0xd3: {  	v2 =	vld [tilespmem:$0x14600];
	_ =	sdelay $0x1  }
0xd4: {  	v3 =	vld [tilespmem:$0x14610];
	_ =	sdelay $0x1  }
0xd5: {  	v4 =	vld [tilespmem:$0x14620]  }
0xd6: {  	v5 =	vand.u32 $0xFFFF, v2  }
0xd7: {  	v2 =	vshrl.u32 v2, $0x10;
	[tilespmem:$0x14380] =	vst v5;
	v5 =	vld [tilespmem:$0x14630]  }
0xd8: {  	[tilespmem:$0x14400] =	vst v2;
	v2 =	vand.u32 $0xFFFF, v3  }
0xd9: {  	[tilespmem:$0x14390] =	vst v2;
	v2 =	vshrl.u32 v3, $0x10;
	v3 =	vld [tilespmem:$0x14640]  }
0xda: {  	[tilespmem:$0x14410] =	vst v2;
	v2 =	vand.u32 $0xFFFF, v4  }
0xdb: {  	[tilespmem:$0x143A0] =	vst v2;
	v2 =	vshrl.u32 v4, $0x10  }
0xdc: {  	[tilespmem:$0x14420] =	vst v2;
	v2 =	vand.u32 $0xFFFF, v5  }
0xdd: {  	[tilespmem:$0x143B0] =	vst v2;
	v2 =	vshrl.u32 v5, $0x10  }
0xde: {  	[tilespmem:$0x14430] =	vst v2;
	v2 =	vand.u32 $0xFFFF, v3  }
0xdf: {  	[tilespmem:$0x143C0] =	vst v2;
	v2 =	vshrl.u32 v3, $0x10  }
0xe0: {  	s23 =	sld [smem:$0x7FA];
	[tilespmem:$0x14440] =	vst v2  }
0xe1: {  	[tilespmem:s26], [sflag:$0x2] =	stream.indirect.gather [hbm4b:s1+s12], $0x80, s22, s12, $0xb8;
	[tilespmem:$0x1C200] =	vst v63  }
0xe2: {  	_ = 	snop  }
0xe3: {  	[tilespmem:s14], [sflag:$0x5] =	stream.linear.gather [hbm4b:s23+s2], $0x50, $0x38;
	[tilespmem:$0x1C200] =	vst v63  }
0xe4: {  	_ =	swait.ge [sflag:s28], $0x50  }
0xe5: {  	[sflag:s28] =	ssyncset.done $0x0  }
0xe6: {  	[sflag:s28] =	ssyncadd.s32 $0xFFFFFFB0  }
0xe7: {  	v2 =	vld [tilespmem:$0x14680];
	_ =	sdelay $0x1  }
0xe8: {  	v3 =	vld [tilespmem:$0x14690];
	_ =	sdelay $0x1  }
0xe9: {  	v4 =	vld [tilespmem:$0x146A0]  }
0xea: {  	v5 =	vand.u32 $0xFFFF, v2  }
0xeb: {  	v2 =	vshrl.u32 v2, $0x10;
	[tilespmem:$0x14480] =	vst v5;
	v5 =	vld [tilespmem:$0x146B0]  }
0xec: {  	[tilespmem:$0x14500] =	vst v2;
	v2 =	vand.u32 $0xFFFF, v3  }
0xed: {  	[tilespmem:$0x14490] =	vst v2;
	v2 =	vshrl.u32 v3, $0x10;
	v3 =	vld [tilespmem:$0x146C0]  }
0xee: {  	[tilespmem:$0x14510] =	vst v2;
	v2 =	vand.u32 $0xFFFF, v4  }
0xef: {  	[tilespmem:$0x144A0] =	vst v2;
	v2 =	vshrl.u32 v4, $0x10  }
0xf0: {  	[tilespmem:$0x14520] =	vst v2;
	v2 =	vand.u32 $0xFFFF, v5  }
0xf1: {  	[tilespmem:$0x144B0] =	vst v2;
	v2 =	vshrl.u32 v5, $0x10  }
0xf2: {  	[tilespmem:$0x14530] =	vst v2;
	v2 =	vand.u32 $0xFFFF, v3  }
0xf3: {  	[tilespmem:$0x144C0] =	vst v2;
	v2 =	vshrl.u32 v3, $0x10  }
0xf4: {  	s20 =	sld [smem:$0x7FB];
	[tilespmem:$0x14540] =	vst v2  }
0xf5: {  	[tilespmem:s24], [sflag:$0x3] =	stream.indirect.gather [hbm4b:s1+s12], $0x80, s16, s12, $0xb8;
	[tilespmem:$0x1C200] =	vst v63  }
0xf6: {  	_ = 	snop  }
0xf7: {  	[tilespmem:s15], [sflag:$0x6] =	stream.linear.gather [hbm4b:s20+s2], $0x50, $0x38;
	[tilespmem:$0x1C200] =	vst v63  }
0xf8: {  	_ =	swait.ge [sflag:s25], $0x2800  }
0xf9: {  	[sflag:s25] =	ssyncset.done $0x0  }
0xfa: {  	[sflag:s25] =	ssyncadd.s32 $0xFFFFD800  }
0xfb: {  	[spmem:s3] =	stream.indirect.scatter.add.f32 [tilespmem:s10], [sflag:$0x7], $0x80, s29, s12, $0xb8;
	[tilespmem:$0x1C200] =	vst v63  }
0xfc: {  	_ =	swait.ge [sflag:s11], $0x2800  }
0xfd: {  	[sflag:s11] =	ssyncset.done $0x0  }
0xfe: {  	[sflag:s11] =	ssyncadd.s32 $0xFFFFD800  }
0xff: {  	[spmem:s4] =	stream.indirect.scatter.add.f32 [tilespmem:s30], [sflag:$0x7], $0x1, s29, s12, $0xb8;
	[tilespmem:$0x1C200] =	vst v63  }
0x100: {  	_ =	swait.ge [sflag:s11], $0x50  }
0x101: {  	[sflag:s11] =	ssyncset.done $0x0  }
0x102: {  	[sflag:s11] =	ssyncadd.s32 $0xFFFFFFB0  }
0x103: {  	_ =	swait.ge [sflag:s17], $0x50  }
0x104: {  	[sflag:s17] =	ssyncset.done $0x0  }
0x105: {  	[sflag:s17] =	ssyncadd.s32 $0xFFFFFFB0  }
0x106: {  	v2 =	vld [tilespmem:$0x14580];
	_ =	sdelay $0x1  }
0x107: {  	v3 =	vld [tilespmem:$0x14590];
	_ =	sdelay $0x1  }
0x108: {  	v4 =	vld [tilespmem:$0x145A0]  }
0x109: {  	v5 =	vand.u32 $0xFFFF, v2  }
0x10a: {  	v2 =	vshrl.u32 v2, $0x10;
	[tilespmem:$0x14280] =	vst v5;
	v5 =	vld [tilespmem:$0x145B0]  }
0x10b: {  	[tilespmem:$0x14300] =	vst v2;
	v2 =	vand.u32 $0xFFFF, v3  }
0x10c: {  	[tilespmem:$0x14290] =	vst v2;
	v2 =	vshrl.u32 v3, $0x10;
	v3 =	vld [tilespmem:$0x145C0]  }
0x10d: {  	[tilespmem:$0x14310] =	vst v2;
	v2 =	vand.u32 $0xFFFF, v4  }
0x10e: {  	[tilespmem:$0x142A0] =	vst v2;
	v2 =	vshrl.u32 v4, $0x10  }
0x10f: {  	[tilespmem:$0x14320] =	vst v2;
	v2 =	vand.u32 $0xFFFF, v5  }
0x110: {  	[tilespmem:$0x142B0] =	vst v2;
	v2 =	vshrl.u32 v5, $0x10  }
0x111: {  	[tilespmem:$0x14330] =	vst v2;
	v2 =	vand.u32 $0xFFFF, v3  }
0x112: {  	[tilespmem:$0x142C0] =	vst v2;
	v2 =	vshrl.u32 v3, $0x10  }
0x113: {  	s23 =	sld [smem:$0x7FC];
	[tilespmem:$0x14340] =	vst v2  }
0x114: {  	[tilespmem:s10], [sflag:$0x1] =	stream.indirect.gather [hbm4b:s1+s12], $0x80, s18, s12, $0xb8;
	[tilespmem:$0x1C200] =	vst v63  }
0x115: {  	_ = 	snop  }
0x116: {  	[tilespmem:s13], [sflag:$0x4] =	stream.linear.gather [hbm4b:s23+s2], $0x50, $0x38;
	[tilespmem:$0x1C200] =	vst v63  }
0x117: {  	_ =	swait.ge [sflag:s31], $0x2800  }
0x118: {  	[sflag:s31] =	ssyncset.done $0x0  }
0x119: {  	[sflag:s31] =	ssyncadd.s32 $0xFFFFD800  }
0x11a: {  	[spmem:s3] =	stream.indirect.scatter.add.f32 [tilespmem:s26], [sflag:$0x7], $0x80, s0, s12, $0xb8;
	[tilespmem:$0x1C200] =	vst v63  }
0x11b: {  	_ =	swait.ge [sflag:s11], $0x2800  }
0x11c: {  	[sflag:s11] =	ssyncset.done $0x0  }
0x11d: {  	[sflag:s11] =	ssyncadd.s32 $0xFFFFD800  }
0x11e: {  	[spmem:s4] =	stream.indirect.scatter.add.f32 [tilespmem:s30], [sflag:$0x7], $0x1, s0, s12, $0xb8;
	[tilespmem:$0x1C200] =	vst v63  }
0x11f: {  	_ =	swait.ge [sflag:s11], $0x50  }
0x120: {  	[sflag:s11] =	ssyncset.done $0x0  }
0x121: {  	[sflag:s11] =	ssyncadd.s32 $0xFFFFFFB0  }
0x122: {  	_ =	swait.ge [sflag:s19], $0x50  }
0x123: {  	[sflag:s19] =	ssyncset.done $0x0  }
0x124: {  	[sflag:s19] =	ssyncadd.s32 $0xFFFFFFB0  }
0x125: {  	v2 =	vld [tilespmem:$0x14600];
	_ =	sdelay $0x1  }
0x126: {  	v3 =	vld [tilespmem:$0x14610];
	_ =	sdelay $0x1  }
0x127: {  	v4 =	vld [tilespmem:$0x14620]  }
0x128: {  	v5 =	vand.u32 $0xFFFF, v2  }
0x129: {  	v2 =	vshrl.u32 v2, $0x10;
	[tilespmem:$0x14380] =	vst v5;
	v5 =	vld [tilespmem:$0x14630]  }
0x12a: {  	[tilespmem:$0x14400] =	vst v2;
	v2 =	vand.u32 $0xFFFF, v3  }
0x12b: {  	[tilespmem:$0x14390] =	vst v2;
	v2 =	vshrl.u32 v3, $0x10;
	v3 =	vld [tilespmem:$0x14640]  }
0x12c: {  	[tilespmem:$0x14410] =	vst v2;
	v2 =	vand.u32 $0xFFFF, v4  }
0x12d: {  	[tilespmem:$0x143A0] =	vst v2;
	v2 =	vshrl.u32 v4, $0x10  }
0x12e: {  	[tilespmem:$0x14420] =	vst v2;
	v2 =	vand.u32 $0xFFFF, v5  }
0x12f: {  	[tilespmem:$0x143B0] =	vst v2;
	v2 =	vshrl.u32 v5, $0x10  }
0x130: {  	[tilespmem:$0x14430] =	vst v2;
	v2 =	vand.u32 $0xFFFF, v3  }
0x131: {  	[tilespmem:$0x143C0] =	vst v2;
	v2 =	vshrl.u32 v3, $0x10  }
0x132: {  	s20 =	sld [smem:$0x7FD];
	[tilespmem:$0x14440] =	vst v2  }
0x133: {  	[tilespmem:s26], [sflag:$0x2] =	stream.indirect.gather [hbm4b:s1+s12], $0x80, s22, s12, $0xb8;
	[tilespmem:$0x1C200] =	vst v63  }
0x134: {  	_ = 	snop  }
0x135: {  	[tilespmem:s14], [sflag:$0x5] =	stream.linear.gather [hbm4b:s20+s2], $0x50, $0x38;
	[tilespmem:$0x1C200] =	vst v63  }
0x136: {  	_ =	swait.ge [sflag:s6], $0x2800  }
0x137: {  	[sflag:s6] =	ssyncset.done $0x0  }
0x138: {  	[sflag:s6] =	ssyncadd.s32 $0xFFFFD800  }
0x139: {  	[spmem:s3] =	stream.indirect.scatter.add.f32 [tilespmem:s24], [sflag:$0x7], $0x80, s7, s12, $0xb8;
	[tilespmem:$0x1C200] =	vst v63  }
0x13a: {  	_ =	swait.ge [sflag:s11], $0x2800  }
0x13b: {  	[sflag:s11] =	ssyncset.done $0x0  }
0x13c: {  	[sflag:s11] =	ssyncadd.s32 $0xFFFFD800  }
0x13d: {  	[spmem:s4] =	stream.indirect.scatter.add.f32 [tilespmem:s30], [sflag:$0x7], $0x1, s7, s12, $0xb8;
	[tilespmem:$0x1C200] =	vst v63  }
0x13e: {  	_ =	swait.ge [sflag:s11], $0x50  }
0x13f: {  	[sflag:s11] =	ssyncset.done $0x0  }
0x140: {  	[sflag:s11] =	ssyncadd.s32 $0xFFFFFFB0  }
0x141: {  	_ =	swait.ge [sflag:s28], $0x50  }
0x142: {  	[sflag:s28] =	ssyncset.done $0x0  }
0x143: {  	[sflag:s28] =	ssyncadd.s32 $0xFFFFFFB0  }
0x144: {  	v2 =	vld [tilespmem:$0x14690];
	_ =	sdelay $0x1  }
0x145: {  	v3 =	vld [tilespmem:$0x146A0];
	_ =	sdelay $0x1  }
0x146: {  	v4 =	vld [tilespmem:$0x14680]  }
0x147: {  	v5 =	vld [tilespmem:$0x146B0];
	v6 =	vshrl.u32 v2, $0x10  }
0x148: {  	v2 =	vand.u32 $0xFFFF, v2;
	[tilespmem:$0x14510] =	vst v6  }
0x149: {  	v7 =	vld [tilespmem:$0x146C0];
	v6 =	vand.u32 $0xFFFF, v3;
	[tilespmem:$0x14490] =	vst v2  }
0x14a: {  	v2 =	vshrl.u32 v3, $0x10;
	[tilespmem:$0x144A0] =	vst v6  }
0x14b: {  	v3 =	vshrl.u32 v4, $0x10;
	[tilespmem:$0x14520] =	vst v2  }
0x14c: {  	v2 =	vshrl.u32 v5, $0x10;
	[tilespmem:$0x14500] =	vst v3  }
0x14d: {  	v3 =	vand.u32 $0xFFFF, v4;
	[tilespmem:$0x14530] =	vst v2  }
0x14e: {  	v2 =	vshrl.u32 v7, $0x10;
	[tilespmem:$0x14480] =	vst v3  }
0x14f: {  	v3 =	vand.u32 $0xFFFF, v5;
	[tilespmem:$0x14540] =	vst v2  }
0x150: {  	v2 =	vand.u32 $0xFFFF, v7;
	[tilespmem:$0x144B0] =	vst v3  }
0x151: {  	[tilespmem:$0x144C0] =	vst v2  }
0x152: {  	[tilespmem:s24], [sflag:$0x3] =	stream.indirect.gather [hbm4b:s1+s12], $0x80, s16, s12, $0xb8;
	[tilespmem:$0x1C200] =	vst v63  }
0x153: {  	s23 =	sadd.s32 $0x0, s21  }
0x154: {  	[tilespmem:s15], [sflag:$0x6] =	stream.linear.gather [hbm4b:s23+s5], $0x50, $0x38;
	[tilespmem:$0x1C200] =	vst v63  }
0x155: {  	_ =	swait.ge [sflag:s25], $0x2800  }
0x156: {  	[sflag:s25] =	ssyncset.done $0x0  }
0x157: {  	[sflag:s25] =	ssyncadd.s32 $0xFFFFD800  }
0x158: {  	[spmem:s3] =	stream.indirect.scatter.add.f32 [tilespmem:s10], [sflag:$0x7], $0x80, s29, s12, $0xb8;
	[tilespmem:$0x1C200] =	vst v63  }
0x159: {  	_ =	swait.ge [sflag:s11], $0x2800  }
0x15a: {  	[sflag:s11] =	ssyncset.done $0x0  }
0x15b: {  	[sflag:s11] =	ssyncadd.s32 $0xFFFFD800  }
0x15c: {  	[spmem:s4] =	stream.indirect.scatter.add.f32 [tilespmem:s30], [sflag:$0x7], $0x1, s29, s12, $0xb8;
	[tilespmem:$0x1C200] =	vst v63  }
0x15d: {  	_ =	swait.ge [sflag:s11], $0x50  }
0x15e: {  	[sflag:s11] =	ssyncset.done $0x0  }
0x15f: {  	[sflag:s11] =	ssyncadd.s32 $0xFFFFFFB0  }
0x160: {  	_ =	swait.ge [sflag:s17], $0x50  }
0x161: {  	[sflag:s17] =	ssyncset.done $0x0  }
0x162: {  	[sflag:s17] =	ssyncadd.s32 $0xFFFFFFB0  }
0x163: {  	v2 =	vld [tilespmem:$0x145C0]  }
0x164: {  	v3 =	vld [tilespmem:$0x145B0]  }
0x165: {  	v4 =	vld [tilespmem:$0x145A0]  }
0x166: {  	v7 =	vld [tilespmem:$0x14580];
	_ =	sdelay $0x1  }
0x167: {  	v5 =	vand.u32 $0xFFFF, v2  }
0x168: {  	v6 =	vand.u32 $0xFFFF, v3;
	[tilespmem:$0x142C0] =	vst v5  }
0x169: {  	v8 =	vshrl.u32 v2, $0x10;
	v5 =	vshrl.u32 v3, $0x10;
	v3 =	vand.u32 $0xFFFF, v4;
	[tilespmem:$0x142B0] =	vst v6  }
0x16a: {  	s20 =	simm.s32 $0x1E;
	v2 =	vld [tilespmem:$0x14590];
	v6 =	vshrl.u32 v4, $0x10;
	v4 =	vand.u32 $0xFFFF, v7;
	v7 =	vshrl.u32 v7, $0x10;
	[tilespmem:$0x14340] =	vst v8  }
.LBB2_9:
0x16b: {  	[tilespmem:$0x14330] =	vst v5  }
0x16c: {  	[tilespmem:$0x14320] =	vst v6  }
0x16d: {  	[tilespmem:$0x142A0] =	vst v3  }
0x16e: {  	[tilespmem:$0x14300] =	vst v7  }
0x16f: {  	[tilespmem:$0x14280] =	vst v4;
	v5 =	vand.u32 $0xFFFF, v2;
	v2 =	vshrl.u32 v2, $0x10  }
0x170: {  	[tilespmem:$0x14310] =	vst v2  }
0x171: {  	s23 =	rddreg [dreg:$0x7];
	[tilespmem:$0x14290] =	vst v5  }
0x172: {  	[tilespmem:s10], [sflag:$0x1] =	stream.indirect.gather [hbm4b:s1+s12], $0x80, s18, s12, $0xb8;
	[tilespmem:$0x1C200] =	vst v63  }
0x173: {  	s23 =	sadd.s32 s2, s23  }
0x174: {  	[tilespmem:s13], [sflag:$0x4] =	stream.linear.gather [hbm4b:s23+s5], $0x50, $0x38;
	[tilespmem:$0x1C200] =	vst v63  }
0x175: {  	_ =	swait.ge [sflag:s31], $0x2800  }
0x176: {  	[sflag:s31] =	ssyncset.done $0x0  }
0x177: {  	[sflag:s31] =	ssyncadd.s32 $0xFFFFD800  }
0x178: {  	[spmem:s3] =	stream.indirect.scatter.add.f32 [tilespmem:s26], [sflag:$0x7], $0x80, s0, s12, $0xb8;
	[tilespmem:$0x1C200] =	vst v63  }
0x179: {  	_ =	swait.ge [sflag:s11], $0x2800  }
0x17a: {  	[sflag:s11] =	ssyncset.done $0x0  }
0x17b: {  	[sflag:s11] =	ssyncadd.s32 $0xFFFFD800  }
0x17c: {  	[spmem:s4] =	stream.indirect.scatter.add.f32 [tilespmem:s30], [sflag:$0x7], $0x1, s0, s12, $0xb8;
	[tilespmem:$0x1C200] =	vst v63  }
0x17d: {  	_ =	swait.ge [sflag:s11], $0x50  }
0x17e: {  	[sflag:s11] =	ssyncset.done $0x0  }
0x17f: {  	[sflag:s11] =	ssyncadd.s32 $0xFFFFFFB0  }
0x180: {  	_ =	swait.ge [sflag:s19], $0x50  }
0x181: {  	[sflag:s19] =	ssyncset.done $0x0  }
0x182: {  	[sflag:s19] =	ssyncadd.s32 $0xFFFFFFB0  }
0x183: {  	v2 =	vld [tilespmem:$0x14600]  }
0x184: {  	v3 =	vld [tilespmem:$0x14610]  }
0x185: {  	v4 =	vld [tilespmem:$0x14620];
	_ =	sdelay $0x2  }
0x186: {  	v6 =	vand.u32 $0xFFFF, v2  }
0x187: {  	v5 =	vld [tilespmem:$0x14640];
	[tilespmem:$0x14380] =	vst v6;
	v6 =	vand.u32 $0xFFFF, v3  }
0x188: {  	[tilespmem:$0x14390] =	vst v6;
	v6 =	vand.u32 $0xFFFF, v4  }
0x189: {  	v2 =	vshrl.u32 v2, $0x10;
	[tilespmem:$0x143A0] =	vst v6;
	v6 =	vld [tilespmem:$0x14630]  }
0x18a: {  	v3 =	vshrl.u32 v3, $0x10;
	[tilespmem:$0x14400] =	vst v2  }
0x18b: {  	v4 =	vshrl.u32 v4, $0x10;
	[tilespmem:$0x14410] =	vst v3  }
0x18c: {  	v3 =	vand.u32 $0xFFFF, v5;
	[tilespmem:$0x14420] =	vst v4  }
0x18d: {  	v5 =	vshrl.u32 v5, $0x10;
	[tilespmem:$0x143C0] =	vst v3  }
0x18e: {  	[tilespmem:$0x14440] =	vst v5;
	v2 =	vand.u32 $0xFFFF, v6  }
0x18f: {  	v3 =	vshrl.u32 v6, $0x10;
	[tilespmem:$0x143B0] =	vst v2  }
0x190: {  	s23 =	rddreg [dreg:$0x6];
	[tilespmem:$0x14430] =	vst v3  }
0x191: {  	[tilespmem:s26], [sflag:$0x2] =	stream.indirect.gather [hbm4b:s1+s12], $0x80, s22, s12, $0xb8;
	[tilespmem:$0x1C200] =	vst v63  }
0x192: {  	s23 =	sadd.s32 s2, s23  }
0x193: {  	[tilespmem:s14], [sflag:$0x5] =	stream.linear.gather [hbm4b:s23+s5], $0x50, $0x38;
	[tilespmem:$0x1C200] =	vst v63  }
0x194: {  	_ =	swait.ge [sflag:s6], $0x2800  }
0x195: {  	[sflag:s6] =	ssyncset.done $0x0  }
0x196: {  	[sflag:s6] =	ssyncadd.s32 $0xFFFFD800  }
0x197: {  	[spmem:s3] =	stream.indirect.scatter.add.f32 [tilespmem:s24], [sflag:$0x7], $0x80, s7, s12, $0xb8;
	[tilespmem:$0x1C200] =	vst v63  }
0x198: {  	_ =	swait.ge [sflag:s11], $0x2800  }
0x199: {  	[sflag:s11] =	ssyncset.done $0x0  }
0x19a: {  	[sflag:s11] =	ssyncadd.s32 $0xFFFFD800  }
0x19b: {  	[spmem:s4] =	stream.indirect.scatter.add.f32 [tilespmem:s30], [sflag:$0x7], $0x1, s7, s12, $0xb8;
	[tilespmem:$0x1C200] =	vst v63  }
0x19c: {  	_ =	swait.ge [sflag:s11], $0x50  }
0x19d: {  	[sflag:s11] =	ssyncset.done $0x0  }
0x19e: {  	[sflag:s11] =	ssyncadd.s32 $0xFFFFFFB0  }
0x19f: {  	_ =	swait.ge [sflag:s28], $0x50  }
0x1a0: {  	[sflag:s28] =	ssyncset.done $0x0  }
0x1a1: {  	[sflag:s28] =	ssyncadd.s32 $0xFFFFFFB0  }
0x1a2: {  	v2 =	vld [tilespmem:$0x14690];
	_ =	sdelay $0x1  }
0x1a3: {  	v5 =	vld [tilespmem:$0x14680]  }
0x1a4: {  	v3 =	vld [tilespmem:$0x146A0];
	_ =	sdelay $0x1  }
0x1a5: {  	v4 =	vld [tilespmem:$0x146B0];
	v6 =	vand.u32 $0xFFFF, v2;
	v2 =	vshrl.u32 v2, $0x10  }
0x1a6: {  	[tilespmem:$0x14510] =	vst v2  }
0x1a7: {  	v8 =	vshrl.u32 v5, $0x10;
	[tilespmem:$0x14490] =	vst v6  }
0x1a8: {  	v7 =	vld [tilespmem:$0x146C0];
	v2 =	vand.u32 $0xFFFF, v3;
	[tilespmem:$0x14500] =	vst v8  }
0x1a9: {  	v3 =	vshrl.u32 v3, $0x10;
	[tilespmem:$0x144A0] =	vst v2  }
0x1aa: {  	v6 =	vand.u32 $0xFFFF, v4;
	v4 =	vshrl.u32 v4, $0x10;
	[tilespmem:$0x14520] =	vst v3  }
0x1ab: {  	[tilespmem:$0x14530] =	vst v4  }
0x1ac: {  	v2 =	vand.u32 $0xFFFF, v5;
	[tilespmem:$0x144B0] =	vst v6  }
0x1ad: {  	v4 =	vshrl.u32 v7, $0x10;
	[tilespmem:$0x14480] =	vst v2  }
0x1ae: {  	s8 =	smov.u32 s20;
	v3 =	vand.u32 $0xFFFF, v7;
	[tilespmem:$0x14540] =	vst v4  }
0x1af: {  	s2 =	smov.u32 s8;
	[tilespmem:$0x144C0] =	vst v3  }
0x1b0: {  	[tilespmem:s24], [sflag:$0x3] =	stream.indirect.gather [hbm4b:s1+s12], $0x80, s16, s12, $0xb8;
	[tilespmem:$0x1C200] =	vst v63  }
0x1b1: {  	s8 =	sadd.s32 s2, s21  }
0x1b2: {  	[tilespmem:s15], [sflag:$0x6] =	stream.linear.gather [hbm4b:s8+s5], $0x50, $0x38;
	[tilespmem:$0x1C200] =	vst v63  }
0x1b3: {  	_ =	swait.ge [sflag:s25], $0x2800  }
0x1b4: {  	[sflag:s25] =	ssyncset.done $0x0  }
0x1b5: {  	[sflag:s25] =	ssyncadd.s32 $0xFFFFD800  }
0x1b6: {  	[spmem:s3] =	stream.indirect.scatter.add.f32 [tilespmem:s10], [sflag:$0x7], $0x80, s29, s12, $0xb8;
	[tilespmem:$0x1C200] =	vst v63  }
0x1b7: {  	_ =	swait.ge [sflag:s11], $0x2800  }
0x1b8: {  	[sflag:s11] =	ssyncset.done $0x0  }
0x1b9: {  	[sflag:s11] =	ssyncadd.s32 $0xFFFFD800  }
0x1ba: {  	[spmem:s4] =	stream.indirect.scatter.add.f32 [tilespmem:s30], [sflag:$0x7], $0x1, s29, s12, $0xb8;
	[tilespmem:$0x1C200] =	vst v63  }
0x1bb: {  	_ =	swait.ge [sflag:s11], $0x50  }
0x1bc: {  	[sflag:s11] =	ssyncset.done $0x0  }
0x1bd: {  	[sflag:s11] =	ssyncadd.s32 $0xFFFFFFB0  }
0x1be: {  	_ =	swait.ge [sflag:s17], $0x50  }
0x1bf: {  	[sflag:s17] =	ssyncset.done $0x0  }
0x1c0: {  	[sflag:s17] =	ssyncadd.s32 $0xFFFFFFB0  }
0x1c1: {  	v3 =	vld [tilespmem:$0x145C0]  }
0x1c2: {  	v4 =	vld [tilespmem:$0x145B0]  }
0x1c3: {  	v6 =	vld [tilespmem:$0x145A0]  }
0x1c4: {  	p2 =	sne.s32 s20, $0x474;
	v7 =	vld [tilespmem:$0x14580]  }
.Ltmp4:
0x1c5: {  	_ = 	snop;
	(pc) =	sbr.rel @p2 .LBB2_9-.Ltmp4, $4  }
0x1c6: {  	v8 =	vand.u32 $0xFFFF, v3  }
0x1c7: {  	v10 =	vand.u32 $0xFFFF, v4;
	[tilespmem:$0x142C0] =	vst v8  }
0x1c8: {  	v9 =	vshrl.u32 v3, $0x10;
	v5 =	vshrl.u32 v4, $0x10;
	v3 =	vand.u32 $0xFFFF, v6;
	[tilespmem:$0x142B0] =	vst v10  }
0x1c9: {  	s20 =	sadd.s32 $0x1E, s20;
	v2 =	vld [tilespmem:$0x14590];
	v6 =	vshrl.u32 v6, $0x10;
	v4 =	vand.u32 $0xFFFF, v7;
	v7 =	vshrl.u32 v7, $0x10;
	[tilespmem:$0x14340] =	vst v9  }
0x1ca: {  	[tilespmem:$0x14330] =	vst v5  }
0x1cb: {  	[tilespmem:$0x14320] =	vst v6  }
0x1cc: {  	[tilespmem:$0x142A0] =	vst v3  }
0x1cd: {  	[tilespmem:$0x14300] =	vst v7  }
0x1ce: {  	[tilespmem:$0x14280] =	vst v4;
	v3 =	vshrl.u32 v2, $0x10  }
0x1cf: {  	v2 =	vand.u32 $0xFFFF, v2;
	[tilespmem:$0x14310] =	vst v3  }
0x1d0: {  	s8 =	rddreg [dreg:$0x7];
	[tilespmem:$0x14290] =	vst v2  }
0x1d1: {  	[tilespmem:s10], [sflag:$0x1] =	stream.indirect.gather [hbm4b:s1+s12], $0x80, s18, s12, $0xb8;
	[tilespmem:$0x1C200] =	vst v63  }
0x1d2: {  	s8 =	sadd.s32 s2, s8  }
0x1d3: {  	[tilespmem:s13], [sflag:$0x4] =	stream.linear.gather [hbm4b:s8+s5], $0x50, $0x38;
	[tilespmem:$0x1C200] =	vst v63  }
0x1d4: {  	_ =	swait.ge [sflag:s31], $0x2800  }
0x1d5: {  	[sflag:s31] =	ssyncset.done $0x0  }
0x1d6: {  	[sflag:s31] =	ssyncadd.s32 $0xFFFFD800  }
0x1d7: {  	[spmem:s3] =	stream.indirect.scatter.add.f32 [tilespmem:s26], [sflag:$0x7], $0x80, s0, s12, $0xb8;
	[tilespmem:$0x1C200] =	vst v63  }
0x1d8: {  	_ =	swait.ge [sflag:s11], $0x2800  }
0x1d9: {  	[sflag:s11] =	ssyncset.done $0x0  }
0x1da: {  	[sflag:s11] =	ssyncadd.s32 $0xFFFFD800  }
0x1db: {  	[spmem:s4] =	stream.indirect.scatter.add.f32 [tilespmem:s30], [sflag:$0x7], $0x1, s0, s12, $0xb8;
	[tilespmem:$0x1C200] =	vst v63  }
0x1dc: {  	_ =	swait.ge [sflag:s11], $0x50  }
0x1dd: {  	[sflag:s11] =	ssyncset.done $0x0  }
0x1de: {  	[sflag:s11] =	ssyncadd.s32 $0xFFFFFFB0  }
0x1df: {  	_ =	swait.ge [sflag:s19], $0x50  }
0x1e0: {  	[sflag:s19] =	ssyncset.done $0x0  }
0x1e1: {  	[sflag:s19] =	ssyncadd.s32 $0xFFFFFFB0  }
0x1e2: {  	v2 =	vld [tilespmem:$0x14600]  }
0x1e3: {  	v3 =	vld [tilespmem:$0x14610];
	_ =	sdelay $0x1  }
0x1e4: {  	v48 =	vld [tilespmem:$0x14620];
	_ =	sdelay $0x1  }
0x1e5: {  	v49 =	vld [tilespmem:$0x14640];
	v50 =	vand.u32 $0xFFFF, v2  }
0x1e6: {  	v51 =	vand.u32 $0xFFFF, v3;
	[tilespmem:$0x14380] =	vst v50  }
0x1e7: {  	v3 =	vshrl.u32 v3, $0x10;
	[tilespmem:$0x14390] =	vst v51  }
0x1e8: {  	v52 =	vand.u32 $0xFFFF, v48;
	[tilespmem:$0x14410] =	vst v3;
	v3 =	vld [tilespmem:$0x14630]  }
0x1e9: {  	v4 =	vshrl.u32 v48, $0x10;
	[tilespmem:$0x143A0] =	vst v52  }
0x1ea: {  	v53 =	vand.u32 $0xFFFF, v49;
	[tilespmem:$0x14420] =	vst v4  }
0x1eb: {  	v54 =	vshrl.u32 v49, $0x10;
	[tilespmem:$0x143C0] =	vst v53  }
0x1ec: {  	v2 =	vshrl.u32 v2, $0x10;
	[tilespmem:$0x14440] =	vst v54  }
0x1ed: {  	[tilespmem:$0x14400] =	vst v2;
	v2 =	vand.u32 $0xFFFF, v3  }
0x1ee: {  	v3 =	vshrl.u32 v3, $0x10;
	[tilespmem:$0x143B0] =	vst v2  }
0x1ef: {  	s23 =	rddreg [dreg:$0x6];
	[tilespmem:$0x14430] =	vst v3  }
0x1f0: {  	[tilespmem:s26], [sflag:$0x2] =	stream.indirect.gather [hbm4b:s1+s12], $0x80, s22, s12, $0xb8;
	[tilespmem:$0x1C200] =	vst v63  }
0x1f1: {  	s20 =	sadd.s32 s2, s23  }
0x1f2: {  	[tilespmem:s14], [sflag:$0x5] =	stream.linear.gather [hbm4b:s20+s5], $0x50, $0x38;
	[tilespmem:$0x1C200] =	vst v63  }
0x1f3: {  	_ =	swait.ge [sflag:s6], $0x2800  }
0x1f4: {  	[sflag:s6] =	ssyncset.done $0x0  }
0x1f5: {  	[sflag:s6] =	ssyncadd.s32 $0xFFFFD800  }
0x1f6: {  	[spmem:s3] =	stream.indirect.scatter.add.f32 [tilespmem:s24], [sflag:$0x7], $0x80, s7, s12, $0xb8;
	[tilespmem:$0x1C200] =	vst v63  }
0x1f7: {  	_ =	swait.ge [sflag:s11], $0x2800  }
0x1f8: {  	[sflag:s11] =	ssyncset.done $0x0  }
0x1f9: {  	[sflag:s11] =	ssyncadd.s32 $0xFFFFD800  }
0x1fa: {  	[spmem:s4] =	stream.indirect.scatter.add.f32 [tilespmem:s30], [sflag:$0x7], $0x1, s7, s12, $0xb8;
	[tilespmem:$0x1C200] =	vst v63  }
0x1fb: {  	_ =	swait.ge [sflag:s11], $0x50  }
0x1fc: {  	[sflag:s11] =	ssyncset.done $0x0  }
0x1fd: {  	[sflag:s11] =	ssyncadd.s32 $0xFFFFFFB0  }
0x1fe: {  	_ =	swait.ge [sflag:s28], $0x50  }
0x1ff: {  	[sflag:s28] =	ssyncset.done $0x0  }
0x200: {  	[sflag:s28] =	ssyncadd.s32 $0xFFFFFFB0  }
0x201: {  	v2 =	vld [tilespmem:$0x14680];
	_ =	sdelay $0x1  }
0x202: {  	v3 =	vld [tilespmem:$0x14690];
	_ =	sdelay $0x1  }
0x203: {  	v55 =	vld [tilespmem:$0x146A0]  }
0x204: {  	v56 =	vand.u32 $0xFFFF, v2  }
0x205: {  	v57 =	vld [tilespmem:$0x146B0];
	v2 =	vshrl.u32 v2, $0x10;
	[tilespmem:$0x14480] =	vst v56  }
0x206: {  	[tilespmem:$0x14500] =	vst v2;
	v2 =	vand.u32 $0xFFFF, v3  }
0x207: {  	[tilespmem:$0x14490] =	vst v2;
	v2 =	vshrl.u32 v3, $0x10;
	v3 =	vld [tilespmem:$0x146C0]  }
0x208: {  	[tilespmem:$0x14510] =	vst v2;
	v2 =	vand.u32 $0xFFFF, v55  }
0x209: {  	[tilespmem:$0x144A0] =	vst v2;
	v2 =	vshrl.u32 v55, $0x10  }
0x20a: {  	[tilespmem:$0x14520] =	vst v2;
	v2 =	vand.u32 $0xFFFF, v57  }
0x20b: {  	[tilespmem:$0x144B0] =	vst v2;
	v2 =	vshrl.u32 v57, $0x10  }
0x20c: {  	[tilespmem:$0x14530] =	vst v2;
	v2 =	vand.u32 $0xFFFF, v3  }
0x20d: {  	[tilespmem:$0x144C0] =	vst v2;
	v2 =	vshrl.u32 v3, $0x10  }
0x20e: {  	[tilespmem:$0x14540] =	vst v2  }
0x20f: {  	[tilespmem:s24], [sflag:$0x3] =	stream.indirect.gather [hbm4b:s1+s12], $0x80, s16, s12, $0xb8;
	[tilespmem:$0x1C200] =	vst v63  }
0x210: {  	_ =	swait.ge [sflag:s25], $0x2800  }
0x211: {  	[sflag:s25] =	ssyncset.done $0x0  }
0x212: {  	[sflag:s25] =	ssyncadd.s32 $0xFFFFD800  }
0x213: {  	[spmem:s3] =	stream.indirect.scatter.add.f32 [tilespmem:s10], [sflag:$0x7], $0x80, s29, s12, $0xb8;
	[tilespmem:$0x1C200] =	vst v63  }
0x214: {  	_ =	swait.ge [sflag:s11], $0x2800  }
0x215: {  	[sflag:s11] =	ssyncset.done $0x0  }
0x216: {  	[sflag:s11] =	ssyncadd.s32 $0xFFFFD800  }
0x217: {  	[spmem:s4] =	stream.indirect.scatter.add.f32 [tilespmem:s30], [sflag:$0x7], $0x1, s29, s12, $0xb8;
	[tilespmem:$0x1C200] =	vst v63  }
0x218: {  	_ =	swait.ge [sflag:s11], $0x50  }
0x219: {  	[sflag:s11] =	ssyncset.done $0x0  }
0x21a: {  	[sflag:s11] =	ssyncadd.s32 $0xFFFFFFB0  }
0x21b: {  	_ =	swait.ge [sflag:s17], $0x50  }
0x21c: {  	[sflag:s17] =	ssyncset.done $0x0  }
0x21d: {  	[sflag:s17] =	ssyncadd.s32 $0xFFFFFFB0  }
0x21e: {  	v2 =	vld [tilespmem:$0x14580];
	_ =	sdelay $0x1  }
0x21f: {  	v3 =	vld [tilespmem:$0x14590];
	_ =	sdelay $0x1  }
0x220: {  	v58 =	vld [tilespmem:$0x145A0]  }
0x221: {  	v59 =	vand.u32 $0xFFFF, v2  }
0x222: {  	v60 =	vld [tilespmem:$0x145B0];
	v2 =	vshrl.u32 v2, $0x10;
	[tilespmem:$0x14280] =	vst v59  }
0x223: {  	[tilespmem:$0x14300] =	vst v2;
	v2 =	vand.u32 $0xFFFF, v3  }
0x224: {  	[tilespmem:$0x14290] =	vst v2;
	v2 =	vshrl.u32 v3, $0x10;
	v3 =	vld [tilespmem:$0x145C0]  }
0x225: {  	[tilespmem:$0x14310] =	vst v2;
	v2 =	vand.u32 $0xFFFF, v58  }
0x226: {  	[tilespmem:$0x142A0] =	vst v2;
	v2 =	vshrl.u32 v58, $0x10  }
0x227: {  	[tilespmem:$0x14320] =	vst v2;
	v2 =	vand.u32 $0xFFFF, v60  }
0x228: {  	[tilespmem:$0x142B0] =	vst v2;
	v2 =	vshrl.u32 v60, $0x10  }
0x229: {  	[tilespmem:$0x14330] =	vst v2;
	v2 =	vand.u32 $0xFFFF, v3  }
0x22a: {  	[tilespmem:$0x142C0] =	vst v2;
	v2 =	vshrl.u32 v3, $0x10  }
0x22b: {  	[tilespmem:$0x14340] =	vst v2  }
0x22c: {  	[tilespmem:s10], [sflag:$0x1] =	stream.indirect.gather [hbm4b:s1+s12], $0x80, s18, s12, $0xb8;
	[tilespmem:$0x1C200] =	vst v63  }
0x22d: {  	_ =	swait.ge [sflag:s31], $0x2800  }
0x22e: {  	[sflag:s31] =	ssyncset.done $0x0  }
0x22f: {  	[sflag:s31] =	ssyncadd.s32 $0xFFFFD800  }
0x230: {  	[spmem:s3] =	stream.indirect.scatter.add.f32 [tilespmem:s26], [sflag:$0x7], $0x80, s0, s12, $0xb8;
	[tilespmem:$0x1C200] =	vst v63  }
0x231: {  	_ =	swait.ge [sflag:s11], $0x2800  }
0x232: {  	[sflag:s11] =	ssyncset.done $0x0  }
0x233: {  	[sflag:s11] =	ssyncadd.s32 $0xFFFFD800  }
0x234: {  	[spmem:s4] =	stream.indirect.scatter.add.f32 [tilespmem:s30], [sflag:$0x7], $0x1, s0, s12, $0xb8;
	[tilespmem:$0x1C200] =	vst v63  }
0x235: {  	_ =	swait.ge [sflag:s11], $0x50  }
0x236: {  	[sflag:s11] =	ssyncset.done $0x0  }
0x237: {  	[sflag:s11] =	ssyncadd.s32 $0xFFFFFFB0  }
0x238: {  	_ =	swait.ge [sflag:s19], $0x50  }
0x239: {  	[sflag:s19] =	ssyncset.done $0x0  }
0x23a: {  	[sflag:s19] =	ssyncadd.s32 $0xFFFFFFB0  }
0x23b: {  	v2 =	vld [tilespmem:$0x14600];
	_ =	sdelay $0x1  }
0x23c: {  	v3 =	vld [tilespmem:$0x14610];
	_ =	sdelay $0x1  }
0x23d: {  	v61 =	vld [tilespmem:$0x14620]  }
0x23e: {  	v62 =	vand.u32 $0xFFFF, v2  }
0x23f: {  	v63 =	vld [tilespmem:$0x14630];
	v2 =	vshrl.u32 v2, $0x10;
	[tilespmem:$0x14380] =	vst v62  }
0x240: {  	[tilespmem:$0x14400] =	vst v2;
	v2 =	vand.u32 $0xFFFF, v3  }
0x241: {  	[tilespmem:$0x14390] =	vst v2;
	v2 =	vshrl.u32 v3, $0x10;
	v3 =	vld [tilespmem:$0x14640]  }
0x242: {  	[tilespmem:$0x14410] =	vst v2;
	v2 =	vand.u32 $0xFFFF, v61  }
0x243: {  	[tilespmem:$0x143A0] =	vst v2;
	v2 =	vshrl.u32 v61, $0x10  }
0x244: {  	[tilespmem:$0x14420] =	vst v2;
	v2 =	vand.u32 $0xFFFF, v63  }
0x245: {  	[tilespmem:$0x143B0] =	vst v2;
	v2 =	vshrl.u32 v63, $0x10  }
0x246: {  	[tilespmem:$0x14430] =	vst v2;
	v2 =	vand.u32 $0xFFFF, v3  }
0x247: {  	[tilespmem:$0x143C0] =	vst v2;
	v2 =	vshrl.u32 v3, $0x10  }
0x248: {  	[tilespmem:$0x14440] =	vst v2  }
0x249: {  	[tilespmem:s26], [sflag:$0x2] =	stream.indirect.gather [hbm4b:s1+s12], $0x80, s22, s12, $0xb8;
	[tilespmem:$0x1C200] =	vst v63  }
0x24a: {  	_ =	swait.ge [sflag:s6], $0x2800  }
0x24b: {  	[sflag:s6] =	ssyncset.done $0x0  }
0x24c: {  	[sflag:s6] =	ssyncadd.s32 $0xFFFFD800  }
0x24d: {  	[spmem:s3] =	stream.indirect.scatter.add.f32 [tilespmem:s24], [sflag:$0x7], $0x80, s7, s12, $0xb8;
	[tilespmem:$0x1C200] =	vst v63  }
0x24e: {  	_ =	swait.ge [sflag:s11], $0x2800  }
0x24f: {  	[sflag:s11] =	ssyncset.done $0x0  }
0x250: {  	[sflag:s11] =	ssyncadd.s32 $0xFFFFD800  }
0x251: {  	[spmem:s4] =	stream.indirect.scatter.add.f32 [tilespmem:s30], [sflag:$0x7], $0x1, s7, s12, $0xb8;
	[tilespmem:$0x1C200] =	vst v63  }
0x252: {  	_ =	swait.ge [sflag:s11], $0x50  }
0x253: {  	[sflag:s11] =	ssyncset.done $0x0  }
0x254: {  	[sflag:s11] =	ssyncadd.s32 $0xFFFFFFB0  }
0x255: {  	_ =	swait.ge [sflag:s25], $0x2800  }
0x256: {  	[sflag:s25] =	ssyncset.done $0x0  }
0x257: {  	[sflag:s25] =	ssyncadd.s32 $0xFFFFD800  }
0x258: {  	[spmem:s3] =	stream.indirect.scatter.add.f32 [tilespmem:s10], [sflag:$0x7], $0x80, s29, s12, $0xb8;
	[tilespmem:$0x1C200] =	vst v63  }
0x259: {  	_ =	swait.ge [sflag:s11], $0x2800  }
0x25a: {  	[sflag:s11] =	ssyncset.done $0x0  }
0x25b: {  	[sflag:s11] =	ssyncadd.s32 $0xFFFFD800  }
0x25c: {  	[spmem:s4] =	stream.indirect.scatter.add.f32 [tilespmem:s30], [sflag:$0x7], $0x1, s29, s12, $0xb8;
	[tilespmem:$0x1C200] =	vst v63  }
0x25d: {  	_ =	swait.ge [sflag:s11], $0x50  }
0x25e: {  	[sflag:s11] =	ssyncset.done $0x0  }
0x25f: {  	[sflag:s11] =	ssyncadd.s32 $0xFFFFFFB0  }
0x260: {  	_ =	swait.ge [sflag:s31], $0x2800  }
0x261: {  	[sflag:s31] =	ssyncset.done $0x0  }
0x262: {  	[sflag:s31] =	ssyncadd.s32 $0xFFFFD800  }
0x263: {  	[spmem:s3] =	stream.indirect.scatter.add.f32 [tilespmem:s26], [sflag:$0x7], $0x80, s0, s12, $0xb8;
	[tilespmem:$0x1C200] =	vst v63  }
0x264: {  	_ =	swait.ge [sflag:s11], $0x2800  }
0x265: {  	[sflag:s11] =	ssyncset.done $0x0  }
0x266: {  	[sflag:s11] =	ssyncadd.s32 $0xFFFFD800  }
0x267: {  	[spmem:s4] =	stream.indirect.scatter.add.f32 [tilespmem:s30], [sflag:$0x7], $0x1, s0, s12, $0xb8;
	[tilespmem:$0x1C200] =	vst v63  }
0x268: {  	_ =	swait.ge [sflag:s11], $0x50  }
0x269: {  	[sflag:s11] =	ssyncset.done $0x0  }
0x26a: {  	[sflag:s11] =	ssyncadd.s32 $0xFFFFFFB0  }
0x26b: {  	s23 =	stileid.u32;
	[bflag:$0x0] =	sbarrier.arrive $0xFFFF  }
0x26c: {  	s2 =	sshll.u32 @!p0 s23, $0x6;
	s8 =	rddreg [dreg:$0xa]  }
0x26d: {  	s2 =	sor.u32 @!p0 $0x1C07, s2;
	s20 =	rddreg [dreg:$0x19];
	s8 =	sshrl.u32 @!p0 s8, $0x3  }
0x26e: {  	[hbm:s20], [sflag:s2] =	dma.local @!p0 [spmem:s8], $0x3E80  }
0x26f: {  	s2 =	simm.s32 @!p0 $0x7  }
0x270: {  	_ =	swait.ge @!p0 [sflag:s2], $0x3E80  }
0x271: {  	s23 =	sshll.u32 s23, $0x6;
	[sflag:s2] =	ssyncset.done @!p0 $0x0  }
0x272: {  	[sflag:s2] =	ssyncadd.s32 @!p0 $0xFFFFC180;
	s2 =	sor.u32 $0x1C07, s23;
	s23 =	rddreg [dreg:$0x18]  }
0x273: {  	s8 =	sshrl.u32 s23, $0x3;
	s23 =	rddreg [dreg:$0x12]  }
0x274: {  	[hbm:s23], [sflag:s2] =	dma.local [spmem:s8], $0x50  }
0x275: {  	_ =	swait.ge [sflag:s11], $0x50  }
0x276: {  	s9 =	sadd.s32 $0x1, s9;
	s23 =	rddreg [dreg:$0x1a]  }
0x277: {  	p2 =	sne.s32 s9, s23  }
.Ltmp5:
0x278: {  	_ = 	snop;
	(pc) =	sbr.rel @p2 .LBB2_1-.Ltmp5, $3  }
0x279: {  	_ =	sdelay $0x1  }
0x27a: {  	[sflag:s11] =	ssyncset.done $0x0  }
0x27b: {  	s20 =	stileid.u32;
	[sflag:s11] =	ssyncadd.s32 $0xFFFFFFB0  }
0x27c: {  	_ =	sfence.sel $0x180000  }
0x27d: {  	[bflag:$0x0] =	sbarrier.arrive $0xFFFF  }
0x27e: {  	_ =	strace $0x90000047  }
0x27f: {  	[bflag:$0x2] =	sbarrier.arrive $0xFFFF  }
0x280: {  	p0 =	sne.s32 s20, $0x0;
	s0 =	rddreg [dreg:$0x5]  }
0x281: {  	s0 =	sadd.s32 @!p0 $0x100000, s0  }
0x282: {  	[sflag:s0] =	ssyncadd.tile.s32 @!p0 $0x1;
	_ =	shalt  }
.Lfunc_end2:
_tile_overlayer_lowered:
.L_overlay_start_2:
0x283: {  	(tag) =	ssettag $0x2  }
0x284: {  	s0 =	rddreg [dreg:$0x0];
	s2 =	stileid.u32  }
0x285: {  	s1 =	rddreg [dreg:$0x1];
	p0 =	sne.s32 s2, $0x0  }
0x286: {  	s3 =	rddreg [dreg:$0x2];
	[bflag:$0x3] =	sbarrier.arrive $0xFFFF;
	s2 =	simm.s32 @!p0 $0x1C07  }
0x287: {  	[timem:s3], [sflag:s2] =	dma.local @!p0 [hbm:s0], s1  }
0x288: {  	s0 =	simm.s32 @!p0 $0x7  }
0x289: {  	_ =	swait.ge @!p0 [sflag:s0], s1  }
0x28a: {  	s1 =	ssub.s32 @!p0 $0x0, s1;
	[sflag:s0] =	ssyncset.done @!p0 $0x0  }
0x28b: {  	[sflag:s0] =	ssyncadd.s32 @!p0 s1  }
0x28c: {  	[bflag:$0x3] =	sbarrier.arrive $0xFFFF  }
0x28d: {  	_ =	shalt  }

</sc_bundles>
